<compile_context>
chip_gen: v7x
topology: tpu7x:2x2x1
jax: 0.10.2.dev20260603
libtpu: 0.0.44.dev20260713+nightly
codegen_flags: <defaults>
</compile_context>

<pallas_src>
import functools

import jax
import jax.numpy as jnp
from jax import lax
from jax.experimental import pallas as pl
from jax.experimental.pallas import tpu as pltpu
from jax.experimental.pallas import tpu_sc as plsc


def _sc_gather_t(pos_t2d, table_t_flat, seq, bsz, v, de):
    nw = 32
    per_b = bsz // nw
    np_ = seq // 2
    mesh = plsc.VectorSubcoreMesh(core_axis_name="c", subcore_axis_name="s")

    @functools.partial(
        pl.kernel,
        mesh=mesh,
        compiler_params=pltpu.CompilerParams(needs_layout_passes=False),
        out_type=jax.ShapeDtypeStruct((np_ * de, bsz), jnp.int32),
        scratch_types=[
            pltpu.VMEM((v * de,), jnp.float32),
            pltpu.VMEM((2, per_b), jnp.int32),
            pltpu.VMEM((2, per_b), jnp.int32),
            pltpu.VMEM((de, per_b), jnp.int32),
            pltpu.VMEM((de, per_b), jnp.int32),
            pltpu.SemaphoreType.DMA,
            pltpu.SemaphoreType.DMA,
            pltpu.SemaphoreType.DMA,
            pltpu.SemaphoreType.DMA,
        ],
    )
    def gather_kernel(pos_hbm, tab_hbm, out_hbm, tab_v, idx0, idx1,
                      rows0, rows1, si0, si1, so0, so1):
        wid = lax.axis_index("s") * 2 + lax.axis_index("c")
        b0 = wid * per_b
        pltpu.sync_copy(tab_hbm, tab_v)
        pltpu.async_copy(pos_hbm.at[pl.ds(0, 2), pl.ds(b0, per_b)], idx0, si0)

        def pair_body(i, carry):
            for p in (0, 1):
                pp = 2 * i + p
                idx_v = (idx0, idx1)[p]
                rows_v = (rows0, rows1)[p]
                si = (si0, si1)[p]
                so = (so0, so1)[p]
                idx_n = (idx1, idx0)[p]
                si_n = (si1, si0)[p]

                @pl.when(pp + 1 < np_)
                def _():
                    pltpu.async_copy(
                        pos_hbm.at[pl.ds((pp + 1) * 2, 2), pl.ds(b0, per_b)],
                        idx_n,
                        si_n,
                    )

                pltpu.make_async_copy(
                    pos_hbm.at[pl.ds(pp * 2, 2), pl.ds(b0, per_b)], idx_v, si
                ).wait()

                @pl.when(pp >= 2)
                def _():
                    pltpu.make_async_copy(
                        rows_v, out_hbm.at[pl.ds(0, de), pl.ds(b0, per_b)], so
                    ).wait()

                @plsc.parallel_loop(0, per_b // 16, unroll=8)
                def grp(g):
                    ia = idx_v[0, pl.ds(g * 16, 16)]
                    ib = idx_v[1, pl.ds(g * 16, 16)]
                    for e in range(de):
                        v0 = plsc.load_gather(tab_v, [ia + e * v])
                        v1 = plsc.load_gather(tab_v, [ib + e * v])
                        t0 = plsc.bitcast(v0, jnp.int32) + 0x8000
                        t1 = plsc.bitcast(v1, jnp.int32) + 0x8000
                        rows_v[e, pl.ds(g * 16, 16)] = (
                            t1 & jnp.int32(-65536)
                        ) | lax.shift_right_logical(t0, 16)

                pltpu.async_copy(
                    rows_v, out_hbm.at[pl.ds(pp * de, de), pl.ds(b0, per_b)], so
                )
            return carry

        lax.fori_loop(0, np_ // 2, pair_body, 0)
        pltpu.make_async_copy(
            rows0, out_hbm.at[pl.ds(0, de), pl.ds(b0, per_b)], so0
        ).wait()
        pltpu.make_async_copy(
            rows1, out_hbm.at[pl.ds(0, de), pl.ds(b0, per_b)], so1
        ).wait()

    return gather_kernel(pos_t2d, table_t_flat)


def _tc_combine_t(x_t2, pe_packed, wbig, b128, seq, bsz, di, de):
    bl = 4096

    def body(x_ref, pe_ref, w_ref, b_ref, o_ref):
        acc = jnp.dot(w_ref[...], x_ref[...], preferred_element_type=jnp.float32)
        pew = pe_ref[...]
        pe_lo = lax.bitcast_convert_type(lax.shift_left(pew, 16), jnp.float32)
        pe_hi = lax.bitcast_convert_type(pew & jnp.int32(-65536), jnp.float32)
        o_ref[...] = (
            acc + b_ref[:, 0:1] + jnp.concatenate([pe_lo, pe_hi], axis=0)
        )

    return pl.pallas_call(
        body,
        grid=(seq // 2, bsz // bl),
        in_specs=[
            pl.BlockSpec((2 * di, bl), lambda s, l: (s, l)),
            pl.BlockSpec((de, bl), lambda s, l: (s, l)),
            pl.BlockSpec((2 * de, 2 * di), lambda s, l: (0, 0)),
            pl.BlockSpec((2 * de, 128), lambda s, l: (0, 0)),
        ],
        out_specs=pl.BlockSpec((2 * de, bl), lambda s, l: (s, l)),
        out_shape=jax.ShapeDtypeStruct((seq * de, bsz), jnp.float32),
    )(x_t2, pe_packed, wbig, b128)


def kernel(x, positions, pos_table, W, b):
    bsz, seq, di = x.shape
    v, de = pos_table.shape

    x_t2 = x.transpose(1, 2, 0).reshape(seq * di, bsz)
    pos_t2d = positions.T.astype(jnp.int32)
    table_t_flat = pos_table.T.reshape(de * v)
    z = jnp.zeros_like(W)
    wbig = jnp.concatenate(
        [jnp.concatenate([W, z], axis=1), jnp.concatenate([z, W], axis=1)],
        axis=0,
    )
    b128 = jnp.broadcast_to(
        jnp.concatenate([b, b]).reshape(2 * de, 1), (2 * de, 128)
    )

    pe_packed = _sc_gather_t(pos_t2d, table_t_flat, seq, bsz, v, de)
    out_t2 = _tc_combine_t(x_t2, pe_packed, wbig, b128, seq, bsz, di, de)
    return out_t2.reshape(seq, de, bsz).transpose(2, 0, 1)

# --- scband reference (transcript-rebuilt; emitter-appended) ---
"""Pipeline reference for scband-operator-embedding-24713241821591 (READ-ONLY COPY).

The authoritative reference and input builder live on the scoring server;
editing this copy changes nothing except your own understanding.
"""

import jax, jax.numpy as jnp
import numpy as np

B, S, D_IN, D_E, MAXP = 16384, 200, 16, 32, 1024


def setup_inputs(seed: int = 0) -> dict:
    key = jax.random.key(seed)
    k1, k2, k3, k4 = jax.random.split(key, 4)
    x = jax.random.normal(k1, (B, S, D_IN), dtype=jnp.float32)
    positions = jax.random.randint(k2, (B, S), 0, MAXP, dtype=jnp.int64) if jax.config.read('jax_enable_x64') else jax.random.randint(k2, (B, S), 0, MAXP, dtype=jnp.int32)
    pos_table = jax.random.normal(k3, (MAXP, D_E), dtype=jnp.float32) * 0.02
    W = jax.random.normal(k4, (D_E, D_IN), dtype=jnp.float32) * (1.0 / np.sqrt(D_IN))
    b = jnp.zeros((D_E,), dtype=jnp.float32)
    return {"x": x, "positions": positions, "pos_table": pos_table, "W": W, "b": b}


def reference(x, positions, pos_table, W, b):
    # pos_embed = nn.Embedding(max_positions, embed_dim)(positions)
    pos_embed = jnp.take(pos_table, positions, axis=0)
    # x_embed = nn.Linear(input_dim, embed_dim)(x)
    x_embed = jnp.einsum('bsi,ei->bse', x, W) + b
    return x_embed + pos_embed

if __name__ == "__main__":
    import jax
    _d = setup_inputs()
    print(jax.jit(kernel)(*tuple(_d.values())))

</pallas_src>

<mosaic_0001>
#map = affine_map<(d0, d1) -> (0, 0)>
#map1 = affine_map<(d0, d1) -> (0)>
module attributes {stable_mosaic.version = 14 : i64} {
  func.func @gather_kernel(%arg0: i32, %arg1: i32, %arg2: memref<200x16384xi32, #tpu.memory_space<hbm>>, %arg3: memref<32768xf32, #tpu.memory_space<hbm>>, %arg4: memref<3200x16384xi32, #tpu.memory_space<hbm>>, %arg5: memref<32768xf32, #tpu.memory_space<vmem>>, %arg6: memref<2x512xi32, #tpu.memory_space<vmem>>, %arg7: memref<2x512xi32, #tpu.memory_space<vmem>>, %arg8: memref<32x512xi32, #tpu.memory_space<vmem>>, %arg9: memref<32x512xi32, #tpu.memory_space<vmem>>, %arg10: memref<!tpu.dma_semaphore, #tpu.memory_space<semaphore_mem>>, %arg11: memref<!tpu.dma_semaphore, #tpu.memory_space<semaphore_mem>>, %arg12: memref<!tpu.dma_semaphore, #tpu.memory_space<semaphore_mem>>, %arg13: memref<!tpu.dma_semaphore, #tpu.memory_space<semaphore_mem>>) attributes {dimension_semantics = [#tpu.dimension_semantics<core_parallel>, #tpu.dimension_semantics<subcore_parallel>], iteration_bounds = array<i64: 2, 16>, scalar_prefetch = 0 : i64, scratch_operands = 9 : i64, tpu.core_type = #tpu.core_type<sc_vector_subcore>, window_params = [{transform_indices = #map}, {transform_indices = #map1}, {transform_indices = #map}]} {
    %mul3A = arith.constant 2 : i32
    %mul3A_0 = arith.muli %arg1, %mul3A : i32
    %add3A = arith.addi %mul3A_0, %arg0 : i32
    %mul3A_1 = arith.constant 512 : i32
    %mul3A_2 = arith.muli %add3A, %mul3A_1 : i32
    "tpu.region"() ({
      %run_scoped3A = tpu.sem_alloc : memref<!tpu.dma_semaphore, #tpu.memory_space<semaphore_mem>>
      tpu.enqueue_dma source(%arg3 : memref<32768xf32, #tpu.memory_space<hbm>>) target(%arg5 : memref<32768xf32, #tpu.memory_space<vmem>>) target_semaphore(%run_scoped3A : memref<!tpu.dma_semaphore, #tpu.memory_space<semaphore_mem>>)
      tpu.wait_dma2 semaphore(%run_scoped3A : memref<!tpu.dma_semaphore, #tpu.memory_space<semaphore_mem>>) src(%arg3 : memref<32768xf32, #tpu.memory_space<hbm>>) dst(%arg5 : memref<32768xf32, #tpu.memory_space<vmem>>)
      tpu.yield
    }) : () -> ()
    %dma_start3A = arith.constant 0 : i32
    %dma_start3A_3 = tpu.memref_slice %arg2[%dma_start3A, %mul3A_2] : memref<200x16384xi32, #tpu.memory_space<hbm>> -> memref<2x512xi32, #tpu.memory_space<hbm>>
    %dma_start3A_4 = arith.constant 0 : i32
    %dma_start3A_5 = tpu.memref_slice %arg2[%dma_start3A_4, %mul3A_2] : memref<200x16384xi32, #tpu.memory_space<hbm>> -> memref<2x512xi32, #tpu.memory_space<hbm>>
    tpu.enqueue_dma source(%dma_start3A_5 : memref<2x512xi32, #tpu.memory_space<hbm>>) target(%arg6 : memref<2x512xi32, #tpu.memory_space<vmem>>) target_semaphore(%arg10 : memref<!tpu.dma_semaphore, #tpu.memory_space<semaphore_mem>>)
    %scan3A = arith.constant 0 : i32
    %scan3A_6 = arith.constant 0 : i32
    %scan3A_7 = arith.constant 50 : i32
    %scan3A_8 = arith.addi %scan3A_6, %scan3A_7 : i32
    %scan3A_9 = arith.constant 1 : i32
    scf.for %scan3A_18 = %scan3A_6 to %scan3A_8 step %scan3A_9  : i32 {
      %mul3A_19 = arith.constant 2 : i32
      %mul3A_20 = arith.muli %mul3A_19, %scan3A_18 : i32
      %add3A_21 = arith.constant 0 : i32
      %add3A_22 = arith.addi %mul3A_20, %add3A_21 : i32
      %add3A_23 = arith.constant 1 : i32
      %add3A_24 = arith.addi %add3A_22, %add3A_23 : i32
      %lt3A = arith.constant 100 : i32
      %lt3A_25 = arith.cmpi slt, %add3A_24, %lt3A : i32
      %convert_element_type3A = arith.extui %lt3A_25 : i1 to i32
      %cond3A = arith.constant 0 : i32
      %cond3A_26 = arith.cmpi ne, %convert_element_type3A, %cond3A : i32
      scf.if %cond3A_26 {
        %add3A_68 = arith.constant 1 : i32
        %add3A_69 = arith.addi %add3A_22, %add3A_68 : i32
        %mul3A_70 = arith.constant 2 : i32
        %mul3A_71 = arith.muli %add3A_69, %mul3A_70 : i32
        %dma_start3A_72 = tpu.memref_slice %arg2[%mul3A_71, %mul3A_2] : memref<200x16384xi32, #tpu.memory_space<hbm>> -> memref<2x512xi32, #tpu.memory_space<hbm>>
        %dma_start3A_73 = tpu.memref_slice %arg2[%mul3A_71, %mul3A_2] : memref<200x16384xi32, #tpu.memory_space<hbm>> -> memref<2x512xi32, #tpu.memory_space<hbm>>
        tpu.enqueue_dma source(%dma_start3A_73 : memref<2x512xi32, #tpu.memory_space<hbm>>) target(%arg7 : memref<2x512xi32, #tpu.memory_space<vmem>>) target_semaphore(%arg11 : memref<!tpu.dma_semaphore, #tpu.memory_space<semaphore_mem>>)
      } else {
      }
      %mul3A_27 = arith.constant 2 : i32
      %mul3A_28 = arith.muli %add3A_22, %mul3A_27 : i32
      %dma_wait3A_29 = tpu.memref_slice %arg2[%mul3A_28, %mul3A_2] : memref<200x16384xi32, #tpu.memory_space<hbm>> -> memref<2x512xi32, #tpu.memory_space<hbm>>
      %dma_wait3A_30 = tpu.memref_slice %arg2[%mul3A_28, %mul3A_2] : memref<200x16384xi32, #tpu.memory_space<hbm>> -> memref<2x512xi32, #tpu.memory_space<hbm>>
      tpu.wait_dma2 semaphore(%arg10 : memref<!tpu.dma_semaphore, #tpu.memory_space<semaphore_mem>>) src(%dma_wait3A_30 : memref<2x512xi32, #tpu.memory_space<hbm>>) dst(%arg6 : memref<2x512xi32, #tpu.memory_space<vmem>>)
      %ge3A = arith.constant 2 : i32
      %ge3A_31 = arith.cmpi sge, %add3A_22, %ge3A : i32
      %convert_element_type3A_32 = arith.extui %ge3A_31 : i1 to i32
      %cond3A_33 = arith.constant 0 : i32
      %cond3A_34 = arith.cmpi ne, %convert_element_type3A_32, %cond3A_33 : i32
      scf.if %cond3A_34 {
        %dma_wait3A_68 = arith.constant 0 : i32
        %dma_wait3A_69 = tpu.memref_slice %arg4[%dma_wait3A_68, %mul3A_2] : memref<3200x16384xi32, #tpu.memory_space<hbm>> -> memref<32x512xi32, #tpu.memory_space<hbm>>
        %dma_wait3A_70 = arith.constant 0 : i32
        %dma_wait3A_71 = tpu.memref_slice %arg4[%dma_wait3A_70, %mul3A_2] : memref<3200x16384xi32, #tpu.memory_space<hbm>> -> memref<32x512xi32, #tpu.memory_space<hbm>>
        tpu.wait_dma2 semaphore(%arg12 : memref<!tpu.dma_semaphore, #tpu.memory_space<semaphore_mem>>) src(%arg8 : memref<32x512xi32, #tpu.memory_space<vmem>>) dst(%dma_wait3A_71 : memref<32x512xi32, #tpu.memory_space<hbm>>)
      } else {
      }
      %parallel_loop3A = arith.constant 0 : i32
      %parallel_loop3A_35 = arith.constant 32 : i32
      %parallel_loop3A_36 = arith.constant 1 : i32
      scf.for %parallel_loop3A_68 = %parallel_loop3A to %parallel_loop3A_35 step %parallel_loop3A_36  : i32 {
        %parallel_loop3A_69 = arith.constant 16 : i32
        %parallel_loop3A_70 = arith.muli %parallel_loop3A_68, %parallel_loop3A_69 : i32
        %parallel_loop3A_71 = arith.constant 0 : i32
        %parallel_loop3A_72 = arith.index_cast %parallel_loop3A_71 : i32 to index
        %parallel_loop3A_73 = arith.index_cast %parallel_loop3A_70 : i32 to index
        %parallel_loop3A_74 = tpu.vector_load %arg6[%parallel_loop3A_72, %parallel_loop3A_73] {strides = array<i32>} : memref<2x512xi32, #tpu.memory_space<vmem>>, vector<16xi32>,
        %parallel_loop3A_75 = arith.constant 16 : i32
        %parallel_loop3A_76 = arith.muli %parallel_loop3A_68, %parallel_loop3A_75 : i32
        %parallel_loop3A_77 = arith.constant 1 : i32
        %parallel_loop3A_78 = arith.index_cast %parallel_loop3A_77 : i32 to index
        %parallel_loop3A_79 = arith.index_cast %parallel_loop3A_76 : i32 to index
        %parallel_loop3A_80 = tpu.vector_load %arg6[%parallel_loop3A_78, %parallel_loop3A_79] {strides = array<i32>} : memref<2x512xi32, #tpu.memory_space<vmem>>, vector<16xi32>,
        %parallel_loop3A_81 = arith.constant 0 : i32
        %parallel_loop3A_82 = vector.broadcast %parallel_loop3A_81 : i32 to vector<16xi32>
        %parallel_loop3A_83 = arith.addi %parallel_loop3A_74, %parallel_loop3A_82 : vector<16xi32>
        %parallel_loop3A_84 = tpu.vector_load_idx %arg5[%parallel_loop3A_83] : memref<32768xf32, #tpu.memory_space<vmem>>[vector<16xi32>], vector<16xf32>,
        %parallel_loop3A_85 = arith.constant 0 : i32
        %parallel_loop3A_86 = vector.broadcast %parallel_loop3A_85 : i32 to vector<16xi32>
        %parallel_loop3A_87 = arith.addi %parallel_loop3A_80, %parallel_loop3A_86 : vector<16xi32>
        %parallel_loop3A_88 = tpu.vector_load_idx %arg5[%parallel_loop3A_87] : memref<32768xf32, #tpu.memory_space<vmem>>[vector<16xi32>], vector<16xf32>,
        %parallel_loop3A_89 = vector.bitcast %parallel_loop3A_84 : vector<16xf32> to vector<16xi32>
        %parallel_loop3A_90 = arith.constant 32768 : i32
        %parallel_loop3A_91 = vector.broadcast %parallel_loop3A_90 : i32 to vector<16xi32>
        %parallel_loop3A_92 = arith.addi %parallel_loop3A_89, %parallel_loop3A_91 : vector<16xi32>
        %parallel_loop3A_93 = vector.bitcast %parallel_loop3A_88 : vector<16xf32> to vector<16xi32>
        %parallel_loop3A_94 = arith.constant 32768 : i32
        %parallel_loop3A_95 = vector.broadcast %parallel_loop3A_94 : i32 to vector<16xi32>
        %parallel_loop3A_96 = arith.addi %parallel_loop3A_93, %parallel_loop3A_95 : vector<16xi32>
        %parallel_loop3A_97 = arith.constant -65536 : i32
        %parallel_loop3A_98 = vector.broadcast %parallel_loop3A_97 : i32 to vector<16xi32>
        %parallel_loop3A_99 = arith.andi %parallel_loop3A_96, %parallel_loop3A_98 : vector<16xi32>
        %parallel_loop3A_100 = arith.constant 16 : i32
        %parallel_loop3A_101 = vector.broadcast %parallel_loop3A_100 : i32 to vector<16xi32>
        %parallel_loop3A_102 = arith.shrui %parallel_loop3A_92, %parallel_loop3A_101 : vector<16xi32>
        %parallel_loop3A_103 = arith.ori %parallel_loop3A_99, %parallel_loop3A_102 : vector<16xi32>
        %parallel_loop3A_104 = arith.constant 16 : i32
        %parallel_loop3A_105 = arith.muli %parallel_loop3A_68, %parallel_loop3A_104 : i32
        %parallel_loop3A_106 = arith.constant 0 : i32
        %parallel_loop3A_107 = arith.index_cast %parallel_loop3A_106 : i32 to index
        %parallel_loop3A_108 = arith.index_cast %parallel_loop3A_105 : i32 to index
        %parallel_loop3A_109 = tpu.vector_load %arg8[%parallel_loop3A_107, %parallel_loop3A_108] {strides = array<i32>} : memref<32x512xi32, #tpu.memory_space<vmem>>, vector<16xi32>,
        tpu.vector_store %arg8[%parallel_loop3A_107, %parallel_loop3A_108], %parallel_loop3A_103 {strides = array<i32>} : memref<32x512xi32, #tpu.memory_space<vmem>>, vector<16xi32>,
        %parallel_loop3A_110 = arith.constant 1024 : i32
        %parallel_loop3A_111 = vector.broadcast %parallel_loop3A_110 : i32 to vector<16xi32>
        %parallel_loop3A_112 = arith.addi %parallel_loop3A_74, %parallel_loop3A_111 : vector<16xi32>
        %parallel_loop3A_113 = tpu.vector_load_idx %arg5[%parallel_loop3A_112] : memref<32768xf32, #tpu.memory_space<vmem>>[vector<16xi32>], vector<16xf32>,
        %parallel_loop3A_114 = arith.constant 1024 : i32
        %parallel_loop3A_115 = vector.broadcast %parallel_loop3A_114 : i32 to vector<16xi32>
        %parallel_loop3A_116 = arith.addi %parallel_loop3A_80, %parallel_loop3A_115 : vector<16xi32>
        %parallel_loop3A_117 = tpu.vector_load_idx %arg5[%parallel_loop3A_116] : memref<32768xf32, #tpu.memory_space<vmem>>[vector<16xi32>], vector<16xf32>,
        %parallel_loop3A_118 = vector.bitcast %parallel_loop3A_113 : vector<16xf32> to vector<16xi32>
        %parallel_loop3A_119 = arith.constant 32768 : i32
        %parallel_loop3A_120 = vector.broadcast %parallel_loop3A_119 : i32 to vector<16xi32>
        %parallel_loop3A_121 = arith.addi %parallel_loop3A_118, %parallel_loop3A_120 : vector<16xi32>
        %parallel_loop3A_122 = vector.bitcast %parallel_loop3A_117 : vector<16xf32> to vector<16xi32>
        %parallel_loop3A_123 = arith.constant 32768 : i32
        %parallel_loop3A_124 = vector.broadcast %parallel_loop3A_123 : i32 to vector<16xi32>
        %parallel_loop3A_125 = arith.addi %parallel_loop3A_122, %parallel_loop3A_124 : vector<16xi32>
        %parallel_loop3A_126 = arith.constant -65536 : i32
        %parallel_loop3A_127 = vector.broadcast %parallel_loop3A_126 : i32 to vector<16xi32>
        %parallel_loop3A_128 = arith.andi %parallel_loop3A_125, %parallel_loop3A_127 : vector<16xi32>
        %parallel_loop3A_129 = arith.constant 16 : i32
        %parallel_loop3A_130 = vector.broadcast %parallel_loop3A_129 : i32 to vector<16xi32>
        %parallel_loop3A_131 = arith.shrui %parallel_loop3A_121, %parallel_loop3A_130 : vector<16xi32>
        %parallel_loop3A_132 = arith.ori %parallel_loop3A_128, %parallel_loop3A_131 : vector<16xi32>
        %parallel_loop3A_133 = arith.constant 16 : i32
        %parallel_loop3A_134 = arith.muli %parallel_loop3A_68, %parallel_loop3A_133 : i32
        %parallel_loop3A_135 = arith.constant 1 : i32
        %parallel_loop3A_136 = arith.index_cast %parallel_loop3A_135 : i32 to index
        %parallel_loop3A_137 = arith.index_cast %parallel_loop3A_134 : i32 to index
        %parallel_loop3A_138 = tpu.vector_load %arg8[%parallel_loop3A_136, %parallel_loop3A_137] {strides = array<i32>} : memref<32x512xi32, #tpu.memory_space<vmem>>, vector<16xi32>,
        tpu.vector_store %arg8[%parallel_loop3A_136, %parallel_loop3A_137], %parallel_loop3A_132 {strides = array<i32>} : memref<32x512xi32, #tpu.memory_space<vmem>>, vector<16xi32>,
        %parallel_loop3A_139 = arith.constant 2048 : i32
        %parallel_loop3A_140 = vector.broadcast %parallel_loop3A_139 : i32 to vector<16xi32>
        %parallel_loop3A_141 = arith.addi %parallel_loop3A_74, %parallel_loop3A_140 : vector<16xi32>
        %parallel_loop3A_142 = tpu.vector_load_idx %arg5[%parallel_loop3A_141] : memref<32768xf32, #tpu.memory_space<vmem>>[vector<16xi32>], vector<16xf32>,
        %parallel_loop3A_143 = arith.constant 2048 : i32
        %parallel_loop3A_144 = vector.broadcast %parallel_loop3A_143 : i32 to vector<16xi32>
        %parallel_loop3A_145 = arith.addi %parallel_loop3A_80, %parallel_loop3A_144 : vector<16xi32>
        %parallel_loop3A_146 = tpu.vector_load_idx %arg5[%parallel_loop3A_145] : memref<32768xf32, #tpu.memory_space<vmem>>[vector<16xi32>], vector<16xf32>,
        %parallel_loop3A_147 = vector.bitcast %parallel_loop3A_142 : vector<16xf32> to vector<16xi32>
        %parallel_loop3A_148 = arith.constant 32768 : i32
        %parallel_loop3A_149 = vector.broadcast %parallel_loop3A_148 : i32 to vector<16xi32>
        %parallel_loop3A_150 = arith.addi %parallel_loop3A_147, %parallel_loop3A_149 : vector<16xi32>
        %parallel_loop3A_151 = vector.bitcast %parallel_loop3A_146 : vector<16xf32> to vector<16xi32>
        %parallel_loop3A_152 = arith.constant 32768 : i32
        %parallel_loop3A_153 = vector.broadcast %parallel_loop3A_152 : i32 to vector<16xi32>
        %parallel_loop3A_154 = arith.addi %parallel_loop3A_151, %parallel_loop3A_153 : vector<16xi32>
        %parallel_loop3A_155 = arith.constant -65536 : i32
        %parallel_loop3A_156 = vector.broadcast %parallel_loop3A_155 : i32 to vector<16xi32>
        %parallel_loop3A_157 = arith.andi %parallel_loop3A_154, %parallel_loop3A_156 : vector<16xi32>
        %parallel_loop3A_158 = arith.constant 16 : i32
        %parallel_loop3A_159 = vector.broadcast %parallel_loop3A_158 : i32 to vector<16xi32>
        %parallel_loop3A_160 = arith.shrui %parallel_loop3A_150, %parallel_loop3A_159 : vector<16xi32>
        %parallel_loop3A_161 = arith.ori %parallel_loop3A_157, %parallel_loop3A_160 : vector<16xi32>
        %parallel_loop3A_162 = arith.constant 16 : i32
        %parallel_loop3A_163 = arith.muli %parallel_loop3A_68, %parallel_loop3A_162 : i32
        %parallel_loop3A_164 = arith.constant 2 : i32
        %parallel_loop3A_165 = arith.index_cast %parallel_loop3A_164 : i32 to index
        %parallel_loop3A_166 = arith.index_cast %parallel_loop3A_163 : i32 to index
        %parallel_loop3A_167 = tpu.vector_load %arg8[%parallel_loop3A_165, %parallel_loop3A_166] {strides = array<i32>} : memref<32x512xi32, #tpu.memory_space<vmem>>, vector<16xi32>,
        tpu.vector_store %arg8[%parallel_loop3A_165, %parallel_loop3A_166], %parallel_loop3A_161 {strides = array<i32>} : memref<32x512xi32, #tpu.memory_space<vmem>>, vector<16xi32>,
        %parallel_loop3A_168 = arith.constant 3072 : i32
        %parallel_loop3A_169 = vector.broadcast %parallel_loop3A_168 : i32 to vector<16xi32>
        %parallel_loop3A_170 = arith.addi %parallel_loop3A_74, %parallel_loop3A_169 : vector<16xi32>
        %parallel_loop3A_171 = tpu.vector_load_idx %arg5[%parallel_loop3A_170] : memref<32768xf32, #tpu.memory_space<vmem>>[vector<16xi32>], vector<16xf32>,
        %parallel_loop3A_172 = arith.constant 3072 : i32
        %parallel_loop3A_173 = vector.broadcast %parallel_loop3A_172 : i32 to vector<16xi32>
        %parallel_loop3A_174 = arith.addi %parallel_loop3A_80, %parallel_loop3A_173 : vector<16xi32>
        %parallel_loop3A_175 = tpu.vector_load_idx %arg5[%parallel_loop3A_174] : memref<32768xf32, #tpu.memory_space<vmem>>[vector<16xi32>], vector<16xf32>,
        %parallel_loop3A_176 = vector.bitcast %parallel_loop3A_171 : vector<16xf32> to vector<16xi32>
        %parallel_loop3A_177 = arith.constant 32768 : i32
        %parallel_loop3A_178 = vector.broadcast %parallel_loop3A_177 : i32 to vector<16xi32>
        %parallel_loop3A_179 = arith.addi %parallel_loop3A_176, %parallel_loop3A_178 : vector<16xi32>
        %parallel_loop3A_180 = vector.bitcast %parallel_loop3A_175 : vector<16xf32> to vector<16xi32>
        %parallel_loop3A_181 = arith.constant 32768 : i32
        %parallel_loop3A_182 = vector.broadcast %parallel_loop3A_181 : i32 to vector<16xi32>
        %parallel_loop3A_183 = arith.addi %parallel_loop3A_180, %parallel_loop3A_182 : vector<16xi32>
        %parallel_loop3A_184 = arith.constant -65536 : i32
        %parallel_loop3A_185 = vector.broadcast %parallel_loop3A_184 : i32 to vector<16xi32>
        %parallel_loop3A_186 = arith.andi %parallel_loop3A_183, %parallel_loop3A_185 : vector<16xi32>
        %parallel_loop3A_187 = arith.constant 16 : i32
        %parallel_loop3A_188 = vector.broadcast %parallel_loop3A_187 : i32 to vector<16xi32>
        %parallel_loop3A_189 = arith.shrui %parallel_loop3A_179, %parallel_loop3A_188 : vector<16xi32>
        %parallel_loop3A_190 = arith.ori %parallel_loop3A_186, %parallel_loop3A_189 : vector<16xi32>
        %parallel_loop3A_191 = arith.constant 16 : i32
        %parallel_loop3A_192 = arith.muli %parallel_loop3A_68, %parallel_loop3A_191 : i32
        %parallel_loop3A_193 = arith.constant 3 : i32
        %parallel_loop3A_194 = arith.index_cast %parallel_loop3A_193 : i32 to index
        %parallel_loop3A_195 = arith.index_cast %parallel_loop3A_192 : i32 to index
        %parallel_loop3A_196 = tpu.vector_load %arg8[%parallel_loop3A_194, %parallel_loop3A_195] {strides = array<i32>} : memref<32x512xi32, #tpu.memory_space<vmem>>, vector<16xi32>,
        tpu.vector_store %arg8[%parallel_loop3A_194, %parallel_loop3A_195], %parallel_loop3A_190 {strides = array<i32>} : memref<32x512xi32, #tpu.memory_space<vmem>>, vector<16xi32>,
        %parallel_loop3A_197 = arith.constant 4096 : i32
        %parallel_loop3A_198 = vector.broadcast %parallel_loop3A_197 : i32 to vector<16xi32>
        %parallel_loop3A_199 = arith.addi %parallel_loop3A_74, %parallel_loop3A_198 : vector<16xi32>
        %parallel_loop3A_200 = tpu.vector_load_idx %arg5[%parallel_loop3A_199] : memref<32768xf32, #tpu.memory_space<vmem>>[vector<16xi32>], vector<16xf32>,
        %parallel_loop3A_201 = arith.constant 4096 : i32
        %parallel_loop3A_202 = vector.broadcast %parallel_loop3A_201 : i32 to vector<16xi32>
        %parallel_loop3A_203 = arith.addi %parallel_loop3A_80, %parallel_loop3A_202 : vector<16xi32>
        %parallel_loop3A_204 = tpu.vector_load_idx %arg5[%parallel_loop3A_203] : memref<32768xf32, #tpu.memory_space<vmem>>[vector<16xi32>], vector<16xf32>,
        %parallel_loop3A_205 = vector.bitcast %parallel_loop3A_200 : vector<16xf32> to vector<16xi32>
        %parallel_loop3A_206 = arith.constant 32768 : i32
        %parallel_loop3A_207 = vector.broadcast %parallel_loop3A_206 : i32 to vector<16xi32>
        %parallel_loop3A_208 = arith.addi %parallel_loop3A_205, %parallel_loop3A_207 : vector<16xi32>
        %parallel_loop3A_209 = vector.bitcast %parallel_loop3A_204 : vector<16xf32> to vector<16xi32>
        %parallel_loop3A_210 = arith.constant 32768 : i32
        %parallel_loop3A_211 = vector.broadcast %parallel_loop3A_210 : i32 to vector<16xi32>
        %parallel_loop3A_212 = arith.addi %parallel_loop3A_209, %parallel_loop3A_211 : vector<16xi32>
        %parallel_loop3A_213 = arith.constant -65536 : i32
        %parallel_loop3A_214 = vector.broadcast %parallel_loop3A_213 : i32 to vector<16xi32>
        %parallel_loop3A_215 = arith.andi %parallel_loop3A_212, %parallel_loop3A_214 : vector<16xi32>
        %parallel_loop3A_216 = arith.constant 16 : i32
        %parallel_loop3A_217 = vector.broadcast %parallel_loop3A_216 : i32 to vector<16xi32>
        %parallel_loop3A_218 = arith.shrui %parallel_loop3A_208, %parallel_loop3A_217 : vector<16xi32>
        %parallel_loop3A_219 = arith.ori %parallel_loop3A_215, %parallel_loop3A_218 : vector<16xi32>
        %parallel_loop3A_220 = arith.constant 16 : i32
        %parallel_loop3A_221 = arith.muli %parallel_loop3A_68, %parallel_loop3A_220 : i32
        %parallel_loop3A_222 = arith.constant 4 : i32
        %parallel_loop3A_223 = arith.index_cast %parallel_loop3A_222 : i32 to index
        %parallel_loop3A_224 = arith.index_cast %parallel_loop3A_221 : i32 to index
        %parallel_loop3A_225 = tpu.vector_load %arg8[%parallel_loop3A_223, %parallel_loop3A_224] {strides = array<i32>} : memref<32x512xi32, #tpu.memory_space<vmem>>, vector<16xi32>,
        tpu.vector_store %arg8[%parallel_loop3A_223, %parallel_loop3A_224], %parallel_loop3A_219 {strides = array<i32>} : memref<32x512xi32, #tpu.memory_space<vmem>>, vector<16xi32>,
        %parallel_loop3A_226 = arith.constant 5120 : i32
        %parallel_loop3A_227 = vector.broadcast %parallel_loop3A_226 : i32 to vector<16xi32>
        %parallel_loop3A_228 = arith.addi %parallel_loop3A_74, %parallel_loop3A_227 : vector<16xi32>
        %parallel_loop3A_229 = tpu.vector_load_idx %arg5[%parallel_loop3A_228] : memref<32768xf32, #tpu.memory_space<vmem>>[vector<16xi32>], vector<16xf32>,
        %parallel_loop3A_230 = arith.constant 5120 : i32
        %parallel_loop3A_231 = vector.broadcast %parallel_loop3A_230 : i32 to vector<16xi32>
        %parallel_loop3A_232 = arith.addi %parallel_loop3A_80, %parallel_loop3A_231 : vector<16xi32>
        %parallel_loop3A_233 = tpu.vector_load_idx %arg5[%parallel_loop3A_232] : memref<32768xf32, #tpu.memory_space<vmem>>[vector<16xi32>], vector<16xf32>,
        %parallel_loop3A_234 = vector.bitcast %parallel_loop3A_229 : vector<16xf32> to vector<16xi32>
        %parallel_loop3A_235 = arith.constant 32768 : i32
        %parallel_loop3A_236 = vector.broadcast %parallel_loop3A_235 : i32 to vector<16xi32>
        %parallel_loop3A_237 = arith.addi %parallel_loop3A_234, %parallel_loop3A_236 : vector<16xi32>
        %parallel_loop3A_238 = vector.bitcast %parallel_loop3A_233 : vector<16xf32> to vector<16xi32>
        %parallel_loop3A_239 = arith.constant 32768 : i32
        %parallel_loop3A_240 = vector.broadcast %parallel_loop3A_239 : i32 to vector<16xi32>
        %parallel_loop3A_241 = arith.addi %parallel_loop3A_238, %parallel_loop3A_240 : vector<16xi32>
        %parallel_loop3A_242 = arith.constant -65536 : i32
        %parallel_loop3A_243 = vector.broadcast %parallel_loop3A_242 : i32 to vector<16xi32>
        %parallel_loop3A_244 = arith.andi %parallel_loop3A_241, %parallel_loop3A_243 : vector<16xi32>
        %parallel_loop3A_245 = arith.constant 16 : i32
        %parallel_loop3A_246 = vector.broadcast %parallel_loop3A_245 : i32 to vector<16xi32>
        %parallel_loop3A_247 = arith.shrui %parallel_loop3A_237, %parallel_loop3A_246 : vector<16xi32>
        %parallel_loop3A_248 = arith.ori %parallel_loop3A_244, %parallel_loop3A_247 : vector<16xi32>
        %parallel_loop3A_249 = arith.constant 16 : i32
        %parallel_loop3A_250 = arith.muli %parallel_loop3A_68, %parallel_loop3A_249 : i32
        %parallel_loop3A_251 = arith.constant 5 : i32
        %parallel_loop3A_252 = arith.index_cast %parallel_loop3A_251 : i32 to index
        %parallel_loop3A_253 = arith.index_cast %parallel_loop3A_250 : i32 to index
        %parallel_loop3A_254 = tpu.vector_load %arg8[%parallel_loop3A_252, %parallel_loop3A_253] {strides = array<i32>} : memref<32x512xi32, #tpu.memory_space<vmem>>, vector<16xi32>,
        tpu.vector_store %arg8[%parallel_loop3A_252, %parallel_loop3A_253], %parallel_loop3A_248 {strides = array<i32>} : memref<32x512xi32, #tpu.memory_space<vmem>>, vector<16xi32>,
        %parallel_loop3A_255 = arith.constant 6144 : i32
        %parallel_loop3A_256 = vector.broadcast %parallel_loop3A_255 : i32 to vector<16xi32>
        %parallel_loop3A_257 = arith.addi %parallel_loop3A_74, %parallel_loop3A_256 : vector<16xi32>
        %parallel_loop3A_258 = tpu.vector_load_idx %arg5[%parallel_loop3A_257] : memref<32768xf32, #tpu.memory_space<vmem>>[vector<16xi32>], vector<16xf32>,
        %parallel_loop3A_259 = arith.constant 6144 : i32
        %parallel_loop3A_260 = vector.broadcast %parallel_loop3A_259 : i32 to vector<16xi32>
        %parallel_loop3A_261 = arith.addi %parallel_loop3A_80, %parallel_loop3A_260 : vector<16xi32>
        %parallel_loop3A_262 = tpu.vector_load_idx %arg5[%parallel_loop3A_261] : memref<32768xf32, #tpu.memory_space<vmem>>[vector<16xi32>], vector<16xf32>,
        %parallel_loop3A_263 = vector.bitcast %parallel_loop3A_258 : vector<16xf32> to vector<16xi32>
        %parallel_loop3A_264 = arith.constant 32768 : i32
        %parallel_loop3A_265 = vector.broadcast %parallel_loop3A_264 : i32 to vector<16xi32>
        %parallel_loop3A_266 = arith.addi %parallel_loop3A_263, %parallel_loop3A_265 : vector<16xi32>
        %parallel_loop3A_267 = vector.bitcast %parallel_loop3A_262 : vector<16xf32> to vector<16xi32>
        %parallel_loop3A_268 = arith.constant 32768 : i32
        %parallel_loop3A_269 = vector.broadcast %parallel_loop3A_268 : i32 to vector<16xi32>
        %parallel_loop3A_270 = arith.addi %parallel_loop3A_267, %parallel_loop3A_269 : vector<16xi32>
        %parallel_loop3A_271 = arith.constant -65536 : i32
        %parallel_loop3A_272 = vector.broadcast %parallel_loop3A_271 : i32 to vector<16xi32>
        %parallel_loop3A_273 = arith.andi %parallel_loop3A_270, %parallel_loop3A_272 : vector<16xi32>
        %parallel_loop3A_274 = arith.constant 16 : i32
        %parallel_loop3A_275 = vector.broadcast %parallel_loop3A_274 : i32 to vector<16xi32>
        %parallel_loop3A_276 = arith.shrui %parallel_loop3A_266, %parallel_loop3A_275 : vector<16xi32>
        %parallel_loop3A_277 = arith.ori %parallel_loop3A_273, %parallel_loop3A_276 : vector<16xi32>
        %parallel_loop3A_278 = arith.constant 16 : i32
        %parallel_loop3A_279 = arith.muli %parallel_loop3A_68, %parallel_loop3A_278 : i32
        %parallel_loop3A_280 = arith.constant 6 : i32
        %parallel_loop3A_281 = arith.index_cast %parallel_loop3A_280 : i32 to index
        %parallel_loop3A_282 = arith.index_cast %parallel_loop3A_279 : i32 to index
        %parallel_loop3A_283 = tpu.vector_load %arg8[%parallel_loop3A_281, %parallel_loop3A_282] {strides = array<i32>} : memref<32x512xi32, #tpu.memory_space<vmem>>, vector<16xi32>,
        tpu.vector_store %arg8[%parallel_loop3A_281, %parallel_loop3A_282], %parallel_loop3A_277 {strides = array<i32>} : memref<32x512xi32, #tpu.memory_space<vmem>>, vector<16xi32>,
        %parallel_loop3A_284 = arith.constant 7168 : i32
        %parallel_loop3A_285 = vector.broadcast %parallel_loop3A_284 : i32 to vector<16xi32>
        %parallel_loop3A_286 = arith.addi %parallel_loop3A_74, %parallel_loop3A_285 : vector<16xi32>
        %parallel_loop3A_287 = tpu.vector_load_idx %arg5[%parallel_loop3A_286] : memref<32768xf32, #tpu.memory_space<vmem>>[vector<16xi32>], vector<16xf32>,
        %parallel_loop3A_288 = arith.constant 7168 : i32
        %parallel_loop3A_289 = vector.broadcast %parallel_loop3A_288 : i32 to vector<16xi32>
        %parallel_loop3A_290 = arith.addi %parallel_loop3A_80, %parallel_loop3A_289 : vector<16xi32>
        %parallel_loop3A_291 = tpu.vector_load_idx %arg5[%parallel_loop3A_290] : memref<32768xf32, #tpu.memory_space<vmem>>[vector<16xi32>], vector<16xf32>,
        %parallel_loop3A_292 = vector.bitcast %parallel_loop3A_287 : vector<16xf32> to vector<16xi32>
        %parallel_loop3A_293 = arith.constant 32768 : i32
        %parallel_loop3A_294 = vector.broadcast %parallel_loop3A_293 : i32 to vector<16xi32>
        %parallel_loop3A_295 = arith.addi %parallel_loop3A_292, %parallel_loop3A_294 : vector<16xi32>
        %parallel_loop3A_296 = vector.bitcast %parallel_loop3A_291 : vector<16xf32> to vector<16xi32>
        %parallel_loop3A_297 = arith.constant 32768 : i32
        %parallel_loop3A_298 = vector.broadcast %parallel_loop3A_297 : i32 to vector<16xi32>
        %parallel_loop3A_299 = arith.addi %parallel_loop3A_296, %parallel_loop3A_298 : vector<16xi32>
        %parallel_loop3A_300 = arith.constant -65536 : i32
        %parallel_loop3A_301 = vector.broadcast %parallel_loop3A_300 : i32 to vector<16xi32>
        %parallel_loop3A_302 = arith.andi %parallel_loop3A_299, %parallel_loop3A_301 : vector<16xi32>
        %parallel_loop3A_303 = arith.constant 16 : i32
        %parallel_loop3A_304 = vector.broadcast %parallel_loop3A_303 : i32 to vector<16xi32>
        %parallel_loop3A_305 = arith.shrui %parallel_loop3A_295, %parallel_loop3A_304 : vector<16xi32>
        %parallel_loop3A_306 = arith.ori %parallel_loop3A_302, %parallel_loop3A_305 : vector<16xi32>
        %parallel_loop3A_307 = arith.constant 16 : i32
        %parallel_loop3A_308 = arith.muli %parallel_loop3A_68, %parallel_loop3A_307 : i32
        %parallel_loop3A_309 = arith.constant 7 : i32
        %parallel_loop3A_310 = arith.index_cast %parallel_loop3A_309 : i32 to index
        %parallel_loop3A_311 = arith.index_cast %parallel_loop3A_308 : i32 to index
        %parallel_loop3A_312 = tpu.vector_load %arg8[%parallel_loop3A_310, %parallel_loop3A_311] {strides = array<i32>} : memref<32x512xi32, #tpu.memory_space<vmem>>, vector<16xi32>,
        tpu.vector_store %arg8[%parallel_loop3A_310, %parallel_loop3A_311], %parallel_loop3A_306 {strides = array<i32>} : memref<32x512xi32, #tpu.memory_space<vmem>>, vector<16xi32>,
        %parallel_loop3A_313 = arith.constant 8192 : i32
        %parallel_loop3A_314 = vector.broadcast %parallel_loop3A_313 : i32 to vector<16xi32>
        %parallel_loop3A_315 = arith.addi %parallel_loop3A_74, %parallel_loop3A_314 : vector<16xi32>
        %parallel_loop3A_316 = tpu.vector_load_idx %arg5[%parallel_loop3A_315] : memref<32768xf32, #tpu.memory_space<vmem>>[vector<16xi32>], vector<16xf32>,
        %parallel_loop3A_317 = arith.constant 8192 : i32
        %parallel_loop3A_318 = vector.broadcast %parallel_loop3A_317 : i32 to vector<16xi32>
        %parallel_loop3A_319 = arith.addi %parallel_loop3A_80, %parallel_loop3A_318 : vector<16xi32>
        %parallel_loop3A_320 = tpu.vector_load_idx %arg5[%parallel_loop3A_319] : memref<32768xf32, #tpu.memory_space<vmem>>[vector<16xi32>], vector<16xf32>,
        %parallel_loop3A_321 = vector.bitcast %parallel_loop3A_316 : vector<16xf32> to vector<16xi32>
        %parallel_loop3A_322 = arith.constant 32768 : i32
        %parallel_loop3A_323 = vector.broadcast %parallel_loop3A_322 : i32 to vector<16xi32>
        %parallel_loop3A_324 = arith.addi %parallel_loop3A_321, %parallel_loop3A_323 : vector<16xi32>
        %parallel_loop3A_325 = vector.bitcast %parallel_loop3A_320 : vector<16xf32> to vector<16xi32>
        %parallel_loop3A_326 = arith.constant 32768 : i32
        %parallel_loop3A_327 = vector.broadcast %parallel_loop3A_326 : i32 to vector<16xi32>
        %parallel_loop3A_328 = arith.addi %parallel_loop3A_325, %parallel_loop3A_327 : vector<16xi32>
        %parallel_loop3A_329 = arith.constant -65536 : i32
        %parallel_loop3A_330 = vector.broadcast %parallel_loop3A_329 : i32 to vector<16xi32>
        %parallel_loop3A_331 = arith.andi %parallel_loop3A_328, %parallel_loop3A_330 : vector<16xi32>
        %parallel_loop3A_332 = arith.constant 16 : i32
        %parallel_loop3A_333 = vector.broadcast %parallel_loop3A_332 : i32 to vector<16xi32>
        %parallel_loop3A_334 = arith.shrui %parallel_loop3A_324, %parallel_loop3A_333 : vector<16xi32>
        %parallel_loop3A_335 = arith.ori %parallel_loop3A_331, %parallel_loop3A_334 : vector<16xi32>
        %parallel_loop3A_336 = arith.constant 16 : i32
        %parallel_loop3A_337 = arith.muli %parallel_loop3A_68, %parallel_loop3A_336 : i32
        %parallel_loop3A_338 = arith.constant 8 : i32
        %parallel_loop3A_339 = arith.index_cast %parallel_loop3A_338 : i32 to index
        %parallel_loop3A_340 = arith.index_cast %parallel_loop3A_337 : i32 to index
        %parallel_loop3A_341 = tpu.vector_load %arg8[%parallel_loop3A_339, %parallel_loop3A_340] {strides = array<i32>} : memref<32x512xi32, #tpu.memory_space<vmem>>, vector<16xi32>,
        tpu.vector_store %arg8[%parallel_loop3A_339, %parallel_loop3A_340], %parallel_loop3A_335 {strides = array<i32>} : memref<32x512xi32, #tpu.memory_space<vmem>>, vector<16xi32>,
        %parallel_loop3A_342 = arith.constant 9216 : i32
        %parallel_loop3A_343 = vector.broadcast %parallel_loop3A_342 : i32 to vector<16xi32>
        %parallel_loop3A_344 = arith.addi %parallel_loop3A_74, %parallel_loop3A_343 : vector<16xi32>
        %parallel_loop3A_345 = tpu.vector_load_idx %arg5[%parallel_loop3A_344] : memref<32768xf32, #tpu.memory_space<vmem>>[vector<16xi32>], vector<16xf32>,
        %parallel_loop3A_346 = arith.constant 9216 : i32
        %parallel_loop3A_347 = vector.broadcast %parallel_loop3A_346 : i32 to vector<16xi32>
        %parallel_loop3A_348 = arith.addi %parallel_loop3A_80, %parallel_loop3A_347 : vector<16xi32>
        %parallel_loop3A_349 = tpu.vector_load_idx %arg5[%parallel_loop3A_348] : memref<32768xf32, #tpu.memory_space<vmem>>[vector<16xi32>], vector<16xf32>,
        %parallel_loop3A_350 = vector.bitcast %parallel_loop3A_345 : vector<16xf32> to vector<16xi32>
        %parallel_loop3A_351 = arith.constant 32768 : i32
        %parallel_loop3A_352 = vector.broadcast %parallel_loop3A_351 : i32 to vector<16xi32>
        %parallel_loop3A_353 = arith.addi %parallel_loop3A_350, %parallel_loop3A_352 : vector<16xi32>
        %parallel_loop3A_354 = vector.bitcast %parallel_loop3A_349 : vector<16xf32> to vector<16xi32>
        %parallel_loop3A_355 = arith.constant 32768 : i32
        %parallel_loop3A_356 = vector.broadcast %parallel_loop3A_355 : i32 to vector<16xi32>
        %parallel_loop3A_357 = arith.addi %parallel_loop3A_354, %parallel_loop3A_356 : vector<16xi32>
        %parallel_loop3A_358 = arith.constant -65536 : i32
        %parallel_loop3A_359 = vector.broadcast %parallel_loop3A_358 : i32 to vector<16xi32>
        %parallel_loop3A_360 = arith.andi %parallel_loop3A_357, %parallel_loop3A_359 : vector<16xi32>
        %parallel_loop3A_361 = arith.constant 16 : i32
        %parallel_loop3A_362 = vector.broadcast %parallel_loop3A_361 : i32 to vector<16xi32>
        %parallel_loop3A_363 = arith.shrui %parallel_loop3A_353, %parallel_loop3A_362 : vector<16xi32>
        %parallel_loop3A_364 = arith.ori %parallel_loop3A_360, %parallel_loop3A_363 : vector<16xi32>
        %parallel_loop3A_365 = arith.constant 16 : i32
        %parallel_loop3A_366 = arith.muli %parallel_loop3A_68, %parallel_loop3A_365 : i32
        %parallel_loop3A_367 = arith.constant 9 : i32
        %parallel_loop3A_368 = arith.index_cast %parallel_loop3A_367 : i32 to index
        %parallel_loop3A_369 = arith.index_cast %parallel_loop3A_366 : i32 to index
        %parallel_loop3A_370 = tpu.vector_load %arg8[%parallel_loop3A_368, %parallel_loop3A_369] {strides = array<i32>} : memref<32x512xi32, #tpu.memory_space<vmem>>, vector<16xi32>,
        tpu.vector_store %arg8[%parallel_loop3A_368, %parallel_loop3A_369], %parallel_loop3A_364 {strides = array<i32>} : memref<32x512xi32, #tpu.memory_space<vmem>>, vector<16xi32>,
        %parallel_loop3A_371 = arith.constant 10240 : i32
        %parallel_loop3A_372 = vector.broadcast %parallel_loop3A_371 : i32 to vector<16xi32>
        %parallel_loop3A_373 = arith.addi %parallel_loop3A_74, %parallel_loop3A_372 : vector<16xi32>
        %parallel_loop3A_374 = tpu.vector_load_idx %arg5[%parallel_loop3A_373] : memref<32768xf32, #tpu.memory_space<vmem>>[vector<16xi32>], vector<16xf32>,
        %parallel_loop3A_375 = arith.constant 10240 : i32
        %parallel_loop3A_376 = vector.broadcast %parallel_loop3A_375 : i32 to vector<16xi32>
        %parallel_loop3A_377 = arith.addi %parallel_loop3A_80, %parallel_loop3A_376 : vector<16xi32>
        %parallel_loop3A_378 = tpu.vector_load_idx %arg5[%parallel_loop3A_377] : memref<32768xf32, #tpu.memory_space<vmem>>[vector<16xi32>], vector<16xf32>,
        %parallel_loop3A_379 = vector.bitcast %parallel_loop3A_374 : vector<16xf32> to vector<16xi32>
        %parallel_loop3A_380 = arith.constant 32768 : i32
        %parallel_loop3A_381 = vector.broadcast %parallel_loop3A_380 : i32 to vector<16xi32>
        %parallel_loop3A_382 = arith.addi %parallel_loop3A_379, %parallel_loop3A_381 : vector<16xi32>
        %parallel_loop3A_383 = vector.bitcast %parallel_loop3A_378 : vector<16xf32> to vector<16xi32>
        %parallel_loop3A_384 = arith.constant 32768 : i32
        %parallel_loop3A_385 = vector.broadcast %parallel_loop3A_384 : i32 to vector<16xi32>
        %parallel_loop3A_386 = arith.addi %parallel_loop3A_383, %parallel_loop3A_385 : vector<16xi32>
        %parallel_loop3A_387 = arith.constant -65536 : i32
        %parallel_loop3A_388 = vector.broadcast %parallel_loop3A_387 : i32 to vector<16xi32>
        %parallel_loop3A_389 = arith.andi %parallel_loop3A_386, %parallel_loop3A_388 : vector<16xi32>
        %parallel_loop3A_390 = arith.constant 16 : i32
        %parallel_loop3A_391 = vector.broadcast %parallel_loop3A_390 : i32 to vector<16xi32>
        %parallel_loop3A_392 = arith.shrui %parallel_loop3A_382, %parallel_loop3A_391 : vector<16xi32>
        %parallel_loop3A_393 = arith.ori %parallel_loop3A_389, %parallel_loop3A_392 : vector<16xi32>
        %parallel_loop3A_394 = arith.constant 16 : i32
        %parallel_loop3A_395 = arith.muli %parallel_loop3A_68, %parallel_loop3A_394 : i32
        %parallel_loop3A_396 = arith.constant 10 : i32
        %parallel_loop3A_397 = arith.index_cast %parallel_loop3A_396 : i32 to index
        %parallel_loop3A_398 = arith.index_cast %parallel_loop3A_395 : i32 to index
        %parallel_loop3A_399 = tpu.vector_load %arg8[%parallel_loop3A_397, %parallel_loop3A_398] {strides = array<i32>} : memref<32x512xi32, #tpu.memory_space<vmem>>, vector<16xi32>,
        tpu.vector_store %arg8[%parallel_loop3A_397, %parallel_loop3A_398], %parallel_loop3A_393 {strides = array<i32>} : memref<32x512xi32, #tpu.memory_space<vmem>>, vector<16xi32>,
        %parallel_loop3A_400 = arith.constant 11264 : i32
        %parallel_loop3A_401 = vector.broadcast %parallel_loop3A_400 : i32 to vector<16xi32>
        %parallel_loop3A_402 = arith.addi %parallel_loop3A_74, %parallel_loop3A_401 : vector<16xi32>
        %parallel_loop3A_403 = tpu.vector_load_idx %arg5[%parallel_loop3A_402] : memref<32768xf32, #tpu.memory_space<vmem>>[vector<16xi32>], vector<16xf32>,
        %parallel_loop3A_404 = arith.constant 11264 : i32
        %parallel_loop3A_405 = vector.broadcast %parallel_loop3A_404 : i32 to vector<16xi32>
        %parallel_loop3A_406 = arith.addi %parallel_loop3A_80, %parallel_loop3A_405 : vector<16xi32>
        %parallel_loop3A_407 = tpu.vector_load_idx %arg5[%parallel_loop3A_406] : memref<32768xf32, #tpu.memory_space<vmem>>[vector<16xi32>], vector<16xf32>,
        %parallel_loop3A_408 = vector.bitcast %parallel_loop3A_403 : vector<16xf32> to vector<16xi32>
        %parallel_loop3A_409 = arith.constant 32768 : i32
        %parallel_loop3A_410 = vector.broadcast %parallel_loop3A_409 : i32 to vector<16xi32>
        %parallel_loop3A_411 = arith.addi %parallel_loop3A_408, %parallel_loop3A_410 : vector<16xi32>
        %parallel_loop3A_412 = vector.bitcast %parallel_loop3A_407 : vector<16xf32> to vector<16xi32>
        %parallel_loop3A_413 = arith.constant 32768 : i32
        %parallel_loop3A_414 = vector.broadcast %parallel_loop3A_413 : i32 to vector<16xi32>
        %parallel_loop3A_415 = arith.addi %parallel_loop3A_412, %parallel_loop3A_414 : vector<16xi32>
        %parallel_loop3A_416 = arith.constant -65536 : i32
        %parallel_loop3A_417 = vector.broadcast %parallel_loop3A_416 : i32 to vector<16xi32>
        %parallel_loop3A_418 = arith.andi %parallel_loop3A_415, %parallel_loop3A_417 : vector<16xi32>
        %parallel_loop3A_419 = arith.constant 16 : i32
        %parallel_loop3A_420 = vector.broadcast %parallel_loop3A_419 : i32 to vector<16xi32>
        %parallel_loop3A_421 = arith.shrui %parallel_loop3A_411, %parallel_loop3A_420 : vector<16xi32>
        %parallel_loop3A_422 = arith.ori %parallel_loop3A_418, %parallel_loop3A_421 : vector<16xi32>
        %parallel_loop3A_423 = arith.constant 16 : i32
        %parallel_loop3A_424 = arith.muli %parallel_loop3A_68, %parallel_loop3A_423 : i32
        %parallel_loop3A_425 = arith.constant 11 : i32
        %parallel_loop3A_426 = arith.index_cast %parallel_loop3A_425 : i32 to index
        %parallel_loop3A_427 = arith.index_cast %parallel_loop3A_424 : i32 to index
        %parallel_loop3A_428 = tpu.vector_load %arg8[%parallel_loop3A_426, %parallel_loop3A_427] {strides = array<i32>} : memref<32x512xi32, #tpu.memory_space<vmem>>, vector<16xi32>,
        tpu.vector_store %arg8[%parallel_loop3A_426, %parallel_loop3A_427], %parallel_loop3A_422 {strides = array<i32>} : memref<32x512xi32, #tpu.memory_space<vmem>>, vector<16xi32>,
        %parallel_loop3A_429 = arith.constant 12288 : i32
        %parallel_loop3A_430 = vector.broadcast %parallel_loop3A_429 : i32 to vector<16xi32>
        %parallel_loop3A_431 = arith.addi %parallel_loop3A_74, %parallel_loop3A_430 : vector<16xi32>
        %parallel_loop3A_432 = tpu.vector_load_idx %arg5[%parallel_loop3A_431] : memref<32768xf32, #tpu.memory_space<vmem>>[vector<16xi32>], vector<16xf32>,
        %parallel_loop3A_433 = arith.constant 12288 : i32
        %parallel_loop3A_434 = vector.broadcast %parallel_loop3A_433 : i32 to vector<16xi32>
        %parallel_loop3A_435 = arith.addi %parallel_loop3A_80, %parallel_loop3A_434 : vector<16xi32>
        %parallel_loop3A_436 = tpu.vector_load_idx %arg5[%parallel_loop3A_435] : memref<32768xf32, #tpu.memory_space<vmem>>[vector<16xi32>], vector<16xf32>,
        %parallel_loop3A_437 = vector.bitcast %parallel_loop3A_432 : vector<16xf32> to vector<16xi32>
        %parallel_loop3A_438 = arith.constant 32768 : i32
        %parallel_loop3A_439 = vector.broadcast %parallel_loop3A_438 : i32 to vector<16xi32>
        %parallel_loop3A_440 = arith.addi %parallel_loop3A_437, %parallel_loop3A_439 : vector<16xi32>
        %parallel_loop3A_441 = vector.bitcast %parallel_loop3A_436 : vector<16xf32> to vector<16xi32>
        %parallel_loop3A_442 = arith.constant 32768 : i32
        %parallel_loop3A_443 = vector.broadcast %parallel_loop3A_442 : i32 to vector<16xi32>
        %parallel_loop3A_444 = arith.addi %parallel_loop3A_441, %parallel_loop3A_443 : vector<16xi32>
        %parallel_loop3A_445 = arith.constant -65536 : i32
        %parallel_loop3A_446 = vector.broadcast %parallel_loop3A_445 : i32 to vector<16xi32>
        %parallel_loop3A_447 = arith.andi %parallel_loop3A_444, %parallel_loop3A_446 : vector<16xi32>
        %parallel_loop3A_448 = arith.constant 16 : i32
        %parallel_loop3A_449 = vector.broadcast %parallel_loop3A_448 : i32 to vector<16xi32>
        %parallel_loop3A_450 = arith.shrui %parallel_loop3A_440, %parallel_loop3A_449 : vector<16xi32>
        %parallel_loop3A_451 = arith.ori %parallel_loop3A_447, %parallel_loop3A_450 : vector<16xi32>
        %parallel_loop3A_452 = arith.constant 16 : i32
        %parallel_loop3A_453 = arith.muli %parallel_loop3A_68, %parallel_loop3A_452 : i32
        %parallel_loop3A_454 = arith.constant 12 : i32
        %parallel_loop3A_455 = arith.index_cast %parallel_loop3A_454 : i32 to index
        %parallel_loop3A_456 = arith.index_cast %parallel_loop3A_453 : i32 to index
        %parallel_loop3A_457 = tpu.vector_load %arg8[%parallel_loop3A_455, %parallel_loop3A_456] {strides = array<i32>} : memref<32x512xi32, #tpu.memory_space<vmem>>, vector<16xi32>,
        tpu.vector_store %arg8[%parallel_loop3A_455, %parallel_loop3A_456], %parallel_loop3A_451 {strides = array<i32>} : memref<32x512xi32, #tpu.memory_space<vmem>>, vector<16xi32>,
        %parallel_loop3A_458 = arith.constant 13312 : i32
        %parallel_loop3A_459 = vector.broadcast %parallel_loop3A_458 : i32 to vector<16xi32>
        %parallel_loop3A_460 = arith.addi %parallel_loop3A_74, %parallel_loop3A_459 : vector<16xi32>
        %parallel_loop3A_461 = tpu.vector_load_idx %arg5[%parallel_loop3A_460] : memref<32768xf32, #tpu.memory_space<vmem>>[vector<16xi32>], vector<16xf32>,
        %parallel_loop3A_462 = arith.constant 13312 : i32
        %parallel_loop3A_463 = vector.broadcast %parallel_loop3A_462 : i32 to vector<16xi32>
        %parallel_loop3A_464 = arith.addi %parallel_loop3A_80, %parallel_loop3A_463 : vector<16xi32>
        %parallel_loop3A_465 = tpu.vector_load_idx %arg5[%parallel_loop3A_464] : memref<32768xf32, #tpu.memory_space<vmem>>[vector<16xi32>], vector<16xf32>,
        %parallel_loop3A_466 = vector.bitcast %parallel_loop3A_461 : vector<16xf32> to vector<16xi32>
        %parallel_loop3A_467 = arith.constant 32768 : i32
        %parallel_loop3A_468 = vector.broadcast %parallel_loop3A_467 : i32 to vector<16xi32>
        %parallel_loop3A_469 = arith.addi %parallel_loop3A_466, %parallel_loop3A_468 : vector<16xi32>
        %parallel_loop3A_470 = vector.bitcast %parallel_loop3A_465 : vector<16xf32> to vector<16xi32>
        %parallel_loop3A_471 = arith.constant 32768 : i32
        %parallel_loop3A_472 = vector.broadcast %parallel_loop3A_471 : i32 to vector<16xi32>
        %parallel_loop3A_473 = arith.addi %parallel_loop3A_470, %parallel_loop3A_472 : vector<16xi32>
        %parallel_loop3A_474 = arith.constant -65536 : i32
        %parallel_loop3A_475 = vector.broadcast %parallel_loop3A_474 : i32 to vector<16xi32>
        %parallel_loop3A_476 = arith.andi %parallel_loop3A_473, %parallel_loop3A_475 : vector<16xi32>
        %parallel_loop3A_477 = arith.constant 16 : i32
        %parallel_loop3A_478 = vector.broadcast %parallel_loop3A_477 : i32 to vector<16xi32>
        %parallel_loop3A_479 = arith.shrui %parallel_loop3A_469, %parallel_loop3A_478 : vector<16xi32>
        %parallel_loop3A_480 = arith.ori %parallel_loop3A_476, %parallel_loop3A_479 : vector<16xi32>
        %parallel_loop3A_481 = arith.constant 16 : i32
        %parallel_loop3A_482 = arith.muli %parallel_loop3A_68, %parallel_loop3A_481 : i32
        %parallel_loop3A_483 = arith.constant 13 : i32
        %parallel_loop3A_484 = arith.index_cast %parallel_loop3A_483 : i32 to index
        %parallel_loop3A_485 = arith.index_cast %parallel_loop3A_482 : i32 to index
        %parallel_loop3A_486 = tpu.vector_load %arg8[%parallel_loop3A_484, %parallel_loop3A_485] {strides = array<i32>} : memref<32x512xi32, #tpu.memory_space<vmem>>, vector<16xi32>,
        tpu.vector_store %arg8[%parallel_loop3A_484, %parallel_loop3A_485], %parallel_loop3A_480 {strides = array<i32>} : memref<32x512xi32, #tpu.memory_space<vmem>>, vector<16xi32>,
        %parallel_loop3A_487 = arith.constant 14336 : i32
        %parallel_loop3A_488 = vector.broadcast %parallel_loop3A_487 : i32 to vector<16xi32>
        %parallel_loop3A_489 = arith.addi %parallel_loop3A_74, %parallel_loop3A_488 : vector<16xi32>
        %parallel_loop3A_490 = tpu.vector_load_idx %arg5[%parallel_loop3A_489] : memref<32768xf32, #tpu.memory_space<vmem>>[vector<16xi32>], vector<16xf32>,
        %parallel_loop3A_491 = arith.constant 14336 : i32
        %parallel_loop3A_492 = vector.broadcast %parallel_loop3A_491 : i32 to vector<16xi32>
        %parallel_loop3A_493 = arith.addi %parallel_loop3A_80, %parallel_loop3A_492 : vector<16xi32>
        %parallel_loop3A_494 = tpu.vector_load_idx %arg5[%parallel_loop3A_493] : memref<32768xf32, #tpu.memory_space<vmem>>[vector<16xi32>], vector<16xf32>,
        %parallel_loop3A_495 = vector.bitcast %parallel_loop3A_490 : vector<16xf32> to vector<16xi32>
        %parallel_loop3A_496 = arith.constant 32768 : i32
        %parallel_loop3A_497 = vector.broadcast %parallel_loop3A_496 : i32 to vector<16xi32>
        %parallel_loop3A_498 = arith.addi %parallel_loop3A_495, %parallel_loop3A_497 : vector<16xi32>
        %parallel_loop3A_499 = vector.bitcast %parallel_loop3A_494 : vector<16xf32> to vector<16xi32>
        %parallel_loop3A_500 = arith.constant 32768 : i32
        %parallel_loop3A_501 = vector.broadcast %parallel_loop3A_500 : i32 to vector<16xi32>
        %parallel_loop3A_502 = arith.addi %parallel_loop3A_499, %parallel_loop3A_501 : vector<16xi32>
        %parallel_loop3A_503 = arith.constant -65536 : i32
        %parallel_loop3A_504 = vector.broadcast %parallel_loop3A_503 : i32 to vector<16xi32>
        %parallel_loop3A_505 = arith.andi %parallel_loop3A_502, %parallel_loop3A_504 : vector<16xi32>
        %parallel_loop3A_506 = arith.constant 16 : i32
        %parallel_loop3A_507 = vector.broadcast %parallel_loop3A_506 : i32 to vector<16xi32>
        %parallel_loop3A_508 = arith.shrui %parallel_loop3A_498, %parallel_loop3A_507 : vector<16xi32>
        %parallel_loop3A_509 = arith.ori %parallel_loop3A_505, %parallel_loop3A_508 : vector<16xi32>
        %parallel_loop3A_510 = arith.constant 16 : i32
        %parallel_loop3A_511 = arith.muli %parallel_loop3A_68, %parallel_loop3A_510 : i32
        %parallel_loop3A_512 = arith.constant 14 : i32
        %parallel_loop3A_513 = arith.index_cast %parallel_loop3A_512 : i32 to index
        %parallel_loop3A_514 = arith.index_cast %parallel_loop3A_511 : i32 to index
        %parallel_loop3A_515 = tpu.vector_load %arg8[%parallel_loop3A_513, %parallel_loop3A_514] {strides = array<i32>} : memref<32x512xi32, #tpu.memory_space<vmem>>, vector<16xi32>,
        tpu.vector_store %arg8[%parallel_loop3A_513, %parallel_loop3A_514], %parallel_loop3A_509 {strides = array<i32>} : memref<32x512xi32, #tpu.memory_space<vmem>>, vector<16xi32>,
        %parallel_loop3A_516 = arith.constant 15360 : i32
        %parallel_loop3A_517 = vector.broadcast %parallel_loop3A_516 : i32 to vector<16xi32>
        %parallel_loop3A_518 = arith.addi %parallel_loop3A_74, %parallel_loop3A_517 : vector<16xi32>
        %parallel_loop3A_519 = tpu.vector_load_idx %arg5[%parallel_loop3A_518] : memref<32768xf32, #tpu.memory_space<vmem>>[vector<16xi32>], vector<16xf32>,
        %parallel_loop3A_520 = arith.constant 15360 : i32
        %parallel_loop3A_521 = vector.broadcast %parallel_loop3A_520 : i32 to vector<16xi32>
        %parallel_loop3A_522 = arith.addi %parallel_loop3A_80, %parallel_loop3A_521 : vector<16xi32>
        %parallel_loop3A_523 = tpu.vector_load_idx %arg5[%parallel_loop3A_522] : memref<32768xf32, #tpu.memory_space<vmem>>[vector<16xi32>], vector<16xf32>,
        %parallel_loop3A_524 = vector.bitcast %parallel_loop3A_519 : vector<16xf32> to vector<16xi32>
        %parallel_loop3A_525 = arith.constant 32768 : i32
        %parallel_loop3A_526 = vector.broadcast %parallel_loop3A_525 : i32 to vector<16xi32>
        %parallel_loop3A_527 = arith.addi %parallel_loop3A_524, %parallel_loop3A_526 : vector<16xi32>
        %parallel_loop3A_528 = vector.bitcast %parallel_loop3A_523 : vector<16xf32> to vector<16xi32>
        %parallel_loop3A_529 = arith.constant 32768 : i32
        %parallel_loop3A_530 = vector.broadcast %parallel_loop3A_529 : i32 to vector<16xi32>
        %parallel_loop3A_531 = arith.addi %parallel_loop3A_528, %parallel_loop3A_530 : vector<16xi32>
        %parallel_loop3A_532 = arith.constant -65536 : i32
        %parallel_loop3A_533 = vector.broadcast %parallel_loop3A_532 : i32 to vector<16xi32>
        %parallel_loop3A_534 = arith.andi %parallel_loop3A_531, %parallel_loop3A_533 : vector<16xi32>
        %parallel_loop3A_535 = arith.constant 16 : i32
        %parallel_loop3A_536 = vector.broadcast %parallel_loop3A_535 : i32 to vector<16xi32>
        %parallel_loop3A_537 = arith.shrui %parallel_loop3A_527, %parallel_loop3A_536 : vector<16xi32>
        %parallel_loop3A_538 = arith.ori %parallel_loop3A_534, %parallel_loop3A_537 : vector<16xi32>
        %parallel_loop3A_539 = arith.constant 16 : i32
        %parallel_loop3A_540 = arith.muli %parallel_loop3A_68, %parallel_loop3A_539 : i32
        %parallel_loop3A_541 = arith.constant 15 : i32
        %parallel_loop3A_542 = arith.index_cast %parallel_loop3A_541 : i32 to index
        %parallel_loop3A_543 = arith.index_cast %parallel_loop3A_540 : i32 to index
        %parallel_loop3A_544 = tpu.vector_load %arg8[%parallel_loop3A_542, %parallel_loop3A_543] {strides = array<i32>} : memref<32x512xi32, #tpu.memory_space<vmem>>, vector<16xi32>,
        tpu.vector_store %arg8[%parallel_loop3A_542, %parallel_loop3A_543], %parallel_loop3A_538 {strides = array<i32>} : memref<32x512xi32, #tpu.memory_space<vmem>>, vector<16xi32>,
        %parallel_loop3A_545 = arith.constant 16384 : i32
        %parallel_loop3A_546 = vector.broadcast %parallel_loop3A_545 : i32 to vector<16xi32>
        %parallel_loop3A_547 = arith.addi %parallel_loop3A_74, %parallel_loop3A_546 : vector<16xi32>
        %parallel_loop3A_548 = tpu.vector_load_idx %arg5[%parallel_loop3A_547] : memref<32768xf32, #tpu.memory_space<vmem>>[vector<16xi32>], vector<16xf32>,
        %parallel_loop3A_549 = arith.constant 16384 : i32
        %parallel_loop3A_550 = vector.broadcast %parallel_loop3A_549 : i32 to vector<16xi32>
        %parallel_loop3A_551 = arith.addi %parallel_loop3A_80, %parallel_loop3A_550 : vector<16xi32>
        %parallel_loop3A_552 = tpu.vector_load_idx %arg5[%parallel_loop3A_551] : memref<32768xf32, #tpu.memory_space<vmem>>[vector<16xi32>], vector<16xf32>,
        %parallel_loop3A_553 = vector.bitcast %parallel_loop3A_548 : vector<16xf32> to vector<16xi32>
        %parallel_loop3A_554 = arith.constant 32768 : i32
        %parallel_loop3A_555 = vector.broadcast %parallel_loop3A_554 : i32 to vector<16xi32>
        %parallel_loop3A_556 = arith.addi %parallel_loop3A_553, %parallel_loop3A_555 : vector<16xi32>
        %parallel_loop3A_557 = vector.bitcast %parallel_loop3A_552 : vector<16xf32> to vector<16xi32>
        %parallel_loop3A_558 = arith.constant 32768 : i32
        %parallel_loop3A_559 = vector.broadcast %parallel_loop3A_558 : i32 to vector<16xi32>
        %parallel_loop3A_560 = arith.addi %parallel_loop3A_557, %parallel_loop3A_559 : vector<16xi32>
        %parallel_loop3A_561 = arith.constant -65536 : i32
        %parallel_loop3A_562 = vector.broadcast %parallel_loop3A_561 : i32 to vector<16xi32>
        %parallel_loop3A_563 = arith.andi %parallel_loop3A_560, %parallel_loop3A_562 : vector<16xi32>
        %parallel_loop3A_564 = arith.constant 16 : i32
        %parallel_loop3A_565 = vector.broadcast %parallel_loop3A_564 : i32 to vector<16xi32>
        %parallel_loop3A_566 = arith.shrui %parallel_loop3A_556, %parallel_loop3A_565 : vector<16xi32>
        %parallel_loop3A_567 = arith.ori %parallel_loop3A_563, %parallel_loop3A_566 : vector<16xi32>
        %parallel_loop3A_568 = arith.constant 16 : i32
        %parallel_loop3A_569 = arith.muli %parallel_loop3A_68, %parallel_loop3A_568 : i32
        %parallel_loop3A_570 = arith.constant 16 : i32
        %parallel_loop3A_571 = arith.index_cast %parallel_loop3A_570 : i32 to index
        %parallel_loop3A_572 = arith.index_cast %parallel_loop3A_569 : i32 to index
        %parallel_loop3A_573 = tpu.vector_load %arg8[%parallel_loop3A_571, %parallel_loop3A_572] {strides = array<i32>} : memref<32x512xi32, #tpu.memory_space<vmem>>, vector<16xi32>,
        tpu.vector_store %arg8[%parallel_loop3A_571, %parallel_loop3A_572], %parallel_loop3A_567 {strides = array<i32>} : memref<32x512xi32, #tpu.memory_space<vmem>>, vector<16xi32>,
        %parallel_loop3A_574 = arith.constant 17408 : i32
        %parallel_loop3A_575 = vector.broadcast %parallel_loop3A_574 : i32 to vector<16xi32>
        %parallel_loop3A_576 = arith.addi %parallel_loop3A_74, %parallel_loop3A_575 : vector<16xi32>
        %parallel_loop3A_577 = tpu.vector_load_idx %arg5[%parallel_loop3A_576] : memref<32768xf32, #tpu.memory_space<vmem>>[vector<16xi32>], vector<16xf32>,
        %parallel_loop3A_578 = arith.constant 17408 : i32
        %parallel_loop3A_579 = vector.broadcast %parallel_loop3A_578 : i32 to vector<16xi32>
        %parallel_loop3A_580 = arith.addi %parallel_loop3A_80, %parallel_loop3A_579 : vector<16xi32>
        %parallel_loop3A_581 = tpu.vector_load_idx %arg5[%parallel_loop3A_580] : memref<32768xf32, #tpu.memory_space<vmem>>[vector<16xi32>], vector<16xf32>,
        %parallel_loop3A_582 = vector.bitcast %parallel_loop3A_577 : vector<16xf32> to vector<16xi32>
        %parallel_loop3A_583 = arith.constant 32768 : i32
        %parallel_loop3A_584 = vector.broadcast %parallel_loop3A_583 : i32 to vector<16xi32>
        %parallel_loop3A_585 = arith.addi %parallel_loop3A_582, %parallel_loop3A_584 : vector<16xi32>
        %parallel_loop3A_586 = vector.bitcast %parallel_loop3A_581 : vector<16xf32> to vector<16xi32>
        %parallel_loop3A_587 = arith.constant 32768 : i32
        %parallel_loop3A_588 = vector.broadcast %parallel_loop3A_587 : i32 to vector<16xi32>
        %parallel_loop3A_589 = arith.addi %parallel_loop3A_586, %parallel_loop3A_588 : vector<16xi32>
        %parallel_loop3A_590 = arith.constant -65536 : i32
        %parallel_loop3A_591 = vector.broadcast %parallel_loop3A_590 : i32 to vector<16xi32>
        %parallel_loop3A_592 = arith.andi %parallel_loop3A_589, %parallel_loop3A_591 : vector<16xi32>
        %parallel_loop3A_593 = arith.constant 16 : i32
        %parallel_loop3A_594 = vector.broadcast %parallel_loop3A_593 : i32 to vector<16xi32>
        %parallel_loop3A_595 = arith.shrui %parallel_loop3A_585, %parallel_loop3A_594 : vector<16xi32>
        %parallel_loop3A_596 = arith.ori %parallel_loop3A_592, %parallel_loop3A_595 : vector<16xi32>
        %parallel_loop3A_597 = arith.constant 16 : i32
        %parallel_loop3A_598 = arith.muli %parallel_loop3A_68, %parallel_loop3A_597 : i32
        %parallel_loop3A_599 = arith.constant 17 : i32
        %parallel_loop3A_600 = arith.index_cast %parallel_loop3A_599 : i32 to index
        %parallel_loop3A_601 = arith.index_cast %parallel_loop3A_598 : i32 to index
        %parallel_loop3A_602 = tpu.vector_load %arg8[%parallel_loop3A_600, %parallel_loop3A_601] {strides = array<i32>} : memref<32x512xi32, #tpu.memory_space<vmem>>, vector<16xi32>,
        tpu.vector_store %arg8[%parallel_loop3A_600, %parallel_loop3A_601], %parallel_loop3A_596 {strides = array<i32>} : memref<32x512xi32, #tpu.memory_space<vmem>>, vector<16xi32>,
        %parallel_loop3A_603 = arith.constant 18432 : i32
        %parallel_loop3A_604 = vector.broadcast %parallel_loop3A_603 : i32 to vector<16xi32>
        %parallel_loop3A_605 = arith.addi %parallel_loop3A_74, %parallel_loop3A_604 : vector<16xi32>
        %parallel_loop3A_606 = tpu.vector_load_idx %arg5[%parallel_loop3A_605] : memref<32768xf32, #tpu.memory_space<vmem>>[vector<16xi32>], vector<16xf32>,
        %parallel_loop3A_607 = arith.constant 18432 : i32
        %parallel_loop3A_608 = vector.broadcast %parallel_loop3A_607 : i32 to vector<16xi32>
        %parallel_loop3A_609 = arith.addi %parallel_loop3A_80, %parallel_loop3A_608 : vector<16xi32>
        %parallel_loop3A_610 = tpu.vector_load_idx %arg5[%parallel_loop3A_609] : memref<32768xf32, #tpu.memory_space<vmem>>[vector<16xi32>], vector<16xf32>,
        %parallel_loop3A_611 = vector.bitcast %parallel_loop3A_606 : vector<16xf32> to vector<16xi32>
        %parallel_loop3A_612 = arith.constant 32768 : i32
        %parallel_loop3A_613 = vector.broadcast %parallel_loop3A_612 : i32 to vector<16xi32>
        %parallel_loop3A_614 = arith.addi %parallel_loop3A_611, %parallel_loop3A_613 : vector<16xi32>
        %parallel_loop3A_615 = vector.bitcast %parallel_loop3A_610 : vector<16xf32> to vector<16xi32>
        %parallel_loop3A_616 = arith.constant 32768 : i32
        %parallel_loop3A_617 = vector.broadcast %parallel_loop3A_616 : i32 to vector<16xi32>
        %parallel_loop3A_618 = arith.addi %parallel_loop3A_615, %parallel_loop3A_617 : vector<16xi32>
        %parallel_loop3A_619 = arith.constant -65536 : i32
        %parallel_loop3A_620 = vector.broadcast %parallel_loop3A_619 : i32 to vector<16xi32>
        %parallel_loop3A_621 = arith.andi %parallel_loop3A_618, %parallel_loop3A_620 : vector<16xi32>
        %parallel_loop3A_622 = arith.constant 16 : i32
        %parallel_loop3A_623 = vector.broadcast %parallel_loop3A_622 : i32 to vector<16xi32>
        %parallel_loop3A_624 = arith.shrui %parallel_loop3A_614, %parallel_loop3A_623 : vector<16xi32>
        %parallel_loop3A_625 = arith.ori %parallel_loop3A_621, %parallel_loop3A_624 : vector<16xi32>
        %parallel_loop3A_626 = arith.constant 16 : i32
        %parallel_loop3A_627 = arith.muli %parallel_loop3A_68, %parallel_loop3A_626 : i32
        %parallel_loop3A_628 = arith.constant 18 : i32
        %parallel_loop3A_629 = arith.index_cast %parallel_loop3A_628 : i32 to index
        %parallel_loop3A_630 = arith.index_cast %parallel_loop3A_627 : i32 to index
        %parallel_loop3A_631 = tpu.vector_load %arg8[%parallel_loop3A_629, %parallel_loop3A_630] {strides = array<i32>} : memref<32x512xi32, #tpu.memory_space<vmem>>, vector<16xi32>,
        tpu.vector_store %arg8[%parallel_loop3A_629, %parallel_loop3A_630], %parallel_loop3A_625 {strides = array<i32>} : memref<32x512xi32, #tpu.memory_space<vmem>>, vector<16xi32>,
        %parallel_loop3A_632 = arith.constant 19456 : i32
        %parallel_loop3A_633 = vector.broadcast %parallel_loop3A_632 : i32 to vector<16xi32>
        %parallel_loop3A_634 = arith.addi %parallel_loop3A_74, %parallel_loop3A_633 : vector<16xi32>
        %parallel_loop3A_635 = tpu.vector_load_idx %arg5[%parallel_loop3A_634] : memref<32768xf32, #tpu.memory_space<vmem>>[vector<16xi32>], vector<16xf32>,
        %parallel_loop3A_636 = arith.constant 19456 : i32
        %parallel_loop3A_637 = vector.broadcast %parallel_loop3A_636 : i32 to vector<16xi32>
        %parallel_loop3A_638 = arith.addi %parallel_loop3A_80, %parallel_loop3A_637 : vector<16xi32>
        %parallel_loop3A_639 = tpu.vector_load_idx %arg5[%parallel_loop3A_638] : memref<32768xf32, #tpu.memory_space<vmem>>[vector<16xi32>], vector<16xf32>,
        %parallel_loop3A_640 = vector.bitcast %parallel_loop3A_635 : vector<16xf32> to vector<16xi32>
        %parallel_loop3A_641 = arith.constant 32768 : i32
        %parallel_loop3A_642 = vector.broadcast %parallel_loop3A_641 : i32 to vector<16xi32>
        %parallel_loop3A_643 = arith.addi %parallel_loop3A_640, %parallel_loop3A_642 : vector<16xi32>
        %parallel_loop3A_644 = vector.bitcast %parallel_loop3A_639 : vector<16xf32> to vector<16xi32>
        %parallel_loop3A_645 = arith.constant 32768 : i32
        %parallel_loop3A_646 = vector.broadcast %parallel_loop3A_645 : i32 to vector<16xi32>
        %parallel_loop3A_647 = arith.addi %parallel_loop3A_644, %parallel_loop3A_646 : vector<16xi32>
        %parallel_loop3A_648 = arith.constant -65536 : i32
        %parallel_loop3A_649 = vector.broadcast %parallel_loop3A_648 : i32 to vector<16xi32>
        %parallel_loop3A_650 = arith.andi %parallel_loop3A_647, %parallel_loop3A_649 : vector<16xi32>
        %parallel_loop3A_651 = arith.constant 16 : i32
        %parallel_loop3A_652 = vector.broadcast %parallel_loop3A_651 : i32 to vector<16xi32>
        %parallel_loop3A_653 = arith.shrui %parallel_loop3A_643, %parallel_loop3A_652 : vector<16xi32>
        %parallel_loop3A_654 = arith.ori %parallel_loop3A_650, %parallel_loop3A_653 : vector<16xi32>
        %parallel_loop3A_655 = arith.constant 16 : i32
        %parallel_loop3A_656 = arith.muli %parallel_loop3A_68, %parallel_loop3A_655 : i32
        %parallel_loop3A_657 = arith.constant 19 : i32
        %parallel_loop3A_658 = arith.index_cast %parallel_loop3A_657 : i32 to index
        %parallel_loop3A_659 = arith.index_cast %parallel_loop3A_656 : i32 to index
        %parallel_loop3A_660 = tpu.vector_load %arg8[%parallel_loop3A_658, %parallel_loop3A_659] {strides = array<i32>} : memref<32x512xi32, #tpu.memory_space<vmem>>, vector<16xi32>,
        tpu.vector_store %arg8[%parallel_loop3A_658, %parallel_loop3A_659], %parallel_loop3A_654 {strides = array<i32>} : memref<32x512xi32, #tpu.memory_space<vmem>>, vector<16xi32>,
        %parallel_loop3A_661 = arith.constant 20480 : i32
        %parallel_loop3A_662 = vector.broadcast %parallel_loop3A_661 : i32 to vector<16xi32>
        %parallel_loop3A_663 = arith.addi %parallel_loop3A_74, %parallel_loop3A_662 : vector<16xi32>
        %parallel_loop3A_664 = tpu.vector_load_idx %arg5[%parallel_loop3A_663] : memref<32768xf32, #tpu.memory_space<vmem>>[vector<16xi32>], vector<16xf32>,
        %parallel_loop3A_665 = arith.constant 20480 : i32
        %parallel_loop3A_666 = vector.broadcast %parallel_loop3A_665 : i32 to vector<16xi32>
        %parallel_loop3A_667 = arith.addi %parallel_loop3A_80, %parallel_loop3A_666 : vector<16xi32>
        %parallel_loop3A_668 = tpu.vector_load_idx %arg5[%parallel_loop3A_667] : memref<32768xf32, #tpu.memory_space<vmem>>[vector<16xi32>], vector<16xf32>,
        %parallel_loop3A_669 = vector.bitcast %parallel_loop3A_664 : vector<16xf32> to vector<16xi32>
        %parallel_loop3A_670 = arith.constant 32768 : i32
        %parallel_loop3A_671 = vector.broadcast %parallel_loop3A_670 : i32 to vector<16xi32>
        %parallel_loop3A_672 = arith.addi %parallel_loop3A_669, %parallel_loop3A_671 : vector<16xi32>
        %parallel_loop3A_673 = vector.bitcast %parallel_loop3A_668 : vector<16xf32> to vector<16xi32>
        %parallel_loop3A_674 = arith.constant 32768 : i32
        %parallel_loop3A_675 = vector.broadcast %parallel_loop3A_674 : i32 to vector<16xi32>
        %parallel_loop3A_676 = arith.addi %parallel_loop3A_673, %parallel_loop3A_675 : vector<16xi32>
        %parallel_loop3A_677 = arith.constant -65536 : i32
        %parallel_loop3A_678 = vector.broadcast %parallel_loop3A_677 : i32 to vector<16xi32>
        %parallel_loop3A_679 = arith.andi %parallel_loop3A_676, %parallel_loop3A_678 : vector<16xi32>
        %parallel_loop3A_680 = arith.constant 16 : i32
        %parallel_loop3A_681 = vector.broadcast %parallel_loop3A_680 : i32 to vector<16xi32>
        %parallel_loop3A_682 = arith.shrui %parallel_loop3A_672, %parallel_loop3A_681 : vector<16xi32>
        %parallel_loop3A_683 = arith.ori %parallel_loop3A_679, %parallel_loop3A_682 : vector<16xi32>
        %parallel_loop3A_684 = arith.constant 16 : i32
        %parallel_loop3A_685 = arith.muli %parallel_loop3A_68, %parallel_loop3A_684 : i32
        %parallel_loop3A_686 = arith.constant 20 : i32
        %parallel_loop3A_687 = arith.index_cast %parallel_loop3A_686 : i32 to index
        %parallel_loop3A_688 = arith.index_cast %parallel_loop3A_685 : i32 to index
        %parallel_loop3A_689 = tpu.vector_load %arg8[%parallel_loop3A_687, %parallel_loop3A_688] {strides = array<i32>} : memref<32x512xi32, #tpu.memory_space<vmem>>, vector<16xi32>,
        tpu.vector_store %arg8[%parallel_loop3A_687, %parallel_loop3A_688], %parallel_loop3A_683 {strides = array<i32>} : memref<32x512xi32, #tpu.memory_space<vmem>>, vector<16xi32>,
        %parallel_loop3A_690 = arith.constant 21504 : i32
        %parallel_loop3A_691 = vector.broadcast %parallel_loop3A_690 : i32 to vector<16xi32>
        %parallel_loop3A_692 = arith.addi %parallel_loop3A_74, %parallel_loop3A_691 : vector<16xi32>
        %parallel_loop3A_693 = tpu.vector_load_idx %arg5[%parallel_loop3A_692] : memref<32768xf32, #tpu.memory_space<vmem>>[vector<16xi32>], vector<16xf32>,
        %parallel_loop3A_694 = arith.constant 21504 : i32
        %parallel_loop3A_695 = vector.broadcast %parallel_loop3A_694 : i32 to vector<16xi32>
        %parallel_loop3A_696 = arith.addi %parallel_loop3A_80, %parallel_loop3A_695 : vector<16xi32>
        %parallel_loop3A_697 = tpu.vector_load_idx %arg5[%parallel_loop3A_696] : memref<32768xf32, #tpu.memory_space<vmem>>[vector<16xi32>], vector<16xf32>,
        %parallel_loop3A_698 = vector.bitcast %parallel_loop3A_693 : vector<16xf32> to vector<16xi32>
        %parallel_loop3A_699 = arith.constant 32768 : i32
        %parallel_loop3A_700 = vector.broadcast %parallel_loop3A_699 : i32 to vector<16xi32>
        %parallel_loop3A_701 = arith.addi %parallel_loop3A_698, %parallel_loop3A_700 : vector<16xi32>
        %parallel_loop3A_702 = vector.bitcast %parallel_loop3A_697 : vector<16xf32> to vector<16xi32>
        %parallel_loop3A_703 = arith.constant 32768 : i32
        %parallel_loop3A_704 = vector.broadcast %parallel_loop3A_703 : i32 to vector<16xi32>
        %parallel_loop3A_705 = arith.addi %parallel_loop3A_702, %parallel_loop3A_704 : vector<16xi32>
        %parallel_loop3A_706 = arith.constant -65536 : i32
        %parallel_loop3A_707 = vector.broadcast %parallel_loop3A_706 : i32 to vector<16xi32>
        %parallel_loop3A_708 = arith.andi %parallel_loop3A_705, %parallel_loop3A_707 : vector<16xi32>
        %parallel_loop3A_709 = arith.constant 16 : i32
        %parallel_loop3A_710 = vector.broadcast %parallel_loop3A_709 : i32 to vector<16xi32>
        %parallel_loop3A_711 = arith.shrui %parallel_loop3A_701, %parallel_loop3A_710 : vector<16xi32>
        %parallel_loop3A_712 = arith.ori %parallel_loop3A_708, %parallel_loop3A_711 : vector<16xi32>
        %parallel_loop3A_713 = arith.constant 16 : i32
        %parallel_loop3A_714 = arith.muli %parallel_loop3A_68, %parallel_loop3A_713 : i32
        %parallel_loop3A_715 = arith.constant 21 : i32
        %parallel_loop3A_716 = arith.index_cast %parallel_loop3A_715 : i32 to index
        %parallel_loop3A_717 = arith.index_cast %parallel_loop3A_714 : i32 to index
        %parallel_loop3A_718 = tpu.vector_load %arg8[%parallel_loop3A_716, %parallel_loop3A_717] {strides = array<i32>} : memref<32x512xi32, #tpu.memory_space<vmem>>, vector<16xi32>,
        tpu.vector_store %arg8[%parallel_loop3A_716, %parallel_loop3A_717], %parallel_loop3A_712 {strides = array<i32>} : memref<32x512xi32, #tpu.memory_space<vmem>>, vector<16xi32>,
        %parallel_loop3A_719 = arith.constant 22528 : i32
        %parallel_loop3A_720 = vector.broadcast %parallel_loop3A_719 : i32 to vector<16xi32>
        %parallel_loop3A_721 = arith.addi %parallel_loop3A_74, %parallel_loop3A_720 : vector<16xi32>
        %parallel_loop3A_722 = tpu.vector_load_idx %arg5[%parallel_loop3A_721] : memref<32768xf32, #tpu.memory_space<vmem>>[vector<16xi32>], vector<16xf32>,
        %parallel_loop3A_723 = arith.constant 22528 : i32
        %parallel_loop3A_724 = vector.broadcast %parallel_loop3A_723 : i32 to vector<16xi32>
        %parallel_loop3A_725 = arith.addi %parallel_loop3A_80, %parallel_loop3A_724 : vector<16xi32>
        %parallel_loop3A_726 = tpu.vector_load_idx %arg5[%parallel_loop3A_725] : memref<32768xf32, #tpu.memory_space<vmem>>[vector<16xi32>], vector<16xf32>,
        %parallel_loop3A_727 = vector.bitcast %parallel_loop3A_722 : vector<16xf32> to vector<16xi32>
        %parallel_loop3A_728 = arith.constant 32768 : i32
        %parallel_loop3A_729 = vector.broadcast %parallel_loop3A_728 : i32 to vector<16xi32>
        %parallel_loop3A_730 = arith.addi %parallel_loop3A_727, %parallel_loop3A_729 : vector<16xi32>
        %parallel_loop3A_731 = vector.bitcast %parallel_loop3A_726 : vector<16xf32> to vector<16xi32>
        %parallel_loop3A_732 = arith.constant 32768 : i32
        %parallel_loop3A_733 = vector.broadcast %parallel_loop3A_732 : i32 to vector<16xi32>
        %parallel_loop3A_734 = arith.addi %parallel_loop3A_731, %parallel_loop3A_733 : vector<16xi32>
        %parallel_loop3A_735 = arith.constant -65536 : i32
        %parallel_loop3A_736 = vector.broadcast %parallel_loop3A_735 : i32 to vector<16xi32>
        %parallel_loop3A_737 = arith.andi %parallel_loop3A_734, %parallel_loop3A_736 : vector<16xi32>
        %parallel_loop3A_738 = arith.constant 16 : i32
        %parallel_loop3A_739 = vector.broadcast %parallel_loop3A_738 : i32 to vector<16xi32>
        %parallel_loop3A_740 = arith.shrui %parallel_loop3A_730, %parallel_loop3A_739 : vector<16xi32>
        %parallel_loop3A_741 = arith.ori %parallel_loop3A_737, %parallel_loop3A_740 : vector<16xi32>
        %parallel_loop3A_742 = arith.constant 16 : i32
        %parallel_loop3A_743 = arith.muli %parallel_loop3A_68, %parallel_loop3A_742 : i32
        %parallel_loop3A_744 = arith.constant 22 : i32
        %parallel_loop3A_745 = arith.index_cast %parallel_loop3A_744 : i32 to index
        %parallel_loop3A_746 = arith.index_cast %parallel_loop3A_743 : i32 to index
        %parallel_loop3A_747 = tpu.vector_load %arg8[%parallel_loop3A_745, %parallel_loop3A_746] {strides = array<i32>} : memref<32x512xi32, #tpu.memory_space<vmem>>, vector<16xi32>,
        tpu.vector_store %arg8[%parallel_loop3A_745, %parallel_loop3A_746], %parallel_loop3A_741 {strides = array<i32>} : memref<32x512xi32, #tpu.memory_space<vmem>>, vector<16xi32>,
        %parallel_loop3A_748 = arith.constant 23552 : i32
        %parallel_loop3A_749 = vector.broadcast %parallel_loop3A_748 : i32 to vector<16xi32>
        %parallel_loop3A_750 = arith.addi %parallel_loop3A_74, %parallel_loop3A_749 : vector<16xi32>
        %parallel_loop3A_751 = tpu.vector_load_idx %arg5[%parallel_loop3A_750] : memref<32768xf32, #tpu.memory_space<vmem>>[vector<16xi32>], vector<16xf32>,
        %parallel_loop3A_752 = arith.constant 23552 : i32
        %parallel_loop3A_753 = vector.broadcast %parallel_loop3A_752 : i32 to vector<16xi32>
        %parallel_loop3A_754 = arith.addi %parallel_loop3A_80, %parallel_loop3A_753 : vector<16xi32>
        %parallel_loop3A_755 = tpu.vector_load_idx %arg5[%parallel_loop3A_754] : memref<32768xf32, #tpu.memory_space<vmem>>[vector<16xi32>], vector<16xf32>,
        %parallel_loop3A_756 = vector.bitcast %parallel_loop3A_751 : vector<16xf32> to vector<16xi32>
        %parallel_loop3A_757 = arith.constant 32768 : i32
        %parallel_loop3A_758 = vector.broadcast %parallel_loop3A_757 : i32 to vector<16xi32>
        %parallel_loop3A_759 = arith.addi %parallel_loop3A_756, %parallel_loop3A_758 : vector<16xi32>
        %parallel_loop3A_760 = vector.bitcast %parallel_loop3A_755 : vector<16xf32> to vector<16xi32>
        %parallel_loop3A_761 = arith.constant 32768 : i32
        %parallel_loop3A_762 = vector.broadcast %parallel_loop3A_761 : i32 to vector<16xi32>
        %parallel_loop3A_763 = arith.addi %parallel_loop3A_760, %parallel_loop3A_762 : vector<16xi32>
        %parallel_loop3A_764 = arith.constant -65536 : i32
        %parallel_loop3A_765 = vector.broadcast %parallel_loop3A_764 : i32 to vector<16xi32>
        %parallel_loop3A_766 = arith.andi %parallel_loop3A_763, %parallel_loop3A_765 : vector<16xi32>
        %parallel_loop3A_767 = arith.constant 16 : i32
        %parallel_loop3A_768 = vector.broadcast %parallel_loop3A_767 : i32 to vector<16xi32>
        %parallel_loop3A_769 = arith.shrui %parallel_loop3A_759, %parallel_loop3A_768 : vector<16xi32>
        %parallel_loop3A_770 = arith.ori %parallel_loop3A_766, %parallel_loop3A_769 : vector<16xi32>
        %parallel_loop3A_771 = arith.constant 16 : i32
        %parallel_loop3A_772 = arith.muli %parallel_loop3A_68, %parallel_loop3A_771 : i32
        %parallel_loop3A_773 = arith.constant 23 : i32
        %parallel_loop3A_774 = arith.index_cast %parallel_loop3A_773 : i32 to index
        %parallel_loop3A_775 = arith.index_cast %parallel_loop3A_772 : i32 to index
        %parallel_loop3A_776 = tpu.vector_load %arg8[%parallel_loop3A_774, %parallel_loop3A_775] {strides = array<i32>} : memref<32x512xi32, #tpu.memory_space<vmem>>, vector<16xi32>,
        tpu.vector_store %arg8[%parallel_loop3A_774, %parallel_loop3A_775], %parallel_loop3A_770 {strides = array<i32>} : memref<32x512xi32, #tpu.memory_space<vmem>>, vector<16xi32>,
        %parallel_loop3A_777 = arith.constant 24576 : i32
        %parallel_loop3A_778 = vector.broadcast %parallel_loop3A_777 : i32 to vector<16xi32>
        %parallel_loop3A_779 = arith.addi %parallel_loop3A_74, %parallel_loop3A_778 : vector<16xi32>
        %parallel_loop3A_780 = tpu.vector_load_idx %arg5[%parallel_loop3A_779] : memref<32768xf32, #tpu.memory_space<vmem>>[vector<16xi32>], vector<16xf32>,
        %parallel_loop3A_781 = arith.constant 24576 : i32
        %parallel_loop3A_782 = vector.broadcast %parallel_loop3A_781 : i32 to vector<16xi32>
        %parallel_loop3A_783 = arith.addi %parallel_loop3A_80, %parallel_loop3A_782 : vector<16xi32>
        %parallel_loop3A_784 = tpu.vector_load_idx %arg5[%parallel_loop3A_783] : memref<32768xf32, #tpu.memory_space<vmem>>[vector<16xi32>], vector<16xf32>,
        %parallel_loop3A_785 = vector.bitcast %parallel_loop3A_780 : vector<16xf32> to vector<16xi32>
        %parallel_loop3A_786 = arith.constant 32768 : i32
        %parallel_loop3A_787 = vector.broadcast %parallel_loop3A_786 : i32 to vector<16xi32>
        %parallel_loop3A_788 = arith.addi %parallel_loop3A_785, %parallel_loop3A_787 : vector<16xi32>
        %parallel_loop3A_789 = vector.bitcast %parallel_loop3A_784 : vector<16xf32> to vector<16xi32>
        %parallel_loop3A_790 = arith.constant 32768 : i32
        %parallel_loop3A_791 = vector.broadcast %parallel_loop3A_790 : i32 to vector<16xi32>
        %parallel_loop3A_792 = arith.addi %parallel_loop3A_789, %parallel_loop3A_791 : vector<16xi32>
        %parallel_loop3A_793 = arith.constant -65536 : i32
        %parallel_loop3A_794 = vector.broadcast %parallel_loop3A_793 : i32 to vector<16xi32>
        %parallel_loop3A_795 = arith.andi %parallel_loop3A_792, %parallel_loop3A_794 : vector<16xi32>
        %parallel_loop3A_796 = arith.constant 16 : i32
        %parallel_loop3A_797 = vector.broadcast %parallel_loop3A_796 : i32 to vector<16xi32>
        %parallel_loop3A_798 = arith.shrui %parallel_loop3A_788, %parallel_loop3A_797 : vector<16xi32>
        %parallel_loop3A_799 = arith.ori %parallel_loop3A_795, %parallel_loop3A_798 : vector<16xi32>
        %parallel_loop3A_800 = arith.constant 16 : i32
        %parallel_loop3A_801 = arith.muli %parallel_loop3A_68, %parallel_loop3A_800 : i32
        %parallel_loop3A_802 = arith.constant 24 : i32
        %parallel_loop3A_803 = arith.index_cast %parallel_loop3A_802 : i32 to index
        %parallel_loop3A_804 = arith.index_cast %parallel_loop3A_801 : i32 to index
        %parallel_loop3A_805 = tpu.vector_load %arg8[%parallel_loop3A_803, %parallel_loop3A_804] {strides = array<i32>} : memref<32x512xi32, #tpu.memory_space<vmem>>, vector<16xi32>,
        tpu.vector_store %arg8[%parallel_loop3A_803, %parallel_loop3A_804], %parallel_loop3A_799 {strides = array<i32>} : memref<32x512xi32, #tpu.memory_space<vmem>>, vector<16xi32>,
        %parallel_loop3A_806 = arith.constant 25600 : i32
        %parallel_loop3A_807 = vector.broadcast %parallel_loop3A_806 : i32 to vector<16xi32>
        %parallel_loop3A_808 = arith.addi %parallel_loop3A_74, %parallel_loop3A_807 : vector<16xi32>
        %parallel_loop3A_809 = tpu.vector_load_idx %arg5[%parallel_loop3A_808] : memref<32768xf32, #tpu.memory_space<vmem>>[vector<16xi32>], vector<16xf32>,
        %parallel_loop3A_810 = arith.constant 25600 : i32
        %parallel_loop3A_811 = vector.broadcast %parallel_loop3A_810 : i32 to vector<16xi32>
        %parallel_loop3A_812 = arith.addi %parallel_loop3A_80, %parallel_loop3A_811 : vector<16xi32>
        %parallel_loop3A_813 = tpu.vector_load_idx %arg5[%parallel_loop3A_812] : memref<32768xf32, #tpu.memory_space<vmem>>[vector<16xi32>], vector<16xf32>,
        %parallel_loop3A_814 = vector.bitcast %parallel_loop3A_809 : vector<16xf32> to vector<16xi32>
        %parallel_loop3A_815 = arith.constant 32768 : i32
        %parallel_loop3A_816 = vector.broadcast %parallel_loop3A_815 : i32 to vector<16xi32>
        %parallel_loop3A_817 = arith.addi %parallel_loop3A_814, %parallel_loop3A_816 : vector<16xi32>
        %parallel_loop3A_818 = vector.bitcast %parallel_loop3A_813 : vector<16xf32> to vector<16xi32>
        %parallel_loop3A_819 = arith.constant 32768 : i32
        %parallel_loop3A_820 = vector.broadcast %parallel_loop3A_819 : i32 to vector<16xi32>
        %parallel_loop3A_821 = arith.addi %parallel_loop3A_818, %parallel_loop3A_820 : vector<16xi32>
        %parallel_loop3A_822 = arith.constant -65536 : i32
        %parallel_loop3A_823 = vector.broadcast %parallel_loop3A_822 : i32 to vector<16xi32>
        %parallel_loop3A_824 = arith.andi %parallel_loop3A_821, %parallel_loop3A_823 : vector<16xi32>
        %parallel_loop3A_825 = arith.constant 16 : i32
        %parallel_loop3A_826 = vector.broadcast %parallel_loop3A_825 : i32 to vector<16xi32>
        %parallel_loop3A_827 = arith.shrui %parallel_loop3A_817, %parallel_loop3A_826 : vector<16xi32>
        %parallel_loop3A_828 = arith.ori %parallel_loop3A_824, %parallel_loop3A_827 : vector<16xi32>
        %parallel_loop3A_829 = arith.constant 16 : i32
        %parallel_loop3A_830 = arith.muli %parallel_loop3A_68, %parallel_loop3A_829 : i32
        %parallel_loop3A_831 = arith.constant 25 : i32
        %parallel_loop3A_832 = arith.index_cast %parallel_loop3A_831 : i32 to index
        %parallel_loop3A_833 = arith.index_cast %parallel_loop3A_830 : i32 to index
        %parallel_loop3A_834 = tpu.vector_load %arg8[%parallel_loop3A_832, %parallel_loop3A_833] {strides = array<i32>} : memref<32x512xi32, #tpu.memory_space<vmem>>, vector<16xi32>,
        tpu.vector_store %arg8[%parallel_loop3A_832, %parallel_loop3A_833], %parallel_loop3A_828 {strides = array<i32>} : memref<32x512xi32, #tpu.memory_space<vmem>>, vector<16xi32>,
        %parallel_loop3A_835 = arith.constant 26624 : i32
        %parallel_loop3A_836 = vector.broadcast %parallel_loop3A_835 : i32 to vector<16xi32>
        %parallel_loop3A_837 = arith.addi %parallel_loop3A_74, %parallel_loop3A_836 : vector<16xi32>
        %parallel_loop3A_838 = tpu.vector_load_idx %arg5[%parallel_loop3A_837] : memref<32768xf32, #tpu.memory_space<vmem>>[vector<16xi32>], vector<16xf32>,
        %parallel_loop3A_839 = arith.constant 26624 : i32
        %parallel_loop3A_840 = vector.broadcast %parallel_loop3A_839 : i32 to vector<16xi32>
        %parallel_loop3A_841 = arith.addi %parallel_loop3A_80, %parallel_loop3A_840 : vector<16xi32>
        %parallel_loop3A_842 = tpu.vector_load_idx %arg5[%parallel_loop3A_841] : memref<32768xf32, #tpu.memory_space<vmem>>[vector<16xi32>], vector<16xf32>,
        %parallel_loop3A_843 = vector.bitcast %parallel_loop3A_838 : vector<16xf32> to vector<16xi32>
        %parallel_loop3A_844 = arith.constant 32768 : i32
        %parallel_loop3A_845 = vector.broadcast %parallel_loop3A_844 : i32 to vector<16xi32>
        %parallel_loop3A_846 = arith.addi %parallel_loop3A_843, %parallel_loop3A_845 : vector<16xi32>
        %parallel_loop3A_847 = vector.bitcast %parallel_loop3A_842 : vector<16xf32> to vector<16xi32>
        %parallel_loop3A_848 = arith.constant 32768 : i32
        %parallel_loop3A_849 = vector.broadcast %parallel_loop3A_848 : i32 to vector<16xi32>
        %parallel_loop3A_850 = arith.addi %parallel_loop3A_847, %parallel_loop3A_849 : vector<16xi32>
        %parallel_loop3A_851 = arith.constant -65536 : i32
        %parallel_loop3A_852 = vector.broadcast %parallel_loop3A_851 : i32 to vector<16xi32>
        %parallel_loop3A_853 = arith.andi %parallel_loop3A_850, %parallel_loop3A_852 : vector<16xi32>
        %parallel_loop3A_854 = arith.constant 16 : i32
        %parallel_loop3A_855 = vector.broadcast %parallel_loop3A_854 : i32 to vector<16xi32>
        %parallel_loop3A_856 = arith.shrui %parallel_loop3A_846, %parallel_loop3A_855 : vector<16xi32>
        %parallel_loop3A_857 = arith.ori %parallel_loop3A_853, %parallel_loop3A_856 : vector<16xi32>
        %parallel_loop3A_858 = arith.constant 16 : i32
        %parallel_loop3A_859 = arith.muli %parallel_loop3A_68, %parallel_loop3A_858 : i32
        %parallel_loop3A_860 = arith.constant 26 : i32
        %parallel_loop3A_861 = arith.index_cast %parallel_loop3A_860 : i32 to index
        %parallel_loop3A_862 = arith.index_cast %parallel_loop3A_859 : i32 to index
        %parallel_loop3A_863 = tpu.vector_load %arg8[%parallel_loop3A_861, %parallel_loop3A_862] {strides = array<i32>} : memref<32x512xi32, #tpu.memory_space<vmem>>, vector<16xi32>,
        tpu.vector_store %arg8[%parallel_loop3A_861, %parallel_loop3A_862], %parallel_loop3A_857 {strides = array<i32>} : memref<32x512xi32, #tpu.memory_space<vmem>>, vector<16xi32>,
        %parallel_loop3A_864 = arith.constant 27648 : i32
        %parallel_loop3A_865 = vector.broadcast %parallel_loop3A_864 : i32 to vector<16xi32>
        %parallel_loop3A_866 = arith.addi %parallel_loop3A_74, %parallel_loop3A_865 : vector<16xi32>
        %parallel_loop3A_867 = tpu.vector_load_idx %arg5[%parallel_loop3A_866] : memref<32768xf32, #tpu.memory_space<vmem>>[vector<16xi32>], vector<16xf32>,
        %parallel_loop3A_868 = arith.constant 27648 : i32
        %parallel_loop3A_869 = vector.broadcast %parallel_loop3A_868 : i32 to vector<16xi32>
        %parallel_loop3A_870 = arith.addi %parallel_loop3A_80, %parallel_loop3A_869 : vector<16xi32>
        %parallel_loop3A_871 = tpu.vector_load_idx %arg5[%parallel_loop3A_870] : memref<32768xf32, #tpu.memory_space<vmem>>[vector<16xi32>], vector<16xf32>,
        %parallel_loop3A_872 = vector.bitcast %parallel_loop3A_867 : vector<16xf32> to vector<16xi32>
        %parallel_loop3A_873 = arith.constant 32768 : i32
        %parallel_loop3A_874 = vector.broadcast %parallel_loop3A_873 : i32 to vector<16xi32>
        %parallel_loop3A_875 = arith.addi %parallel_loop3A_872, %parallel_loop3A_874 : vector<16xi32>
        %parallel_loop3A_876 = vector.bitcast %parallel_loop3A_871 : vector<16xf32> to vector<16xi32>
        %parallel_loop3A_877 = arith.constant 32768 : i32
        %parallel_loop3A_878 = vector.broadcast %parallel_loop3A_877 : i32 to vector<16xi32>
        %parallel_loop3A_879 = arith.addi %parallel_loop3A_876, %parallel_loop3A_878 : vector<16xi32>
        %parallel_loop3A_880 = arith.constant -65536 : i32
        %parallel_loop3A_881 = vector.broadcast %parallel_loop3A_880 : i32 to vector<16xi32>
        %parallel_loop3A_882 = arith.andi %parallel_loop3A_879, %parallel_loop3A_881 : vector<16xi32>
        %parallel_loop3A_883 = arith.constant 16 : i32
        %parallel_loop3A_884 = vector.broadcast %parallel_loop3A_883 : i32 to vector<16xi32>
        %parallel_loop3A_885 = arith.shrui %parallel_loop3A_875, %parallel_loop3A_884 : vector<16xi32>
        %parallel_loop3A_886 = arith.ori %parallel_loop3A_882, %parallel_loop3A_885 : vector<16xi32>
        %parallel_loop3A_887 = arith.constant 16 : i32
        %parallel_loop3A_888 = arith.muli %parallel_loop3A_68, %parallel_loop3A_887 : i32
        %parallel_loop3A_889 = arith.constant 27 : i32
        %parallel_loop3A_890 = arith.index_cast %parallel_loop3A_889 : i32 to index
        %parallel_loop3A_891 = arith.index_cast %parallel_loop3A_888 : i32 to index
        %parallel_loop3A_892 = tpu.vector_load %arg8[%parallel_loop3A_890, %parallel_loop3A_891] {strides = array<i32>} : memref<32x512xi32, #tpu.memory_space<vmem>>, vector<16xi32>,
        tpu.vector_store %arg8[%parallel_loop3A_890, %parallel_loop3A_891], %parallel_loop3A_886 {strides = array<i32>} : memref<32x512xi32, #tpu.memory_space<vmem>>, vector<16xi32>,
        %parallel_loop3A_893 = arith.constant 28672 : i32
        %parallel_loop3A_894 = vector.broadcast %parallel_loop3A_893 : i32 to vector<16xi32>
        %parallel_loop3A_895 = arith.addi %parallel_loop3A_74, %parallel_loop3A_894 : vector<16xi32>
        %parallel_loop3A_896 = tpu.vector_load_idx %arg5[%parallel_loop3A_895] : memref<32768xf32, #tpu.memory_space<vmem>>[vector<16xi32>], vector<16xf32>,
        %parallel_loop3A_897 = arith.constant 28672 : i32
        %parallel_loop3A_898 = vector.broadcast %parallel_loop3A_897 : i32 to vector<16xi32>
        %parallel_loop3A_899 = arith.addi %parallel_loop3A_80, %parallel_loop3A_898 : vector<16xi32>
        %parallel_loop3A_900 = tpu.vector_load_idx %arg5[%parallel_loop3A_899] : memref<32768xf32, #tpu.memory_space<vmem>>[vector<16xi32>], vector<16xf32>,
        %parallel_loop3A_901 = vector.bitcast %parallel_loop3A_896 : vector<16xf32> to vector<16xi32>
        %parallel_loop3A_902 = arith.constant 32768 : i32
        %parallel_loop3A_903 = vector.broadcast %parallel_loop3A_902 : i32 to vector<16xi32>
        %parallel_loop3A_904 = arith.addi %parallel_loop3A_901, %parallel_loop3A_903 : vector<16xi32>
        %parallel_loop3A_905 = vector.bitcast %parallel_loop3A_900 : vector<16xf32> to vector<16xi32>
        %parallel_loop3A_906 = arith.constant 32768 : i32
        %parallel_loop3A_907 = vector.broadcast %parallel_loop3A_906 : i32 to vector<16xi32>
        %parallel_loop3A_908 = arith.addi %parallel_loop3A_905, %parallel_loop3A_907 : vector<16xi32>
        %parallel_loop3A_909 = arith.constant -65536 : i32
        %parallel_loop3A_910 = vector.broadcast %parallel_loop3A_909 : i32 to vector<16xi32>
        %parallel_loop3A_911 = arith.andi %parallel_loop3A_908, %parallel_loop3A_910 : vector<16xi32>
        %parallel_loop3A_912 = arith.constant 16 : i32
        %parallel_loop3A_913 = vector.broadcast %parallel_loop3A_912 : i32 to vector<16xi32>
        %parallel_loop3A_914 = arith.shrui %parallel_loop3A_904, %parallel_loop3A_913 : vector<16xi32>
        %parallel_loop3A_915 = arith.ori %parallel_loop3A_911, %parallel_loop3A_914 : vector<16xi32>
        %parallel_loop3A_916 = arith.constant 16 : i32
        %parallel_loop3A_917 = arith.muli %parallel_loop3A_68, %parallel_loop3A_916 : i32
        %parallel_loop3A_918 = arith.constant 28 : i32
        %parallel_loop3A_919 = arith.index_cast %parallel_loop3A_918 : i32 to index
        %parallel_loop3A_920 = arith.index_cast %parallel_loop3A_917 : i32 to index
        %parallel_loop3A_921 = tpu.vector_load %arg8[%parallel_loop3A_919, %parallel_loop3A_920] {strides = array<i32>} : memref<32x512xi32, #tpu.memory_space<vmem>>, vector<16xi32>,
        tpu.vector_store %arg8[%parallel_loop3A_919, %parallel_loop3A_920], %parallel_loop3A_915 {strides = array<i32>} : memref<32x512xi32, #tpu.memory_space<vmem>>, vector<16xi32>,
        %parallel_loop3A_922 = arith.constant 29696 : i32
        %parallel_loop3A_923 = vector.broadcast %parallel_loop3A_922 : i32 to vector<16xi32>
        %parallel_loop3A_924 = arith.addi %parallel_loop3A_74, %parallel_loop3A_923 : vector<16xi32>
        %parallel_loop3A_925 = tpu.vector_load_idx %arg5[%parallel_loop3A_924] : memref<32768xf32, #tpu.memory_space<vmem>>[vector<16xi32>], vector<16xf32>,
        %parallel_loop3A_926 = arith.constant 29696 : i32
        %parallel_loop3A_927 = vector.broadcast %parallel_loop3A_926 : i32 to vector<16xi32>
        %parallel_loop3A_928 = arith.addi %parallel_loop3A_80, %parallel_loop3A_927 : vector<16xi32>
        %parallel_loop3A_929 = tpu.vector_load_idx %arg5[%parallel_loop3A_928] : memref<32768xf32, #tpu.memory_space<vmem>>[vector<16xi32>], vector<16xf32>,
        %parallel_loop3A_930 = vector.bitcast %parallel_loop3A_925 : vector<16xf32> to vector<16xi32>
        %parallel_loop3A_931 = arith.constant 32768 : i32
        %parallel_loop3A_932 = vector.broadcast %parallel_loop3A_931 : i32 to vector<16xi32>
        %parallel_loop3A_933 = arith.addi %parallel_loop3A_930, %parallel_loop3A_932 : vector<16xi32>
        %parallel_loop3A_934 = vector.bitcast %parallel_loop3A_929 : vector<16xf32> to vector<16xi32>
        %parallel_loop3A_935 = arith.constant 32768 : i32
        %parallel_loop3A_936 = vector.broadcast %parallel_loop3A_935 : i32 to vector<16xi32>
        %parallel_loop3A_937 = arith.addi %parallel_loop3A_934, %parallel_loop3A_936 : vector<16xi32>
        %parallel_loop3A_938 = arith.constant -65536 : i32
        %parallel_loop3A_939 = vector.broadcast %parallel_loop3A_938 : i32 to vector<16xi32>
        %parallel_loop3A_940 = arith.andi %parallel_loop3A_937, %parallel_loop3A_939 : vector<16xi32>
        %parallel_loop3A_941 = arith.constant 16 : i32
        %parallel_loop3A_942 = vector.broadcast %parallel_loop3A_941 : i32 to vector<16xi32>
        %parallel_loop3A_943 = arith.shrui %parallel_loop3A_933, %parallel_loop3A_942 : vector<16xi32>
        %parallel_loop3A_944 = arith.ori %parallel_loop3A_940, %parallel_loop3A_943 : vector<16xi32>
        %parallel_loop3A_945 = arith.constant 16 : i32
        %parallel_loop3A_946 = arith.muli %parallel_loop3A_68, %parallel_loop3A_945 : i32
        %parallel_loop3A_947 = arith.constant 29 : i32
        %parallel_loop3A_948 = arith.index_cast %parallel_loop3A_947 : i32 to index
        %parallel_loop3A_949 = arith.index_cast %parallel_loop3A_946 : i32 to index
        %parallel_loop3A_950 = tpu.vector_load %arg8[%parallel_loop3A_948, %parallel_loop3A_949] {strides = array<i32>} : memref<32x512xi32, #tpu.memory_space<vmem>>, vector<16xi32>,
        tpu.vector_store %arg8[%parallel_loop3A_948, %parallel_loop3A_949], %parallel_loop3A_944 {strides = array<i32>} : memref<32x512xi32, #tpu.memory_space<vmem>>, vector<16xi32>,
        %parallel_loop3A_951 = arith.constant 30720 : i32
        %parallel_loop3A_952 = vector.broadcast %parallel_loop3A_951 : i32 to vector<16xi32>
        %parallel_loop3A_953 = arith.addi %parallel_loop3A_74, %parallel_loop3A_952 : vector<16xi32>
        %parallel_loop3A_954 = tpu.vector_load_idx %arg5[%parallel_loop3A_953] : memref<32768xf32, #tpu.memory_space<vmem>>[vector<16xi32>], vector<16xf32>,
        %parallel_loop3A_955 = arith.constant 30720 : i32
        %parallel_loop3A_956 = vector.broadcast %parallel_loop3A_955 : i32 to vector<16xi32>
        %parallel_loop3A_957 = arith.addi %parallel_loop3A_80, %parallel_loop3A_956 : vector<16xi32>
        %parallel_loop3A_958 = tpu.vector_load_idx %arg5[%parallel_loop3A_957] : memref<32768xf32, #tpu.memory_space<vmem>>[vector<16xi32>], vector<16xf32>,
        %parallel_loop3A_959 = vector.bitcast %parallel_loop3A_954 : vector<16xf32> to vector<16xi32>
        %parallel_loop3A_960 = arith.constant 32768 : i32
        %parallel_loop3A_961 = vector.broadcast %parallel_loop3A_960 : i32 to vector<16xi32>
        %parallel_loop3A_962 = arith.addi %parallel_loop3A_959, %parallel_loop3A_961 : vector<16xi32>
        %parallel_loop3A_963 = vector.bitcast %parallel_loop3A_958 : vector<16xf32> to vector<16xi32>
        %parallel_loop3A_964 = arith.constant 32768 : i32
        %parallel_loop3A_965 = vector.broadcast %parallel_loop3A_964 : i32 to vector<16xi32>
        %parallel_loop3A_966 = arith.addi %parallel_loop3A_963, %parallel_loop3A_965 : vector<16xi32>
        %parallel_loop3A_967 = arith.constant -65536 : i32
        %parallel_loop3A_968 = vector.broadcast %parallel_loop3A_967 : i32 to vector<16xi32>
        %parallel_loop3A_969 = arith.andi %parallel_loop3A_966, %parallel_loop3A_968 : vector<16xi32>
        %parallel_loop3A_970 = arith.constant 16 : i32
        %parallel_loop3A_971 = vector.broadcast %parallel_loop3A_970 : i32 to vector<16xi32>
        %parallel_loop3A_972 = arith.shrui %parallel_loop3A_962, %parallel_loop3A_971 : vector<16xi32>
        %parallel_loop3A_973 = arith.ori %parallel_loop3A_969, %parallel_loop3A_972 : vector<16xi32>
        %parallel_loop3A_974 = arith.constant 16 : i32
        %parallel_loop3A_975 = arith.muli %parallel_loop3A_68, %parallel_loop3A_974 : i32
        %parallel_loop3A_976 = arith.constant 30 : i32
        %parallel_loop3A_977 = arith.index_cast %parallel_loop3A_976 : i32 to index
        %parallel_loop3A_978 = arith.index_cast %parallel_loop3A_975 : i32 to index
        %parallel_loop3A_979 = tpu.vector_load %arg8[%parallel_loop3A_977, %parallel_loop3A_978] {strides = array<i32>} : memref<32x512xi32, #tpu.memory_space<vmem>>, vector<16xi32>,
        tpu.vector_store %arg8[%parallel_loop3A_977, %parallel_loop3A_978], %parallel_loop3A_973 {strides = array<i32>} : memref<32x512xi32, #tpu.memory_space<vmem>>, vector<16xi32>,
        %parallel_loop3A_980 = arith.constant 31744 : i32
        %parallel_loop3A_981 = vector.broadcast %parallel_loop3A_980 : i32 to vector<16xi32>
        %parallel_loop3A_982 = arith.addi %parallel_loop3A_74, %parallel_loop3A_981 : vector<16xi32>
        %parallel_loop3A_983 = tpu.vector_load_idx %arg5[%parallel_loop3A_982] : memref<32768xf32, #tpu.memory_space<vmem>>[vector<16xi32>], vector<16xf32>,
        %parallel_loop3A_984 = arith.constant 31744 : i32
        %parallel_loop3A_985 = vector.broadcast %parallel_loop3A_984 : i32 to vector<16xi32>
        %parallel_loop3A_986 = arith.addi %parallel_loop3A_80, %parallel_loop3A_985 : vector<16xi32>
        %parallel_loop3A_987 = tpu.vector_load_idx %arg5[%parallel_loop3A_986] : memref<32768xf32, #tpu.memory_space<vmem>>[vector<16xi32>], vector<16xf32>,
        %parallel_loop3A_988 = vector.bitcast %parallel_loop3A_983 : vector<16xf32> to vector<16xi32>
        %parallel_loop3A_989 = arith.constant 32768 : i32
        %parallel_loop3A_990 = vector.broadcast %parallel_loop3A_989 : i32 to vector<16xi32>
        %parallel_loop3A_991 = arith.addi %parallel_loop3A_988, %parallel_loop3A_990 : vector<16xi32>
        %parallel_loop3A_992 = vector.bitcast %parallel_loop3A_987 : vector<16xf32> to vector<16xi32>
        %parallel_loop3A_993 = arith.constant 32768 : i32
        %parallel_loop3A_994 = vector.broadcast %parallel_loop3A_993 : i32 to vector<16xi32>
        %parallel_loop3A_995 = arith.addi %parallel_loop3A_992, %parallel_loop3A_994 : vector<16xi32>
        %parallel_loop3A_996 = arith.constant -65536 : i32
        %parallel_loop3A_997 = vector.broadcast %parallel_loop3A_996 : i32 to vector<16xi32>
        %parallel_loop3A_998 = arith.andi %parallel_loop3A_995, %parallel_loop3A_997 : vector<16xi32>
        %parallel_loop3A_999 = arith.constant 16 : i32
        %parallel_loop3A_1000 = vector.broadcast %parallel_loop3A_999 : i32 to vector<16xi32>
        %parallel_loop3A_1001 = arith.shrui %parallel_loop3A_991, %parallel_loop3A_1000 : vector<16xi32>
        %parallel_loop3A_1002 = arith.ori %parallel_loop3A_998, %parallel_loop3A_1001 : vector<16xi32>
        %parallel_loop3A_1003 = arith.constant 16 : i32
        %parallel_loop3A_1004 = arith.muli %parallel_loop3A_68, %parallel_loop3A_1003 : i32
        %parallel_loop3A_1005 = arith.constant 31 : i32
        %parallel_loop3A_1006 = arith.index_cast %parallel_loop3A_1005 : i32 to index
        %parallel_loop3A_1007 = arith.index_cast %parallel_loop3A_1004 : i32 to index
        %parallel_loop3A_1008 = tpu.vector_load %arg8[%parallel_loop3A_1006, %parallel_loop3A_1007] {strides = array<i32>} : memref<32x512xi32, #tpu.memory_space<vmem>>, vector<16xi32>,
        tpu.vector_store %arg8[%parallel_loop3A_1006, %parallel_loop3A_1007], %parallel_loop3A_1002 {strides = array<i32>} : memref<32x512xi32, #tpu.memory_space<vmem>>, vector<16xi32>,
      } {sc.loop_unroll_factor = 8 : i64, sc.parallel_access}
      %mul3A_37 = arith.constant 32 : i32
      %mul3A_38 = arith.muli %add3A_22, %mul3A_37 : i32
      %dma_start3A_39 = tpu.memref_slice %arg4[%mul3A_38, %mul3A_2] : memref<3200x16384xi32, #tpu.memory_space<hbm>> -> memref<32x512xi32, #tpu.memory_space<hbm>>
      %dma_start3A_40 = tpu.memref_slice %arg4[%mul3A_38, %mul3A_2] : memref<3200x16384xi32, #tpu.memory_space<hbm>> -> memref<32x512xi32, #tpu.memory_space<hbm>>
      tpu.enqueue_dma source(%arg8 : memref<32x512xi32, #tpu.memory_space<vmem>>) target(%dma_start3A_40 : memref<32x512xi32, #tpu.memory_space<hbm>>) target_semaphore(%arg12 : memref<!tpu.dma_semaphore, #tpu.memory_space<semaphore_mem>>)
      %mul3A_41 = arith.constant 2 : i32
      %mul3A_42 = arith.muli %mul3A_41, %scan3A_18 : i32
      %add3A_43 = arith.constant 1 : i32
      %add3A_44 = arith.addi %mul3A_42, %add3A_43 : i32
      %add3A_45 = arith.constant 1 : i32
      %add3A_46 = arith.addi %add3A_44, %add3A_45 : i32
      %lt3A_47 = arith.constant 100 : i32
      %lt3A_48 = arith.cmpi slt, %add3A_46, %lt3A_47 : i32
      %convert_element_type3A_49 = arith.extui %lt3A_48 : i1 to i32
      %cond3A_50 = arith.constant 0 : i32
      %cond3A_51 = arith.cmpi ne, %convert_element_type3A_49, %cond3A_50 : i32
      scf.if %cond3A_51 {
        %add3A_68 = arith.constant 1 : i32
        %add3A_69 = arith.addi %add3A_44, %add3A_68 : i32
        %mul3A_70 = arith.constant 2 : i32
        %mul3A_71 = arith.muli %add3A_69, %mul3A_70 : i32
        %dma_start3A_72 = tpu.memref_slice %arg2[%mul3A_71, %mul3A_2] : memref<200x16384xi32, #tpu.memory_space<hbm>> -> memref<2x512xi32, #tpu.memory_space<hbm>>
        %dma_start3A_73 = tpu.memref_slice %arg2[%mul3A_71, %mul3A_2] : memref<200x16384xi32, #tpu.memory_space<hbm>> -> memref<2x512xi32, #tpu.memory_space<hbm>>
        tpu.enqueue_dma source(%dma_start3A_73 : memref<2x512xi32, #tpu.memory_space<hbm>>) target(%arg6 : memref<2x512xi32, #tpu.memory_space<vmem>>) target_semaphore(%arg10 : memref<!tpu.dma_semaphore, #tpu.memory_space<semaphore_mem>>)
      } else {
      }
      %mul3A_52 = arith.constant 2 : i32
      %mul3A_53 = arith.muli %add3A_44, %mul3A_52 : i32
      %dma_wait3A_54 = tpu.memref_slice %arg2[%mul3A_53, %mul3A_2] : memref<200x16384xi32, #tpu.memory_space<hbm>> -> memref<2x512xi32, #tpu.memory_space<hbm>>
      %dma_wait3A_55 = tpu.memref_slice %arg2[%mul3A_53, %mul3A_2] : memref<200x16384xi32, #tpu.memory_space<hbm>> -> memref<2x512xi32, #tpu.memory_space<hbm>>
      tpu.wait_dma2 semaphore(%arg11 : memref<!tpu.dma_semaphore, #tpu.memory_space<semaphore_mem>>) src(%dma_wait3A_55 : memref<2x512xi32, #tpu.memory_space<hbm>>) dst(%arg7 : memref<2x512xi32, #tpu.memory_space<vmem>>)
      %ge3A_56 = arith.constant 2 : i32
      %ge3A_57 = arith.cmpi sge, %add3A_44, %ge3A_56 : i32
      %convert_element_type3A_58 = arith.extui %ge3A_57 : i1 to i32
      %cond3A_59 = arith.constant 0 : i32
      %cond3A_60 = arith.cmpi ne, %convert_element_type3A_58, %cond3A_59 : i32
      scf.if %cond3A_60 {
        %dma_wait3A_68 = arith.constant 0 : i32
        %dma_wait3A_69 = tpu.memref_slice %arg4[%dma_wait3A_68, %mul3A_2] : memref<3200x16384xi32, #tpu.memory_space<hbm>> -> memref<32x512xi32, #tpu.memory_space<hbm>>
        %dma_wait3A_70 = arith.constant 0 : i32
        %dma_wait3A_71 = tpu.memref_slice %arg4[%dma_wait3A_70, %mul3A_2] : memref<3200x16384xi32, #tpu.memory_space<hbm>> -> memref<32x512xi32, #tpu.memory_space<hbm>>
        tpu.wait_dma2 semaphore(%arg13 : memref<!tpu.dma_semaphore, #tpu.memory_space<semaphore_mem>>) src(%arg9 : memref<32x512xi32, #tpu.memory_space<vmem>>) dst(%dma_wait3A_71 : memref<32x512xi32, #tpu.memory_space<hbm>>)
      } else {
      }
      %parallel_loop3A_61 = arith.constant 0 : i32
      %parallel_loop3A_62 = arith.constant 32 : i32
      %parallel_loop3A_63 = arith.constant 1 : i32
      scf.for %parallel_loop3A_68 = %parallel_loop3A_61 to %parallel_loop3A_62 step %parallel_loop3A_63  : i32 {
        %parallel_loop3A_69 = arith.constant 16 : i32
        %parallel_loop3A_70 = arith.muli %parallel_loop3A_68, %parallel_loop3A_69 : i32
        %parallel_loop3A_71 = arith.constant 0 : i32
        %parallel_loop3A_72 = arith.index_cast %parallel_loop3A_71 : i32 to index
        %parallel_loop3A_73 = arith.index_cast %parallel_loop3A_70 : i32 to index
        %parallel_loop3A_74 = tpu.vector_load %arg7[%parallel_loop3A_72, %parallel_loop3A_73] {strides = array<i32>} : memref<2x512xi32, #tpu.memory_space<vmem>>, vector<16xi32>,
        %parallel_loop3A_75 = arith.constant 16 : i32
        %parallel_loop3A_76 = arith.muli %parallel_loop3A_68, %parallel_loop3A_75 : i32
        %parallel_loop3A_77 = arith.constant 1 : i32
        %parallel_loop3A_78 = arith.index_cast %parallel_loop3A_77 : i32 to index
        %parallel_loop3A_79 = arith.index_cast %parallel_loop3A_76 : i32 to index
        %parallel_loop3A_80 = tpu.vector_load %arg7[%parallel_loop3A_78, %parallel_loop3A_79] {strides = array<i32>} : memref<2x512xi32, #tpu.memory_space<vmem>>, vector<16xi32>,
        %parallel_loop3A_81 = arith.constant 0 : i32
        %parallel_loop3A_82 = vector.broadcast %parallel_loop3A_81 : i32 to vector<16xi32>
        %parallel_loop3A_83 = arith.addi %parallel_loop3A_74, %parallel_loop3A_82 : vector<16xi32>
        %parallel_loop3A_84 = tpu.vector_load_idx %arg5[%parallel_loop3A_83] : memref<32768xf32, #tpu.memory_space<vmem>>[vector<16xi32>], vector<16xf32>,
        %parallel_loop3A_85 = arith.constant 0 : i32
        %parallel_loop3A_86 = vector.broadcast %parallel_loop3A_85 : i32 to vector<16xi32>
        %parallel_loop3A_87 = arith.addi %parallel_loop3A_80, %parallel_loop3A_86 : vector<16xi32>
        %parallel_loop3A_88 = tpu.vector_load_idx %arg5[%parallel_loop3A_87] : memref<32768xf32, #tpu.memory_space<vmem>>[vector<16xi32>], vector<16xf32>,
        %parallel_loop3A_89 = vector.bitcast %parallel_loop3A_84 : vector<16xf32> to vector<16xi32>
        %parallel_loop3A_90 = arith.constant 32768 : i32
        %parallel_loop3A_91 = vector.broadcast %parallel_loop3A_90 : i32 to vector<16xi32>
        %parallel_loop3A_92 = arith.addi %parallel_loop3A_89, %parallel_loop3A_91 : vector<16xi32>
        %parallel_loop3A_93 = vector.bitcast %parallel_loop3A_88 : vector<16xf32> to vector<16xi32>
        %parallel_loop3A_94 = arith.constant 32768 : i32
        %parallel_loop3A_95 = vector.broadcast %parallel_loop3A_94 : i32 to vector<16xi32>
        %parallel_loop3A_96 = arith.addi %parallel_loop3A_93, %parallel_loop3A_95 : vector<16xi32>
        %parallel_loop3A_97 = arith.constant -65536 : i32
        %parallel_loop3A_98 = vector.broadcast %parallel_loop3A_97 : i32 to vector<16xi32>
        %parallel_loop3A_99 = arith.andi %parallel_loop3A_96, %parallel_loop3A_98 : vector<16xi32>
        %parallel_loop3A_100 = arith.constant 16 : i32
        %parallel_loop3A_101 = vector.broadcast %parallel_loop3A_100 : i32 to vector<16xi32>
        %parallel_loop3A_102 = arith.shrui %parallel_loop3A_92, %parallel_loop3A_101 : vector<16xi32>
        %parallel_loop3A_103 = arith.ori %parallel_loop3A_99, %parallel_loop3A_102 : vector<16xi32>
        %parallel_loop3A_104 = arith.constant 16 : i32
        %parallel_loop3A_105 = arith.muli %parallel_loop3A_68, %parallel_loop3A_104 : i32
        %parallel_loop3A_106 = arith.constant 0 : i32
        %parallel_loop3A_107 = arith.index_cast %parallel_loop3A_106 : i32 to index
        %parallel_loop3A_108 = arith.index_cast %parallel_loop3A_105 : i32 to index
        %parallel_loop3A_109 = tpu.vector_load %arg9[%parallel_loop3A_107, %parallel_loop3A_108] {strides = array<i32>} : memref<32x512xi32, #tpu.memory_space<vmem>>, vector<16xi32>,
        tpu.vector_store %arg9[%parallel_loop3A_107, %parallel_loop3A_108], %parallel_loop3A_103 {strides = array<i32>} : memref<32x512xi32, #tpu.memory_space<vmem>>, vector<16xi32>,
        %parallel_loop3A_110 = arith.constant 1024 : i32
        %parallel_loop3A_111 = vector.broadcast %parallel_loop3A_110 : i32 to vector<16xi32>
        %parallel_loop3A_112 = arith.addi %parallel_loop3A_74, %parallel_loop3A_111 : vector<16xi32>
        %parallel_loop3A_113 = tpu.vector_load_idx %arg5[%parallel_loop3A_112] : memref<32768xf32, #tpu.memory_space<vmem>>[vector<16xi32>], vector<16xf32>,
        %parallel_loop3A_114 = arith.constant 1024 : i32
        %parallel_loop3A_115 = vector.broadcast %parallel_loop3A_114 : i32 to vector<16xi32>
        %parallel_loop3A_116 = arith.addi %parallel_loop3A_80, %parallel_loop3A_115 : vector<16xi32>
        %parallel_loop3A_117 = tpu.vector_load_idx %arg5[%parallel_loop3A_116] : memref<32768xf32, #tpu.memory_space<vmem>>[vector<16xi32>], vector<16xf32>,
        %parallel_loop3A_118 = vector.bitcast %parallel_loop3A_113 : vector<16xf32> to vector<16xi32>
        %parallel_loop3A_119 = arith.constant 32768 : i32
        %parallel_loop3A_120 = vector.broadcast %parallel_loop3A_119 : i32 to vector<16xi32>
        %parallel_loop3A_121 = arith.addi %parallel_loop3A_118, %parallel_loop3A_120 : vector<16xi32>
        %parallel_loop3A_122 = vector.bitcast %parallel_loop3A_117 : vector<16xf32> to vector<16xi32>
        %parallel_loop3A_123 = arith.constant 32768 : i32
        %parallel_loop3A_124 = vector.broadcast %parallel_loop3A_123 : i32 to vector<16xi32>
        %parallel_loop3A_125 = arith.addi %parallel_loop3A_122, %parallel_loop3A_124 : vector<16xi32>
        %parallel_loop3A_126 = arith.constant -65536 : i32
        %parallel_loop3A_127 = vector.broadcast %parallel_loop3A_126 : i32 to vector<16xi32>
        %parallel_loop3A_128 = arith.andi %parallel_loop3A_125, %parallel_loop3A_127 : vector<16xi32>
        %parallel_loop3A_129 = arith.constant 16 : i32
        %parallel_loop3A_130 = vector.broadcast %parallel_loop3A_129 : i32 to vector<16xi32>
        %parallel_loop3A_131 = arith.shrui %parallel_loop3A_121, %parallel_loop3A_130 : vector<16xi32>
        %parallel_loop3A_132 = arith.ori %parallel_loop3A_128, %parallel_loop3A_131 : vector<16xi32>
        %parallel_loop3A_133 = arith.constant 16 : i32
        %parallel_loop3A_134 = arith.muli %parallel_loop3A_68, %parallel_loop3A_133 : i32
        %parallel_loop3A_135 = arith.constant 1 : i32
        %parallel_loop3A_136 = arith.index_cast %parallel_loop3A_135 : i32 to index
        %parallel_loop3A_137 = arith.index_cast %parallel_loop3A_134 : i32 to index
        %parallel_loop3A_138 = tpu.vector_load %arg9[%parallel_loop3A_136, %parallel_loop3A_137] {strides = array<i32>} : memref<32x512xi32, #tpu.memory_space<vmem>>, vector<16xi32>,
        tpu.vector_store %arg9[%parallel_loop3A_136, %parallel_loop3A_137], %parallel_loop3A_132 {strides = array<i32>} : memref<32x512xi32, #tpu.memory_space<vmem>>, vector<16xi32>,
        %parallel_loop3A_139 = arith.constant 2048 : i32
        %parallel_loop3A_140 = vector.broadcast %parallel_loop3A_139 : i32 to vector<16xi32>
        %parallel_loop3A_141 = arith.addi %parallel_loop3A_74, %parallel_loop3A_140 : vector<16xi32>
        %parallel_loop3A_142 = tpu.vector_load_idx %arg5[%parallel_loop3A_141] : memref<32768xf32, #tpu.memory_space<vmem>>[vector<16xi32>], vector<16xf32>,
        %parallel_loop3A_143 = arith.constant 2048 : i32
        %parallel_loop3A_144 = vector.broadcast %parallel_loop3A_143 : i32 to vector<16xi32>
        %parallel_loop3A_145 = arith.addi %parallel_loop3A_80, %parallel_loop3A_144 : vector<16xi32>
        %parallel_loop3A_146 = tpu.vector_load_idx %arg5[%parallel_loop3A_145] : memref<32768xf32, #tpu.memory_space<vmem>>[vector<16xi32>], vector<16xf32>,
        %parallel_loop3A_147 = vector.bitcast %parallel_loop3A_142 : vector<16xf32> to vector<16xi32>
        %parallel_loop3A_148 = arith.constant 32768 : i32
        %parallel_loop3A_149 = vector.broadcast %parallel_loop3A_148 : i32 to vector<16xi32>
        %parallel_loop3A_150 = arith.addi %parallel_loop3A_147, %parallel_loop3A_149 : vector<16xi32>
        %parallel_loop3A_151 = vector.bitcast %parallel_loop3A_146 : vector<16xf32> to vector<16xi32>
        %parallel_loop3A_152 = arith.constant 32768 : i32
        %parallel_loop3A_153 = vector.broadcast %parallel_loop3A_152 : i32 to vector<16xi32>
        %parallel_loop3A_154 = arith.addi %parallel_loop3A_151, %parallel_loop3A_153 : vector<16xi32>
        %parallel_loop3A_155 = arith.constant -65536 : i32
        %parallel_loop3A_156 = vector.broadcast %parallel_loop3A_155 : i32 to vector<16xi32>
        %parallel_loop3A_157 = arith.andi %parallel_loop3A_154, %parallel_loop3A_156 : vector<16xi32>
        %parallel_loop3A_158 = arith.constant 16 : i32
        %parallel_loop3A_159 = vector.broadcast %parallel_loop3A_158 : i32 to vector<16xi32>
        %parallel_loop3A_160 = arith.shrui %parallel_loop3A_150, %parallel_loop3A_159 : vector<16xi32>
        %parallel_loop3A_161 = arith.ori %parallel_loop3A_157, %parallel_loop3A_160 : vector<16xi32>
        %parallel_loop3A_162 = arith.constant 16 : i32
        %parallel_loop3A_163 = arith.muli %parallel_loop3A_68, %parallel_loop3A_162 : i32
        %parallel_loop3A_164 = arith.constant 2 : i32
        %parallel_loop3A_165 = arith.index_cast %parallel_loop3A_164 : i32 to index
        %parallel_loop3A_166 = arith.index_cast %parallel_loop3A_163 : i32 to index
        %parallel_loop3A_167 = tpu.vector_load %arg9[%parallel_loop3A_165, %parallel_loop3A_166] {strides = array<i32>} : memref<32x512xi32, #tpu.memory_space<vmem>>, vector<16xi32>,
        tpu.vector_store %arg9[%parallel_loop3A_165, %parallel_loop3A_166], %parallel_loop3A_161 {strides = array<i32>} : memref<32x512xi32, #tpu.memory_space<vmem>>, vector<16xi32>,
        %parallel_loop3A_168 = arith.constant 3072 : i32
        %parallel_loop3A_169 = vector.broadcast %parallel_loop3A_168 : i32 to vector<16xi32>
        %parallel_loop3A_170 = arith.addi %parallel_loop3A_74, %parallel_loop3A_169 : vector<16xi32>
        %parallel_loop3A_171 = tpu.vector_load_idx %arg5[%parallel_loop3A_170] : memref<32768xf32, #tpu.memory_space<vmem>>[vector<16xi32>], vector<16xf32>,
        %parallel_loop3A_172 = arith.constant 3072 : i32
        %parallel_loop3A_173 = vector.broadcast %parallel_loop3A_172 : i32 to vector<16xi32>
        %parallel_loop3A_174 = arith.addi %parallel_loop3A_80, %parallel_loop3A_173 : vector<16xi32>
        %parallel_loop3A_175 = tpu.vector_load_idx %arg5[%parallel_loop3A_174] : memref<32768xf32, #tpu.memory_space<vmem>>[vector<16xi32>], vector<16xf32>,
        %parallel_loop3A_176 = vector.bitcast %parallel_loop3A_171 : vector<16xf32> to vector<16xi32>
        %parallel_loop3A_177 = arith.constant 32768 : i32
        %parallel_loop3A_178 = vector.broadcast %parallel_loop3A_177 : i32 to vector<16xi32>
        %parallel_loop3A_179 = arith.addi %parallel_loop3A_176, %parallel_loop3A_178 : vector<16xi32>
        %parallel_loop3A_180 = vector.bitcast %parallel_loop3A_175 : vector<16xf32> to vector<16xi32>
        %parallel_loop3A_181 = arith.constant 32768 : i32
        %parallel_loop3A_182 = vector.broadcast %parallel_loop3A_181 : i32 to vector<16xi32>
        %parallel_loop3A_183 = arith.addi %parallel_loop3A_180, %parallel_loop3A_182 : vector<16xi32>
        %parallel_loop3A_184 = arith.constant -65536 : i32
        %parallel_loop3A_185 = vector.broadcast %parallel_loop3A_184 : i32 to vector<16xi32>
        %parallel_loop3A_186 = arith.andi %parallel_loop3A_183, %parallel_loop3A_185 : vector<16xi32>
        %parallel_loop3A_187 = arith.constant 16 : i32
        %parallel_loop3A_188 = vector.broadcast %parallel_loop3A_187 : i32 to vector<16xi32>
        %parallel_loop3A_189 = arith.shrui %parallel_loop3A_179, %parallel_loop3A_188 : vector<16xi32>
        %parallel_loop3A_190 = arith.ori %parallel_loop3A_186, %parallel_loop3A_189 : vector<16xi32>
        %parallel_loop3A_191 = arith.constant 16 : i32
        %parallel_loop3A_192 = arith.muli %parallel_loop3A_68, %parallel_loop3A_191 : i32
        %parallel_loop3A_193 = arith.constant 3 : i32
        %parallel_loop3A_194 = arith.index_cast %parallel_loop3A_193 : i32 to index
        %parallel_loop3A_195 = arith.index_cast %parallel_loop3A_192 : i32 to index
        %parallel_loop3A_196 = tpu.vector_load %arg9[%parallel_loop3A_194, %parallel_loop3A_195] {strides = array<i32>} : memref<32x512xi32, #tpu.memory_space<vmem>>, vector<16xi32>,
        tpu.vector_store %arg9[%parallel_loop3A_194, %parallel_loop3A_195], %parallel_loop3A_190 {strides = array<i32>} : memref<32x512xi32, #tpu.memory_space<vmem>>, vector<16xi32>,
        %parallel_loop3A_197 = arith.constant 4096 : i32
        %parallel_loop3A_198 = vector.broadcast %parallel_loop3A_197 : i32 to vector<16xi32>
        %parallel_loop3A_199 = arith.addi %parallel_loop3A_74, %parallel_loop3A_198 : vector<16xi32>
        %parallel_loop3A_200 = tpu.vector_load_idx %arg5[%parallel_loop3A_199] : memref<32768xf32, #tpu.memory_space<vmem>>[vector<16xi32>], vector<16xf32>,
        %parallel_loop3A_201 = arith.constant 4096 : i32
        %parallel_loop3A_202 = vector.broadcast %parallel_loop3A_201 : i32 to vector<16xi32>
        %parallel_loop3A_203 = arith.addi %parallel_loop3A_80, %parallel_loop3A_202 : vector<16xi32>
        %parallel_loop3A_204 = tpu.vector_load_idx %arg5[%parallel_loop3A_203] : memref<32768xf32, #tpu.memory_space<vmem>>[vector<16xi32>], vector<16xf32>,
        %parallel_loop3A_205 = vector.bitcast %parallel_loop3A_200 : vector<16xf32> to vector<16xi32>
        %parallel_loop3A_206 = arith.constant 32768 : i32
        %parallel_loop3A_207 = vector.broadcast %parallel_loop3A_206 : i32 to vector<16xi32>
        %parallel_loop3A_208 = arith.addi %parallel_loop3A_205, %parallel_loop3A_207 : vector<16xi32>
        %parallel_loop3A_209 = vector.bitcast %parallel_loop3A_204 : vector<16xf32> to vector<16xi32>
        %parallel_loop3A_210 = arith.constant 32768 : i32
        %parallel_loop3A_211 = vector.broadcast %parallel_loop3A_210 : i32 to vector<16xi32>
        %parallel_loop3A_212 = arith.addi %parallel_loop3A_209, %parallel_loop3A_211 : vector<16xi32>
        %parallel_loop3A_213 = arith.constant -65536 : i32
        %parallel_loop3A_214 = vector.broadcast %parallel_loop3A_213 : i32 to vector<16xi32>
        %parallel_loop3A_215 = arith.andi %parallel_loop3A_212, %parallel_loop3A_214 : vector<16xi32>
        %parallel_loop3A_216 = arith.constant 16 : i32
        %parallel_loop3A_217 = vector.broadcast %parallel_loop3A_216 : i32 to vector<16xi32>
        %parallel_loop3A_218 = arith.shrui %parallel_loop3A_208, %parallel_loop3A_217 : vector<16xi32>
        %parallel_loop3A_219 = arith.ori %parallel_loop3A_215, %parallel_loop3A_218 : vector<16xi32>
        %parallel_loop3A_220 = arith.constant 16 : i32
        %parallel_loop3A_221 = arith.muli %parallel_loop3A_68, %parallel_loop3A_220 : i32
        %parallel_loop3A_222 = arith.constant 4 : i32
        %parallel_loop3A_223 = arith.index_cast %parallel_loop3A_222 : i32 to index
        %parallel_loop3A_224 = arith.index_cast %parallel_loop3A_221 : i32 to index
        %parallel_loop3A_225 = tpu.vector_load %arg9[%parallel_loop3A_223, %parallel_loop3A_224] {strides = array<i32>} : memref<32x512xi32, #tpu.memory_space<vmem>>, vector<16xi32>,
        tpu.vector_store %arg9[%parallel_loop3A_223, %parallel_loop3A_224], %parallel_loop3A_219 {strides = array<i32>} : memref<32x512xi32, #tpu.memory_space<vmem>>, vector<16xi32>,
        %parallel_loop3A_226 = arith.constant 5120 : i32
        %parallel_loop3A_227 = vector.broadcast %parallel_loop3A_226 : i32 to vector<16xi32>
        %parallel_loop3A_228 = arith.addi %parallel_loop3A_74, %parallel_loop3A_227 : vector<16xi32>
        %parallel_loop3A_229 = tpu.vector_load_idx %arg5[%parallel_loop3A_228] : memref<32768xf32, #tpu.memory_space<vmem>>[vector<16xi32>], vector<16xf32>,
        %parallel_loop3A_230 = arith.constant 5120 : i32
        %parallel_loop3A_231 = vector.broadcast %parallel_loop3A_230 : i32 to vector<16xi32>
        %parallel_loop3A_232 = arith.addi %parallel_loop3A_80, %parallel_loop3A_231 : vector<16xi32>
        %parallel_loop3A_233 = tpu.vector_load_idx %arg5[%parallel_loop3A_232] : memref<32768xf32, #tpu.memory_space<vmem>>[vector<16xi32>], vector<16xf32>,
        %parallel_loop3A_234 = vector.bitcast %parallel_loop3A_229 : vector<16xf32> to vector<16xi32>
        %parallel_loop3A_235 = arith.constant 32768 : i32
        %parallel_loop3A_236 = vector.broadcast %parallel_loop3A_235 : i32 to vector<16xi32>
        %parallel_loop3A_237 = arith.addi %parallel_loop3A_234, %parallel_loop3A_236 : vector<16xi32>
        %parallel_loop3A_238 = vector.bitcast %parallel_loop3A_233 : vector<16xf32> to vector<16xi32>
        %parallel_loop3A_239 = arith.constant 32768 : i32
        %parallel_loop3A_240 = vector.broadcast %parallel_loop3A_239 : i32 to vector<16xi32>
        %parallel_loop3A_241 = arith.addi %parallel_loop3A_238, %parallel_loop3A_240 : vector<16xi32>
        %parallel_loop3A_242 = arith.constant -65536 : i32
        %parallel_loop3A_243 = vector.broadcast %parallel_loop3A_242 : i32 to vector<16xi32>
        %parallel_loop3A_244 = arith.andi %parallel_loop3A_241, %parallel_loop3A_243 : vector<16xi32>
        %parallel_loop3A_245 = arith.constant 16 : i32
        %parallel_loop3A_246 = vector.broadcast %parallel_loop3A_245 : i32 to vector<16xi32>
        %parallel_loop3A_247 = arith.shrui %parallel_loop3A_237, %parallel_loop3A_246 : vector<16xi32>
        %parallel_loop3A_248 = arith.ori %parallel_loop3A_244, %parallel_loop3A_247 : vector<16xi32>
        %parallel_loop3A_249 = arith.constant 16 : i32
        %parallel_loop3A_250 = arith.muli %parallel_loop3A_68, %parallel_loop3A_249 : i32
        %parallel_loop3A_251 = arith.constant 5 : i32
        %parallel_loop3A_252 = arith.index_cast %parallel_loop3A_251 : i32 to index
        %parallel_loop3A_253 = arith.index_cast %parallel_loop3A_250 : i32 to index
        %parallel_loop3A_254 = tpu.vector_load %arg9[%parallel_loop3A_252, %parallel_loop3A_253] {strides = array<i32>} : memref<32x512xi32, #tpu.memory_space<vmem>>, vector<16xi32>,
        tpu.vector_store %arg9[%parallel_loop3A_252, %parallel_loop3A_253], %parallel_loop3A_248 {strides = array<i32>} : memref<32x512xi32, #tpu.memory_space<vmem>>, vector<16xi32>,
        %parallel_loop3A_255 = arith.constant 6144 : i32
        %parallel_loop3A_256 = vector.broadcast %parallel_loop3A_255 : i32 to vector<16xi32>
        %parallel_loop3A_257 = arith.addi %parallel_loop3A_74, %parallel_loop3A_256 : vector<16xi32>
        %parallel_loop3A_258 = tpu.vector_load_idx %arg5[%parallel_loop3A_257] : memref<32768xf32, #tpu.memory_space<vmem>>[vector<16xi32>], vector<16xf32>,
        %parallel_loop3A_259 = arith.constant 6144 : i32
        %parallel_loop3A_260 = vector.broadcast %parallel_loop3A_259 : i32 to vector<16xi32>
        %parallel_loop3A_261 = arith.addi %parallel_loop3A_80, %parallel_loop3A_260 : vector<16xi32>
        %parallel_loop3A_262 = tpu.vector_load_idx %arg5[%parallel_loop3A_261] : memref<32768xf32, #tpu.memory_space<vmem>>[vector<16xi32>], vector<16xf32>,
        %parallel_loop3A_263 = vector.bitcast %parallel_loop3A_258 : vector<16xf32> to vector<16xi32>
        %parallel_loop3A_264 = arith.constant 32768 : i32
        %parallel_loop3A_265 = vector.broadcast %parallel_loop3A_264 : i32 to vector<16xi32>
        %parallel_loop3A_266 = arith.addi %parallel_loop3A_263, %parallel_loop3A_265 : vector<16xi32>
        %parallel_loop3A_267 = vector.bitcast %parallel_loop3A_262 : vector<16xf32> to vector<16xi32>
        %parallel_loop3A_268 = arith.constant 32768 : i32
        %parallel_loop3A_269 = vector.broadcast %parallel_loop3A_268 : i32 to vector<16xi32>
        %parallel_loop3A_270 = arith.addi %parallel_loop3A_267, %parallel_loop3A_269 : vector<16xi32>
        %parallel_loop3A_271 = arith.constant -65536 : i32
        %parallel_loop3A_272 = vector.broadcast %parallel_loop3A_271 : i32 to vector<16xi32>
        %parallel_loop3A_273 = arith.andi %parallel_loop3A_270, %parallel_loop3A_272 : vector<16xi32>
        %parallel_loop3A_274 = arith.constant 16 : i32
        %parallel_loop3A_275 = vector.broadcast %parallel_loop3A_274 : i32 to vector<16xi32>
        %parallel_loop3A_276 = arith.shrui %parallel_loop3A_266, %parallel_loop3A_275 : vector<16xi32>
        %parallel_loop3A_277 = arith.ori %parallel_loop3A_273, %parallel_loop3A_276 : vector<16xi32>
        %parallel_loop3A_278 = arith.constant 16 : i32
        %parallel_loop3A_279 = arith.muli %parallel_loop3A_68, %parallel_loop3A_278 : i32
        %parallel_loop3A_280 = arith.constant 6 : i32
        %parallel_loop3A_281 = arith.index_cast %parallel_loop3A_280 : i32 to index
        %parallel_loop3A_282 = arith.index_cast %parallel_loop3A_279 : i32 to index
        %parallel_loop3A_283 = tpu.vector_load %arg9[%parallel_loop3A_281, %parallel_loop3A_282] {strides = array<i32>} : memref<32x512xi32, #tpu.memory_space<vmem>>, vector<16xi32>,
        tpu.vector_store %arg9[%parallel_loop3A_281, %parallel_loop3A_282], %parallel_loop3A_277 {strides = array<i32>} : memref<32x512xi32, #tpu.memory_space<vmem>>, vector<16xi32>,
        %parallel_loop3A_284 = arith.constant 7168 : i32
        %parallel_loop3A_285 = vector.broadcast %parallel_loop3A_284 : i32 to vector<16xi32>
        %parallel_loop3A_286 = arith.addi %parallel_loop3A_74, %parallel_loop3A_285 : vector<16xi32>
        %parallel_loop3A_287 = tpu.vector_load_idx %arg5[%parallel_loop3A_286] : memref<32768xf32, #tpu.memory_space<vmem>>[vector<16xi32>], vector<16xf32>,
        %parallel_loop3A_288 = arith.constant 7168 : i32
        %parallel_loop3A_289 = vector.broadcast %parallel_loop3A_288 : i32 to vector<16xi32>
        %parallel_loop3A_290 = arith.addi %parallel_loop3A_80, %parallel_loop3A_289 : vector<16xi32>
        %parallel_loop3A_291 = tpu.vector_load_idx %arg5[%parallel_loop3A_290] : memref<32768xf32, #tpu.memory_space<vmem>>[vector<16xi32>], vector<16xf32>,
        %parallel_loop3A_292 = vector.bitcast %parallel_loop3A_287 : vector<16xf32> to vector<16xi32>
        %parallel_loop3A_293 = arith.constant 32768 : i32
        %parallel_loop3A_294 = vector.broadcast %parallel_loop3A_293 : i32 to vector<16xi32>
        %parallel_loop3A_295 = arith.addi %parallel_loop3A_292, %parallel_loop3A_294 : vector<16xi32>
        %parallel_loop3A_296 = vector.bitcast %parallel_loop3A_291 : vector<16xf32> to vector<16xi32>
        %parallel_loop3A_297 = arith.constant 32768 : i32
        %parallel_loop3A_298 = vector.broadcast %parallel_loop3A_297 : i32 to vector<16xi32>
        %parallel_loop3A_299 = arith.addi %parallel_loop3A_296, %parallel_loop3A_298 : vector<16xi32>
        %parallel_loop3A_300 = arith.constant -65536 : i32
        %parallel_loop3A_301 = vector.broadcast %parallel_loop3A_300 : i32 to vector<16xi32>
        %parallel_loop3A_302 = arith.andi %parallel_loop3A_299, %parallel_loop3A_301 : vector<16xi32>
        %parallel_loop3A_303 = arith.constant 16 : i32
        %parallel_loop3A_304 = vector.broadcast %parallel_loop3A_303 : i32 to vector<16xi32>
        %parallel_loop3A_305 = arith.shrui %parallel_loop3A_295, %parallel_loop3A_304 : vector<16xi32>
        %parallel_loop3A_306 = arith.ori %parallel_loop3A_302, %parallel_loop3A_305 : vector<16xi32>
        %parallel_loop3A_307 = arith.constant 16 : i32
        %parallel_loop3A_308 = arith.muli %parallel_loop3A_68, %parallel_loop3A_307 : i32
        %parallel_loop3A_309 = arith.constant 7 : i32
        %parallel_loop3A_310 = arith.index_cast %parallel_loop3A_309 : i32 to index
        %parallel_loop3A_311 = arith.index_cast %parallel_loop3A_308 : i32 to index
        %parallel_loop3A_312 = tpu.vector_load %arg9[%parallel_loop3A_310, %parallel_loop3A_311] {strides = array<i32>} : memref<32x512xi32, #tpu.memory_space<vmem>>, vector<16xi32>,
        tpu.vector_store %arg9[%parallel_loop3A_310, %parallel_loop3A_311], %parallel_loop3A_306 {strides = array<i32>} : memref<32x512xi32, #tpu.memory_space<vmem>>, vector<16xi32>,
        %parallel_loop3A_313 = arith.constant 8192 : i32
        %parallel_loop3A_314 = vector.broadcast %parallel_loop3A_313 : i32 to vector<16xi32>
        %parallel_loop3A_315 = arith.addi %parallel_loop3A_74, %parallel_loop3A_314 : vector<16xi32>
        %parallel_loop3A_316 = tpu.vector_load_idx %arg5[%parallel_loop3A_315] : memref<32768xf32, #tpu.memory_space<vmem>>[vector<16xi32>], vector<16xf32>,
        %parallel_loop3A_317 = arith.constant 8192 : i32
        %parallel_loop3A_318 = vector.broadcast %parallel_loop3A_317 : i32 to vector<16xi32>
        %parallel_loop3A_319 = arith.addi %parallel_loop3A_80, %parallel_loop3A_318 : vector<16xi32>
        %parallel_loop3A_320 = tpu.vector_load_idx %arg5[%parallel_loop3A_319] : memref<32768xf32, #tpu.memory_space<vmem>>[vector<16xi32>], vector<16xf32>,
        %parallel_loop3A_321 = vector.bitcast %parallel_loop3A_316 : vector<16xf32> to vector<16xi32>
        %parallel_loop3A_322 = arith.constant 32768 : i32
        %parallel_loop3A_323 = vector.broadcast %parallel_loop3A_322 : i32 to vector<16xi32>
        %parallel_loop3A_324 = arith.addi %parallel_loop3A_321, %parallel_loop3A_323 : vector<16xi32>
        %parallel_loop3A_325 = vector.bitcast %parallel_loop3A_320 : vector<16xf32> to vector<16xi32>
        %parallel_loop3A_326 = arith.constant 32768 : i32
        %parallel_loop3A_327 = vector.broadcast %parallel_loop3A_326 : i32 to vector<16xi32>
        %parallel_loop3A_328 = arith.addi %parallel_loop3A_325, %parallel_loop3A_327 : vector<16xi32>
        %parallel_loop3A_329 = arith.constant -65536 : i32
        %parallel_loop3A_330 = vector.broadcast %parallel_loop3A_329 : i32 to vector<16xi32>
        %parallel_loop3A_331 = arith.andi %parallel_loop3A_328, %parallel_loop3A_330 : vector<16xi32>
        %parallel_loop3A_332 = arith.constant 16 : i32
        %parallel_loop3A_333 = vector.broadcast %parallel_loop3A_332 : i32 to vector<16xi32>
        %parallel_loop3A_334 = arith.shrui %parallel_loop3A_324, %parallel_loop3A_333 : vector<16xi32>
        %parallel_loop3A_335 = arith.ori %parallel_loop3A_331, %parallel_loop3A_334 : vector<16xi32>
        %parallel_loop3A_336 = arith.constant 16 : i32
        %parallel_loop3A_337 = arith.muli %parallel_loop3A_68, %parallel_loop3A_336 : i32
        %parallel_loop3A_338 = arith.constant 8 : i32
        %parallel_loop3A_339 = arith.index_cast %parallel_loop3A_338 : i32 to index
        %parallel_loop3A_340 = arith.index_cast %parallel_loop3A_337 : i32 to index
        %parallel_loop3A_341 = tpu.vector_load %arg9[%parallel_loop3A_339, %parallel_loop3A_340] {strides = array<i32>} : memref<32x512xi32, #tpu.memory_space<vmem>>, vector<16xi32>,
        tpu.vector_store %arg9[%parallel_loop3A_339, %parallel_loop3A_340], %parallel_loop3A_335 {strides = array<i32>} : memref<32x512xi32, #tpu.memory_space<vmem>>, vector<16xi32>,
        %parallel_loop3A_342 = arith.constant 9216 : i32
        %parallel_loop3A_343 = vector.broadcast %parallel_loop3A_342 : i32 to vector<16xi32>
        %parallel_loop3A_344 = arith.addi %parallel_loop3A_74, %parallel_loop3A_343 : vector<16xi32>
        %parallel_loop3A_345 = tpu.vector_load_idx %arg5[%parallel_loop3A_344] : memref<32768xf32, #tpu.memory_space<vmem>>[vector<16xi32>], vector<16xf32>,
        %parallel_loop3A_346 = arith.constant 9216 : i32
        %parallel_loop3A_347 = vector.broadcast %parallel_loop3A_346 : i32 to vector<16xi32>
        %parallel_loop3A_348 = arith.addi %parallel_loop3A_80, %parallel_loop3A_347 : vector<16xi32>
        %parallel_loop3A_349 = tpu.vector_load_idx %arg5[%parallel_loop3A_348] : memref<32768xf32, #tpu.memory_space<vmem>>[vector<16xi32>], vector<16xf32>,
        %parallel_loop3A_350 = vector.bitcast %parallel_loop3A_345 : vector<16xf32> to vector<16xi32>
        %parallel_loop3A_351 = arith.constant 32768 : i32
        %parallel_loop3A_352 = vector.broadcast %parallel_loop3A_351 : i32 to vector<16xi32>
        %parallel_loop3A_353 = arith.addi %parallel_loop3A_350, %parallel_loop3A_352 : vector<16xi32>
        %parallel_loop3A_354 = vector.bitcast %parallel_loop3A_349 : vector<16xf32> to vector<16xi32>
        %parallel_loop3A_355 = arith.constant 32768 : i32
        %parallel_loop3A_356 = vector.broadcast %parallel_loop3A_355 : i32 to vector<16xi32>
        %parallel_loop3A_357 = arith.addi %parallel_loop3A_354, %parallel_loop3A_356 : vector<16xi32>
        %parallel_loop3A_358 = arith.constant -65536 : i32
        %parallel_loop3A_359 = vector.broadcast %parallel_loop3A_358 : i32 to vector<16xi32>
        %parallel_loop3A_360 = arith.andi %parallel_loop3A_357, %parallel_loop3A_359 : vector<16xi32>
        %parallel_loop3A_361 = arith.constant 16 : i32
        %parallel_loop3A_362 = vector.broadcast %parallel_loop3A_361 : i32 to vector<16xi32>
        %parallel_loop3A_363 = arith.shrui %parallel_loop3A_353, %parallel_loop3A_362 : vector<16xi32>
        %parallel_loop3A_364 = arith.ori %parallel_loop3A_360, %parallel_loop3A_363 : vector<16xi32>
        %parallel_loop3A_365 = arith.constant 16 : i32
        %parallel_loop3A_366 = arith.muli %parallel_loop3A_68, %parallel_loop3A_365 : i32
        %parallel_loop3A_367 = arith.constant 9 : i32
        %parallel_loop3A_368 = arith.index_cast %parallel_loop3A_367 : i32 to index
        %parallel_loop3A_369 = arith.index_cast %parallel_loop3A_366 : i32 to index
        %parallel_loop3A_370 = tpu.vector_load %arg9[%parallel_loop3A_368, %parallel_loop3A_369] {strides = array<i32>} : memref<32x512xi32, #tpu.memory_space<vmem>>, vector<16xi32>,
        tpu.vector_store %arg9[%parallel_loop3A_368, %parallel_loop3A_369], %parallel_loop3A_364 {strides = array<i32>} : memref<32x512xi32, #tpu.memory_space<vmem>>, vector<16xi32>,
        %parallel_loop3A_371 = arith.constant 10240 : i32
        %parallel_loop3A_372 = vector.broadcast %parallel_loop3A_371 : i32 to vector<16xi32>
        %parallel_loop3A_373 = arith.addi %parallel_loop3A_74, %parallel_loop3A_372 : vector<16xi32>
        %parallel_loop3A_374 = tpu.vector_load_idx %arg5[%parallel_loop3A_373] : memref<32768xf32, #tpu.memory_space<vmem>>[vector<16xi32>], vector<16xf32>,
        %parallel_loop3A_375 = arith.constant 10240 : i32
        %parallel_loop3A_376 = vector.broadcast %parallel_loop3A_375 : i32 to vector<16xi32>
        %parallel_loop3A_377 = arith.addi %parallel_loop3A_80, %parallel_loop3A_376 : vector<16xi32>
        %parallel_loop3A_378 = tpu.vector_load_idx %arg5[%parallel_loop3A_377] : memref<32768xf32, #tpu.memory_space<vmem>>[vector<16xi32>], vector<16xf32>,
        %parallel_loop3A_379 = vector.bitcast %parallel_loop3A_374 : vector<16xf32> to vector<16xi32>
        %parallel_loop3A_380 = arith.constant 32768 : i32
        %parallel_loop3A_381 = vector.broadcast %parallel_loop3A_380 : i32 to vector<16xi32>
        %parallel_loop3A_382 = arith.addi %parallel_loop3A_379, %parallel_loop3A_381 : vector<16xi32>
        %parallel_loop3A_383 = vector.bitcast %parallel_loop3A_378 : vector<16xf32> to vector<16xi32>
        %parallel_loop3A_384 = arith.constant 32768 : i32
        %parallel_loop3A_385 = vector.broadcast %parallel_loop3A_384 : i32 to vector<16xi32>
        %parallel_loop3A_386 = arith.addi %parallel_loop3A_383, %parallel_loop3A_385 : vector<16xi32>
        %parallel_loop3A_387 = arith.constant -65536 : i32
        %parallel_loop3A_388 = vector.broadcast %parallel_loop3A_387 : i32 to vector<16xi32>
        %parallel_loop3A_389 = arith.andi %parallel_loop3A_386, %parallel_loop3A_388 : vector<16xi32>
        %parallel_loop3A_390 = arith.constant 16 : i32
        %parallel_loop3A_391 = vector.broadcast %parallel_loop3A_390 : i32 to vector<16xi32>
        %parallel_loop3A_392 = arith.shrui %parallel_loop3A_382, %parallel_loop3A_391 : vector<16xi32>
        %parallel_loop3A_393 = arith.ori %parallel_loop3A_389, %parallel_loop3A_392 : vector<16xi32>
        %parallel_loop3A_394 = arith.constant 16 : i32
        %parallel_loop3A_395 = arith.muli %parallel_loop3A_68, %parallel_loop3A_394 : i32
        %parallel_loop3A_396 = arith.constant 10 : i32
        %parallel_loop3A_397 = arith.index_cast %parallel_loop3A_396 : i32 to index
        %parallel_loop3A_398 = arith.index_cast %parallel_loop3A_395 : i32 to index
        %parallel_loop3A_399 = tpu.vector_load %arg9[%parallel_loop3A_397, %parallel_loop3A_398] {strides = array<i32>} : memref<32x512xi32, #tpu.memory_space<vmem>>, vector<16xi32>,
        tpu.vector_store %arg9[%parallel_loop3A_397, %parallel_loop3A_398], %parallel_loop3A_393 {strides = array<i32>} : memref<32x512xi32, #tpu.memory_space<vmem>>, vector<16xi32>,
        %parallel_loop3A_400 = arith.constant 11264 : i32
        %parallel_loop3A_401 = vector.broadcast %parallel_loop3A_400 : i32 to vector<16xi32>
        %parallel_loop3A_402 = arith.addi %parallel_loop3A_74, %parallel_loop3A_401 : vector<16xi32>
        %parallel_loop3A_403 = tpu.vector_load_idx %arg5[%parallel_loop3A_402] : memref<32768xf32, #tpu.memory_space<vmem>>[vector<16xi32>], vector<16xf32>,
        %parallel_loop3A_404 = arith.constant 11264 : i32
        %parallel_loop3A_405 = vector.broadcast %parallel_loop3A_404 : i32 to vector<16xi32>
        %parallel_loop3A_406 = arith.addi %parallel_loop3A_80, %parallel_loop3A_405 : vector<16xi32>
        %parallel_loop3A_407 = tpu.vector_load_idx %arg5[%parallel_loop3A_406] : memref<32768xf32, #tpu.memory_space<vmem>>[vector<16xi32>], vector<16xf32>,
        %parallel_loop3A_408 = vector.bitcast %parallel_loop3A_403 : vector<16xf32> to vector<16xi32>
        %parallel_loop3A_409 = arith.constant 32768 : i32
        %parallel_loop3A_410 = vector.broadcast %parallel_loop3A_409 : i32 to vector<16xi32>
        %parallel_loop3A_411 = arith.addi %parallel_loop3A_408, %parallel_loop3A_410 : vector<16xi32>
        %parallel_loop3A_412 = vector.bitcast %parallel_loop3A_407 : vector<16xf32> to vector<16xi32>
        %parallel_loop3A_413 = arith.constant 32768 : i32
        %parallel_loop3A_414 = vector.broadcast %parallel_loop3A_413 : i32 to vector<16xi32>
        %parallel_loop3A_415 = arith.addi %parallel_loop3A_412, %parallel_loop3A_414 : vector<16xi32>
        %parallel_loop3A_416 = arith.constant -65536 : i32
        %parallel_loop3A_417 = vector.broadcast %parallel_loop3A_416 : i32 to vector<16xi32>
        %parallel_loop3A_418 = arith.andi %parallel_loop3A_415, %parallel_loop3A_417 : vector<16xi32>
        %parallel_loop3A_419 = arith.constant 16 : i32
        %parallel_loop3A_420 = vector.broadcast %parallel_loop3A_419 : i32 to vector<16xi32>
        %parallel_loop3A_421 = arith.shrui %parallel_loop3A_411, %parallel_loop3A_420 : vector<16xi32>
        %parallel_loop3A_422 = arith.ori %parallel_loop3A_418, %parallel_loop3A_421 : vector<16xi32>
        %parallel_loop3A_423 = arith.constant 16 : i32
        %parallel_loop3A_424 = arith.muli %parallel_loop3A_68, %parallel_loop3A_423 : i32
        %parallel_loop3A_425 = arith.constant 11 : i32
        %parallel_loop3A_426 = arith.index_cast %parallel_loop3A_425 : i32 to index
        %parallel_loop3A_427 = arith.index_cast %parallel_loop3A_424 : i32 to index
        %parallel_loop3A_428 = tpu.vector_load %arg9[%parallel_loop3A_426, %parallel_loop3A_427] {strides = array<i32>} : memref<32x512xi32, #tpu.memory_space<vmem>>, vector<16xi32>,
        tpu.vector_store %arg9[%parallel_loop3A_426, %parallel_loop3A_427], %parallel_loop3A_422 {strides = array<i32>} : memref<32x512xi32, #tpu.memory_space<vmem>>, vector<16xi32>,
        %parallel_loop3A_429 = arith.constant 12288 : i32
        %parallel_loop3A_430 = vector.broadcast %parallel_loop3A_429 : i32 to vector<16xi32>
        %parallel_loop3A_431 = arith.addi %parallel_loop3A_74, %parallel_loop3A_430 : vector<16xi32>
        %parallel_loop3A_432 = tpu.vector_load_idx %arg5[%parallel_loop3A_431] : memref<32768xf32, #tpu.memory_space<vmem>>[vector<16xi32>], vector<16xf32>,
        %parallel_loop3A_433 = arith.constant 12288 : i32
        %parallel_loop3A_434 = vector.broadcast %parallel_loop3A_433 : i32 to vector<16xi32>
        %parallel_loop3A_435 = arith.addi %parallel_loop3A_80, %parallel_loop3A_434 : vector<16xi32>
        %parallel_loop3A_436 = tpu.vector_load_idx %arg5[%parallel_loop3A_435] : memref<32768xf32, #tpu.memory_space<vmem>>[vector<16xi32>], vector<16xf32>,
        %parallel_loop3A_437 = vector.bitcast %parallel_loop3A_432 : vector<16xf32> to vector<16xi32>
        %parallel_loop3A_438 = arith.constant 32768 : i32
        %parallel_loop3A_439 = vector.broadcast %parallel_loop3A_438 : i32 to vector<16xi32>
        %parallel_loop3A_440 = arith.addi %parallel_loop3A_437, %parallel_loop3A_439 : vector<16xi32>
        %parallel_loop3A_441 = vector.bitcast %parallel_loop3A_436 : vector<16xf32> to vector<16xi32>
        %parallel_loop3A_442 = arith.constant 32768 : i32
        %parallel_loop3A_443 = vector.broadcast %parallel_loop3A_442 : i32 to vector<16xi32>
        %parallel_loop3A_444 = arith.addi %parallel_loop3A_441, %parallel_loop3A_443 : vector<16xi32>
        %parallel_loop3A_445 = arith.constant -65536 : i32
        %parallel_loop3A_446 = vector.broadcast %parallel_loop3A_445 : i32 to vector<16xi32>
        %parallel_loop3A_447 = arith.andi %parallel_loop3A_444, %parallel_loop3A_446 : vector<16xi32>
        %parallel_loop3A_448 = arith.constant 16 : i32
        %parallel_loop3A_449 = vector.broadcast %parallel_loop3A_448 : i32 to vector<16xi32>
        %parallel_loop3A_450 = arith.shrui %parallel_loop3A_440, %parallel_loop3A_449 : vector<16xi32>
        %parallel_loop3A_451 = arith.ori %parallel_loop3A_447, %parallel_loop3A_450 : vector<16xi32>
        %parallel_loop3A_452 = arith.constant 16 : i32
        %parallel_loop3A_453 = arith.muli %parallel_loop3A_68, %parallel_loop3A_452 : i32
        %parallel_loop3A_454 = arith.constant 12 : i32
        %parallel_loop3A_455 = arith.index_cast %parallel_loop3A_454 : i32 to index
        %parallel_loop3A_456 = arith.index_cast %parallel_loop3A_453 : i32 to index
        %parallel_loop3A_457 = tpu.vector_load %arg9[%parallel_loop3A_455, %parallel_loop3A_456] {strides = array<i32>} : memref<32x512xi32, #tpu.memory_space<vmem>>, vector<16xi32>,
        tpu.vector_store %arg9[%parallel_loop3A_455, %parallel_loop3A_456], %parallel_loop3A_451 {strides = array<i32>} : memref<32x512xi32, #tpu.memory_space<vmem>>, vector<16xi32>,
        %parallel_loop3A_458 = arith.constant 13312 : i32
        %parallel_loop3A_459 = vector.broadcast %parallel_loop3A_458 : i32 to vector<16xi32>
        %parallel_loop3A_460 = arith.addi %parallel_loop3A_74, %parallel_loop3A_459 : vector<16xi32>
        %parallel_loop3A_461 = tpu.vector_load_idx %arg5[%parallel_loop3A_460] : memref<32768xf32, #tpu.memory_space<vmem>>[vector<16xi32>], vector<16xf32>,
        %parallel_loop3A_462 = arith.constant 13312 : i32
        %parallel_loop3A_463 = vector.broadcast %parallel_loop3A_462 : i32 to vector<16xi32>
        %parallel_loop3A_464 = arith.addi %parallel_loop3A_80, %parallel_loop3A_463 : vector<16xi32>
        %parallel_loop3A_465 = tpu.vector_load_idx %arg5[%parallel_loop3A_464] : memref<32768xf32, #tpu.memory_space<vmem>>[vector<16xi32>], vector<16xf32>,
        %parallel_loop3A_466 = vector.bitcast %parallel_loop3A_461 : vector<16xf32> to vector<16xi32>
        %parallel_loop3A_467 = arith.constant 32768 : i32
        %parallel_loop3A_468 = vector.broadcast %parallel_loop3A_467 : i32 to vector<16xi32>
        %parallel_loop3A_469 = arith.addi %parallel_loop3A_466, %parallel_loop3A_468 : vector<16xi32>
        %parallel_loop3A_470 = vector.bitcast %parallel_loop3A_465 : vector<16xf32> to vector<16xi32>
        %parallel_loop3A_471 = arith.constant 32768 : i32
        %parallel_loop3A_472 = vector.broadcast %parallel_loop3A_471 : i32 to vector<16xi32>
        %parallel_loop3A_473 = arith.addi %parallel_loop3A_470, %parallel_loop3A_472 : vector<16xi32>
        %parallel_loop3A_474 = arith.constant -65536 : i32
        %parallel_loop3A_475 = vector.broadcast %parallel_loop3A_474 : i32 to vector<16xi32>
        %parallel_loop3A_476 = arith.andi %parallel_loop3A_473, %parallel_loop3A_475 : vector<16xi32>
        %parallel_loop3A_477 = arith.constant 16 : i32
        %parallel_loop3A_478 = vector.broadcast %parallel_loop3A_477 : i32 to vector<16xi32>
        %parallel_loop3A_479 = arith.shrui %parallel_loop3A_469, %parallel_loop3A_478 : vector<16xi32>
        %parallel_loop3A_480 = arith.ori %parallel_loop3A_476, %parallel_loop3A_479 : vector<16xi32>
        %parallel_loop3A_481 = arith.constant 16 : i32
        %parallel_loop3A_482 = arith.muli %parallel_loop3A_68, %parallel_loop3A_481 : i32
        %parallel_loop3A_483 = arith.constant 13 : i32
        %parallel_loop3A_484 = arith.index_cast %parallel_loop3A_483 : i32 to index
        %parallel_loop3A_485 = arith.index_cast %parallel_loop3A_482 : i32 to index
        %parallel_loop3A_486 = tpu.vector_load %arg9[%parallel_loop3A_484, %parallel_loop3A_485] {strides = array<i32>} : memref<32x512xi32, #tpu.memory_space<vmem>>, vector<16xi32>,
        tpu.vector_store %arg9[%parallel_loop3A_484, %parallel_loop3A_485], %parallel_loop3A_480 {strides = array<i32>} : memref<32x512xi32, #tpu.memory_space<vmem>>, vector<16xi32>,
        %parallel_loop3A_487 = arith.constant 14336 : i32
        %parallel_loop3A_488 = vector.broadcast %parallel_loop3A_487 : i32 to vector<16xi32>
        %parallel_loop3A_489 = arith.addi %parallel_loop3A_74, %parallel_loop3A_488 : vector<16xi32>
        %parallel_loop3A_490 = tpu.vector_load_idx %arg5[%parallel_loop3A_489] : memref<32768xf32, #tpu.memory_space<vmem>>[vector<16xi32>], vector<16xf32>,
        %parallel_loop3A_491 = arith.constant 14336 : i32
        %parallel_loop3A_492 = vector.broadcast %parallel_loop3A_491 : i32 to vector<16xi32>
        %parallel_loop3A_493 = arith.addi %parallel_loop3A_80, %parallel_loop3A_492 : vector<16xi32>
        %parallel_loop3A_494 = tpu.vector_load_idx %arg5[%parallel_loop3A_493] : memref<32768xf32, #tpu.memory_space<vmem>>[vector<16xi32>], vector<16xf32>,
        %parallel_loop3A_495 = vector.bitcast %parallel_loop3A_490 : vector<16xf32> to vector<16xi32>
        %parallel_loop3A_496 = arith.constant 32768 : i32
        %parallel_loop3A_497 = vector.broadcast %parallel_loop3A_496 : i32 to vector<16xi32>
        %parallel_loop3A_498 = arith.addi %parallel_loop3A_495, %parallel_loop3A_497 : vector<16xi32>
        %parallel_loop3A_499 = vector.bitcast %parallel_loop3A_494 : vector<16xf32> to vector<16xi32>
        %parallel_loop3A_500 = arith.constant 32768 : i32
        %parallel_loop3A_501 = vector.broadcast %parallel_loop3A_500 : i32 to vector<16xi32>
        %parallel_loop3A_502 = arith.addi %parallel_loop3A_499, %parallel_loop3A_501 : vector<16xi32>
        %parallel_loop3A_503 = arith.constant -65536 : i32
        %parallel_loop3A_504 = vector.broadcast %parallel_loop3A_503 : i32 to vector<16xi32>
        %parallel_loop3A_505 = arith.andi %parallel_loop3A_502, %parallel_loop3A_504 : vector<16xi32>
        %parallel_loop3A_506 = arith.constant 16 : i32
        %parallel_loop3A_507 = vector.broadcast %parallel_loop3A_506 : i32 to vector<16xi32>
        %parallel_loop3A_508 = arith.shrui %parallel_loop3A_498, %parallel_loop3A_507 : vector<16xi32>
        %parallel_loop3A_509 = arith.ori %parallel_loop3A_505, %parallel_loop3A_508 : vector<16xi32>
        %parallel_loop3A_510 = arith.constant 16 : i32
        %parallel_loop3A_511 = arith.muli %parallel_loop3A_68, %parallel_loop3A_510 : i32
        %parallel_loop3A_512 = arith.constant 14 : i32
        %parallel_loop3A_513 = arith.index_cast %parallel_loop3A_512 : i32 to index
        %parallel_loop3A_514 = arith.index_cast %parallel_loop3A_511 : i32 to index
        %parallel_loop3A_515 = tpu.vector_load %arg9[%parallel_loop3A_513, %parallel_loop3A_514] {strides = array<i32>} : memref<32x512xi32, #tpu.memory_space<vmem>>, vector<16xi32>,
        tpu.vector_store %arg9[%parallel_loop3A_513, %parallel_loop3A_514], %parallel_loop3A_509 {strides = array<i32>} : memref<32x512xi32, #tpu.memory_space<vmem>>, vector<16xi32>,
        %parallel_loop3A_516 = arith.constant 15360 : i32
        %parallel_loop3A_517 = vector.broadcast %parallel_loop3A_516 : i32 to vector<16xi32>
        %parallel_loop3A_518 = arith.addi %parallel_loop3A_74, %parallel_loop3A_517 : vector<16xi32>
        %parallel_loop3A_519 = tpu.vector_load_idx %arg5[%parallel_loop3A_518] : memref<32768xf32, #tpu.memory_space<vmem>>[vector<16xi32>], vector<16xf32>,
        %parallel_loop3A_520 = arith.constant 15360 : i32
        %parallel_loop3A_521 = vector.broadcast %parallel_loop3A_520 : i32 to vector<16xi32>
        %parallel_loop3A_522 = arith.addi %parallel_loop3A_80, %parallel_loop3A_521 : vector<16xi32>
        %parallel_loop3A_523 = tpu.vector_load_idx %arg5[%parallel_loop3A_522] : memref<32768xf32, #tpu.memory_space<vmem>>[vector<16xi32>], vector<16xf32>,
        %parallel_loop3A_524 = vector.bitcast %parallel_loop3A_519 : vector<16xf32> to vector<16xi32>
        %parallel_loop3A_525 = arith.constant 32768 : i32
        %parallel_loop3A_526 = vector.broadcast %parallel_loop3A_525 : i32 to vector<16xi32>
        %parallel_loop3A_527 = arith.addi %parallel_loop3A_524, %parallel_loop3A_526 : vector<16xi32>
        %parallel_loop3A_528 = vector.bitcast %parallel_loop3A_523 : vector<16xf32> to vector<16xi32>
        %parallel_loop3A_529 = arith.constant 32768 : i32
        %parallel_loop3A_530 = vector.broadcast %parallel_loop3A_529 : i32 to vector<16xi32>
        %parallel_loop3A_531 = arith.addi %parallel_loop3A_528, %parallel_loop3A_530 : vector<16xi32>
        %parallel_loop3A_532 = arith.constant -65536 : i32
        %parallel_loop3A_533 = vector.broadcast %parallel_loop3A_532 : i32 to vector<16xi32>
        %parallel_loop3A_534 = arith.andi %parallel_loop3A_531, %parallel_loop3A_533 : vector<16xi32>
        %parallel_loop3A_535 = arith.constant 16 : i32
        %parallel_loop3A_536 = vector.broadcast %parallel_loop3A_535 : i32 to vector<16xi32>
        %parallel_loop3A_537 = arith.shrui %parallel_loop3A_527, %parallel_loop3A_536 : vector<16xi32>
        %parallel_loop3A_538 = arith.ori %parallel_loop3A_534, %parallel_loop3A_537 : vector<16xi32>
        %parallel_loop3A_539 = arith.constant 16 : i32
        %parallel_loop3A_540 = arith.muli %parallel_loop3A_68, %parallel_loop3A_539 : i32
        %parallel_loop3A_541 = arith.constant 15 : i32
        %parallel_loop3A_542 = arith.index_cast %parallel_loop3A_541 : i32 to index
        %parallel_loop3A_543 = arith.index_cast %parallel_loop3A_540 : i32 to index
        %parallel_loop3A_544 = tpu.vector_load %arg9[%parallel_loop3A_542, %parallel_loop3A_543] {strides = array<i32>} : memref<32x512xi32, #tpu.memory_space<vmem>>, vector<16xi32>,
        tpu.vector_store %arg9[%parallel_loop3A_542, %parallel_loop3A_543], %parallel_loop3A_538 {strides = array<i32>} : memref<32x512xi32, #tpu.memory_space<vmem>>, vector<16xi32>,
        %parallel_loop3A_545 = arith.constant 16384 : i32
        %parallel_loop3A_546 = vector.broadcast %parallel_loop3A_545 : i32 to vector<16xi32>
        %parallel_loop3A_547 = arith.addi %parallel_loop3A_74, %parallel_loop3A_546 : vector<16xi32>
        %parallel_loop3A_548 = tpu.vector_load_idx %arg5[%parallel_loop3A_547] : memref<32768xf32, #tpu.memory_space<vmem>>[vector<16xi32>], vector<16xf32>,
        %parallel_loop3A_549 = arith.constant 16384 : i32
        %parallel_loop3A_550 = vector.broadcast %parallel_loop3A_549 : i32 to vector<16xi32>
        %parallel_loop3A_551 = arith.addi %parallel_loop3A_80, %parallel_loop3A_550 : vector<16xi32>
        %parallel_loop3A_552 = tpu.vector_load_idx %arg5[%parallel_loop3A_551] : memref<32768xf32, #tpu.memory_space<vmem>>[vector<16xi32>], vector<16xf32>,
        %parallel_loop3A_553 = vector.bitcast %parallel_loop3A_548 : vector<16xf32> to vector<16xi32>
        %parallel_loop3A_554 = arith.constant 32768 : i32
        %parallel_loop3A_555 = vector.broadcast %parallel_loop3A_554 : i32 to vector<16xi32>
        %parallel_loop3A_556 = arith.addi %parallel_loop3A_553, %parallel_loop3A_555 : vector<16xi32>
        %parallel_loop3A_557 = vector.bitcast %parallel_loop3A_552 : vector<16xf32> to vector<16xi32>
        %parallel_loop3A_558 = arith.constant 32768 : i32
        %parallel_loop3A_559 = vector.broadcast %parallel_loop3A_558 : i32 to vector<16xi32>
        %parallel_loop3A_560 = arith.addi %parallel_loop3A_557, %parallel_loop3A_559 : vector<16xi32>
        %parallel_loop3A_561 = arith.constant -65536 : i32
        %parallel_loop3A_562 = vector.broadcast %parallel_loop3A_561 : i32 to vector<16xi32>
        %parallel_loop3A_563 = arith.andi %parallel_loop3A_560, %parallel_loop3A_562 : vector<16xi32>
        %parallel_loop3A_564 = arith.constant 16 : i32
        %parallel_loop3A_565 = vector.broadcast %parallel_loop3A_564 : i32 to vector<16xi32>
        %parallel_loop3A_566 = arith.shrui %parallel_loop3A_556, %parallel_loop3A_565 : vector<16xi32>
        %parallel_loop3A_567 = arith.ori %parallel_loop3A_563, %parallel_loop3A_566 : vector<16xi32>
        %parallel_loop3A_568 = arith.constant 16 : i32
        %parallel_loop3A_569 = arith.muli %parallel_loop3A_68, %parallel_loop3A_568 : i32
        %parallel_loop3A_570 = arith.constant 16 : i32
        %parallel_loop3A_571 = arith.index_cast %parallel_loop3A_570 : i32 to index
        %parallel_loop3A_572 = arith.index_cast %parallel_loop3A_569 : i32 to index
        %parallel_loop3A_573 = tpu.vector_load %arg9[%parallel_loop3A_571, %parallel_loop3A_572] {strides = array<i32>} : memref<32x512xi32, #tpu.memory_space<vmem>>, vector<16xi32>,
        tpu.vector_store %arg9[%parallel_loop3A_571, %parallel_loop3A_572], %parallel_loop3A_567 {strides = array<i32>} : memref<32x512xi32, #tpu.memory_space<vmem>>, vector<16xi32>,
        %parallel_loop3A_574 = arith.constant 17408 : i32
        %parallel_loop3A_575 = vector.broadcast %parallel_loop3A_574 : i32 to vector<16xi32>
        %parallel_loop3A_576 = arith.addi %parallel_loop3A_74, %parallel_loop3A_575 : vector<16xi32>
        %parallel_loop3A_577 = tpu.vector_load_idx %arg5[%parallel_loop3A_576] : memref<32768xf32, #tpu.memory_space<vmem>>[vector<16xi32>], vector<16xf32>,
        %parallel_loop3A_578 = arith.constant 17408 : i32
        %parallel_loop3A_579 = vector.broadcast %parallel_loop3A_578 : i32 to vector<16xi32>
        %parallel_loop3A_580 = arith.addi %parallel_loop3A_80, %parallel_loop3A_579 : vector<16xi32>
        %parallel_loop3A_581 = tpu.vector_load_idx %arg5[%parallel_loop3A_580] : memref<32768xf32, #tpu.memory_space<vmem>>[vector<16xi32>], vector<16xf32>,
        %parallel_loop3A_582 = vector.bitcast %parallel_loop3A_577 : vector<16xf32> to vector<16xi32>
        %parallel_loop3A_583 = arith.constant 32768 : i32
        %parallel_loop3A_584 = vector.broadcast %parallel_loop3A_583 : i32 to vector<16xi32>
        %parallel_loop3A_585 = arith.addi %parallel_loop3A_582, %parallel_loop3A_584 : vector<16xi32>
        %parallel_loop3A_586 = vector.bitcast %parallel_loop3A_581 : vector<16xf32> to vector<16xi32>
        %parallel_loop3A_587 = arith.constant 32768 : i32
        %parallel_loop3A_588 = vector.broadcast %parallel_loop3A_587 : i32 to vector<16xi32>
        %parallel_loop3A_589 = arith.addi %parallel_loop3A_586, %parallel_loop3A_588 : vector<16xi32>
        %parallel_loop3A_590 = arith.constant -65536 : i32
        %parallel_loop3A_591 = vector.broadcast %parallel_loop3A_590 : i32 to vector<16xi32>
        %parallel_loop3A_592 = arith.andi %parallel_loop3A_589, %parallel_loop3A_591 : vector<16xi32>
        %parallel_loop3A_593 = arith.constant 16 : i32
        %parallel_loop3A_594 = vector.broadcast %parallel_loop3A_593 : i32 to vector<16xi32>
        %parallel_loop3A_595 = arith.shrui %parallel_loop3A_585, %parallel_loop3A_594 : vector<16xi32>
        %parallel_loop3A_596 = arith.ori %parallel_loop3A_592, %parallel_loop3A_595 : vector<16xi32>
        %parallel_loop3A_597 = arith.constant 16 : i32
        %parallel_loop3A_598 = arith.muli %parallel_loop3A_68, %parallel_loop3A_597 : i32
        %parallel_loop3A_599 = arith.constant 17 : i32
        %parallel_loop3A_600 = arith.index_cast %parallel_loop3A_599 : i32 to index
        %parallel_loop3A_601 = arith.index_cast %parallel_loop3A_598 : i32 to index
        %parallel_loop3A_602 = tpu.vector_load %arg9[%parallel_loop3A_600, %parallel_loop3A_601] {strides = array<i32>} : memref<32x512xi32, #tpu.memory_space<vmem>>, vector<16xi32>,
        tpu.vector_store %arg9[%parallel_loop3A_600, %parallel_loop3A_601], %parallel_loop3A_596 {strides = array<i32>} : memref<32x512xi32, #tpu.memory_space<vmem>>, vector<16xi32>,
        %parallel_loop3A_603 = arith.constant 18432 : i32
        %parallel_loop3A_604 = vector.broadcast %parallel_loop3A_603 : i32 to vector<16xi32>
        %parallel_loop3A_605 = arith.addi %parallel_loop3A_74, %parallel_loop3A_604 : vector<16xi32>
        %parallel_loop3A_606 = tpu.vector_load_idx %arg5[%parallel_loop3A_605] : memref<32768xf32, #tpu.memory_space<vmem>>[vector<16xi32>], vector<16xf32>,
        %parallel_loop3A_607 = arith.constant 18432 : i32
        %parallel_loop3A_608 = vector.broadcast %parallel_loop3A_607 : i32 to vector<16xi32>
        %parallel_loop3A_609 = arith.addi %parallel_loop3A_80, %parallel_loop3A_608 : vector<16xi32>
        %parallel_loop3A_610 = tpu.vector_load_idx %arg5[%parallel_loop3A_609] : memref<32768xf32, #tpu.memory_space<vmem>>[vector<16xi32>], vector<16xf32>,
        %parallel_loop3A_611 = vector.bitcast %parallel_loop3A_606 : vector<16xf32> to vector<16xi32>
        %parallel_loop3A_612 = arith.constant 32768 : i32
        %parallel_loop3A_613 = vector.broadcast %parallel_loop3A_612 : i32 to vector<16xi32>
        %parallel_loop3A_614 = arith.addi %parallel_loop3A_611, %parallel_loop3A_613 : vector<16xi32>
        %parallel_loop3A_615 = vector.bitcast %parallel_loop3A_610 : vector<16xf32> to vector<16xi32>
        %parallel_loop3A_616 = arith.constant 32768 : i32
        %parallel_loop3A_617 = vector.broadcast %parallel_loop3A_616 : i32 to vector<16xi32>
        %parallel_loop3A_618 = arith.addi %parallel_loop3A_615, %parallel_loop3A_617 : vector<16xi32>
        %parallel_loop3A_619 = arith.constant -65536 : i32
        %parallel_loop3A_620 = vector.broadcast %parallel_loop3A_619 : i32 to vector<16xi32>
        %parallel_loop3A_621 = arith.andi %parallel_loop3A_618, %parallel_loop3A_620 : vector<16xi32>
        %parallel_loop3A_622 = arith.constant 16 : i32
        %parallel_loop3A_623 = vector.broadcast %parallel_loop3A_622 : i32 to vector<16xi32>
        %parallel_loop3A_624 = arith.shrui %parallel_loop3A_614, %parallel_loop3A_623 : vector<16xi32>
        %parallel_loop3A_625 = arith.ori %parallel_loop3A_621, %parallel_loop3A_624 : vector<16xi32>
        %parallel_loop3A_626 = arith.constant 16 : i32
        %parallel_loop3A_627 = arith.muli %parallel_loop3A_68, %parallel_loop3A_626 : i32
        %parallel_loop3A_628 = arith.constant 18 : i32
        %parallel_loop3A_629 = arith.index_cast %parallel_loop3A_628 : i32 to index
        %parallel_loop3A_630 = arith.index_cast %parallel_loop3A_627 : i32 to index
        %parallel_loop3A_631 = tpu.vector_load %arg9[%parallel_loop3A_629, %parallel_loop3A_630] {strides = array<i32>} : memref<32x512xi32, #tpu.memory_space<vmem>>, vector<16xi32>,
        tpu.vector_store %arg9[%parallel_loop3A_629, %parallel_loop3A_630], %parallel_loop3A_625 {strides = array<i32>} : memref<32x512xi32, #tpu.memory_space<vmem>>, vector<16xi32>,
        %parallel_loop3A_632 = arith.constant 19456 : i32
        %parallel_loop3A_633 = vector.broadcast %parallel_loop3A_632 : i32 to vector<16xi32>
        %parallel_loop3A_634 = arith.addi %parallel_loop3A_74, %parallel_loop3A_633 : vector<16xi32>
        %parallel_loop3A_635 = tpu.vector_load_idx %arg5[%parallel_loop3A_634] : memref<32768xf32, #tpu.memory_space<vmem>>[vector<16xi32>], vector<16xf32>,
        %parallel_loop3A_636 = arith.constant 19456 : i32
        %parallel_loop3A_637 = vector.broadcast %parallel_loop3A_636 : i32 to vector<16xi32>
        %parallel_loop3A_638 = arith.addi %parallel_loop3A_80, %parallel_loop3A_637 : vector<16xi32>
        %parallel_loop3A_639 = tpu.vector_load_idx %arg5[%parallel_loop3A_638] : memref<32768xf32, #tpu.memory_space<vmem>>[vector<16xi32>], vector<16xf32>,
        %parallel_loop3A_640 = vector.bitcast %parallel_loop3A_635 : vector<16xf32> to vector<16xi32>
        %parallel_loop3A_641 = arith.constant 32768 : i32
        %parallel_loop3A_642 = vector.broadcast %parallel_loop3A_641 : i32 to vector<16xi32>
        %parallel_loop3A_643 = arith.addi %parallel_loop3A_640, %parallel_loop3A_642 : vector<16xi32>
        %parallel_loop3A_644 = vector.bitcast %parallel_loop3A_639 : vector<16xf32> to vector<16xi32>
        %parallel_loop3A_645 = arith.constant 32768 : i32
        %parallel_loop3A_646 = vector.broadcast %parallel_loop3A_645 : i32 to vector<16xi32>
        %parallel_loop3A_647 = arith.addi %parallel_loop3A_644, %parallel_loop3A_646 : vector<16xi32>
        %parallel_loop3A_648 = arith.constant -65536 : i32
        %parallel_loop3A_649 = vector.broadcast %parallel_loop3A_648 : i32 to vector<16xi32>
        %parallel_loop3A_650 = arith.andi %parallel_loop3A_647, %parallel_loop3A_649 : vector<16xi32>
        %parallel_loop3A_651 = arith.constant 16 : i32
        %parallel_loop3A_652 = vector.broadcast %parallel_loop3A_651 : i32 to vector<16xi32>
        %parallel_loop3A_653 = arith.shrui %parallel_loop3A_643, %parallel_loop3A_652 : vector<16xi32>
        %parallel_loop3A_654 = arith.ori %parallel_loop3A_650, %parallel_loop3A_653 : vector<16xi32>
        %parallel_loop3A_655 = arith.constant 16 : i32
        %parallel_loop3A_656 = arith.muli %parallel_loop3A_68, %parallel_loop3A_655 : i32
        %parallel_loop3A_657 = arith.constant 19 : i32
        %parallel_loop3A_658 = arith.index_cast %parallel_loop3A_657 : i32 to index
        %parallel_loop3A_659 = arith.index_cast %parallel_loop3A_656 : i32 to index
        %parallel_loop3A_660 = tpu.vector_load %arg9[%parallel_loop3A_658, %parallel_loop3A_659] {strides = array<i32>} : memref<32x512xi32, #tpu.memory_space<vmem>>, vector<16xi32>,
        tpu.vector_store %arg9[%parallel_loop3A_658, %parallel_loop3A_659], %parallel_loop3A_654 {strides = array<i32>} : memref<32x512xi32, #tpu.memory_space<vmem>>, vector<16xi32>,
        %parallel_loop3A_661 = arith.constant 20480 : i32
        %parallel_loop3A_662 = vector.broadcast %parallel_loop3A_661 : i32 to vector<16xi32>
        %parallel_loop3A_663 = arith.addi %parallel_loop3A_74, %parallel_loop3A_662 : vector<16xi32>
        %parallel_loop3A_664 = tpu.vector_load_idx %arg5[%parallel_loop3A_663] : memref<32768xf32, #tpu.memory_space<vmem>>[vector<16xi32>], vector<16xf32>,
        %parallel_loop3A_665 = arith.constant 20480 : i32
        %parallel_loop3A_666 = vector.broadcast %parallel_loop3A_665 : i32 to vector<16xi32>
        %parallel_loop3A_667 = arith.addi %parallel_loop3A_80, %parallel_loop3A_666 : vector<16xi32>
        %parallel_loop3A_668 = tpu.vector_load_idx %arg5[%parallel_loop3A_667] : memref<32768xf32, #tpu.memory_space<vmem>>[vector<16xi32>], vector<16xf32>,
        %parallel_loop3A_669 = vector.bitcast %parallel_loop3A_664 : vector<16xf32> to vector<16xi32>
        %parallel_loop3A_670 = arith.constant 32768 : i32
        %parallel_loop3A_671 = vector.broadcast %parallel_loop3A_670 : i32 to vector<16xi32>
        %parallel_loop3A_672 = arith.addi %parallel_loop3A_669, %parallel_loop3A_671 : vector<16xi32>
        %parallel_loop3A_673 = vector.bitcast %parallel_loop3A_668 : vector<16xf32> to vector<16xi32>
        %parallel_loop3A_674 = arith.constant 32768 : i32
        %parallel_loop3A_675 = vector.broadcast %parallel_loop3A_674 : i32 to vector<16xi32>
        %parallel_loop3A_676 = arith.addi %parallel_loop3A_673, %parallel_loop3A_675 : vector<16xi32>
        %parallel_loop3A_677 = arith.constant -65536 : i32
        %parallel_loop3A_678 = vector.broadcast %parallel_loop3A_677 : i32 to vector<16xi32>
        %parallel_loop3A_679 = arith.andi %parallel_loop3A_676, %parallel_loop3A_678 : vector<16xi32>
        %parallel_loop3A_680 = arith.constant 16 : i32
        %parallel_loop3A_681 = vector.broadcast %parallel_loop3A_680 : i32 to vector<16xi32>
        %parallel_loop3A_682 = arith.shrui %parallel_loop3A_672, %parallel_loop3A_681 : vector<16xi32>
        %parallel_loop3A_683 = arith.ori %parallel_loop3A_679, %parallel_loop3A_682 : vector<16xi32>
        %parallel_loop3A_684 = arith.constant 16 : i32
        %parallel_loop3A_685 = arith.muli %parallel_loop3A_68, %parallel_loop3A_684 : i32
        %parallel_loop3A_686 = arith.constant 20 : i32
        %parallel_loop3A_687 = arith.index_cast %parallel_loop3A_686 : i32 to index
        %parallel_loop3A_688 = arith.index_cast %parallel_loop3A_685 : i32 to index
        %parallel_loop3A_689 = tpu.vector_load %arg9[%parallel_loop3A_687, %parallel_loop3A_688] {strides = array<i32>} : memref<32x512xi32, #tpu.memory_space<vmem>>, vector<16xi32>,
        tpu.vector_store %arg9[%parallel_loop3A_687, %parallel_loop3A_688], %parallel_loop3A_683 {strides = array<i32>} : memref<32x512xi32, #tpu.memory_space<vmem>>, vector<16xi32>,
        %parallel_loop3A_690 = arith.constant 21504 : i32
        %parallel_loop3A_691 = vector.broadcast %parallel_loop3A_690 : i32 to vector<16xi32>
        %parallel_loop3A_692 = arith.addi %parallel_loop3A_74, %parallel_loop3A_691 : vector<16xi32>
        %parallel_loop3A_693 = tpu.vector_load_idx %arg5[%parallel_loop3A_692] : memref<32768xf32, #tpu.memory_space<vmem>>[vector<16xi32>], vector<16xf32>,
        %parallel_loop3A_694 = arith.constant 21504 : i32
        %parallel_loop3A_695 = vector.broadcast %parallel_loop3A_694 : i32 to vector<16xi32>
        %parallel_loop3A_696 = arith.addi %parallel_loop3A_80, %parallel_loop3A_695 : vector<16xi32>
        %parallel_loop3A_697 = tpu.vector_load_idx %arg5[%parallel_loop3A_696] : memref<32768xf32, #tpu.memory_space<vmem>>[vector<16xi32>], vector<16xf32>,
        %parallel_loop3A_698 = vector.bitcast %parallel_loop3A_693 : vector<16xf32> to vector<16xi32>
        %parallel_loop3A_699 = arith.constant 32768 : i32
        %parallel_loop3A_700 = vector.broadcast %parallel_loop3A_699 : i32 to vector<16xi32>
        %parallel_loop3A_701 = arith.addi %parallel_loop3A_698, %parallel_loop3A_700 : vector<16xi32>
        %parallel_loop3A_702 = vector.bitcast %parallel_loop3A_697 : vector<16xf32> to vector<16xi32>
        %parallel_loop3A_703 = arith.constant 32768 : i32
        %parallel_loop3A_704 = vector.broadcast %parallel_loop3A_703 : i32 to vector<16xi32>
        %parallel_loop3A_705 = arith.addi %parallel_loop3A_702, %parallel_loop3A_704 : vector<16xi32>
        %parallel_loop3A_706 = arith.constant -65536 : i32
        %parallel_loop3A_707 = vector.broadcast %parallel_loop3A_706 : i32 to vector<16xi32>
        %parallel_loop3A_708 = arith.andi %parallel_loop3A_705, %parallel_loop3A_707 : vector<16xi32>
        %parallel_loop3A_709 = arith.constant 16 : i32
        %parallel_loop3A_710 = vector.broadcast %parallel_loop3A_709 : i32 to vector<16xi32>
        %parallel_loop3A_711 = arith.shrui %parallel_loop3A_701, %parallel_loop3A_710 : vector<16xi32>
        %parallel_loop3A_712 = arith.ori %parallel_loop3A_708, %parallel_loop3A_711 : vector<16xi32>
        %parallel_loop3A_713 = arith.constant 16 : i32
        %parallel_loop3A_714 = arith.muli %parallel_loop3A_68, %parallel_loop3A_713 : i32
        %parallel_loop3A_715 = arith.constant 21 : i32
        %parallel_loop3A_716 = arith.index_cast %parallel_loop3A_715 : i32 to index
        %parallel_loop3A_717 = arith.index_cast %parallel_loop3A_714 : i32 to index
        %parallel_loop3A_718 = tpu.vector_load %arg9[%parallel_loop3A_716, %parallel_loop3A_717] {strides = array<i32>} : memref<32x512xi32, #tpu.memory_space<vmem>>, vector<16xi32>,
        tpu.vector_store %arg9[%parallel_loop3A_716, %parallel_loop3A_717], %parallel_loop3A_712 {strides = array<i32>} : memref<32x512xi32, #tpu.memory_space<vmem>>, vector<16xi32>,
        %parallel_loop3A_719 = arith.constant 22528 : i32
        %parallel_loop3A_720 = vector.broadcast %parallel_loop3A_719 : i32 to vector<16xi32>
        %parallel_loop3A_721 = arith.addi %parallel_loop3A_74, %parallel_loop3A_720 : vector<16xi32>
        %parallel_loop3A_722 = tpu.vector_load_idx %arg5[%parallel_loop3A_721] : memref<32768xf32, #tpu.memory_space<vmem>>[vector<16xi32>], vector<16xf32>,
        %parallel_loop3A_723 = arith.constant 22528 : i32
        %parallel_loop3A_724 = vector.broadcast %parallel_loop3A_723 : i32 to vector<16xi32>
        %parallel_loop3A_725 = arith.addi %parallel_loop3A_80, %parallel_loop3A_724 : vector<16xi32>
        %parallel_loop3A_726 = tpu.vector_load_idx %arg5[%parallel_loop3A_725] : memref<32768xf32, #tpu.memory_space<vmem>>[vector<16xi32>], vector<16xf32>,
        %parallel_loop3A_727 = vector.bitcast %parallel_loop3A_722 : vector<16xf32> to vector<16xi32>
        %parallel_loop3A_728 = arith.constant 32768 : i32
        %parallel_loop3A_729 = vector.broadcast %parallel_loop3A_728 : i32 to vector<16xi32>
        %parallel_loop3A_730 = arith.addi %parallel_loop3A_727, %parallel_loop3A_729 : vector<16xi32>
        %parallel_loop3A_731 = vector.bitcast %parallel_loop3A_726 : vector<16xf32> to vector<16xi32>
        %parallel_loop3A_732 = arith.constant 32768 : i32
        %parallel_loop3A_733 = vector.broadcast %parallel_loop3A_732 : i32 to vector<16xi32>
        %parallel_loop3A_734 = arith.addi %parallel_loop3A_731, %parallel_loop3A_733 : vector<16xi32>
        %parallel_loop3A_735 = arith.constant -65536 : i32
        %parallel_loop3A_736 = vector.broadcast %parallel_loop3A_735 : i32 to vector<16xi32>
        %parallel_loop3A_737 = arith.andi %parallel_loop3A_734, %parallel_loop3A_736 : vector<16xi32>
        %parallel_loop3A_738 = arith.constant 16 : i32
        %parallel_loop3A_739 = vector.broadcast %parallel_loop3A_738 : i32 to vector<16xi32>
        %parallel_loop3A_740 = arith.shrui %parallel_loop3A_730, %parallel_loop3A_739 : vector<16xi32>
        %parallel_loop3A_741 = arith.ori %parallel_loop3A_737, %parallel_loop3A_740 : vector<16xi32>
        %parallel_loop3A_742 = arith.constant 16 : i32
        %parallel_loop3A_743 = arith.muli %parallel_loop3A_68, %parallel_loop3A_742 : i32
        %parallel_loop3A_744 = arith.constant 22 : i32
        %parallel_loop3A_745 = arith.index_cast %parallel_loop3A_744 : i32 to index
        %parallel_loop3A_746 = arith.index_cast %parallel_loop3A_743 : i32 to index
        %parallel_loop3A_747 = tpu.vector_load %arg9[%parallel_loop3A_745, %parallel_loop3A_746] {strides = array<i32>} : memref<32x512xi32, #tpu.memory_space<vmem>>, vector<16xi32>,
        tpu.vector_store %arg9[%parallel_loop3A_745, %parallel_loop3A_746], %parallel_loop3A_741 {strides = array<i32>} : memref<32x512xi32, #tpu.memory_space<vmem>>, vector<16xi32>,
        %parallel_loop3A_748 = arith.constant 23552 : i32
        %parallel_loop3A_749 = vector.broadcast %parallel_loop3A_748 : i32 to vector<16xi32>
        %parallel_loop3A_750 = arith.addi %parallel_loop3A_74, %parallel_loop3A_749 : vector<16xi32>
        %parallel_loop3A_751 = tpu.vector_load_idx %arg5[%parallel_loop3A_750] : memref<32768xf32, #tpu.memory_space<vmem>>[vector<16xi32>], vector<16xf32>,
        %parallel_loop3A_752 = arith.constant 23552 : i32
        %parallel_loop3A_753 = vector.broadcast %parallel_loop3A_752 : i32 to vector<16xi32>
        %parallel_loop3A_754 = arith.addi %parallel_loop3A_80, %parallel_loop3A_753 : vector<16xi32>
        %parallel_loop3A_755 = tpu.vector_load_idx %arg5[%parallel_loop3A_754] : memref<32768xf32, #tpu.memory_space<vmem>>[vector<16xi32>], vector<16xf32>,
        %parallel_loop3A_756 = vector.bitcast %parallel_loop3A_751 : vector<16xf32> to vector<16xi32>
        %parallel_loop3A_757 = arith.constant 32768 : i32
        %parallel_loop3A_758 = vector.broadcast %parallel_loop3A_757 : i32 to vector<16xi32>
        %parallel_loop3A_759 = arith.addi %parallel_loop3A_756, %parallel_loop3A_758 : vector<16xi32>
        %parallel_loop3A_760 = vector.bitcast %parallel_loop3A_755 : vector<16xf32> to vector<16xi32>
        %parallel_loop3A_761 = arith.constant 32768 : i32
        %parallel_loop3A_762 = vector.broadcast %parallel_loop3A_761 : i32 to vector<16xi32>
        %parallel_loop3A_763 = arith.addi %parallel_loop3A_760, %parallel_loop3A_762 : vector<16xi32>
        %parallel_loop3A_764 = arith.constant -65536 : i32
        %parallel_loop3A_765 = vector.broadcast %parallel_loop3A_764 : i32 to vector<16xi32>
        %parallel_loop3A_766 = arith.andi %parallel_loop3A_763, %parallel_loop3A_765 : vector<16xi32>
        %parallel_loop3A_767 = arith.constant 16 : i32
        %parallel_loop3A_768 = vector.broadcast %parallel_loop3A_767 : i32 to vector<16xi32>
        %parallel_loop3A_769 = arith.shrui %parallel_loop3A_759, %parallel_loop3A_768 : vector<16xi32>
        %parallel_loop3A_770 = arith.ori %parallel_loop3A_766, %parallel_loop3A_769 : vector<16xi32>
        %parallel_loop3A_771 = arith.constant 16 : i32
        %parallel_loop3A_772 = arith.muli %parallel_loop3A_68, %parallel_loop3A_771 : i32
        %parallel_loop3A_773 = arith.constant 23 : i32
        %parallel_loop3A_774 = arith.index_cast %parallel_loop3A_773 : i32 to index
        %parallel_loop3A_775 = arith.index_cast %parallel_loop3A_772 : i32 to index
        %parallel_loop3A_776 = tpu.vector_load %arg9[%parallel_loop3A_774, %parallel_loop3A_775] {strides = array<i32>} : memref<32x512xi32, #tpu.memory_space<vmem>>, vector<16xi32>,
        tpu.vector_store %arg9[%parallel_loop3A_774, %parallel_loop3A_775], %parallel_loop3A_770 {strides = array<i32>} : memref<32x512xi32, #tpu.memory_space<vmem>>, vector<16xi32>,
        %parallel_loop3A_777 = arith.constant 24576 : i32
        %parallel_loop3A_778 = vector.broadcast %parallel_loop3A_777 : i32 to vector<16xi32>
        %parallel_loop3A_779 = arith.addi %parallel_loop3A_74, %parallel_loop3A_778 : vector<16xi32>
        %parallel_loop3A_780 = tpu.vector_load_idx %arg5[%parallel_loop3A_779] : memref<32768xf32, #tpu.memory_space<vmem>>[vector<16xi32>], vector<16xf32>,
        %parallel_loop3A_781 = arith.constant 24576 : i32
        %parallel_loop3A_782 = vector.broadcast %parallel_loop3A_781 : i32 to vector<16xi32>
        %parallel_loop3A_783 = arith.addi %parallel_loop3A_80, %parallel_loop3A_782 : vector<16xi32>
        %parallel_loop3A_784 = tpu.vector_load_idx %arg5[%parallel_loop3A_783] : memref<32768xf32, #tpu.memory_space<vmem>>[vector<16xi32>], vector<16xf32>,
        %parallel_loop3A_785 = vector.bitcast %parallel_loop3A_780 : vector<16xf32> to vector<16xi32>
        %parallel_loop3A_786 = arith.constant 32768 : i32
        %parallel_loop3A_787 = vector.broadcast %parallel_loop3A_786 : i32 to vector<16xi32>
        %parallel_loop3A_788 = arith.addi %parallel_loop3A_785, %parallel_loop3A_787 : vector<16xi32>
        %parallel_loop3A_789 = vector.bitcast %parallel_loop3A_784 : vector<16xf32> to vector<16xi32>
        %parallel_loop3A_790 = arith.constant 32768 : i32
        %parallel_loop3A_791 = vector.broadcast %parallel_loop3A_790 : i32 to vector<16xi32>
        %parallel_loop3A_792 = arith.addi %parallel_loop3A_789, %parallel_loop3A_791 : vector<16xi32>
        %parallel_loop3A_793 = arith.constant -65536 : i32
        %parallel_loop3A_794 = vector.broadcast %parallel_loop3A_793 : i32 to vector<16xi32>
        %parallel_loop3A_795 = arith.andi %parallel_loop3A_792, %parallel_loop3A_794 : vector<16xi32>
        %parallel_loop3A_796 = arith.constant 16 : i32
        %parallel_loop3A_797 = vector.broadcast %parallel_loop3A_796 : i32 to vector<16xi32>
        %parallel_loop3A_798 = arith.shrui %parallel_loop3A_788, %parallel_loop3A_797 : vector<16xi32>
        %parallel_loop3A_799 = arith.ori %parallel_loop3A_795, %parallel_loop3A_798 : vector<16xi32>
        %parallel_loop3A_800 = arith.constant 16 : i32
        %parallel_loop3A_801 = arith.muli %parallel_loop3A_68, %parallel_loop3A_800 : i32
        %parallel_loop3A_802 = arith.constant 24 : i32
        %parallel_loop3A_803 = arith.index_cast %parallel_loop3A_802 : i32 to index
        %parallel_loop3A_804 = arith.index_cast %parallel_loop3A_801 : i32 to index
        %parallel_loop3A_805 = tpu.vector_load %arg9[%parallel_loop3A_803, %parallel_loop3A_804] {strides = array<i32>} : memref<32x512xi32, #tpu.memory_space<vmem>>, vector<16xi32>,
        tpu.vector_store %arg9[%parallel_loop3A_803, %parallel_loop3A_804], %parallel_loop3A_799 {strides = array<i32>} : memref<32x512xi32, #tpu.memory_space<vmem>>, vector<16xi32>,
        %parallel_loop3A_806 = arith.constant 25600 : i32
        %parallel_loop3A_807 = vector.broadcast %parallel_loop3A_806 : i32 to vector<16xi32>
        %parallel_loop3A_808 = arith.addi %parallel_loop3A_74, %parallel_loop3A_807 : vector<16xi32>
        %parallel_loop3A_809 = tpu.vector_load_idx %arg5[%parallel_loop3A_808] : memref<32768xf32, #tpu.memory_space<vmem>>[vector<16xi32>], vector<16xf32>,
        %parallel_loop3A_810 = arith.constant 25600 : i32
        %parallel_loop3A_811 = vector.broadcast %parallel_loop3A_810 : i32 to vector<16xi32>
        %parallel_loop3A_812 = arith.addi %parallel_loop3A_80, %parallel_loop3A_811 : vector<16xi32>
        %parallel_loop3A_813 = tpu.vector_load_idx %arg5[%parallel_loop3A_812] : memref<32768xf32, #tpu.memory_space<vmem>>[vector<16xi32>], vector<16xf32>,
        %parallel_loop3A_814 = vector.bitcast %parallel_loop3A_809 : vector<16xf32> to vector<16xi32>
        %parallel_loop3A_815 = arith.constant 32768 : i32
        %parallel_loop3A_816 = vector.broadcast %parallel_loop3A_815 : i32 to vector<16xi32>
        %parallel_loop3A_817 = arith.addi %parallel_loop3A_814, %parallel_loop3A_816 : vector<16xi32>
        %parallel_loop3A_818 = vector.bitcast %parallel_loop3A_813 : vector<16xf32> to vector<16xi32>
        %parallel_loop3A_819 = arith.constant 32768 : i32
        %parallel_loop3A_820 = vector.broadcast %parallel_loop3A_819 : i32 to vector<16xi32>
        %parallel_loop3A_821 = arith.addi %parallel_loop3A_818, %parallel_loop3A_820 : vector<16xi32>
        %parallel_loop3A_822 = arith.constant -65536 : i32
        %parallel_loop3A_823 = vector.broadcast %parallel_loop3A_822 : i32 to vector<16xi32>
        %parallel_loop3A_824 = arith.andi %parallel_loop3A_821, %parallel_loop3A_823 : vector<16xi32>
        %parallel_loop3A_825 = arith.constant 16 : i32
        %parallel_loop3A_826 = vector.broadcast %parallel_loop3A_825 : i32 to vector<16xi32>
        %parallel_loop3A_827 = arith.shrui %parallel_loop3A_817, %parallel_loop3A_826 : vector<16xi32>
        %parallel_loop3A_828 = arith.ori %parallel_loop3A_824, %parallel_loop3A_827 : vector<16xi32>
        %parallel_loop3A_829 = arith.constant 16 : i32
        %parallel_loop3A_830 = arith.muli %parallel_loop3A_68, %parallel_loop3A_829 : i32
        %parallel_loop3A_831 = arith.constant 25 : i32
        %parallel_loop3A_832 = arith.index_cast %parallel_loop3A_831 : i32 to index
        %parallel_loop3A_833 = arith.index_cast %parallel_loop3A_830 : i32 to index
        %parallel_loop3A_834 = tpu.vector_load %arg9[%parallel_loop3A_832, %parallel_loop3A_833] {strides = array<i32>} : memref<32x512xi32, #tpu.memory_space<vmem>>, vector<16xi32>,
        tpu.vector_store %arg9[%parallel_loop3A_832, %parallel_loop3A_833], %parallel_loop3A_828 {strides = array<i32>} : memref<32x512xi32, #tpu.memory_space<vmem>>, vector<16xi32>,
        %parallel_loop3A_835 = arith.constant 26624 : i32
        %parallel_loop3A_836 = vector.broadcast %parallel_loop3A_835 : i32 to vector<16xi32>
        %parallel_loop3A_837 = arith.addi %parallel_loop3A_74, %parallel_loop3A_836 : vector<16xi32>
        %parallel_loop3A_838 = tpu.vector_load_idx %arg5[%parallel_loop3A_837] : memref<32768xf32, #tpu.memory_space<vmem>>[vector<16xi32>], vector<16xf32>,
        %parallel_loop3A_839 = arith.constant 26624 : i32
        %parallel_loop3A_840 = vector.broadcast %parallel_loop3A_839 : i32 to vector<16xi32>
        %parallel_loop3A_841 = arith.addi %parallel_loop3A_80, %parallel_loop3A_840 : vector<16xi32>
        %parallel_loop3A_842 = tpu.vector_load_idx %arg5[%parallel_loop3A_841] : memref<32768xf32, #tpu.memory_space<vmem>>[vector<16xi32>], vector<16xf32>,
        %parallel_loop3A_843 = vector.bitcast %parallel_loop3A_838 : vector<16xf32> to vector<16xi32>
        %parallel_loop3A_844 = arith.constant 32768 : i32
        %parallel_loop3A_845 = vector.broadcast %parallel_loop3A_844 : i32 to vector<16xi32>
        %parallel_loop3A_846 = arith.addi %parallel_loop3A_843, %parallel_loop3A_845 : vector<16xi32>
        %parallel_loop3A_847 = vector.bitcast %parallel_loop3A_842 : vector<16xf32> to vector<16xi32>
        %parallel_loop3A_848 = arith.constant 32768 : i32
        %parallel_loop3A_849 = vector.broadcast %parallel_loop3A_848 : i32 to vector<16xi32>
        %parallel_loop3A_850 = arith.addi %parallel_loop3A_847, %parallel_loop3A_849 : vector<16xi32>
        %parallel_loop3A_851 = arith.constant -65536 : i32
        %parallel_loop3A_852 = vector.broadcast %parallel_loop3A_851 : i32 to vector<16xi32>
        %parallel_loop3A_853 = arith.andi %parallel_loop3A_850, %parallel_loop3A_852 : vector<16xi32>
        %parallel_loop3A_854 = arith.constant 16 : i32
        %parallel_loop3A_855 = vector.broadcast %parallel_loop3A_854 : i32 to vector<16xi32>
        %parallel_loop3A_856 = arith.shrui %parallel_loop3A_846, %parallel_loop3A_855 : vector<16xi32>
        %parallel_loop3A_857 = arith.ori %parallel_loop3A_853, %parallel_loop3A_856 : vector<16xi32>
        %parallel_loop3A_858 = arith.constant 16 : i32
        %parallel_loop3A_859 = arith.muli %parallel_loop3A_68, %parallel_loop3A_858 : i32
        %parallel_loop3A_860 = arith.constant 26 : i32
        %parallel_loop3A_861 = arith.index_cast %parallel_loop3A_860 : i32 to index
        %parallel_loop3A_862 = arith.index_cast %parallel_loop3A_859 : i32 to index
        %parallel_loop3A_863 = tpu.vector_load %arg9[%parallel_loop3A_861, %parallel_loop3A_862] {strides = array<i32>} : memref<32x512xi32, #tpu.memory_space<vmem>>, vector<16xi32>,
        tpu.vector_store %arg9[%parallel_loop3A_861, %parallel_loop3A_862], %parallel_loop3A_857 {strides = array<i32>} : memref<32x512xi32, #tpu.memory_space<vmem>>, vector<16xi32>,
        %parallel_loop3A_864 = arith.constant 27648 : i32
        %parallel_loop3A_865 = vector.broadcast %parallel_loop3A_864 : i32 to vector<16xi32>
        %parallel_loop3A_866 = arith.addi %parallel_loop3A_74, %parallel_loop3A_865 : vector<16xi32>
        %parallel_loop3A_867 = tpu.vector_load_idx %arg5[%parallel_loop3A_866] : memref<32768xf32, #tpu.memory_space<vmem>>[vector<16xi32>], vector<16xf32>,
        %parallel_loop3A_868 = arith.constant 27648 : i32
        %parallel_loop3A_869 = vector.broadcast %parallel_loop3A_868 : i32 to vector<16xi32>
        %parallel_loop3A_870 = arith.addi %parallel_loop3A_80, %parallel_loop3A_869 : vector<16xi32>
        %parallel_loop3A_871 = tpu.vector_load_idx %arg5[%parallel_loop3A_870] : memref<32768xf32, #tpu.memory_space<vmem>>[vector<16xi32>], vector<16xf32>,
        %parallel_loop3A_872 = vector.bitcast %parallel_loop3A_867 : vector<16xf32> to vector<16xi32>
        %parallel_loop3A_873 = arith.constant 32768 : i32
        %parallel_loop3A_874 = vector.broadcast %parallel_loop3A_873 : i32 to vector<16xi32>
        %parallel_loop3A_875 = arith.addi %parallel_loop3A_872, %parallel_loop3A_874 : vector<16xi32>
        %parallel_loop3A_876 = vector.bitcast %parallel_loop3A_871 : vector<16xf32> to vector<16xi32>
        %parallel_loop3A_877 = arith.constant 32768 : i32
        %parallel_loop3A_878 = vector.broadcast %parallel_loop3A_877 : i32 to vector<16xi32>
        %parallel_loop3A_879 = arith.addi %parallel_loop3A_876, %parallel_loop3A_878 : vector<16xi32>
        %parallel_loop3A_880 = arith.constant -65536 : i32
        %parallel_loop3A_881 = vector.broadcast %parallel_loop3A_880 : i32 to vector<16xi32>
        %parallel_loop3A_882 = arith.andi %parallel_loop3A_879, %parallel_loop3A_881 : vector<16xi32>
        %parallel_loop3A_883 = arith.constant 16 : i32
        %parallel_loop3A_884 = vector.broadcast %parallel_loop3A_883 : i32 to vector<16xi32>
        %parallel_loop3A_885 = arith.shrui %parallel_loop3A_875, %parallel_loop3A_884 : vector<16xi32>
        %parallel_loop3A_886 = arith.ori %parallel_loop3A_882, %parallel_loop3A_885 : vector<16xi32>
        %parallel_loop3A_887 = arith.constant 16 : i32
        %parallel_loop3A_888 = arith.muli %parallel_loop3A_68, %parallel_loop3A_887 : i32
        %parallel_loop3A_889 = arith.constant 27 : i32
        %parallel_loop3A_890 = arith.index_cast %parallel_loop3A_889 : i32 to index
        %parallel_loop3A_891 = arith.index_cast %parallel_loop3A_888 : i32 to index
        %parallel_loop3A_892 = tpu.vector_load %arg9[%parallel_loop3A_890, %parallel_loop3A_891] {strides = array<i32>} : memref<32x512xi32, #tpu.memory_space<vmem>>, vector<16xi32>,
        tpu.vector_store %arg9[%parallel_loop3A_890, %parallel_loop3A_891], %parallel_loop3A_886 {strides = array<i32>} : memref<32x512xi32, #tpu.memory_space<vmem>>, vector<16xi32>,
        %parallel_loop3A_893 = arith.constant 28672 : i32
        %parallel_loop3A_894 = vector.broadcast %parallel_loop3A_893 : i32 to vector<16xi32>
        %parallel_loop3A_895 = arith.addi %parallel_loop3A_74, %parallel_loop3A_894 : vector<16xi32>
        %parallel_loop3A_896 = tpu.vector_load_idx %arg5[%parallel_loop3A_895] : memref<32768xf32, #tpu.memory_space<vmem>>[vector<16xi32>], vector<16xf32>,
        %parallel_loop3A_897 = arith.constant 28672 : i32
        %parallel_loop3A_898 = vector.broadcast %parallel_loop3A_897 : i32 to vector<16xi32>
        %parallel_loop3A_899 = arith.addi %parallel_loop3A_80, %parallel_loop3A_898 : vector<16xi32>
        %parallel_loop3A_900 = tpu.vector_load_idx %arg5[%parallel_loop3A_899] : memref<32768xf32, #tpu.memory_space<vmem>>[vector<16xi32>], vector<16xf32>,
        %parallel_loop3A_901 = vector.bitcast %parallel_loop3A_896 : vector<16xf32> to vector<16xi32>
        %parallel_loop3A_902 = arith.constant 32768 : i32
        %parallel_loop3A_903 = vector.broadcast %parallel_loop3A_902 : i32 to vector<16xi32>
        %parallel_loop3A_904 = arith.addi %parallel_loop3A_901, %parallel_loop3A_903 : vector<16xi32>
        %parallel_loop3A_905 = vector.bitcast %parallel_loop3A_900 : vector<16xf32> to vector<16xi32>
        %parallel_loop3A_906 = arith.constant 32768 : i32
        %parallel_loop3A_907 = vector.broadcast %parallel_loop3A_906 : i32 to vector<16xi32>
        %parallel_loop3A_908 = arith.addi %parallel_loop3A_905, %parallel_loop3A_907 : vector<16xi32>
        %parallel_loop3A_909 = arith.constant -65536 : i32
        %parallel_loop3A_910 = vector.broadcast %parallel_loop3A_909 : i32 to vector<16xi32>
        %parallel_loop3A_911 = arith.andi %parallel_loop3A_908, %parallel_loop3A_910 : vector<16xi32>
        %parallel_loop3A_912 = arith.constant 16 : i32
        %parallel_loop3A_913 = vector.broadcast %parallel_loop3A_912 : i32 to vector<16xi32>
        %parallel_loop3A_914 = arith.shrui %parallel_loop3A_904, %parallel_loop3A_913 : vector<16xi32>
        %parallel_loop3A_915 = arith.ori %parallel_loop3A_911, %parallel_loop3A_914 : vector<16xi32>
        %parallel_loop3A_916 = arith.constant 16 : i32
        %parallel_loop3A_917 = arith.muli %parallel_loop3A_68, %parallel_loop3A_916 : i32
        %parallel_loop3A_918 = arith.constant 28 : i32
        %parallel_loop3A_919 = arith.index_cast %parallel_loop3A_918 : i32 to index
        %parallel_loop3A_920 = arith.index_cast %parallel_loop3A_917 : i32 to index
        %parallel_loop3A_921 = tpu.vector_load %arg9[%parallel_loop3A_919, %parallel_loop3A_920] {strides = array<i32>} : memref<32x512xi32, #tpu.memory_space<vmem>>, vector<16xi32>,
        tpu.vector_store %arg9[%parallel_loop3A_919, %parallel_loop3A_920], %parallel_loop3A_915 {strides = array<i32>} : memref<32x512xi32, #tpu.memory_space<vmem>>, vector<16xi32>,
        %parallel_loop3A_922 = arith.constant 29696 : i32
        %parallel_loop3A_923 = vector.broadcast %parallel_loop3A_922 : i32 to vector<16xi32>
        %parallel_loop3A_924 = arith.addi %parallel_loop3A_74, %parallel_loop3A_923 : vector<16xi32>
        %parallel_loop3A_925 = tpu.vector_load_idx %arg5[%parallel_loop3A_924] : memref<32768xf32, #tpu.memory_space<vmem>>[vector<16xi32>], vector<16xf32>,
        %parallel_loop3A_926 = arith.constant 29696 : i32
        %parallel_loop3A_927 = vector.broadcast %parallel_loop3A_926 : i32 to vector<16xi32>
        %parallel_loop3A_928 = arith.addi %parallel_loop3A_80, %parallel_loop3A_927 : vector<16xi32>
        %parallel_loop3A_929 = tpu.vector_load_idx %arg5[%parallel_loop3A_928] : memref<32768xf32, #tpu.memory_space<vmem>>[vector<16xi32>], vector<16xf32>,
        %parallel_loop3A_930 = vector.bitcast %parallel_loop3A_925 : vector<16xf32> to vector<16xi32>
        %parallel_loop3A_931 = arith.constant 32768 : i32
        %parallel_loop3A_932 = vector.broadcast %parallel_loop3A_931 : i32 to vector<16xi32>
        %parallel_loop3A_933 = arith.addi %parallel_loop3A_930, %parallel_loop3A_932 : vector<16xi32>
        %parallel_loop3A_934 = vector.bitcast %parallel_loop3A_929 : vector<16xf32> to vector<16xi32>
        %parallel_loop3A_935 = arith.constant 32768 : i32
        %parallel_loop3A_936 = vector.broadcast %parallel_loop3A_935 : i32 to vector<16xi32>
        %parallel_loop3A_937 = arith.addi %parallel_loop3A_934, %parallel_loop3A_936 : vector<16xi32>
        %parallel_loop3A_938 = arith.constant -65536 : i32
        %parallel_loop3A_939 = vector.broadcast %parallel_loop3A_938 : i32 to vector<16xi32>
        %parallel_loop3A_940 = arith.andi %parallel_loop3A_937, %parallel_loop3A_939 : vector<16xi32>
        %parallel_loop3A_941 = arith.constant 16 : i32
        %parallel_loop3A_942 = vector.broadcast %parallel_loop3A_941 : i32 to vector<16xi32>
        %parallel_loop3A_943 = arith.shrui %parallel_loop3A_933, %parallel_loop3A_942 : vector<16xi32>
        %parallel_loop3A_944 = arith.ori %parallel_loop3A_940, %parallel_loop3A_943 : vector<16xi32>
        %parallel_loop3A_945 = arith.constant 16 : i32
        %parallel_loop3A_946 = arith.muli %parallel_loop3A_68, %parallel_loop3A_945 : i32
        %parallel_loop3A_947 = arith.constant 29 : i32
        %parallel_loop3A_948 = arith.index_cast %parallel_loop3A_947 : i32 to index
        %parallel_loop3A_949 = arith.index_cast %parallel_loop3A_946 : i32 to index
        %parallel_loop3A_950 = tpu.vector_load %arg9[%parallel_loop3A_948, %parallel_loop3A_949] {strides = array<i32>} : memref<32x512xi32, #tpu.memory_space<vmem>>, vector<16xi32>,
        tpu.vector_store %arg9[%parallel_loop3A_948, %parallel_loop3A_949], %parallel_loop3A_944 {strides = array<i32>} : memref<32x512xi32, #tpu.memory_space<vmem>>, vector<16xi32>,
        %parallel_loop3A_951 = arith.constant 30720 : i32
        %parallel_loop3A_952 = vector.broadcast %parallel_loop3A_951 : i32 to vector<16xi32>
        %parallel_loop3A_953 = arith.addi %parallel_loop3A_74, %parallel_loop3A_952 : vector<16xi32>
        %parallel_loop3A_954 = tpu.vector_load_idx %arg5[%parallel_loop3A_953] : memref<32768xf32, #tpu.memory_space<vmem>>[vector<16xi32>], vector<16xf32>,
        %parallel_loop3A_955 = arith.constant 30720 : i32
        %parallel_loop3A_956 = vector.broadcast %parallel_loop3A_955 : i32 to vector<16xi32>
        %parallel_loop3A_957 = arith.addi %parallel_loop3A_80, %parallel_loop3A_956 : vector<16xi32>
        %parallel_loop3A_958 = tpu.vector_load_idx %arg5[%parallel_loop3A_957] : memref<32768xf32, #tpu.memory_space<vmem>>[vector<16xi32>], vector<16xf32>,
        %parallel_loop3A_959 = vector.bitcast %parallel_loop3A_954 : vector<16xf32> to vector<16xi32>
        %parallel_loop3A_960 = arith.constant 32768 : i32
        %parallel_loop3A_961 = vector.broadcast %parallel_loop3A_960 : i32 to vector<16xi32>
        %parallel_loop3A_962 = arith.addi %parallel_loop3A_959, %parallel_loop3A_961 : vector<16xi32>
        %parallel_loop3A_963 = vector.bitcast %parallel_loop3A_958 : vector<16xf32> to vector<16xi32>
        %parallel_loop3A_964 = arith.constant 32768 : i32
        %parallel_loop3A_965 = vector.broadcast %parallel_loop3A_964 : i32 to vector<16xi32>
        %parallel_loop3A_966 = arith.addi %parallel_loop3A_963, %parallel_loop3A_965 : vector<16xi32>
        %parallel_loop3A_967 = arith.constant -65536 : i32
        %parallel_loop3A_968 = vector.broadcast %parallel_loop3A_967 : i32 to vector<16xi32>
        %parallel_loop3A_969 = arith.andi %parallel_loop3A_966, %parallel_loop3A_968 : vector<16xi32>
        %parallel_loop3A_970 = arith.constant 16 : i32
        %parallel_loop3A_971 = vector.broadcast %parallel_loop3A_970 : i32 to vector<16xi32>
        %parallel_loop3A_972 = arith.shrui %parallel_loop3A_962, %parallel_loop3A_971 : vector<16xi32>
        %parallel_loop3A_973 = arith.ori %parallel_loop3A_969, %parallel_loop3A_972 : vector<16xi32>
        %parallel_loop3A_974 = arith.constant 16 : i32
        %parallel_loop3A_975 = arith.muli %parallel_loop3A_68, %parallel_loop3A_974 : i32
        %parallel_loop3A_976 = arith.constant 30 : i32
        %parallel_loop3A_977 = arith.index_cast %parallel_loop3A_976 : i32 to index
        %parallel_loop3A_978 = arith.index_cast %parallel_loop3A_975 : i32 to index
        %parallel_loop3A_979 = tpu.vector_load %arg9[%parallel_loop3A_977, %parallel_loop3A_978] {strides = array<i32>} : memref<32x512xi32, #tpu.memory_space<vmem>>, vector<16xi32>,
        tpu.vector_store %arg9[%parallel_loop3A_977, %parallel_loop3A_978], %parallel_loop3A_973 {strides = array<i32>} : memref<32x512xi32, #tpu.memory_space<vmem>>, vector<16xi32>,
        %parallel_loop3A_980 = arith.constant 31744 : i32
        %parallel_loop3A_981 = vector.broadcast %parallel_loop3A_980 : i32 to vector<16xi32>
        %parallel_loop3A_982 = arith.addi %parallel_loop3A_74, %parallel_loop3A_981 : vector<16xi32>
        %parallel_loop3A_983 = tpu.vector_load_idx %arg5[%parallel_loop3A_982] : memref<32768xf32, #tpu.memory_space<vmem>>[vector<16xi32>], vector<16xf32>,
        %parallel_loop3A_984 = arith.constant 31744 : i32
        %parallel_loop3A_985 = vector.broadcast %parallel_loop3A_984 : i32 to vector<16xi32>
        %parallel_loop3A_986 = arith.addi %parallel_loop3A_80, %parallel_loop3A_985 : vector<16xi32>
        %parallel_loop3A_987 = tpu.vector_load_idx %arg5[%parallel_loop3A_986] : memref<32768xf32, #tpu.memory_space<vmem>>[vector<16xi32>], vector<16xf32>,
        %parallel_loop3A_988 = vector.bitcast %parallel_loop3A_983 : vector<16xf32> to vector<16xi32>
        %parallel_loop3A_989 = arith.constant 32768 : i32
        %parallel_loop3A_990 = vector.broadcast %parallel_loop3A_989 : i32 to vector<16xi32>
        %parallel_loop3A_991 = arith.addi %parallel_loop3A_988, %parallel_loop3A_990 : vector<16xi32>
        %parallel_loop3A_992 = vector.bitcast %parallel_loop3A_987 : vector<16xf32> to vector<16xi32>
        %parallel_loop3A_993 = arith.constant 32768 : i32
        %parallel_loop3A_994 = vector.broadcast %parallel_loop3A_993 : i32 to vector<16xi32>
        %parallel_loop3A_995 = arith.addi %parallel_loop3A_992, %parallel_loop3A_994 : vector<16xi32>
        %parallel_loop3A_996 = arith.constant -65536 : i32
        %parallel_loop3A_997 = vector.broadcast %parallel_loop3A_996 : i32 to vector<16xi32>
        %parallel_loop3A_998 = arith.andi %parallel_loop3A_995, %parallel_loop3A_997 : vector<16xi32>
        %parallel_loop3A_999 = arith.constant 16 : i32
        %parallel_loop3A_1000 = vector.broadcast %parallel_loop3A_999 : i32 to vector<16xi32>
        %parallel_loop3A_1001 = arith.shrui %parallel_loop3A_991, %parallel_loop3A_1000 : vector<16xi32>
        %parallel_loop3A_1002 = arith.ori %parallel_loop3A_998, %parallel_loop3A_1001 : vector<16xi32>
        %parallel_loop3A_1003 = arith.constant 16 : i32
        %parallel_loop3A_1004 = arith.muli %parallel_loop3A_68, %parallel_loop3A_1003 : i32
        %parallel_loop3A_1005 = arith.constant 31 : i32
        %parallel_loop3A_1006 = arith.index_cast %parallel_loop3A_1005 : i32 to index
        %parallel_loop3A_1007 = arith.index_cast %parallel_loop3A_1004 : i32 to index
        %parallel_loop3A_1008 = tpu.vector_load %arg9[%parallel_loop3A_1006, %parallel_loop3A_1007] {strides = array<i32>} : memref<32x512xi32, #tpu.memory_space<vmem>>, vector<16xi32>,
        tpu.vector_store %arg9[%parallel_loop3A_1006, %parallel_loop3A_1007], %parallel_loop3A_1002 {strides = array<i32>} : memref<32x512xi32, #tpu.memory_space<vmem>>, vector<16xi32>,
      } {sc.loop_unroll_factor = 8 : i64, sc.parallel_access}
      %mul3A_64 = arith.constant 32 : i32
      %mul3A_65 = arith.muli %add3A_44, %mul3A_64 : i32
      %dma_start3A_66 = tpu.memref_slice %arg4[%mul3A_65, %mul3A_2] : memref<3200x16384xi32, #tpu.memory_space<hbm>> -> memref<32x512xi32, #tpu.memory_space<hbm>>
      %dma_start3A_67 = tpu.memref_slice %arg4[%mul3A_65, %mul3A_2] : memref<3200x16384xi32, #tpu.memory_space<hbm>> -> memref<32x512xi32, #tpu.memory_space<hbm>>
      tpu.enqueue_dma source(%arg9 : memref<32x512xi32, #tpu.memory_space<vmem>>) target(%dma_start3A_67 : memref<32x512xi32, #tpu.memory_space<hbm>>) target_semaphore(%arg13 : memref<!tpu.dma_semaphore, #tpu.memory_space<semaphore_mem>>)
    }
    %scan3A_10 = arith.constant 50 : i32
    %dma_wait3A = arith.constant 0 : i32
    %dma_wait3A_11 = tpu.memref_slice %arg4[%dma_wait3A, %mul3A_2] : memref<3200x16384xi32, #tpu.memory_space<hbm>> -> memref<32x512xi32, #tpu.memory_space<hbm>>
    %dma_wait3A_12 = arith.constant 0 : i32
    %dma_wait3A_13 = tpu.memref_slice %arg4[%dma_wait3A_12, %mul3A_2] : memref<3200x16384xi32, #tpu.memory_space<hbm>> -> memref<32x512xi32, #tpu.memory_space<hbm>>
    tpu.wait_dma2 semaphore(%arg12 : memref<!tpu.dma_semaphore, #tpu.memory_space<semaphore_mem>>) src(%arg8 : memref<32x512xi32, #tpu.memory_space<vmem>>) dst(%dma_wait3A_13 : memref<32x512xi32, #tpu.memory_space<hbm>>)
    %dma_wait3A_14 = arith.constant 0 : i32
    %dma_wait3A_15 = tpu.memref_slice %arg4[%dma_wait3A_14, %mul3A_2] : memref<3200x16384xi32, #tpu.memory_space<hbm>> -> memref<32x512xi32, #tpu.memory_space<hbm>>
    %dma_wait3A_16 = arith.constant 0 : i32
    %dma_wait3A_17 = tpu.memref_slice %arg4[%dma_wait3A_16, %mul3A_2] : memref<3200x16384xi32, #tpu.memory_space<hbm>> -> memref<32x512xi32, #tpu.memory_space<hbm>>
    tpu.wait_dma2 semaphore(%arg13 : memref<!tpu.dma_semaphore, #tpu.memory_space<semaphore_mem>>) src(%arg9 : memref<32x512xi32, #tpu.memory_space<vmem>>) dst(%dma_wait3A_17 : memref<32x512xi32, #tpu.memory_space<hbm>>)
    return
  }
}

module attributes {stable_mosaic.version = 14 : i64} {
  func.func @body(%arg0: i32, %arg1: i32, %arg2: memref<32x4096xf32, #tpu.memory_space<vmem>>, %arg3: memref<32x4096xi32, #tpu.memory_space<vmem>>, %arg4: memref<64x32xf32, #tpu.memory_space<vmem>>, %arg5: memref<64x128xf32, #tpu.memory_space<vmem>>, %arg6: memref<64x4096xf32, #tpu.memory_space<vmem>>) attributes {dimension_semantics = [#tpu.dimension_semantics<arbitrary>, #tpu.dimension_semantics<arbitrary>], iteration_bounds = array<i64: 100, 4>, scalar_prefetch = 0 : i64, scratch_operands = 0 : i64, tpu.core_type = #tpu.core_type<tc>, window_params = [{transform_indices = @transform_0, window_bounds = array<i64: 32, 4096>}, {transform_indices = @transform_1, window_bounds = array<i64: 32, 4096>}, {pipeline_mode = #tpu.pipeline_mode<synchronous>, transform_indices = @transform_2, window_bounds = array<i64: 64, 32>}, {pipeline_mode = #tpu.pipeline_mode<synchronous>, transform_indices = @transform_3, window_bounds = array<i64: 64, 128>}, {transform_indices = @transform_4, window_bounds = array<i64: 64, 4096>}]} {
    %get3A = arith.constant 0 : index
    %get3A_0 = arith.constant 0 : index
    %get3A_1 = vector.load %arg4[%get3A, %get3A_0] : memref<64x32xf32, #tpu.memory_space<vmem>>, vector<64x32xf32>
    %get3A_2 = arith.constant 0 : index
    %get3A_3 = arith.constant 0 : index
    %get3A_4 = vector.load %arg2[%get3A_2, %get3A_3] : memref<32x4096xf32, #tpu.memory_space<vmem>>, vector<32x4096xf32>
    %dot_general3A = arith.constant dense<0.000000e+00> : vector<64x4096xf32>
    %dot_general3A_5 = tpu.matmul %get3A_1, %get3A_4, %dot_general3A {dimension_numbers = #tpu.dot_dimension_numbers<[1], [0], [0], [1], [0, 0, 1, 1], [], []>, transpose_lhs_hint = false} : vector<64x32xf32>, vector<32x4096xf32>, vector<64x4096xf32> -> vector<64x4096xf32>
    %get3A_6 = arith.constant 0 : index
    %get3A_7 = arith.constant 0 : index
    %get3A_8 = vector.load %arg3[%get3A_6, %get3A_7] : memref<32x4096xi32, #tpu.memory_space<vmem>>, vector<32x4096xi32>
    %shift_left3A = arith.constant 16 : i32
    %shift_left3A_9 = vector.broadcast %shift_left3A : i32 to vector<32x4096xi32>
    %shift_left3A_10 = arith.shli %get3A_8, %shift_left3A_9 : vector<32x4096xi32>
    %bitcast_convert_type3A = tpu.bitcast %shift_left3A_10 : vector<32x4096xi32> -> vector<32x4096xf32>
    %and3A = arith.constant -65536 : i32
    %and3A_11 = vector.broadcast %and3A : i32 to vector<32x4096xi32>
    %and3A_12 = arith.andi %get3A_8, %and3A_11 : vector<32x4096xi32>
    %bitcast_convert_type3A_13 = tpu.bitcast %and3A_12 : vector<32x4096xi32> -> vector<32x4096xf32>
    %get3A_14 = arith.constant 0 : index
    %get3A_15 = arith.constant 0 : index
    %get3A_16 = vector.load %arg5[%get3A_14, %get3A_15] : memref<64x128xf32, #tpu.memory_space<vmem>>, vector<64x1xf32>
    %add3A = vector.broadcast %get3A_16 : vector<64x1xf32> to vector<64x4096xf32>
    %add3A_17 = arith.addf %dot_general3A_5, %add3A : vector<64x4096xf32>
    %concatenate3A = tpu.concatenate %bitcast_convert_type3A, %bitcast_convert_type3A_13 in 0 : vector<32x4096xf32>, vector<32x4096xf32> -> vector<64x4096xf32>
    %add3A_18 = arith.addf %add3A_17, %concatenate3A : vector<64x4096xf32>
    %swap3A = arith.constant 0 : index
    %swap3A_19 = arith.constant 0 : index
    %swap3A_20 = vector.load %arg6[%swap3A, %swap3A_19] : memref<64x4096xf32, #tpu.memory_space<vmem>>, vector<64x4096xf32>
    tpu.vector_store %arg6[%swap3A, %swap3A_19], %add3A_18 {strides = array<i32>} : memref<64x4096xf32, #tpu.memory_space<vmem>>, vector<64x4096xf32>,
    return
  }
  func.func @transform_0(%arg0: i32, %arg1: i32) -> (i32, i32) {
    %c0_i32 = arith.constant 0 : i32
    return %arg0, %arg1 : i32, i32
  }
  func.func @transform_1(%arg0: i32, %arg1: i32) -> (i32, i32) {
    %c0_i32 = arith.constant 0 : i32
    return %arg0, %arg1 : i32, i32
  }
  func.func @transform_2(%arg0: i32, %arg1: i32) -> (i32, i32) {
    %c0_i32 = arith.constant 0 : i32
    %c0_i32_0 = arith.constant 0 : i32
    %c0_i32_1 = arith.constant 0 : i32
    return %c0_i32, %c0_i32_0 : i32, i32
  }
  func.func @transform_3(%arg0: i32, %arg1: i32) -> (i32, i32) {
    %c0_i32 = arith.constant 0 : i32
    %c0_i32_0 = arith.constant 0 : i32
    %c0_i32_1 = arith.constant 0 : i32
    return %c0_i32, %c0_i32_0 : i32, i32
  }
  func.func @transform_4(%arg0: i32, %arg1: i32) -> (i32, i32) {
    %c0_i32 = arith.constant 0 : i32
    return %arg0, %arg1 : i32, i32
  }
}

</mosaic_0001>

<sc_bundles>
// kernel: kernel.4.cloned.1.call-start
scs
__scs_entry_jumppad:
0x0: {  	(pc) =	sbr.rel $0x88, $3  }
0x1: {  	(tag) =	ssettag $0x0;
	lr =	simm.s32 $0x1  }
0x2: {  	[smem:$0x3F9C] =	sst lr;
	_ =	strace $0xD0000000  }
0x3: {  	_ = 	snop  }
0x4: {  	_ = 	snop  }
0x5: {  	_ = 	snop  }
0x6: {  	_ = 	snop  }
0x7: {  	_ = 	snop  }
__scs_overlays_trampoline_lowered:
0x8: {  	[smem:$0x3FAB] =	sst s0  }
0x9: {  	[smem:$0x3FAC] =	sst s1  }
0xa: {  	[smem:$0x3FAD] =	sst s2  }
0xb: {  	[smem:$0x3FAE] =	sst s3  }
0xc: {  	[smem:$0x3FAF] =	sst s4  }
0xd: {  	[smem:$0x3FB0] =	sst s5  }
0xe: {  	[smem:$0x3FB1] =	sst s6  }
0xf: {  	[smem:$0x3FB2] =	sst s7  }
0x10: {  	[smem:$0x3FB3] =	sst s8  }
0x11: {  	[smem:$0x3FB4] =	sst s9;
	s0 =	simm.s32 @!p0 $0x0  }
0x12: {  	s1 =	sld [smem:$0x3F9A];
	s0 =	simm.s32 @p0 $0x1  }
0x13: {  	[smem:$0x3FB5] =	sst s0;
	s0 =	simm.s32 @!p1 $0x0  }
0x14: {  	s2 =	sld [smem:$0x3F99];
	s0 =	simm.s32 @p1 $0x1  }
0x15: {  	[smem:$0x3FB6] =	sst s0;
	s0 =	simm.s32 @!p2 $0x0  }
0x16: {  	s3 =	sld [smem:$0x3FDB];
	s0 =	simm.s32 @p2 $0x1  }
0x17: {  	s4 =	simm.s32 $0x1BF5;
	[smem:$0x3FB8] =	sst s0  }
0x18: {  	s0 =	sld [smem:$0x3F9B];
	_ =	swait.ge [sflag:s4], $0x0  }
0x19: {  	s7 =	sld [smem:$0x3F9C]  }
0x1a: {  	s8 =	sadd.s32 $0xFFFFE003, lr  }
0x1b: {  	s9 =	sadd.s32 $0xFFFFFEF7, lr;
	s5 =	simm.s32 $0xFFFFFFFF;
	p2 =	slt.u32 s8, $0xFFFFF086  }
0x1c: {  	p1 =	slt.u32 s9, $0xF7A;
	s5 =	simm.s32 @!p2 $0x0  }
0x1d: {  	s5 =	simm.s32 @p1 $0x1;
	p0 =	seq.s32 s7, s2  }
0x1e: {  	s7 =	smul.u32 @!p0 $0xF7A, s2;
	p2 =	seq.s32 @!p0 s5, $0x0  }
0x1f: {  	s9 =	smul.u32 $0xF7A, s1;
	s8 =	simm.s32 @!p0 $0x1BF5;
	p2 =	por !p2, p0  }
0x20: {  	[sflag:s8] =	ssyncset.s32 @!p0 $0xFFFFF086;
	s6 =	sadd.s32 @!p0 s3, s7;
	s7 =	simm.s32 @!p0 $0x108  }
0x21: {  	s3 =	sadd.s32 s3, s9;
	s6 =	sadd.s32 @!p0 $0x88, s6;
	s7 =	simm.s32 @p2 $0x1082  }
0x22: {  	[simem:s7], [sflag:s8] =	dma.local @!p0 [hbm:s6], $0xF7A  }
0x23: {  	s9 =	sor.u32 $0xD0000000, s2;
	s6 =	simm.s32 $0x108;
	_ =	swait.ge @!p0 [sflag:s8], $0x0  }
0x24: {  	s3 =	sadd.s32 $0x88, s3;
	s6 =	simm.s32 @!p1 $0x1082;
	[sflag:s4] =	ssyncset.s32 $0xFFFFF086  }
0x25: {  	[simem:s6], [sflag:s4] =	dma.local [hbm:s3], $0xF7A  }
0x26: {  	[smem:$0x3F9C] =	sst s1;
	(tag) =	ssettag s2;
	_ =	strace s9  }
0x27: {  	s1 =	sld [smem:$0x3FAC]  }
0x28: {  	s2 =	sld [smem:$0x3FAD]  }
0x29: {  	s4 =	sld [smem:$0x3FAF]  }
0x2a: {  	p0 =	seq.s32 s5, $0x0;
	s5 =	sld [smem:$0x3FB0]  }
0x2b: {  	s6 =	sld [smem:$0x3FB1]  }
0x2c: {  	s7 =	sld [smem:$0x3FB2]  }
0x2d: {  	s3 =	simm.s32 $0x108;
	s8 =	sld [smem:$0x3FB3]  }
0x2e: {  	s3 =	simm.s32 @!p0 $0x1082;
	s9 =	sld [smem:$0x3FB4]  }
0x2f: {  	lr =	sadd.s32 s0, s3;
	s0 =	sld [smem:$0x3FAB]  }
0x30: {  	s3 =	sld [smem:$0x3FAE]  }
0x31: {  	[smem:$0x3FB7] =	sst s10  }
0x32: {  	s10 =	sld [smem:$0x3FB5];
	_ =	sdelay $0x3  }
0x33: {  	p0 =	seq.s32 s10, $0x1;
	s10 =	sld [smem:$0x3FB7];
	_ =	sdelay $0x3  }
0x34: {  	[smem:$0x3FB7] =	sst s10  }
0x35: {  	s10 =	sld [smem:$0x3FB6];
	_ =	sdelay $0x3  }
0x36: {  	p1 =	seq.s32 s10, $0x1;
	s10 =	sld [smem:$0x3FB7];
	_ =	sdelay $0x3  }
0x37: {  	[smem:$0x3FB7] =	sst s10  }
0x38: {  	s10 =	sld [smem:$0x3FB8]  }
0x39: {  	_ = 	snop;
	(pc) =	sbr.ind lr, $3  }
0x3a: {  	_ = 	snop  }
0x3b: {  	_ = 	snop  }
0x3c: {  	p2 =	seq.s32 s10, $0x1;
	s10 =	sld [smem:$0x3FB7]  }
0x3d: {  	_ =	shalt  }
0x3e: {  	_ =	shalt  }
0x3f: {  	_ =	shalt  }
0x40: {  	_ =	shalt  }
0x41: {  	_ =	shalt  }
0x42: {  	_ =	shalt  }
0x43: {  	_ =	shalt  }
0x44: {  	_ =	shalt  }
0x45: {  	_ =	shalt  }
0x46: {  	_ =	shalt  }
0x47: {  	_ =	shalt  }
0x48: {  	_ =	shalt  }
0x49: {  	_ =	shalt  }
0x4a: {  	_ =	shalt  }
0x4b: {  	_ =	shalt  }
0x4c: {  	_ =	shalt  }
0x4d: {  	_ =	shalt  }
0x4e: {  	_ =	shalt  }
0x4f: {  	_ =	shalt  }
0x50: {  	_ =	shalt  }
0x51: {  	_ =	shalt  }
0x52: {  	_ =	shalt  }
0x53: {  	_ =	shalt  }
0x54: {  	_ =	shalt  }
0x55: {  	_ =	shalt  }
0x56: {  	_ =	shalt  }
0x57: {  	_ =	shalt  }
0x58: {  	_ =	shalt  }
0x59: {  	_ =	shalt  }
0x5a: {  	_ =	shalt  }
0x5b: {  	_ =	shalt  }
0x5c: {  	_ =	shalt  }
0x5d: {  	_ =	shalt  }
0x5e: {  	_ =	shalt  }
0x5f: {  	_ =	shalt  }
0x60: {  	_ =	shalt  }
0x61: {  	_ =	shalt  }
0x62: {  	_ =	shalt  }
0x63: {  	_ =	shalt  }
0x64: {  	_ =	shalt  }
0x65: {  	_ =	shalt  }
0x66: {  	_ =	shalt  }
0x67: {  	_ =	shalt  }
0x68: {  	_ =	shalt  }
0x69: {  	_ =	shalt  }
0x6a: {  	_ =	shalt  }
0x6b: {  	_ =	shalt  }
0x6c: {  	_ =	shalt  }
0x6d: {  	_ =	shalt  }
0x6e: {  	_ =	shalt  }
0x6f: {  	_ =	shalt  }
0x70: {  	_ =	shalt  }
0x71: {  	_ =	shalt  }
0x72: {  	_ =	shalt  }
0x73: {  	_ =	shalt  }
0x74: {  	_ =	shalt  }
0x75: {  	_ =	shalt  }
0x76: {  	_ =	shalt  }
0x77: {  	_ =	shalt  }
0x78: {  	_ =	shalt  }
0x79: {  	_ =	shalt  }
0x7a: {  	_ =	shalt  }
0x7b: {  	_ =	shalt  }
0x7c: {  	_ =	shalt  }
0x7d: {  	_ =	shalt  }
0x7e: {  	_ =	shalt  }
0x7f: {  	_ =	shalt  }
0x80: {  	_ =	shalt  }
0x81: {  	_ =	shalt  }
0x82: {  	_ =	shalt  }
0x83: {  	_ =	shalt  }
0x84: {  	_ =	shalt  }
0x85: {  	_ =	shalt  }
0x86: {  	_ =	shalt  }
0x87: {  	_ =	shalt  }
.Lfunc_end0:
.L_simem_size_0:
called_computation_lowered:
.L_overlay_start_0:
0x88: {  	s2 =	sld [smem:$0x3FD9]  }
0x89: {  	s3 =	sld [smem:$0x3FFE];
	_ =	sdelay $0x1  }
0x8a: {  	s1 =	srdreg.scid  }
0x8b: {  	s0 =	sand.u32 $0x1, s1  }
0x8c: {  	s17 =	sshll.u32 s0, $0xA;
	s2 =	sadd.s32 s3, s2  }
0x8d: {  	s2 =	sadd.s32 s2, s17  }
0x8e: {  	[smem:$0x3FC3] =	sst s2  }
0x8f: {  	_ = 	snop  }
0x90: {  	s2 =	sld [smem:$0x3FC8]  }
0x91: {  	s18 =	sld [smem:$0x3FD0];
	(tm) =	ssettm $0x1  }
0x92: {  	s4 =	sld [smem:$0x3FFB];
	_ =	sdelay $0x3  }
0x93: {  	_ =	strace s4  }
0x94: {  	s4 =	sld [smem:$0x3FFC];
	_ =	sdelay $0x3  }
0x95: {  	_ =	strace s4  }
0x96: {  	s4 =	sld [smem:$0x3FFD];
	_ =	sdelay $0x3  }
0x97: {  	_ =	strace s4  }
0x98: {  	_ =	strace $0x8FFFFFFF  }
0x99: {  	s19 =	sld [smem:$0x3FDB];
	_ =	sdelay $0x1  }
0x9a: {  	s5 =	simm.s32 $_scs_section_size  }
0x9b: {  	s6 =	simm.s32 $_size__tile_overlayer_lowered;
	s7 =	simm.s32 $_tile_overlayer_lowered  }
0x9c: {  	s22 =	simm.s32 $0x1BFF;
	s21 =	sshll.u32 s7, $0x1;
	s4 =	sadd.s32 s5, s19  }
0x9d: {  	s8 =	simm.s32 $0x0;
	s20 =	sshll.u32 s6, $0x1;
	s6 =	sadd.s32 s21, s4  }
0x9e: {  	[timem:s8], [sflag:s22] =	dma.local [hbm:s6], s20  }
0x9f: {  	_ =	swait.ge [sflag:s22], s20  }
0xa0: {  	s5 =	ssub.s32 $0x0, s20;
	[sflag:s22] =	ssyncset.done $0x0  }
0xa1: {  	[sflag:s22] =	ssyncadd.s32 s5;
	_ =	sdelay $0x1  }
0xa2: {  	s23 =	simm.s32 $0x1B8B  }
0xa3: {  	_ =	swait.ge [sflag:s23], $0x1  }
0xa4: {  	[sflag:s23] =	ssyncset.done $0x0  }
0xa5: {  	s25 =	simm.s32 $0x1B8E;
	s24 =	sld [smem:$0x3FFE];
	[sflag:s23] =	ssyncadd.s32 $0xFFFFFFFF  }
0xa6: {  	s26 =	simm.s32 $execute0_lowered;
	[smem:$0x3FD2] =	sst s25  }
0xa7: {  	s6 =	sshll.u32 s26, $0x1;
	_ =	strace $0x80000046;
	[dreg:$0x1] =	wrdreg $0xFFFFFFFF  }
0xa8: {  	s28 =	simm.s32 $_size_execute0_lowered;
	s4 =	sadd.s32 s4, s6;
	[dreg:$0x0] =	wrdreg $0x0  }
0xa9: {  	s6 =	sshll.u32 s28, $0x1;
	[dreg:$0x2] =	wrdreg s4  }
0xaa: {  	[dreg:$0x3] =	wrdreg s6  }
0xab: {  	[dreg:$0x4] =	wrdreg $0xC0  }
0xac: {  	_ =	task [dreg:s8], $0x5FFFF  }
0xad: {  	[dreg:$0x1] =	wrdreg $0xFFFFFFFF  }
0xae: {  	[dreg:$0x0] =	wrdreg $0x60  }
0xaf: {  	[dreg:$0x2] =	wrdreg s2  }
0xb0: {  	[dreg:$0x3] =	wrdreg s18  }
0xb1: {  	[dreg:$0x4] =	wrdreg s24  }
0xb2: {  	[dreg:$0x5] =	wrdreg $0x9  }
0xb3: {  	_ =	task.clear_ibuf [dreg:s8], $0x6FFFF;
	_ =	strace $0x90000046  }
0xb4: {  	s29 =	simm.s32 $0x9;
	_ =	strace $0x80000048  }
0xb5: {  	_ =	swait.ge [sflag:s29], $0x1  }
0xb6: {  	[sflag:s29] =	ssyncadd.s32 $0xFFFFFFFF  }
0xb7: {  	_ =	strace $0x90000048  }
0xb8: {  	_ =	sfence  }
0xb9: {  	s30 =	sld [smem:$0x0];
	_ =	sdelay $0x2  }
0xba: {  	s31 =	sshll.u32 s1, $0xD;
	s1 =	sshrl.u32 s1, $0x2  }
0xbb: {  	s3 =	sand.u32 $0x4000, s31;
	s1 =	sadd.s32 s1, s30  }
0xbc: {  	s0 =	sor.u32 s3, s0;
	s1 =	sshll.u32 s1, $0x11  }
0xbd: {  	s0 =	sor.u32 s1, s0  }
0xbe: {  	s0 =	sadd.s32 $0x8F2B, s0  }
0xbf: {  	[sflag:s0] =	ssyncadd.remote.s32 $0x1  }
0xc0: {  	_ =	sfence.sel $0xFFFF  }
0xc1: {  	[dreg:$0x0] =	wrdreg $0xFFFFFFFF;
	(pc) =	sbr.abs _section_cstart, $3  }
0xc2: {  	[dreg:$0x1] =	wrdreg $0xFFFFFFFF  }
0xc3: {  	_ =	task.clear_ibuf [dreg:s8], $0x2FFFF;
	_ =	strace $0x9FFFFFFF  }
0xc4: {  	(tm) =	ssettm $0x7FFFFFFF  }
0xc5: {  	_ =	shalt  }
tec
execute0_lowered:
.L_overlay_start_1:
0x0: {  	(tag) =	ssettag $0x1  }
0x1: {  	s1 =	rddreg [dreg:$0x0]  }
0x2: {  	s3 =	rddreg [dreg:$0x1]  }
0x3: {  	s6 =	rddreg [dreg:$0x2];
	s4 =	srdreg.scid  }
0x4: {  	s0 =	rddreg [dreg:$0x3];
	s2 =	stileid.u32;
	s10 =	simm.s32 $0x100  }
0x5: {  	s11 =	simm.s32 $0x400;
	s12 =	simm.s32 $0x8000;
	s13 =	simm.s32 $0x8400  }
0x6: {  	s14 =	simm.s32 $0x1;
	s15 =	simm.s32 $0x1000;
	s16 =	simm.s32 $0x20000  }
0x7: {  	s17 =	simm.s32 $0x8800;
	s18 =	simm.s32 $0x2;
	s19 =	simm.s32 $0x4  }
0x8: {  	s20 =	simm.s32 $0xC800;
	s21 =	simm.s32 $0x3;
	s22 =	simm.s32 $0x0  }
0x9: {  	s5 =	sand.u32 $0x1, s4;
	s4 =	simm.s32 $0x0;
	s7 =	sshll.u32 s2, $0xD  }
0xa: {  	s6 =	sadd.s32 $0x800, s6;
	s8 =	sshll.u32 s5, $0xC;
	s9 =	ssub.s32 $0x2, s5  }
0xb: {  	[smem:$0x7FF] =	sst s4;
	s5 =	sor.u32 s8, s7;
	s31 =	sshrl.u32 s9, $0x1  }
0xc: {  	_ =	strace $0x80000047;
	s8 =	sshrl.u32 s5, $0x3;
	s9 =	ssub.s32 s9, s31  }
0xd: {  	s7 =	sadd.s32 s1, s8;
	s8 =	smax.u32 s9, $0x1;
	s9 =	simm.s32 $0x5  }
.LBB2_1:
0xe: {  	[tilespmem:s4], [sflag:$0x5] =	stream.linear.gather [hbm4b:s3+s4], $0x8000, $0x38;
	[tilespmem:$0x10800] =	vst v63  }
0xf: {  	_ =	swait.ge [sflag:s9], $0x8000  }
0x10: {  	[sflag:s9] =	ssyncset.done $0x0  }
0x11: {  	s23 =	simm.s32 $0x0;
	[sflag:s9] =	ssyncadd.s32 $0xFFFF8000  }
0x12: {  	[tilespmem:s12], [sflag:$0x1] =	stream.strided.gather [hbm4b:s7+s10], $0x400, s11, s10, $0x38;
	[tilespmem:$0x10800] =	vst v63  }
.LBB2_2:
0x13: {  	s24 =	sshllo.u32 s23, $0x1  }
0x14: {  	s26 =	sshll.u32 s23, $0x10;
	s25 =	sshll.u32 s24, $0x8  }
0x15: {  	s26 =	sand.u32 $0x3E0000, s26;
	s25 =	sand.u32 $0x300, s25  }
0x16: {  	s25 =	sor.u32 s25, s26  }
0x17: {  	s25 =	sor.u32 s5, s25  }
0x18: {  	s25 =	sshrl.u32 s25, $0x3  }
0x19: {  	s25 =	sadd.s32 s1, s25  }
0x1a: {  	[tilespmem:s13], [sflag:$0x2] =	stream.strided.gather [hbm4b:s25+s10], $0x400, s11, s10, $0x38;
	[tilespmem:$0x10800] =	vst v63  }
0x1b: {  	_ =	swait.ge [sflag:s14], $0x400  }
0x1c: {  	p0 =	seq.s32 s23, $0x0;
	[sflag:s14] =	ssyncset.done $0x0  }
0x1d: {  	s26 =	simm.s32 @!p0 $0x3;
	[sflag:s14] =	ssyncadd.s32 $0xFFFFFC00  }
0x1e: {  	_ =	swait.ge @!p0 [sflag:s26], $0x4000  }
0x1f: {  	[sflag:s26] =	ssyncset.done @!p0 $0x0  }
0x20: {  	s25 =	sshll.u32 s23, $0x1;
	[sflag:s26] =	ssyncadd.s32 @!p0 $0xFFFFC000;
	s26 =	simm.s32 $0x0  }
.LBB2_3:
0x21: {  	s28 =	sshll.u32 s26, $0x7  }
0x22: {  	s29 =	sshra.s32 s28, $0x2  }
0x23: {  	v5 =	vld [tilespmem:s29+$0x8000]  }
0x24: {  	v4 =	vld [tilespmem:s29+$0x8080];
	_ =	sdelay $0x2  }
0x25: {  	v3 =	vld [tilespmem:s29+$0x8010]  }
0x26: {  	v2 =	vld [tilespmem:s29+$0x8090];
	_ =	sdelay $0x2  }
0x27: {  	v0 =	vld.idx.msk [tilespmem:v5+s4+$0x0], $0xffff  }
0x28: {  	v1 =	vld.idx.msk [tilespmem:v4+s4+$0x0], $0xffff;
	_ =	sdelay $0x2  }
0x29: {  	v6 =	vld.idx.msk [tilespmem:v3+s4+$0x0], $0xffff  }
0x2a: {  	v8 =	vadd.s32 $0x400, v5;
	v7 =	vld.idx.msk [tilespmem:v2+s4+$0x0], $0xffff  }
0x2b: {  	v9 =	vadd.s32 $0x400, v4;
	v0 =	vadd.s32 $0x8000, v0;
	v1 =	vadd.s32 $0x8000, v1  }
0x2c: {  	v1 =	vand.u32 $0xFFFF0000, v1;
	v0 =	vshrl.u32 v0, $0x10  }
0x2d: {  	s28 =	sand.u32 $0x3FFFFF80, s28;
	v0 =	vor.u32 v0, v1  }
0x2e: {  	v16 =	vadd.s32 $0x400, v3;
	[tilespmem:s28+$0x8800] =	vst v0  }
0x2f: {  	v19 =	vadd.s32 $0x400, v2;
	v17 =	vadd.s32 $0x8000, v6;
	v18 =	vadd.s32 $0x8000, v7;
	v8 =	vld.idx.msk [tilespmem:v8+s4+$0x0], $0xffff  }
0x30: {  	v6 =	vand.u32 $0xFFFF0000, v18;
	v0 =	vshrl.u32 v17, $0x10;
	v9 =	vld.idx.msk [tilespmem:v9+s4+$0x0], $0xffff  }
0x31: {  	v0 =	vor.u32 v0, v6  }
0x32: {  	[tilespmem:s28+$0x8810] =	vst v0  }
0x33: {  	v0 =	vld.idx.msk [tilespmem:v16+s4+$0x0], $0xffff  }
0x34: {  	v21 =	vadd.s32 $0x800, v5;
	v20 =	vld.idx.msk [tilespmem:v19+s4+$0x0], $0xffff  }
0x35: {  	v24 =	vadd.s32 $0x800, v4;
	v22 =	vadd.s32 $0x8000, v8;
	v23 =	vadd.s32 $0x8000, v9  }
0x36: {  	v8 =	vand.u32 $0xFFFF0000, v23;
	v7 =	vshrl.u32 v22, $0x10  }
0x37: {  	v7 =	vor.u32 v7, v8  }
0x38: {  	v25 =	vadd.s32 $0x800, v3;
	[tilespmem:s28+$0x8880] =	vst v7  }
0x39: {  	v26 =	vadd.s32 $0x800, v2;
	v0 =	vadd.s32 $0x8000, v0;
	v1 =	vadd.s32 $0x8000, v20;
	v6 =	vld.idx.msk [tilespmem:v21+s4+$0x0], $0xffff  }
0x3a: {  	v1 =	vand.u32 $0xFFFF0000, v1;
	v0 =	vshrl.u32 v0, $0x10;
	v9 =	vld.idx.msk [tilespmem:v24+s4+$0x0], $0xffff  }
0x3b: {  	v0 =	vor.u32 v0, v1  }
0x3c: {  	[tilespmem:s28+$0x8890] =	vst v0  }
0x3d: {  	v0 =	vld.idx.msk [tilespmem:v25+s4+$0x0], $0xffff  }
0x3e: {  	v7 =	vld.idx.msk [tilespmem:v26+s4+$0x0], $0xffff  }
0x3f: {  	v28 =	vadd.s32 $0x8000, v6;
	v29 =	vadd.s32 $0x8000, v9  }
0x40: {  	v27 =	vadd.s32 $0xC00, v5;
	v6 =	vand.u32 $0xFFFF0000, v29;
	v1 =	vshrl.u32 v28, $0x10  }
0x41: {  	v30 =	vadd.s32 $0xC00, v4;
	v6 =	vor.u32 v1, v6;
	v1 =	vld [tilespmem:s29+$0x8020]  }
0x42: {  	v10 =	vadd.s32 $0xC00, v3;
	v31 =	vadd.s32 $0x8000, v0;
	v0 =	vld [tilespmem:s29+$0x80A0]  }
0x43: {  	v11 =	vadd.s32 $0xC00, v2;
	v7 =	vadd.s32 $0x8000, v7  }
0x44: {  	[tilespmem:s28+$0x8900] =	vst v6;
	v7 =	vand.u32 $0xFFFF0000, v7;
	v6 =	vshrl.u32 v31, $0x10  }
0x45: {  	v8 =	vld.idx.msk [tilespmem:v27+s4+$0x0], $0xffff;
	v6 =	vor.u32 v6, v7  }
0x46: {  	v9 =	vld.idx.msk [tilespmem:v30+s4+$0x0], $0xffff;
	[tilespmem:s28+$0x8910] =	vst v6  }
0x47: {  	v6 =	vld.idx.msk [tilespmem:v10+s4+$0x0], $0xffff  }
0x48: {  	v32 =	vld.idx.msk [tilespmem:v11+s4+$0x0], $0xffff  }
0x49: {  	v12 =	vld.idx.msk [tilespmem:v1+s4+$0x0], $0xffff  }
0x4a: {  	v33 =	vadd.s32 $0x1000, v5;
	v34 =	vadd.s32 $0x1000, v4;
	v35 =	vadd.s32 $0x1000, v3;
	v13 =	vld.idx.msk [tilespmem:v0+s4+$0x0], $0xffff  }
0x4b: {  	v36 =	vadd.s32 $0x1000, v2;
	v8 =	vadd.s32 $0x8000, v8;
	v9 =	vadd.s32 $0x8000, v9  }
0x4c: {  	v37 =	vadd.s32 $0x400, v1;
	v9 =	vand.u32 $0xFFFF0000, v9;
	v8 =	vshrl.u32 v8, $0x10  }
0x4d: {  	v8 =	vor.u32 v8, v9;
	v6 =	vadd.s32 $0x8000, v6;
	v7 =	vadd.s32 $0x8000, v32  }
0x4e: {  	v40 =	vadd.s32 $0x400, v0;
	[tilespmem:s28+$0x8980] =	vst v8;
	v7 =	vand.u32 $0xFFFF0000, v7;
	v6 =	vshrl.u32 v6, $0x10  }
0x4f: {  	v10 =	vld.idx.msk [tilespmem:v33+s4+$0x0], $0xffff;
	v6 =	vor.u32 v6, v7;
	v38 =	vadd.s32 $0x8000, v12;
	v39 =	vadd.s32 $0x8000, v13  }
0x50: {  	v11 =	vld.idx.msk [tilespmem:v34+s4+$0x0], $0xffff;
	[tilespmem:s28+$0x8990] =	vst v6;
	v12 =	vand.u32 $0xFFFF0000, v39;
	v6 =	vshrl.u32 v38, $0x10  }
0x51: {  	v9 =	vld.idx.msk [tilespmem:v35+s4+$0x0], $0xffff;
	v6 =	vor.u32 v6, v12  }
0x52: {  	v8 =	vld.idx.msk [tilespmem:v36+s4+$0x0], $0xffff;
	[tilespmem:s28+$0x8820] =	vst v6  }
0x53: {  	v7 =	vld.idx.msk [tilespmem:v37+s4+$0x0], $0xffff  }
0x54: {  	v41 =	vadd.s32 $0x1400, v5;
	v44 =	vadd.s32 $0x1400, v4;
	v45 =	vadd.s32 $0x1400, v3;
	v13 =	vld.idx.msk [tilespmem:v40+s4+$0x0], $0xffff  }
0x55: {  	v47 =	vadd.s32 $0x1400, v2;
	v42 =	vadd.s32 $0x8000, v10;
	v43 =	vadd.s32 $0x8000, v11  }
0x56: {  	v48 =	vadd.s32 $0x800, v1;
	v10 =	vand.u32 $0xFFFF0000, v43;
	v6 =	vshrl.u32 v42, $0x10  }
0x57: {  	v6 =	vor.u32 v6, v10;
	v46 =	vadd.s32 $0x8000, v9;
	v8 =	vadd.s32 $0x8000, v8  }
0x58: {  	v51 =	vadd.s32 $0x800, v0;
	[tilespmem:s28+$0x8A00] =	vst v6;
	v8 =	vand.u32 $0xFFFF0000, v8;
	v6 =	vshrl.u32 v46, $0x10  }
0x59: {  	v12 =	vld.idx.msk [tilespmem:v41+s4+$0x0], $0xffff;
	v6 =	vor.u32 v6, v8;
	v49 =	vadd.s32 $0x8000, v7;
	v50 =	vadd.s32 $0x8000, v13  }
0x5a: {  	v11 =	vld.idx.msk [tilespmem:v44+s4+$0x0], $0xffff;
	[tilespmem:s28+$0x8A10] =	vst v6;
	v7 =	vand.u32 $0xFFFF0000, v50;
	v6 =	vshrl.u32 v49, $0x10  }
0x5b: {  	v10 =	vld.idx.msk [tilespmem:v45+s4+$0x0], $0xffff;
	v6 =	vor.u32 v6, v7  }
0x5c: {  	v9 =	vld.idx.msk [tilespmem:v47+s4+$0x0], $0xffff;
	[tilespmem:s28+$0x88A0] =	vst v6  }
0x5d: {  	v8 =	vld.idx.msk [tilespmem:v48+s4+$0x0], $0xffff  }
0x5e: {  	v52 =	vadd.s32 $0x1800, v5;
	v54 =	vadd.s32 $0x1800, v4;
	v55 =	vadd.s32 $0x1800, v3;
	v13 =	vld.idx.msk [tilespmem:v51+s4+$0x0], $0xffff  }
0x5f: {  	v57 =	vadd.s32 $0x1800, v2;
	v53 =	vadd.s32 $0x8000, v12;
	v11 =	vadd.s32 $0x8000, v11  }
0x60: {  	v58 =	vadd.s32 $0xC00, v1;
	v11 =	vand.u32 $0xFFFF0000, v11;
	v6 =	vshrl.u32 v53, $0x10  }
0x61: {  	v6 =	vor.u32 v6, v11;
	v56 =	vadd.s32 $0x8000, v10;
	v9 =	vadd.s32 $0x8000, v9  }
0x62: {  	v61 =	vadd.s32 $0xC00, v0;
	[tilespmem:s28+$0x8A80] =	vst v6;
	v9 =	vand.u32 $0xFFFF0000, v9;
	v6 =	vshrl.u32 v56, $0x10  }
0x63: {  	v7 =	vld.idx.msk [tilespmem:v52+s4+$0x0], $0xffff;
	v6 =	vor.u32 v6, v9;
	v59 =	vadd.s32 $0x8000, v8;
	v60 =	vadd.s32 $0x8000, v13  }
0x64: {  	v12 =	vld.idx.msk [tilespmem:v54+s4+$0x0], $0xffff;
	[tilespmem:s28+$0x8A90] =	vst v6;
	v8 =	vand.u32 $0xFFFF0000, v60;
	v6 =	vshrl.u32 v59, $0x10  }
0x65: {  	v11 =	vld.idx.msk [tilespmem:v55+s4+$0x0], $0xffff;
	v6 =	vor.u32 v6, v8  }
0x66: {  	v10 =	vld.idx.msk [tilespmem:v57+s4+$0x0], $0xffff;
	[tilespmem:s28+$0x8920] =	vst v6  }
0x67: {  	v9 =	vld.idx.msk [tilespmem:v58+s4+$0x0], $0xffff  }
0x68: {  	v62 =	vadd.s32 $0x1C00, v5;
	v18 =	vadd.s32 $0x1C00, v3;
	v17 =	vadd.s32 $0x1C00, v4;
	v13 =	vld.idx.msk [tilespmem:v61+s4+$0x0], $0xffff  }
0x69: {  	v20 =	vadd.s32 $0x1C00, v2;
	v63 =	vadd.s32 $0x8000, v7;
	v16 =	vadd.s32 $0x8000, v12  }
0x6a: {  	v21 =	vadd.s32 $0x1000, v1;
	v7 =	vand.u32 $0xFFFF0000, v16;
	v6 =	vshrl.u32 v63, $0x10  }
0x6b: {  	v6 =	vor.u32 v6, v7;
	v19 =	vadd.s32 $0x8000, v11;
	v10 =	vadd.s32 $0x8000, v10  }
0x6c: {  	v24 =	vadd.s32 $0x1000, v0;
	[tilespmem:s28+$0x8B00] =	vst v6;
	v10 =	vand.u32 $0xFFFF0000, v10;
	v6 =	vshrl.u32 v19, $0x10  }
0x6d: {  	v8 =	vld.idx.msk [tilespmem:v62+s4+$0x0], $0xffff;
	v6 =	vor.u32 v6, v10;
	v22 =	vadd.s32 $0x8000, v9;
	v23 =	vadd.s32 $0x8000, v13  }
0x6e: {  	v12 =	vld.idx.msk [tilespmem:v17+s4+$0x0], $0xffff;
	[tilespmem:s28+$0x8B10] =	vst v6;
	v9 =	vand.u32 $0xFFFF0000, v23;
	v6 =	vshrl.u32 v22, $0x10  }
0x6f: {  	v7 =	vld.idx.msk [tilespmem:v18+s4+$0x0], $0xffff;
	v6 =	vor.u32 v6, v9  }
0x70: {  	v11 =	vld.idx.msk [tilespmem:v20+s4+$0x0], $0xffff;
	[tilespmem:s28+$0x89A0] =	vst v6  }
0x71: {  	v10 =	vld.idx.msk [tilespmem:v21+s4+$0x0], $0xffff  }
0x72: {  	v25 =	vadd.s32 $0x2000, v5;
	v28 =	vadd.s32 $0x2000, v4;
	v29 =	vadd.s32 $0x2000, v3;
	v13 =	vld.idx.msk [tilespmem:v24+s4+$0x0], $0xffff  }
0x73: {  	v32 =	vadd.s32 $0x2000, v2;
	v26 =	vadd.s32 $0x8000, v8;
	v27 =	vadd.s32 $0x8000, v12  }
0x74: {  	v33 =	vadd.s32 $0x1400, v1;
	v8 =	vand.u32 $0xFFFF0000, v27;
	v6 =	vshrl.u32 v26, $0x10  }
0x75: {  	v6 =	vor.u32 v6, v8;
	v30 =	vadd.s32 $0x8000, v7;
	v31 =	vadd.s32 $0x8000, v11  }
0x76: {  	v36 =	vadd.s32 $0x1400, v0;
	[tilespmem:s28+$0x8B80] =	vst v6;
	v7 =	vand.u32 $0xFFFF0000, v31;
	v6 =	vshrl.u32 v30, $0x10  }
0x77: {  	v9 =	vld.idx.msk [tilespmem:v25+s4+$0x0], $0xffff;
	v6 =	vor.u32 v6, v7;
	v34 =	vadd.s32 $0x8000, v10;
	v35 =	vadd.s32 $0x8000, v13  }
0x78: {  	v12 =	vld.idx.msk [tilespmem:v28+s4+$0x0], $0xffff;
	[tilespmem:s28+$0x8B90] =	vst v6;
	v10 =	vand.u32 $0xFFFF0000, v35;
	v6 =	vshrl.u32 v34, $0x10  }
0x79: {  	v8 =	vld.idx.msk [tilespmem:v29+s4+$0x0], $0xffff;
	v6 =	vor.u32 v6, v10  }
0x7a: {  	v11 =	vld.idx.msk [tilespmem:v32+s4+$0x0], $0xffff;
	[tilespmem:s28+$0x8A20] =	vst v6  }
0x7b: {  	v7 =	vld.idx.msk [tilespmem:v33+s4+$0x0], $0xffff  }
0x7c: {  	v37 =	vadd.s32 $0x2400, v5;
	v40 =	vadd.s32 $0x2400, v4;
	v41 =	vadd.s32 $0x2400, v3;
	v13 =	vld.idx.msk [tilespmem:v36+s4+$0x0], $0xffff  }
0x7d: {  	v44 =	vadd.s32 $0x2400, v2;
	v38 =	vadd.s32 $0x8000, v9;
	v39 =	vadd.s32 $0x8000, v12  }
0x7e: {  	v45 =	vadd.s32 $0x1800, v1;
	v9 =	vand.u32 $0xFFFF0000, v39;
	v6 =	vshrl.u32 v38, $0x10  }
0x7f: {  	v6 =	vor.u32 v6, v9;
	v42 =	vadd.s32 $0x8000, v8;
	v43 =	vadd.s32 $0x8000, v11  }
0x80: {  	v48 =	vadd.s32 $0x1800, v0;
	[tilespmem:s28+$0x9800] =	vst v6;
	v8 =	vand.u32 $0xFFFF0000, v43;
	v6 =	vshrl.u32 v42, $0x10  }
0x81: {  	v10 =	vld.idx.msk [tilespmem:v37+s4+$0x0], $0xffff;
	v6 =	vor.u32 v6, v8;
	v46 =	vadd.s32 $0x8000, v7;
	v47 =	vadd.s32 $0x8000, v13  }
0x82: {  	v12 =	vld.idx.msk [tilespmem:v40+s4+$0x0], $0xffff;
	[tilespmem:s28+$0x9810] =	vst v6;
	v7 =	vand.u32 $0xFFFF0000, v47;
	v6 =	vshrl.u32 v46, $0x10  }
0x83: {  	v9 =	vld.idx.msk [tilespmem:v41+s4+$0x0], $0xffff;
	v6 =	vor.u32 v6, v7  }
0x84: {  	v11 =	vld.idx.msk [tilespmem:v44+s4+$0x0], $0xffff;
	[tilespmem:s28+$0x8AA0] =	vst v6  }
0x85: {  	v8 =	vld.idx.msk [tilespmem:v45+s4+$0x0], $0xffff  }
0x86: {  	v49 =	vadd.s32 $0x2800, v5;
	v53 =	vadd.s32 $0x2800, v3;
	v56 =	vadd.s32 $0x2800, v2;
	v13 =	vld.idx.msk [tilespmem:v48+s4+$0x0], $0xffff  }
0x87: {  	v52 =	vadd.s32 $0x2800, v4;
	v50 =	vadd.s32 $0x8000, v10;
	v51 =	vadd.s32 $0x8000, v12  }
0x88: {  	v57 =	vadd.s32 $0x1C00, v1;
	v10 =	vand.u32 $0xFFFF0000, v51;
	v6 =	vshrl.u32 v50, $0x10  }
0x89: {  	v6 =	vor.u32 v6, v10;
	v54 =	vadd.s32 $0x8000, v9;
	v55 =	vadd.s32 $0x8000, v11  }
0x8a: {  	v60 =	vadd.s32 $0x1C00, v0;
	[tilespmem:s28+$0x9880] =	vst v6;
	v9 =	vand.u32 $0xFFFF0000, v55;
	v6 =	vshrl.u32 v54, $0x10  }
0x8b: {  	v7 =	vld.idx.msk [tilespmem:v49+s4+$0x0], $0xffff;
	v6 =	vor.u32 v6, v9;
	v58 =	vadd.s32 $0x8000, v8;
	v59 =	vadd.s32 $0x8000, v13  }
0x8c: {  	v12 =	vld.idx.msk [tilespmem:v52+s4+$0x0], $0xffff;
	[tilespmem:s28+$0x9890] =	vst v6;
	v8 =	vand.u32 $0xFFFF0000, v59;
	v6 =	vshrl.u32 v58, $0x10  }
0x8d: {  	v10 =	vld.idx.msk [tilespmem:v53+s4+$0x0], $0xffff;
	v6 =	vor.u32 v6, v8  }
0x8e: {  	v11 =	vld.idx.msk [tilespmem:v56+s4+$0x0], $0xffff;
	[tilespmem:s28+$0x8B20] =	vst v6  }
0x8f: {  	v9 =	vld.idx.msk [tilespmem:v57+s4+$0x0], $0xffff  }
0x90: {  	v61 =	vadd.s32 $0x2C00, v5;
	v16 =	vadd.s32 $0x2C00, v4;
	v17 =	vadd.s32 $0x2C00, v3;
	v13 =	vld.idx.msk [tilespmem:v60+s4+$0x0], $0xffff  }
0x91: {  	v20 =	vadd.s32 $0x2C00, v2;
	v62 =	vadd.s32 $0x8000, v7;
	v63 =	vadd.s32 $0x8000, v12  }
0x92: {  	v21 =	vadd.s32 $0x2000, v1;
	v7 =	vand.u32 $0xFFFF0000, v63;
	v6 =	vshrl.u32 v62, $0x10  }
0x93: {  	v6 =	vor.u32 v6, v7;
	v18 =	vadd.s32 $0x8000, v10;
	v19 =	vadd.s32 $0x8000, v11  }
0x94: {  	v24 =	vadd.s32 $0x2000, v0;
	[tilespmem:s28+$0x9900] =	vst v6;
	v10 =	vand.u32 $0xFFFF0000, v19;
	v6 =	vshrl.u32 v18, $0x10  }
0x95: {  	v8 =	vld.idx.msk [tilespmem:v61+s4+$0x0], $0xffff;
	v6 =	vor.u32 v6, v10;
	v22 =	vadd.s32 $0x8000, v9;
	v23 =	vadd.s32 $0x8000, v13  }
0x96: {  	v12 =	vld.idx.msk [tilespmem:v16+s4+$0x0], $0xffff;
	[tilespmem:s28+$0x9910] =	vst v6;
	v9 =	vand.u32 $0xFFFF0000, v23;
	v6 =	vshrl.u32 v22, $0x10  }
0x97: {  	v7 =	vld.idx.msk [tilespmem:v17+s4+$0x0], $0xffff;
	v6 =	vor.u32 v6, v9  }
0x98: {  	v11 =	vld.idx.msk [tilespmem:v20+s4+$0x0], $0xffff;
	[tilespmem:s28+$0x8BA0] =	vst v6  }
0x99: {  	v10 =	vld.idx.msk [tilespmem:v21+s4+$0x0], $0xffff  }
0x9a: {  	v25 =	vadd.s32 $0x3000, v5;
	v28 =	vadd.s32 $0x3000, v4;
	v29 =	vadd.s32 $0x3000, v3;
	v13 =	vld.idx.msk [tilespmem:v24+s4+$0x0], $0xffff  }
0x9b: {  	v32 =	vadd.s32 $0x3000, v2;
	v26 =	vadd.s32 $0x8000, v8;
	v27 =	vadd.s32 $0x8000, v12  }
0x9c: {  	v33 =	vadd.s32 $0x2400, v1;
	v8 =	vand.u32 $0xFFFF0000, v27;
	v6 =	vshrl.u32 v26, $0x10  }
0x9d: {  	v6 =	vor.u32 v6, v8;
	v30 =	vadd.s32 $0x8000, v7;
	v31 =	vadd.s32 $0x8000, v11  }
0x9e: {  	v36 =	vadd.s32 $0x2400, v0;
	[tilespmem:s28+$0x9980] =	vst v6;
	v7 =	vand.u32 $0xFFFF0000, v31;
	v6 =	vshrl.u32 v30, $0x10  }
0x9f: {  	v9 =	vld.idx.msk [tilespmem:v25+s4+$0x0], $0xffff;
	v6 =	vor.u32 v6, v7;
	v34 =	vadd.s32 $0x8000, v10;
	v35 =	vadd.s32 $0x8000, v13  }
0xa0: {  	v12 =	vld.idx.msk [tilespmem:v28+s4+$0x0], $0xffff;
	[tilespmem:s28+$0x9990] =	vst v6;
	v10 =	vand.u32 $0xFFFF0000, v35;
	v6 =	vshrl.u32 v34, $0x10  }
0xa1: {  	v8 =	vld.idx.msk [tilespmem:v29+s4+$0x0], $0xffff;
	v6 =	vor.u32 v6, v10  }
0xa2: {  	v11 =	vld.idx.msk [tilespmem:v32+s4+$0x0], $0xffff;
	[tilespmem:s28+$0x9820] =	vst v6  }
0xa3: {  	v7 =	vld.idx.msk [tilespmem:v33+s4+$0x0], $0xffff  }
0xa4: {  	v37 =	vadd.s32 $0x3400, v5;
	v40 =	vadd.s32 $0x3400, v4;
	v41 =	vadd.s32 $0x3400, v3;
	v13 =	vld.idx.msk [tilespmem:v36+s4+$0x0], $0xffff  }
0xa5: {  	v44 =	vadd.s32 $0x3400, v2;
	v38 =	vadd.s32 $0x8000, v9;
	v39 =	vadd.s32 $0x8000, v12  }
0xa6: {  	v45 =	vadd.s32 $0x2800, v1;
	v9 =	vand.u32 $0xFFFF0000, v39;
	v6 =	vshrl.u32 v38, $0x10  }
0xa7: {  	v6 =	vor.u32 v6, v9;
	v42 =	vadd.s32 $0x8000, v8;
	v43 =	vadd.s32 $0x8000, v11  }
0xa8: {  	v48 =	vadd.s32 $0x2800, v0;
	[tilespmem:s28+$0x9A00] =	vst v6;
	v8 =	vand.u32 $0xFFFF0000, v43;
	v6 =	vshrl.u32 v42, $0x10  }
0xa9: {  	v10 =	vld.idx.msk [tilespmem:v37+s4+$0x0], $0xffff;
	v6 =	vor.u32 v6, v8;
	v46 =	vadd.s32 $0x8000, v7;
	v47 =	vadd.s32 $0x8000, v13  }
0xaa: {  	v12 =	vld.idx.msk [tilespmem:v40+s4+$0x0], $0xffff;
	[tilespmem:s28+$0x9A10] =	vst v6;
	v7 =	vand.u32 $0xFFFF0000, v47;
	v6 =	vshrl.u32 v46, $0x10  }
0xab: {  	v9 =	vld.idx.msk [tilespmem:v41+s4+$0x0], $0xffff;
	v6 =	vor.u32 v6, v7  }
0xac: {  	v11 =	vld.idx.msk [tilespmem:v44+s4+$0x0], $0xffff;
	[tilespmem:s28+$0x98A0] =	vst v6  }
0xad: {  	v8 =	vld.idx.msk [tilespmem:v45+s4+$0x0], $0xffff  }
0xae: {  	v49 =	vadd.s32 $0x3800, v5;
	v52 =	vadd.s32 $0x3800, v4;
	v53 =	vadd.s32 $0x3800, v3;
	v13 =	vld.idx.msk [tilespmem:v48+s4+$0x0], $0xffff  }
0xaf: {  	v56 =	vadd.s32 $0x3800, v2;
	v50 =	vadd.s32 $0x8000, v10;
	v51 =	vadd.s32 $0x8000, v12  }
0xb0: {  	v57 =	vadd.s32 $0x2C00, v1;
	v10 =	vand.u32 $0xFFFF0000, v51;
	v6 =	vshrl.u32 v50, $0x10  }
0xb1: {  	v6 =	vor.u32 v6, v10;
	v54 =	vadd.s32 $0x8000, v9;
	v55 =	vadd.s32 $0x8000, v11  }
0xb2: {  	v60 =	vadd.s32 $0x2C00, v0;
	[tilespmem:s28+$0x9A80] =	vst v6;
	v9 =	vand.u32 $0xFFFF0000, v55;
	v6 =	vshrl.u32 v54, $0x10  }
0xb3: {  	v7 =	vld.idx.msk [tilespmem:v49+s4+$0x0], $0xffff;
	v6 =	vor.u32 v6, v9;
	v58 =	vadd.s32 $0x8000, v8;
	v59 =	vadd.s32 $0x8000, v13  }
0xb4: {  	v12 =	vld.idx.msk [tilespmem:v52+s4+$0x0], $0xffff;
	[tilespmem:s28+$0x9A90] =	vst v6;
	v8 =	vand.u32 $0xFFFF0000, v59;
	v6 =	vshrl.u32 v58, $0x10  }
0xb5: {  	v10 =	vld.idx.msk [tilespmem:v53+s4+$0x0], $0xffff;
	v6 =	vor.u32 v6, v8  }
0xb6: {  	v11 =	vld.idx.msk [tilespmem:v56+s4+$0x0], $0xffff;
	[tilespmem:s28+$0x9920] =	vst v6  }
0xb7: {  	v9 =	vld.idx.msk [tilespmem:v57+s4+$0x0], $0xffff  }
0xb8: {  	v61 =	vadd.s32 $0x3C00, v5;
	v16 =	vadd.s32 $0x3C00, v4;
	v17 =	vadd.s32 $0x3C00, v3;
	v13 =	vld.idx.msk [tilespmem:v60+s4+$0x0], $0xffff  }
0xb9: {  	v20 =	vadd.s32 $0x3C00, v2;
	v62 =	vadd.s32 $0x8000, v7;
	v63 =	vadd.s32 $0x8000, v12  }
0xba: {  	v21 =	vadd.s32 $0x3000, v1;
	v7 =	vand.u32 $0xFFFF0000, v63;
	v6 =	vshrl.u32 v62, $0x10  }
0xbb: {  	v6 =	vor.u32 v6, v7;
	v18 =	vadd.s32 $0x8000, v10;
	v19 =	vadd.s32 $0x8000, v11  }
0xbc: {  	v24 =	vadd.s32 $0x3000, v0;
	[tilespmem:s28+$0x9B00] =	vst v6;
	v10 =	vand.u32 $0xFFFF0000, v19;
	v6 =	vshrl.u32 v18, $0x10  }
0xbd: {  	v8 =	vld.idx.msk [tilespmem:v61+s4+$0x0], $0xffff;
	v6 =	vor.u32 v6, v10;
	v22 =	vadd.s32 $0x8000, v9;
	v23 =	vadd.s32 $0x8000, v13  }
0xbe: {  	v12 =	vld.idx.msk [tilespmem:v16+s4+$0x0], $0xffff;
	[tilespmem:s28+$0x9B10] =	vst v6;
	v9 =	vand.u32 $0xFFFF0000, v23;
	v6 =	vshrl.u32 v22, $0x10  }
0xbf: {  	v7 =	vld.idx.msk [tilespmem:v17+s4+$0x0], $0xffff;
	v6 =	vor.u32 v6, v9  }
0xc0: {  	v11 =	vld.idx.msk [tilespmem:v20+s4+$0x0], $0xffff;
	[tilespmem:s28+$0x99A0] =	vst v6  }
0xc1: {  	v10 =	vld.idx.msk [tilespmem:v21+s4+$0x0], $0xffff  }
0xc2: {  	v25 =	vadd.s32 $0x4000, v5;
	v28 =	vadd.s32 $0x4000, v4;
	v29 =	vadd.s32 $0x4000, v3;
	v13 =	vld.idx.msk [tilespmem:v24+s4+$0x0], $0xffff  }
0xc3: {  	v32 =	vadd.s32 $0x4000, v2;
	v26 =	vadd.s32 $0x8000, v8;
	v27 =	vadd.s32 $0x8000, v12  }
0xc4: {  	v33 =	vadd.s32 $0x3400, v1;
	v8 =	vand.u32 $0xFFFF0000, v27;
	v6 =	vshrl.u32 v26, $0x10  }
0xc5: {  	v6 =	vor.u32 v6, v8;
	v30 =	vadd.s32 $0x8000, v7;
	v31 =	vadd.s32 $0x8000, v11  }
0xc6: {  	v36 =	vadd.s32 $0x3400, v0;
	[tilespmem:s28+$0x9B80] =	vst v6;
	v7 =	vand.u32 $0xFFFF0000, v31;
	v6 =	vshrl.u32 v30, $0x10  }
0xc7: {  	v9 =	vld.idx.msk [tilespmem:v25+s4+$0x0], $0xffff;
	v6 =	vor.u32 v6, v7;
	v34 =	vadd.s32 $0x8000, v10;
	v35 =	vadd.s32 $0x8000, v13  }
0xc8: {  	v12 =	vld.idx.msk [tilespmem:v28+s4+$0x0], $0xffff;
	[tilespmem:s28+$0x9B90] =	vst v6;
	v10 =	vand.u32 $0xFFFF0000, v35;
	v6 =	vshrl.u32 v34, $0x10  }
0xc9: {  	v8 =	vld.idx.msk [tilespmem:v29+s4+$0x0], $0xffff;
	v6 =	vor.u32 v6, v10  }
0xca: {  	v11 =	vld.idx.msk [tilespmem:v32+s4+$0x0], $0xffff;
	[tilespmem:s28+$0x9A20] =	vst v6  }
0xcb: {  	v7 =	vld.idx.msk [tilespmem:v33+s4+$0x0], $0xffff  }
0xcc: {  	v37 =	vadd.s32 $0x4400, v5;
	v40 =	vadd.s32 $0x4400, v4;
	v41 =	vadd.s32 $0x4400, v3;
	v13 =	vld.idx.msk [tilespmem:v36+s4+$0x0], $0xffff  }
0xcd: {  	v44 =	vadd.s32 $0x4400, v2;
	v38 =	vadd.s32 $0x8000, v9;
	v39 =	vadd.s32 $0x8000, v12  }
0xce: {  	v45 =	vadd.s32 $0x3800, v1;
	v9 =	vand.u32 $0xFFFF0000, v39;
	v6 =	vshrl.u32 v38, $0x10  }
0xcf: {  	v6 =	vor.u32 v6, v9;
	v42 =	vadd.s32 $0x8000, v8;
	v43 =	vadd.s32 $0x8000, v11  }
0xd0: {  	v48 =	vadd.s32 $0x3800, v0;
	[tilespmem:s28+$0xA800] =	vst v6;
	v8 =	vand.u32 $0xFFFF0000, v43;
	v6 =	vshrl.u32 v42, $0x10  }
0xd1: {  	v10 =	vld.idx.msk [tilespmem:v37+s4+$0x0], $0xffff;
	v6 =	vor.u32 v6, v8;
	v46 =	vadd.s32 $0x8000, v7;
	v47 =	vadd.s32 $0x8000, v13  }
0xd2: {  	v12 =	vld.idx.msk [tilespmem:v40+s4+$0x0], $0xffff;
	[tilespmem:s28+$0xA810] =	vst v6;
	v7 =	vand.u32 $0xFFFF0000, v47;
	v6 =	vshrl.u32 v46, $0x10  }
0xd3: {  	v9 =	vld.idx.msk [tilespmem:v41+s4+$0x0], $0xffff;
	v6 =	vor.u32 v6, v7  }
0xd4: {  	v11 =	vld.idx.msk [tilespmem:v44+s4+$0x0], $0xffff;
	[tilespmem:s28+$0x9AA0] =	vst v6  }
0xd5: {  	v8 =	vld.idx.msk [tilespmem:v45+s4+$0x0], $0xffff  }
0xd6: {  	v49 =	vadd.s32 $0x4800, v5;
	v52 =	vadd.s32 $0x4800, v4;
	v53 =	vadd.s32 $0x4800, v3;
	v13 =	vld.idx.msk [tilespmem:v48+s4+$0x0], $0xffff  }
0xd7: {  	v56 =	vadd.s32 $0x4800, v2;
	v50 =	vadd.s32 $0x8000, v10;
	v51 =	vadd.s32 $0x8000, v12  }
0xd8: {  	v57 =	vadd.s32 $0x3C00, v1;
	v10 =	vand.u32 $0xFFFF0000, v51;
	v6 =	vshrl.u32 v50, $0x10  }
0xd9: {  	v6 =	vor.u32 v6, v10;
	v54 =	vadd.s32 $0x8000, v9;
	v55 =	vadd.s32 $0x8000, v11  }
0xda: {  	v60 =	vadd.s32 $0x3C00, v0;
	[tilespmem:s28+$0xA880] =	vst v6;
	v9 =	vand.u32 $0xFFFF0000, v55;
	v6 =	vshrl.u32 v54, $0x10  }
0xdb: {  	v7 =	vld.idx.msk [tilespmem:v49+s4+$0x0], $0xffff;
	v6 =	vor.u32 v6, v9;
	v58 =	vadd.s32 $0x8000, v8;
	v59 =	vadd.s32 $0x8000, v13  }
0xdc: {  	v12 =	vld.idx.msk [tilespmem:v52+s4+$0x0], $0xffff;
	[tilespmem:s28+$0xA890] =	vst v6;
	v8 =	vand.u32 $0xFFFF0000, v59;
	v6 =	vshrl.u32 v58, $0x10  }
0xdd: {  	v10 =	vld.idx.msk [tilespmem:v53+s4+$0x0], $0xffff;
	v6 =	vor.u32 v6, v8  }
0xde: {  	v11 =	vld.idx.msk [tilespmem:v56+s4+$0x0], $0xffff;
	[tilespmem:s28+$0x9B20] =	vst v6  }
0xdf: {  	v9 =	vld.idx.msk [tilespmem:v57+s4+$0x0], $0xffff  }
0xe0: {  	v61 =	vadd.s32 $0x4C00, v5;
	v16 =	vadd.s32 $0x4C00, v4;
	v17 =	vadd.s32 $0x4C00, v3;
	v13 =	vld.idx.msk [tilespmem:v60+s4+$0x0], $0xffff  }
0xe1: {  	v20 =	vadd.s32 $0x4C00, v2;
	v62 =	vadd.s32 $0x8000, v7;
	v63 =	vadd.s32 $0x8000, v12  }
0xe2: {  	v21 =	vadd.s32 $0x4000, v1;
	v7 =	vand.u32 $0xFFFF0000, v63;
	v6 =	vshrl.u32 v62, $0x10  }
0xe3: {  	v6 =	vor.u32 v6, v7;
	v18 =	vadd.s32 $0x8000, v10;
	v19 =	vadd.s32 $0x8000, v11  }
0xe4: {  	v24 =	vadd.s32 $0x4000, v0;
	[tilespmem:s28+$0xA900] =	vst v6;
	v10 =	vand.u32 $0xFFFF0000, v19;
	v6 =	vshrl.u32 v18, $0x10  }
0xe5: {  	v8 =	vld.idx.msk [tilespmem:v61+s4+$0x0], $0xffff;
	v6 =	vor.u32 v6, v10;
	v22 =	vadd.s32 $0x8000, v9;
	v23 =	vadd.s32 $0x8000, v13  }
0xe6: {  	v12 =	vld.idx.msk [tilespmem:v16+s4+$0x0], $0xffff;
	[tilespmem:s28+$0xA910] =	vst v6;
	v9 =	vand.u32 $0xFFFF0000, v23;
	v6 =	vshrl.u32 v22, $0x10  }
0xe7: {  	v7 =	vld.idx.msk [tilespmem:v17+s4+$0x0], $0xffff;
	v6 =	vor.u32 v6, v9  }
0xe8: {  	v11 =	vld.idx.msk [tilespmem:v20+s4+$0x0], $0xffff;
	[tilespmem:s28+$0x9BA0] =	vst v6  }
0xe9: {  	v10 =	vld.idx.msk [tilespmem:v21+s4+$0x0], $0xffff  }
0xea: {  	v25 =	vadd.s32 $0x5000, v5;
	v28 =	vadd.s32 $0x5000, v4;
	v29 =	vadd.s32 $0x5000, v3;
	v13 =	vld.idx.msk [tilespmem:v24+s4+$0x0], $0xffff  }
0xeb: {  	v32 =	vadd.s32 $0x5000, v2;
	v26 =	vadd.s32 $0x8000, v8;
	v27 =	vadd.s32 $0x8000, v12  }
0xec: {  	v33 =	vadd.s32 $0x4400, v1;
	v8 =	vand.u32 $0xFFFF0000, v27;
	v6 =	vshrl.u32 v26, $0x10  }
0xed: {  	v6 =	vor.u32 v6, v8;
	v30 =	vadd.s32 $0x8000, v7;
	v31 =	vadd.s32 $0x8000, v11  }
0xee: {  	v36 =	vadd.s32 $0x4400, v0;
	[tilespmem:s28+$0xA980] =	vst v6;
	v7 =	vand.u32 $0xFFFF0000, v31;
	v6 =	vshrl.u32 v30, $0x10  }
0xef: {  	v9 =	vld.idx.msk [tilespmem:v25+s4+$0x0], $0xffff;
	v6 =	vor.u32 v6, v7;
	v34 =	vadd.s32 $0x8000, v10;
	v35 =	vadd.s32 $0x8000, v13  }
0xf0: {  	v12 =	vld.idx.msk [tilespmem:v28+s4+$0x0], $0xffff;
	[tilespmem:s28+$0xA990] =	vst v6;
	v10 =	vand.u32 $0xFFFF0000, v35;
	v6 =	vshrl.u32 v34, $0x10  }
0xf1: {  	v8 =	vld.idx.msk [tilespmem:v29+s4+$0x0], $0xffff;
	v6 =	vor.u32 v6, v10  }
0xf2: {  	v11 =	vld.idx.msk [tilespmem:v32+s4+$0x0], $0xffff;
	[tilespmem:s28+$0xA820] =	vst v6  }
0xf3: {  	v7 =	vld.idx.msk [tilespmem:v33+s4+$0x0], $0xffff  }
0xf4: {  	v37 =	vadd.s32 $0x5400, v5;
	v40 =	vadd.s32 $0x5400, v4;
	v41 =	vadd.s32 $0x5400, v3;
	v13 =	vld.idx.msk [tilespmem:v36+s4+$0x0], $0xffff  }
0xf5: {  	v44 =	vadd.s32 $0x5400, v2;
	v38 =	vadd.s32 $0x8000, v9;
	v39 =	vadd.s32 $0x8000, v12  }
0xf6: {  	v45 =	vadd.s32 $0x4800, v1;
	v9 =	vand.u32 $0xFFFF0000, v39;
	v6 =	vshrl.u32 v38, $0x10  }
0xf7: {  	v6 =	vor.u32 v6, v9;
	v42 =	vadd.s32 $0x8000, v8;
	v43 =	vadd.s32 $0x8000, v11  }
0xf8: {  	v48 =	vadd.s32 $0x4800, v0;
	[tilespmem:s28+$0xAA00] =	vst v6;
	v8 =	vand.u32 $0xFFFF0000, v43;
	v6 =	vshrl.u32 v42, $0x10  }
0xf9: {  	v10 =	vld.idx.msk [tilespmem:v37+s4+$0x0], $0xffff;
	v6 =	vor.u32 v6, v8;
	v46 =	vadd.s32 $0x8000, v7;
	v47 =	vadd.s32 $0x8000, v13  }
0xfa: {  	v12 =	vld.idx.msk [tilespmem:v40+s4+$0x0], $0xffff;
	[tilespmem:s28+$0xAA10] =	vst v6;
	v7 =	vand.u32 $0xFFFF0000, v47;
	v6 =	vshrl.u32 v46, $0x10  }
0xfb: {  	v9 =	vld.idx.msk [tilespmem:v41+s4+$0x0], $0xffff;
	v6 =	vor.u32 v6, v7  }
0xfc: {  	v11 =	vld.idx.msk [tilespmem:v44+s4+$0x0], $0xffff;
	[tilespmem:s28+$0xA8A0] =	vst v6  }
0xfd: {  	v8 =	vld.idx.msk [tilespmem:v45+s4+$0x0], $0xffff  }
0xfe: {  	v49 =	vadd.s32 $0x5800, v5;
	v52 =	vadd.s32 $0x5800, v4;
	v53 =	vadd.s32 $0x5800, v3;
	v13 =	vld.idx.msk [tilespmem:v48+s4+$0x0], $0xffff  }
0xff: {  	v56 =	vadd.s32 $0x5800, v2;
	v50 =	vadd.s32 $0x8000, v10;
	v51 =	vadd.s32 $0x8000, v12  }
0x100: {  	v57 =	vadd.s32 $0x4C00, v1;
	v10 =	vand.u32 $0xFFFF0000, v51;
	v6 =	vshrl.u32 v50, $0x10  }
0x101: {  	v6 =	vor.u32 v6, v10;
	v54 =	vadd.s32 $0x8000, v9;
	v55 =	vadd.s32 $0x8000, v11  }
0x102: {  	v60 =	vadd.s32 $0x4C00, v0;
	[tilespmem:s28+$0xAA80] =	vst v6;
	v9 =	vand.u32 $0xFFFF0000, v55;
	v6 =	vshrl.u32 v54, $0x10  }
0x103: {  	v7 =	vld.idx.msk [tilespmem:v49+s4+$0x0], $0xffff;
	v6 =	vor.u32 v6, v9;
	v58 =	vadd.s32 $0x8000, v8;
	v59 =	vadd.s32 $0x8000, v13  }
0x104: {  	v12 =	vld.idx.msk [tilespmem:v52+s4+$0x0], $0xffff;
	[tilespmem:s28+$0xAA90] =	vst v6;
	v8 =	vand.u32 $0xFFFF0000, v59;
	v6 =	vshrl.u32 v58, $0x10  }
0x105: {  	v10 =	vld.idx.msk [tilespmem:v53+s4+$0x0], $0xffff;
	v6 =	vor.u32 v6, v8  }
0x106: {  	v11 =	vld.idx.msk [tilespmem:v56+s4+$0x0], $0xffff;
	[tilespmem:s28+$0xA920] =	vst v6  }
0x107: {  	v9 =	vld.idx.msk [tilespmem:v57+s4+$0x0], $0xffff  }
0x108: {  	v61 =	vadd.s32 $0x5C00, v5;
	v16 =	vadd.s32 $0x5C00, v4;
	v17 =	vadd.s32 $0x5C00, v3;
	v13 =	vld.idx.msk [tilespmem:v60+s4+$0x0], $0xffff  }
0x109: {  	v20 =	vadd.s32 $0x5C00, v2;
	v62 =	vadd.s32 $0x8000, v7;
	v63 =	vadd.s32 $0x8000, v12  }
0x10a: {  	v21 =	vadd.s32 $0x5000, v1;
	v7 =	vand.u32 $0xFFFF0000, v63;
	v6 =	vshrl.u32 v62, $0x10  }
0x10b: {  	v6 =	vor.u32 v6, v7;
	v18 =	vadd.s32 $0x8000, v10;
	v19 =	vadd.s32 $0x8000, v11  }
0x10c: {  	v24 =	vadd.s32 $0x5000, v0;
	[tilespmem:s28+$0xAB00] =	vst v6;
	v10 =	vand.u32 $0xFFFF0000, v19;
	v6 =	vshrl.u32 v18, $0x10  }
0x10d: {  	v8 =	vld.idx.msk [tilespmem:v61+s4+$0x0], $0xffff;
	v6 =	vor.u32 v6, v10;
	v22 =	vadd.s32 $0x8000, v9;
	v23 =	vadd.s32 $0x8000, v13  }
0x10e: {  	v12 =	vld.idx.msk [tilespmem:v16+s4+$0x0], $0xffff;
	[tilespmem:s28+$0xAB10] =	vst v6;
	v9 =	vand.u32 $0xFFFF0000, v23;
	v6 =	vshrl.u32 v22, $0x10  }
0x10f: {  	v7 =	vld.idx.msk [tilespmem:v17+s4+$0x0], $0xffff;
	v6 =	vor.u32 v6, v9  }
0x110: {  	v11 =	vld.idx.msk [tilespmem:v20+s4+$0x0], $0xffff;
	[tilespmem:s28+$0xA9A0] =	vst v6  }
0x111: {  	v10 =	vld.idx.msk [tilespmem:v21+s4+$0x0], $0xffff  }
0x112: {  	v25 =	vadd.s32 $0x6000, v5;
	v28 =	vadd.s32 $0x6000, v4;
	v29 =	vadd.s32 $0x6000, v3;
	v13 =	vld.idx.msk [tilespmem:v24+s4+$0x0], $0xffff  }
0x113: {  	v32 =	vadd.s32 $0x6000, v2;
	v26 =	vadd.s32 $0x8000, v8;
	v27 =	vadd.s32 $0x8000, v12  }
0x114: {  	v33 =	vadd.s32 $0x5400, v1;
	v8 =	vand.u32 $0xFFFF0000, v27;
	v6 =	vshrl.u32 v26, $0x10  }
0x115: {  	v6 =	vor.u32 v6, v8;
	v30 =	vadd.s32 $0x8000, v7;
	v31 =	vadd.s32 $0x8000, v11  }
0x116: {  	v36 =	vadd.s32 $0x5400, v0;
	[tilespmem:s28+$0xAB80] =	vst v6;
	v7 =	vand.u32 $0xFFFF0000, v31;
	v6 =	vshrl.u32 v30, $0x10  }
0x117: {  	v9 =	vld.idx.msk [tilespmem:v25+s4+$0x0], $0xffff;
	v6 =	vor.u32 v6, v7;
	v34 =	vadd.s32 $0x8000, v10;
	v35 =	vadd.s32 $0x8000, v13  }
0x118: {  	v12 =	vld.idx.msk [tilespmem:v28+s4+$0x0], $0xffff;
	[tilespmem:s28+$0xAB90] =	vst v6;
	v10 =	vand.u32 $0xFFFF0000, v35;
	v6 =	vshrl.u32 v34, $0x10  }
0x119: {  	v8 =	vld.idx.msk [tilespmem:v29+s4+$0x0], $0xffff;
	v6 =	vor.u32 v6, v10  }
0x11a: {  	v11 =	vld.idx.msk [tilespmem:v32+s4+$0x0], $0xffff;
	[tilespmem:s28+$0xAA20] =	vst v6  }
0x11b: {  	v7 =	vld.idx.msk [tilespmem:v33+s4+$0x0], $0xffff  }
0x11c: {  	v37 =	vadd.s32 $0x6400, v5;
	v40 =	vadd.s32 $0x6400, v4;
	v41 =	vadd.s32 $0x6400, v3;
	v13 =	vld.idx.msk [tilespmem:v36+s4+$0x0], $0xffff  }
0x11d: {  	v44 =	vadd.s32 $0x6400, v2;
	v38 =	vadd.s32 $0x8000, v9;
	v39 =	vadd.s32 $0x8000, v12  }
0x11e: {  	v45 =	vadd.s32 $0x5800, v1;
	v9 =	vand.u32 $0xFFFF0000, v39;
	v6 =	vshrl.u32 v38, $0x10  }
0x11f: {  	v6 =	vor.u32 v6, v9;
	v42 =	vadd.s32 $0x8000, v8;
	v43 =	vadd.s32 $0x8000, v11  }
0x120: {  	v48 =	vadd.s32 $0x5800, v0;
	[tilespmem:s28+$0xB800] =	vst v6;
	v8 =	vand.u32 $0xFFFF0000, v43;
	v6 =	vshrl.u32 v42, $0x10  }
0x121: {  	v10 =	vld.idx.msk [tilespmem:v37+s4+$0x0], $0xffff;
	v6 =	vor.u32 v6, v8;
	v46 =	vadd.s32 $0x8000, v7;
	v47 =	vadd.s32 $0x8000, v13  }
0x122: {  	v12 =	vld.idx.msk [tilespmem:v40+s4+$0x0], $0xffff;
	[tilespmem:s28+$0xB810] =	vst v6;
	v7 =	vand.u32 $0xFFFF0000, v47;
	v6 =	vshrl.u32 v46, $0x10  }
0x123: {  	v9 =	vld.idx.msk [tilespmem:v41+s4+$0x0], $0xffff;
	v6 =	vor.u32 v6, v7  }
0x124: {  	v11 =	vld.idx.msk [tilespmem:v44+s4+$0x0], $0xffff;
	[tilespmem:s28+$0xAAA0] =	vst v6  }
0x125: {  	v8 =	vld.idx.msk [tilespmem:v45+s4+$0x0], $0xffff  }
0x126: {  	v49 =	vadd.s32 $0x6800, v5;
	v52 =	vadd.s32 $0x6800, v4;
	v53 =	vadd.s32 $0x6800, v3;
	v13 =	vld.idx.msk [tilespmem:v48+s4+$0x0], $0xffff  }
0x127: {  	v56 =	vadd.s32 $0x6800, v2;
	v50 =	vadd.s32 $0x8000, v10;
	v51 =	vadd.s32 $0x8000, v12  }
0x128: {  	v57 =	vadd.s32 $0x5C00, v1;
	v10 =	vand.u32 $0xFFFF0000, v51;
	v6 =	vshrl.u32 v50, $0x10  }
0x129: {  	v6 =	vor.u32 v6, v10;
	v54 =	vadd.s32 $0x8000, v9;
	v55 =	vadd.s32 $0x8000, v11  }
0x12a: {  	v60 =	vadd.s32 $0x5C00, v0;
	[tilespmem:s28+$0xB880] =	vst v6;
	v9 =	vand.u32 $0xFFFF0000, v55;
	v6 =	vshrl.u32 v54, $0x10  }
0x12b: {  	v7 =	vld.idx.msk [tilespmem:v49+s4+$0x0], $0xffff;
	v6 =	vor.u32 v6, v9;
	v58 =	vadd.s32 $0x8000, v8;
	v59 =	vadd.s32 $0x8000, v13  }
0x12c: {  	v12 =	vld.idx.msk [tilespmem:v52+s4+$0x0], $0xffff;
	[tilespmem:s28+$0xB890] =	vst v6;
	v8 =	vand.u32 $0xFFFF0000, v59;
	v6 =	vshrl.u32 v58, $0x10  }
0x12d: {  	v10 =	vld.idx.msk [tilespmem:v53+s4+$0x0], $0xffff;
	v6 =	vor.u32 v6, v8  }
0x12e: {  	v11 =	vld.idx.msk [tilespmem:v56+s4+$0x0], $0xffff;
	[tilespmem:s28+$0xAB20] =	vst v6  }
0x12f: {  	v9 =	vld.idx.msk [tilespmem:v57+s4+$0x0], $0xffff  }
0x130: {  	v61 =	vadd.s32 $0x6C00, v5;
	v16 =	vadd.s32 $0x6C00, v4;
	v17 =	vadd.s32 $0x6C00, v3;
	v13 =	vld.idx.msk [tilespmem:v60+s4+$0x0], $0xffff  }
0x131: {  	v20 =	vadd.s32 $0x6C00, v2;
	v62 =	vadd.s32 $0x8000, v7;
	v63 =	vadd.s32 $0x8000, v12  }
0x132: {  	v21 =	vadd.s32 $0x6000, v1;
	v7 =	vand.u32 $0xFFFF0000, v63;
	v6 =	vshrl.u32 v62, $0x10  }
0x133: {  	v6 =	vor.u32 v6, v7;
	v18 =	vadd.s32 $0x8000, v10;
	v19 =	vadd.s32 $0x8000, v11  }
0x134: {  	v24 =	vadd.s32 $0x6000, v0;
	[tilespmem:s28+$0xB900] =	vst v6;
	v10 =	vand.u32 $0xFFFF0000, v19;
	v6 =	vshrl.u32 v18, $0x10  }
0x135: {  	v8 =	vld.idx.msk [tilespmem:v61+s4+$0x0], $0xffff;
	v6 =	vor.u32 v6, v10;
	v22 =	vadd.s32 $0x8000, v9;
	v23 =	vadd.s32 $0x8000, v13  }
0x136: {  	v12 =	vld.idx.msk [tilespmem:v16+s4+$0x0], $0xffff;
	[tilespmem:s28+$0xB910] =	vst v6;
	v9 =	vand.u32 $0xFFFF0000, v23;
	v6 =	vshrl.u32 v22, $0x10  }
0x137: {  	v7 =	vld.idx.msk [tilespmem:v17+s4+$0x0], $0xffff;
	v6 =	vor.u32 v6, v9  }
0x138: {  	v11 =	vld.idx.msk [tilespmem:v20+s4+$0x0], $0xffff;
	[tilespmem:s28+$0xABA0] =	vst v6  }
0x139: {  	v10 =	vld.idx.msk [tilespmem:v21+s4+$0x0], $0xffff  }
0x13a: {  	v25 =	vadd.s32 $0x7000, v5;
	v28 =	vadd.s32 $0x7000, v4;
	v29 =	vadd.s32 $0x7000, v3;
	v13 =	vld.idx.msk [tilespmem:v24+s4+$0x0], $0xffff  }
0x13b: {  	v32 =	vadd.s32 $0x7000, v2;
	v26 =	vadd.s32 $0x8000, v8;
	v27 =	vadd.s32 $0x8000, v12  }
0x13c: {  	v33 =	vadd.s32 $0x6400, v1;
	v8 =	vand.u32 $0xFFFF0000, v27;
	v6 =	vshrl.u32 v26, $0x10  }
0x13d: {  	v6 =	vor.u32 v6, v8;
	v30 =	vadd.s32 $0x8000, v7;
	v31 =	vadd.s32 $0x8000, v11  }
0x13e: {  	v36 =	vadd.s32 $0x6400, v0;
	[tilespmem:s28+$0xB980] =	vst v6;
	v7 =	vand.u32 $0xFFFF0000, v31;
	v6 =	vshrl.u32 v30, $0x10  }
0x13f: {  	v9 =	vld.idx.msk [tilespmem:v25+s4+$0x0], $0xffff;
	v6 =	vor.u32 v6, v7;
	v34 =	vadd.s32 $0x8000, v10;
	v35 =	vadd.s32 $0x8000, v13  }
0x140: {  	v12 =	vld.idx.msk [tilespmem:v28+s4+$0x0], $0xffff;
	[tilespmem:s28+$0xB990] =	vst v6;
	v10 =	vand.u32 $0xFFFF0000, v35;
	v6 =	vshrl.u32 v34, $0x10  }
0x141: {  	v8 =	vld.idx.msk [tilespmem:v29+s4+$0x0], $0xffff;
	v6 =	vor.u32 v6, v10  }
0x142: {  	v11 =	vld.idx.msk [tilespmem:v32+s4+$0x0], $0xffff;
	[tilespmem:s28+$0xB820] =	vst v6  }
0x143: {  	v7 =	vld.idx.msk [tilespmem:v33+s4+$0x0], $0xffff  }
0x144: {  	v37 =	vadd.s32 $0x7400, v5;
	v40 =	vadd.s32 $0x7400, v4;
	v41 =	vadd.s32 $0x7400, v3;
	v13 =	vld.idx.msk [tilespmem:v36+s4+$0x0], $0xffff  }
0x145: {  	v44 =	vadd.s32 $0x7400, v2;
	v38 =	vadd.s32 $0x8000, v9;
	v39 =	vadd.s32 $0x8000, v12  }
0x146: {  	v45 =	vadd.s32 $0x6800, v1;
	v9 =	vand.u32 $0xFFFF0000, v39;
	v6 =	vshrl.u32 v38, $0x10  }
0x147: {  	v6 =	vor.u32 v6, v9;
	v42 =	vadd.s32 $0x8000, v8;
	v43 =	vadd.s32 $0x8000, v11  }
0x148: {  	v48 =	vadd.s32 $0x6800, v0;
	[tilespmem:s28+$0xBA00] =	vst v6;
	v8 =	vand.u32 $0xFFFF0000, v43;
	v6 =	vshrl.u32 v42, $0x10  }
0x149: {  	v10 =	vld.idx.msk [tilespmem:v37+s4+$0x0], $0xffff;
	v6 =	vor.u32 v6, v8;
	v46 =	vadd.s32 $0x8000, v7;
	v47 =	vadd.s32 $0x8000, v13  }
0x14a: {  	v12 =	vld.idx.msk [tilespmem:v40+s4+$0x0], $0xffff;
	[tilespmem:s28+$0xBA10] =	vst v6;
	v7 =	vand.u32 $0xFFFF0000, v47;
	v6 =	vshrl.u32 v46, $0x10  }
0x14b: {  	v9 =	vld.idx.msk [tilespmem:v41+s4+$0x0], $0xffff;
	v6 =	vor.u32 v6, v7  }
0x14c: {  	v11 =	vld.idx.msk [tilespmem:v44+s4+$0x0], $0xffff;
	[tilespmem:s28+$0xB8A0] =	vst v6  }
0x14d: {  	v8 =	vld.idx.msk [tilespmem:v45+s4+$0x0], $0xffff  }
0x14e: {  	v49 =	vadd.s32 $0x7800, v5;
	v52 =	vadd.s32 $0x7800, v4;
	v53 =	vadd.s32 $0x7800, v3;
	v13 =	vld.idx.msk [tilespmem:v48+s4+$0x0], $0xffff  }
0x14f: {  	v56 =	vadd.s32 $0x7800, v2;
	v50 =	vadd.s32 $0x8000, v10;
	v51 =	vadd.s32 $0x8000, v12  }
0x150: {  	v57 =	vadd.s32 $0x6C00, v1;
	v10 =	vand.u32 $0xFFFF0000, v51;
	v6 =	vshrl.u32 v50, $0x10  }
0x151: {  	v6 =	vor.u32 v6, v10;
	v54 =	vadd.s32 $0x8000, v9;
	v55 =	vadd.s32 $0x8000, v11  }
0x152: {  	v60 =	vadd.s32 $0x6C00, v0;
	[tilespmem:s28+$0xBA80] =	vst v6;
	v9 =	vand.u32 $0xFFFF0000, v55;
	v6 =	vshrl.u32 v54, $0x10  }
0x153: {  	v12 =	vld.idx.msk [tilespmem:v52+s4+$0x0], $0xffff;
	v6 =	vor.u32 v6, v9;
	v58 =	vadd.s32 $0x8000, v8;
	v59 =	vadd.s32 $0x8000, v13  }
0x154: {  	v7 =	vld.idx.msk [tilespmem:v49+s4+$0x0], $0xffff;
	[tilespmem:s28+$0xBA90] =	vst v6;
	v8 =	vand.u32 $0xFFFF0000, v59;
	v6 =	vshrl.u32 v58, $0x10  }
0x155: {  	v10 =	vld.idx.msk [tilespmem:v53+s4+$0x0], $0xffff;
	v6 =	vor.u32 v6, v8  }
0x156: {  	v11 =	vld.idx.msk [tilespmem:v56+s4+$0x0], $0xffff;
	[tilespmem:s28+$0xB920] =	vst v6  }
0x157: {  	v63 =	vld.idx.msk [tilespmem:v57+s4+$0x0], $0xffff  }
0x158: {  	v5 =	vadd.s32 $0x7C00, v5;
	v4 =	vadd.s32 $0x7C00, v4;
	v62 =	vadd.s32 $0x8000, v12;
	v12 =	vld.idx.msk [tilespmem:v60+s4+$0x0], $0xffff  }
0x159: {  	v3 =	vadd.s32 $0x7C00, v3;
	v2 =	vadd.s32 $0x7C00, v2;
	v61 =	vadd.s32 $0x8000, v7  }
0x15a: {  	v16 =	vadd.s32 $0x7000, v1;
	v7 =	vand.u32 $0xFFFF0000, v62;
	v6 =	vshrl.u32 v61, $0x10  }
0x15b: {  	v6 =	vor.u32 v6, v7;
	v13 =	vadd.s32 $0x8000, v10;
	v14 =	vadd.s32 $0x8000, v11  }
0x15c: {  	v17 =	vadd.s32 $0x7000, v0;
	v10 =	vand.u32 $0xFFFF0000, v14;
	v7 =	vshrl.u32 v13, $0x10;
	[tilespmem:s28+$0xBB00] =	vst v6  }
0x15d: {  	v15 =	vor.u32 v7, v10;
	v5 =	vld.idx.msk [tilespmem:v5+s4+$0x0], $0xffff;
	v8 =	vadd.s32 $0x8000, v63;
	v9 =	vadd.s32 $0x8000, v12  }
0x15e: {  	v4 =	vld.idx.msk [tilespmem:v4+s4+$0x0], $0xffff;
	[tilespmem:s28+$0xBB10] =	vst v15;
	v18 =	vand.u32 $0xFFFF0000, v9;
	v8 =	vshrl.u32 v8, $0x10  }
0x15f: {  	v3 =	vld.idx.msk [tilespmem:v3+s4+$0x0], $0xffff;
	v6 =	vor.u32 v8, v18  }
0x160: {  	v2 =	vld.idx.msk [tilespmem:v2+s4+$0x0], $0xffff;
	[tilespmem:s28+$0xB9A0] =	vst v6  }
0x161: {  	v6 =	vld.idx.msk [tilespmem:v16+s4+$0x0], $0xffff  }
0x162: {  	v19 =	vld.idx.msk [tilespmem:v17+s4+$0x0], $0xffff;
	_ =	sdelay $0x1  }
0x163: {  	v5 =	vadd.s32 $0x8000, v5;
	v4 =	vadd.s32 $0x8000, v4  }
0x164: {  	v4 =	vand.u32 $0xFFFF0000, v4;
	v5 =	vshrl.u32 v5, $0x10;
	v2 =	vadd.s32 $0x8000, v2  }
0x165: {  	v4 =	vor.u32 v5, v4;
	v3 =	vadd.s32 $0x8000, v3;
	v2 =	vand.u32 $0xFFFF0000, v2  }
0x166: {  	v3 =	vshrl.u32 v3, $0x10;
	v20 =	vadd.s32 $0x8000, v6;
	v21 =	vadd.s32 $0x8000, v19  }
0x167: {  	[tilespmem:s28+$0xBB80] =	vst v4;
	v2 =	vor.u32 v3, v2;
	v22 =	vand.u32 $0xFFFF0000, v21;
	v23 =	vshrl.u32 v20, $0x10  }
0x168: {  	[tilespmem:s28+$0xBB90] =	vst v2;
	v24 =	vor.u32 v23, v22  }
0x169: {  	[tilespmem:s28+$0xBA20] =	vst v24  }
0x16a: {  	v3 =	vld [tilespmem:s29+$0x8030]  }
0x16b: {  	v2 =	vld [tilespmem:s29+$0x80B0];
	_ =	sdelay $0x6  }
0x16c: {  	v25 =	vld.idx.msk [tilespmem:v3+s4+$0x0], $0xffff  }
0x16d: {  	v26 =	vld.idx.msk [tilespmem:v2+s4+$0x0], $0xffff;
	_ =	sdelay $0x3  }
0x16e: {  	v27 =	vadd.s32 $0x400, v3  }
0x16f: {  	v28 =	vadd.s32 $0x400, v2;
	v4 =	vadd.s32 $0x8000, v25;
	v5 =	vadd.s32 $0x8000, v26  }
0x170: {  	v5 =	vand.u32 $0xFFFF0000, v5;
	v4 =	vshrl.u32 v4, $0x10  }
0x171: {  	v4 =	vor.u32 v4, v5  }
0x172: {  	[tilespmem:s28+$0x8830] =	vst v4  }
0x173: {  	v4 =	vld.idx.msk [tilespmem:v27+s4+$0x0], $0xffff  }
0x174: {  	v29 =	vld.idx.msk [tilespmem:v28+s4+$0x0], $0xffff;
	_ =	sdelay $0x3  }
0x175: {  	v30 =	vadd.s32 $0x800, v3  }
0x176: {  	v31 =	vadd.s32 $0x800, v2;
	v4 =	vadd.s32 $0x8000, v4;
	v5 =	vadd.s32 $0x8000, v29  }
0x177: {  	v5 =	vand.u32 $0xFFFF0000, v5;
	v4 =	vshrl.u32 v4, $0x10  }
0x178: {  	v4 =	vor.u32 v4, v5  }
0x179: {  	[tilespmem:s28+$0x88B0] =	vst v4  }
0x17a: {  	v4 =	vld.idx.msk [tilespmem:v30+s4+$0x0], $0xffff  }
0x17b: {  	v32 =	vld.idx.msk [tilespmem:v31+s4+$0x0], $0xffff;
	_ =	sdelay $0x3  }
0x17c: {  	v33 =	vadd.s32 $0xC00, v3  }
0x17d: {  	v34 =	vadd.s32 $0xC00, v2;
	v4 =	vadd.s32 $0x8000, v4;
	v5 =	vadd.s32 $0x8000, v32  }
0x17e: {  	v5 =	vand.u32 $0xFFFF0000, v5;
	v4 =	vshrl.u32 v4, $0x10  }
0x17f: {  	v4 =	vor.u32 v4, v5  }
0x180: {  	[tilespmem:s28+$0x8930] =	vst v4  }
0x181: {  	v4 =	vld.idx.msk [tilespmem:v33+s4+$0x0], $0xffff  }
0x182: {  	v35 =	vld.idx.msk [tilespmem:v34+s4+$0x0], $0xffff;
	_ =	sdelay $0x3  }
0x183: {  	v36 =	vadd.s32 $0x1000, v3  }
0x184: {  	v37 =	vadd.s32 $0x1000, v2;
	v4 =	vadd.s32 $0x8000, v4;
	v5 =	vadd.s32 $0x8000, v35  }
0x185: {  	v5 =	vand.u32 $0xFFFF0000, v5;
	v4 =	vshrl.u32 v4, $0x10  }
0x186: {  	v4 =	vor.u32 v4, v5  }
0x187: {  	[tilespmem:s28+$0x89B0] =	vst v4  }
0x188: {  	v4 =	vld.idx.msk [tilespmem:v36+s4+$0x0], $0xffff  }
0x189: {  	v38 =	vld.idx.msk [tilespmem:v37+s4+$0x0], $0xffff;
	_ =	sdelay $0x3  }
0x18a: {  	v39 =	vadd.s32 $0x1400, v3  }
0x18b: {  	v40 =	vadd.s32 $0x1400, v2;
	v4 =	vadd.s32 $0x8000, v4;
	v5 =	vadd.s32 $0x8000, v38  }
0x18c: {  	v5 =	vand.u32 $0xFFFF0000, v5;
	v4 =	vshrl.u32 v4, $0x10  }
0x18d: {  	v4 =	vor.u32 v4, v5  }
0x18e: {  	[tilespmem:s28+$0x8A30] =	vst v4  }
0x18f: {  	v4 =	vld.idx.msk [tilespmem:v39+s4+$0x0], $0xffff  }
0x190: {  	v41 =	vld.idx.msk [tilespmem:v40+s4+$0x0], $0xffff;
	_ =	sdelay $0x3  }
0x191: {  	v42 =	vadd.s32 $0x1800, v3  }
0x192: {  	v43 =	vadd.s32 $0x1800, v2;
	v4 =	vadd.s32 $0x8000, v4;
	v5 =	vadd.s32 $0x8000, v41  }
0x193: {  	v5 =	vand.u32 $0xFFFF0000, v5;
	v4 =	vshrl.u32 v4, $0x10  }
0x194: {  	v4 =	vor.u32 v4, v5  }
0x195: {  	[tilespmem:s28+$0x8AB0] =	vst v4  }
0x196: {  	v4 =	vld.idx.msk [tilespmem:v42+s4+$0x0], $0xffff  }
0x197: {  	v44 =	vld.idx.msk [tilespmem:v43+s4+$0x0], $0xffff;
	_ =	sdelay $0x4  }
0x198: {  	v4 =	vadd.s32 $0x8000, v4;
	v5 =	vadd.s32 $0x8000, v44  }
0x199: {  	v5 =	vand.u32 $0xFFFF0000, v5;
	v47 =	vshrl.u32 v4, $0x10;
	v4 =	vld [tilespmem:s29+$0x8040]  }
0x19a: {  	v45 =	vadd.s32 $0x1C00, v3;
	v8 =	vor.u32 v47, v5;
	v5 =	vld [tilespmem:s29+$0x80C0]  }
0x19b: {  	v46 =	vadd.s32 $0x1C00, v2;
	_ =	sdelay $0x2  }
0x19c: {  	[tilespmem:s28+$0x8B30] =	vst v8  }
0x19d: {  	v6 =	vld.idx.msk [tilespmem:v45+s4+$0x0], $0xffff  }
0x19e: {  	v7 =	vld.idx.msk [tilespmem:v46+s4+$0x0], $0xffff  }
0x19f: {  	v49 =	vld.idx.msk [tilespmem:v4+s4+$0x0], $0xffff  }
0x1a0: {  	v51 =	vld.idx.msk [tilespmem:v5+s4+$0x0], $0xffff;
	_ =	sdelay $0x1  }
0x1a1: {  	v48 =	vadd.s32 $0x2000, v3;
	v50 =	vadd.s32 $0x2000, v2  }
0x1a2: {  	v52 =	vadd.s32 $0x400, v4;
	v6 =	vadd.s32 $0x8000, v6;
	v7 =	vadd.s32 $0x8000, v7  }
0x1a3: {  	v55 =	vadd.s32 $0x400, v5;
	v7 =	vand.u32 $0xFFFF0000, v7;
	v6 =	vshrl.u32 v6, $0x10  }
0x1a4: {  	v6 =	vor.u32 v6, v7;
	v9 =	vadd.s32 $0x8000, v49;
	v54 =	vadd.s32 $0x8000, v51  }
0x1a5: {  	[tilespmem:s28+$0x8BB0] =	vst v6;
	v9 =	vshrl.u32 v9, $0x10;
	v10 =	vand.u32 $0xFFFF0000, v54  }
0x1a6: {  	v6 =	vld.idx.msk [tilespmem:v48+s4+$0x0], $0xffff;
	v9 =	vor.u32 v9, v10  }
0x1a7: {  	v53 =	vld.idx.msk [tilespmem:v50+s4+$0x0], $0xffff;
	[tilespmem:s28+$0x8840] =	vst v9  }
0x1a8: {  	v7 =	vld.idx.msk [tilespmem:v52+s4+$0x0], $0xffff  }
0x1a9: {  	v11 =	vld.idx.msk [tilespmem:v55+s4+$0x0], $0xffff;
	_ =	sdelay $0x1  }
0x1aa: {  	v56 =	vadd.s32 $0x2400, v3;
	v57 =	vadd.s32 $0x2400, v2  }
0x1ab: {  	v58 =	vadd.s32 $0x800, v4;
	v6 =	vadd.s32 $0x8000, v6;
	v8 =	vadd.s32 $0x8000, v53  }
0x1ac: {  	v61 =	vadd.s32 $0x800, v5;
	v8 =	vand.u32 $0xFFFF0000, v8;
	v6 =	vshrl.u32 v6, $0x10  }
0x1ad: {  	v6 =	vor.u32 v6, v8;
	v7 =	vadd.s32 $0x8000, v7;
	v60 =	vadd.s32 $0x8000, v11  }
0x1ae: {  	[tilespmem:s28+$0x9830] =	vst v6;
	v10 =	vand.u32 $0xFFFF0000, v60;
	v7 =	vshrl.u32 v7, $0x10  }
0x1af: {  	v6 =	vld.idx.msk [tilespmem:v56+s4+$0x0], $0xffff;
	v7 =	vor.u32 v7, v10  }
0x1b0: {  	v59 =	vld.idx.msk [tilespmem:v57+s4+$0x0], $0xffff;
	[tilespmem:s28+$0x88C0] =	vst v7  }
0x1b1: {  	v8 =	vld.idx.msk [tilespmem:v58+s4+$0x0], $0xffff  }
0x1b2: {  	v11 =	vld.idx.msk [tilespmem:v61+s4+$0x0], $0xffff;
	_ =	sdelay $0x1  }
0x1b3: {  	v62 =	vadd.s32 $0x2800, v3;
	v63 =	vadd.s32 $0x2800, v2  }
0x1b4: {  	v12 =	vadd.s32 $0xC00, v4;
	v6 =	vadd.s32 $0x8000, v6;
	v9 =	vadd.s32 $0x8000, v59  }
0x1b5: {  	v15 =	vadd.s32 $0xC00, v5;
	v9 =	vand.u32 $0xFFFF0000, v9;
	v6 =	vshrl.u32 v6, $0x10  }
0x1b6: {  	v6 =	vor.u32 v6, v9;
	v8 =	vadd.s32 $0x8000, v8;
	v14 =	vadd.s32 $0x8000, v11  }
0x1b7: {  	[tilespmem:s28+$0x98B0] =	vst v6;
	v10 =	vand.u32 $0xFFFF0000, v14;
	v8 =	vshrl.u32 v8, $0x10  }
0x1b8: {  	v6 =	vld.idx.msk [tilespmem:v62+s4+$0x0], $0xffff;
	v8 =	vor.u32 v8, v10  }
0x1b9: {  	v13 =	vld.idx.msk [tilespmem:v63+s4+$0x0], $0xffff;
	[tilespmem:s28+$0x8940] =	vst v8  }
0x1ba: {  	v7 =	vld.idx.msk [tilespmem:v12+s4+$0x0], $0xffff  }
0x1bb: {  	v11 =	vld.idx.msk [tilespmem:v15+s4+$0x0], $0xffff;
	_ =	sdelay $0x1  }
0x1bc: {  	v16 =	vadd.s32 $0x2C00, v3;
	v17 =	vadd.s32 $0x2C00, v2  }
0x1bd: {  	v18 =	vadd.s32 $0x1000, v4;
	v6 =	vadd.s32 $0x8000, v6;
	v9 =	vadd.s32 $0x8000, v13  }
0x1be: {  	v21 =	vadd.s32 $0x1000, v5;
	v9 =	vand.u32 $0xFFFF0000, v9;
	v6 =	vshrl.u32 v6, $0x10  }
0x1bf: {  	v6 =	vor.u32 v6, v9;
	v7 =	vadd.s32 $0x8000, v7;
	v20 =	vadd.s32 $0x8000, v11  }
0x1c0: {  	[tilespmem:s28+$0x9930] =	vst v6;
	v10 =	vand.u32 $0xFFFF0000, v20;
	v7 =	vshrl.u32 v7, $0x10  }
0x1c1: {  	v6 =	vld.idx.msk [tilespmem:v16+s4+$0x0], $0xffff;
	v7 =	vor.u32 v7, v10  }
0x1c2: {  	v19 =	vld.idx.msk [tilespmem:v17+s4+$0x0], $0xffff;
	[tilespmem:s28+$0x89C0] =	vst v7  }
0x1c3: {  	v8 =	vld.idx.msk [tilespmem:v18+s4+$0x0], $0xffff  }
0x1c4: {  	v11 =	vld.idx.msk [tilespmem:v21+s4+$0x0], $0xffff;
	_ =	sdelay $0x1  }
0x1c5: {  	v22 =	vadd.s32 $0x3000, v3;
	v23 =	vadd.s32 $0x3000, v2  }
0x1c6: {  	v24 =	vadd.s32 $0x1400, v4;
	v6 =	vadd.s32 $0x8000, v6;
	v9 =	vadd.s32 $0x8000, v19  }
0x1c7: {  	v27 =	vadd.s32 $0x1400, v5;
	v9 =	vand.u32 $0xFFFF0000, v9;
	v6 =	vshrl.u32 v6, $0x10  }
0x1c8: {  	v6 =	vor.u32 v6, v9;
	v8 =	vadd.s32 $0x8000, v8;
	v26 =	vadd.s32 $0x8000, v11  }
0x1c9: {  	[tilespmem:s28+$0x99B0] =	vst v6;
	v10 =	vand.u32 $0xFFFF0000, v26;
	v8 =	vshrl.u32 v8, $0x10  }
0x1ca: {  	v6 =	vld.idx.msk [tilespmem:v22+s4+$0x0], $0xffff;
	v8 =	vor.u32 v8, v10  }
0x1cb: {  	v25 =	vld.idx.msk [tilespmem:v23+s4+$0x0], $0xffff;
	[tilespmem:s28+$0x8A40] =	vst v8  }
0x1cc: {  	v7 =	vld.idx.msk [tilespmem:v24+s4+$0x0], $0xffff  }
0x1cd: {  	v11 =	vld.idx.msk [tilespmem:v27+s4+$0x0], $0xffff;
	_ =	sdelay $0x1  }
0x1ce: {  	v28 =	vadd.s32 $0x3400, v3;
	v29 =	vadd.s32 $0x3400, v2  }
0x1cf: {  	v30 =	vadd.s32 $0x1800, v4;
	v6 =	vadd.s32 $0x8000, v6;
	v9 =	vadd.s32 $0x8000, v25  }
0x1d0: {  	v33 =	vadd.s32 $0x1800, v5;
	v9 =	vand.u32 $0xFFFF0000, v9;
	v6 =	vshrl.u32 v6, $0x10  }
0x1d1: {  	v6 =	vor.u32 v6, v9;
	v7 =	vadd.s32 $0x8000, v7;
	v32 =	vadd.s32 $0x8000, v11  }
0x1d2: {  	[tilespmem:s28+$0x9A30] =	vst v6;
	v10 =	vand.u32 $0xFFFF0000, v32;
	v7 =	vshrl.u32 v7, $0x10  }
0x1d3: {  	v6 =	vld.idx.msk [tilespmem:v28+s4+$0x0], $0xffff;
	v7 =	vor.u32 v7, v10  }
0x1d4: {  	v31 =	vld.idx.msk [tilespmem:v29+s4+$0x0], $0xffff;
	[tilespmem:s28+$0x8AC0] =	vst v7  }
0x1d5: {  	v8 =	vld.idx.msk [tilespmem:v30+s4+$0x0], $0xffff  }
0x1d6: {  	v11 =	vld.idx.msk [tilespmem:v33+s4+$0x0], $0xffff;
	_ =	sdelay $0x1  }
0x1d7: {  	v34 =	vadd.s32 $0x3800, v3;
	v35 =	vadd.s32 $0x3800, v2  }
0x1d8: {  	v36 =	vadd.s32 $0x1C00, v4;
	v6 =	vadd.s32 $0x8000, v6;
	v9 =	vadd.s32 $0x8000, v31  }
0x1d9: {  	v39 =	vadd.s32 $0x1C00, v5;
	v9 =	vand.u32 $0xFFFF0000, v9;
	v6 =	vshrl.u32 v6, $0x10  }
0x1da: {  	v6 =	vor.u32 v6, v9;
	v8 =	vadd.s32 $0x8000, v8;
	v38 =	vadd.s32 $0x8000, v11  }
0x1db: {  	[tilespmem:s28+$0x9AB0] =	vst v6;
	v10 =	vand.u32 $0xFFFF0000, v38;
	v8 =	vshrl.u32 v8, $0x10  }
0x1dc: {  	v6 =	vld.idx.msk [tilespmem:v34+s4+$0x0], $0xffff;
	v8 =	vor.u32 v8, v10  }
0x1dd: {  	v37 =	vld.idx.msk [tilespmem:v35+s4+$0x0], $0xffff;
	[tilespmem:s28+$0x8B40] =	vst v8  }
0x1de: {  	v7 =	vld.idx.msk [tilespmem:v36+s4+$0x0], $0xffff  }
0x1df: {  	v11 =	vld.idx.msk [tilespmem:v39+s4+$0x0], $0xffff;
	_ =	sdelay $0x1  }
0x1e0: {  	v40 =	vadd.s32 $0x3C00, v3;
	v41 =	vadd.s32 $0x3C00, v2  }
0x1e1: {  	v42 =	vadd.s32 $0x2000, v4;
	v6 =	vadd.s32 $0x8000, v6;
	v9 =	vadd.s32 $0x8000, v37  }
0x1e2: {  	v45 =	vadd.s32 $0x2000, v5;
	v9 =	vand.u32 $0xFFFF0000, v9;
	v6 =	vshrl.u32 v6, $0x10  }
0x1e3: {  	v6 =	vor.u32 v6, v9;
	v7 =	vadd.s32 $0x8000, v7;
	v44 =	vadd.s32 $0x8000, v11  }
0x1e4: {  	[tilespmem:s28+$0x9B30] =	vst v6;
	v10 =	vand.u32 $0xFFFF0000, v44;
	v7 =	vshrl.u32 v7, $0x10  }
0x1e5: {  	v6 =	vld.idx.msk [tilespmem:v40+s4+$0x0], $0xffff;
	v7 =	vor.u32 v7, v10  }
0x1e6: {  	v43 =	vld.idx.msk [tilespmem:v41+s4+$0x0], $0xffff;
	[tilespmem:s28+$0x8BC0] =	vst v7  }
0x1e7: {  	v8 =	vld.idx.msk [tilespmem:v42+s4+$0x0], $0xffff  }
0x1e8: {  	v11 =	vld.idx.msk [tilespmem:v45+s4+$0x0], $0xffff;
	_ =	sdelay $0x1  }
0x1e9: {  	v47 =	vadd.s32 $0x4000, v2;
	v46 =	vadd.s32 $0x4000, v3  }
0x1ea: {  	v48 =	vadd.s32 $0x2400, v4;
	v6 =	vadd.s32 $0x8000, v6;
	v9 =	vadd.s32 $0x8000, v43  }
0x1eb: {  	v51 =	vadd.s32 $0x2400, v5;
	v9 =	vand.u32 $0xFFFF0000, v9;
	v6 =	vshrl.u32 v6, $0x10  }
0x1ec: {  	v6 =	vor.u32 v6, v9;
	v8 =	vadd.s32 $0x8000, v8;
	v50 =	vadd.s32 $0x8000, v11  }
0x1ed: {  	[tilespmem:s28+$0x9BB0] =	vst v6;
	v10 =	vand.u32 $0xFFFF0000, v50;
	v8 =	vshrl.u32 v8, $0x10  }
0x1ee: {  	v6 =	vld.idx.msk [tilespmem:v46+s4+$0x0], $0xffff;
	v8 =	vor.u32 v8, v10  }
0x1ef: {  	v49 =	vld.idx.msk [tilespmem:v47+s4+$0x0], $0xffff;
	[tilespmem:s28+$0x9840] =	vst v8  }
0x1f0: {  	v7 =	vld.idx.msk [tilespmem:v48+s4+$0x0], $0xffff  }
0x1f1: {  	v53 =	vld.idx.msk [tilespmem:v51+s4+$0x0], $0xffff;
	_ =	sdelay $0x2  }
0x1f2: {  	v54 =	vadd.s32 $0x4400, v2;
	v9 =	vadd.s32 $0x8000, v49  }
0x1f3: {  	v52 =	vadd.s32 $0x4400, v3;
	v11 =	vld [tilespmem:s29+$0x8060];
	v6 =	vadd.s32 $0x8000, v6;
	v9 =	vand.u32 $0xFFFF0000, v9  }
0x1f4: {  	v10 =	vld [tilespmem:s29+$0x80D0];
	v6 =	vshrl.u32 v6, $0x10;
	v7 =	vadd.s32 $0x8000, v7;
	v57 =	vadd.s32 $0x8000, v53  }
0x1f5: {  	v6 =	vor.u32 v6, v9;
	v9 =	vld [tilespmem:s29+$0x8050];
	v8 =	vand.u32 $0xFFFF0000, v57;
	v7 =	vshrl.u32 v7, $0x10  }
0x1f6: {  	[tilespmem:s28+$0xA830] =	vst v6;
	v6 =	vld [tilespmem:s29+$0x80F0];
	v7 =	vor.u32 v7, v8  }
0x1f7: {  	[tilespmem:s28+$0x98C0] =	vst v7;
	v7 =	vld [tilespmem:s29+$0x80E0]  }
0x1f8: {  	v55 =	vld.idx.msk [tilespmem:v52+s4+$0x0], $0xffff  }
0x1f9: {  	v8 =	vld [tilespmem:s29+$0x8070]  }
0x1fa: {  	v58 =	vld.idx.msk [tilespmem:v54+s4+$0x0], $0xffff  }
0x1fb: {  	v18 =	vld.idx.msk [tilespmem:v11+s4+$0x0], $0xffff  }
0x1fc: {  	v17 =	vld.idx.msk [tilespmem:v10+s4+$0x0], $0xffff  }
0x1fd: {  	v16 =	vld.idx.msk [tilespmem:v9+s4+$0x0], $0xffff  }
0x1fe: {  	v56 =	vadd.s32 $0x2800, v4  }
0x1ff: {  	v15 =	vadd.s32 $0x2800, v5;
	v60 =	vadd.s32 $0x400, v11;
	v21 =	vadd.s32 $0x400, v10;
	v59 =	vld.idx.msk [tilespmem:v7+s4+$0x0], $0xffff  }
0x200: {  	v20 =	vadd.s32 $0x400, v9;
	v12 =	vadd.s32 $0x8000, v55;
	v13 =	vadd.s32 $0x8000, v58;
	v23 =	vld.idx.msk [tilespmem:v6+s4+$0x0], $0xffff  }
0x201: {  	v31 =	vadd.s32 $0x400, v6;
	v13 =	vand.u32 $0xFFFF0000, v13;
	v12 =	vshrl.u32 v12, $0x10;
	v22 =	vld.idx.msk [tilespmem:v8+s4+$0x0], $0xffff  }
0x202: {  	v61 =	vadd.s32 $0x8000, v18;
	v17 =	vadd.s32 $0x8000, v17;
	v16 =	vadd.s32 $0x8000, v16  }
0x203: {  	v12 =	vor.u32 v12, v13;
	v17 =	vand.u32 $0xFFFF0000, v17;
	v16 =	vshrl.u32 v16, $0x10  }
0x204: {  	v14 =	vld.idx.msk [tilespmem:v56+s4+$0x0], $0xffff;
	v62 =	vadd.s32 $0x400, v7;
	v16 =	vor.u32 v16, v17;
	v13 =	vadd.s32 $0x8000, v59  }
0x205: {  	v15 =	vld.idx.msk [tilespmem:v15+s4+$0x0], $0xffff;
	v27 =	vadd.s32 $0x400, v8;
	[tilespmem:s28+$0x8850] =	vst v16;
	v16 =	vshrl.u32 v61, $0x10;
	v13 =	vand.u32 $0xFFFF0000, v13  }
0x206: {  	v30 =	vadd.s32 $0x8000, v23;
	v20 =	vld.idx.msk [tilespmem:v20+s4+$0x0], $0xffff;
	v29 =	vadd.s32 $0x8000, v22;
	v13 =	vor.u32 v16, v13  }
0x207: {  	v33 =	vand.u32 $0xFFFF0000, v30;
	v21 =	vld.idx.msk [tilespmem:v21+s4+$0x0], $0xffff;
	v17 =	vshrl.u32 v29, $0x10;
	[tilespmem:s28+$0x8860] =	vst v13  }
0x208: {  	v19 =	vadd.s32 $0x4800, v3;
	v25 =	vadd.s32 $0x2C00, v5;
	v17 =	vor.u32 v17, v33;
	v28 =	vld.idx.msk [tilespmem:v60+s4+$0x0], $0xffff  }
0x209: {  	v24 =	vadd.s32 $0x2C00, v4;
	v40 =	vadd.s32 $0x800, v11;
	v38 =	vadd.s32 $0x800, v10;
	[tilespmem:s28+$0x8870] =	vst v17;
	v32 =	vld.idx.msk [tilespmem:v62+s4+$0x0], $0xffff  }
0x20a: {  	v35 =	vadd.s32 $0x800, v9;
	v14 =	vadd.s32 $0x8000, v14;
	v15 =	vadd.s32 $0x8000, v15;
	v13 =	vld.idx.msk [tilespmem:v27+s4+$0x0], $0xffff  }
0x20b: {  	v47 =	vadd.s32 $0x800, v6;
	v15 =	vand.u32 $0xFFFF0000, v15;
	v63 =	vshrl.u32 v14, $0x10;
	v22 =	vld.idx.msk [tilespmem:v31+s4+$0x0], $0xffff  }
0x20c: {  	[tilespmem:s28+$0xA8B0] =	vst v12;
	v12 =	vor.u32 v63, v15;
	v36 =	vadd.s32 $0x8000, v20;
	v37 =	vadd.s32 $0x8000, v21  }
0x20d: {  	v26 =	vld.idx.msk [tilespmem:v19+s4+$0x0], $0xffff;
	v41 =	vadd.s32 $0x800, v7;
	[tilespmem:s28+$0x9940] =	vst v12;
	v20 =	vand.u32 $0xFFFF0000, v37;
	v18 =	vshrl.u32 v36, $0x10  }
0x20e: {  	v34 =	vld.idx.msk [tilespmem:v24+s4+$0x0], $0xffff;
	v18 =	vor.u32 v18, v20;
	v15 =	vadd.s32 $0x8000, v28;
	v12 =	vadd.s32 $0x8000, v32  }
0x20f: {  	v44 =	vadd.s32 $0x800, v8;
	v14 =	vld.idx.msk [tilespmem:v25+s4+$0x0], $0xffff;
	[tilespmem:s28+$0x88D0] =	vst v18;
	v12 =	vand.u32 $0xFFFF0000, v12;
	v15 =	vshrl.u32 v15, $0x10  }
0x210: {  	v23 =	vld.idx.msk [tilespmem:v35+s4+$0x0], $0xffff;
	v13 =	vadd.s32 $0x8000, v13;
	v46 =	vadd.s32 $0x8000, v22;
	v12 =	vor.u32 v15, v12  }
0x211: {  	v21 =	vld.idx.msk [tilespmem:v38+s4+$0x0], $0xffff;
	v20 =	vand.u32 $0xFFFF0000, v46;
	v13 =	vshrl.u32 v13, $0x10;
	[tilespmem:s28+$0x88E0] =	vst v12  }
0x212: {  	v39 =	vadd.s32 $0x4800, v2;
	v13 =	vor.u32 v13, v20;
	v45 =	vld.idx.msk [tilespmem:v40+s4+$0x0], $0xffff  }
0x213: {  	v51 =	vadd.s32 $0xC00, v10;
	v52 =	vadd.s32 $0x3000, v5;
	v54 =	vadd.s32 $0xC00, v11;
	[tilespmem:s28+$0x88F0] =	vst v13;
	v18 =	vld.idx.msk [tilespmem:v41+s4+$0x0], $0xffff  }
0x214: {  	v49 =	vadd.s32 $0xC00, v9;
	v58 =	vadd.s32 $0xC00, v7;
	v14 =	vadd.s32 $0x8000, v14;
	v12 =	vld.idx.msk [tilespmem:v44+s4+$0x0], $0xffff  }
0x215: {  	v63 =	vadd.s32 $0xC00, v6;
	v19 =	vadd.s32 $0x8000, v34;
	v14 =	vand.u32 $0xFFFF0000, v14;
	v55 =	vld.idx.msk [tilespmem:v47+s4+$0x0], $0xffff  }
0x216: {  	v43 =	vshrl.u32 v19, $0x10;
	v50 =	vadd.s32 $0x8000, v23;
	v21 =	vadd.s32 $0x8000, v21  }
0x217: {  	v14 =	vor.u32 v43, v14;
	v21 =	vand.u32 $0xFFFF0000, v21;
	v20 =	vshrl.u32 v50, $0x10  }
0x218: {  	v42 =	vld.idx.msk [tilespmem:v39+s4+$0x0], $0xffff;
	[tilespmem:s28+$0x99C0] =	vst v14;
	v53 =	vor.u32 v20, v21;
	v57 =	vadd.s32 $0x8000, v45;
	v18 =	vadd.s32 $0x8000, v18  }
0x219: {  	v60 =	vadd.s32 $0xC00, v8;
	v13 =	vld.idx.msk [tilespmem:v52+s4+$0x0], $0xffff;
	[tilespmem:s28+$0x8950] =	vst v53;
	v18 =	vand.u32 $0xFFFF0000, v18;
	v14 =	vshrl.u32 v57, $0x10  }
0x21a: {  	v17 =	vld.idx.msk [tilespmem:v49+s4+$0x0], $0xffff;
	v12 =	vadd.s32 $0x8000, v12;
	v62 =	vadd.s32 $0x8000, v55;
	v14 =	vor.u32 v14, v18  }
0x21b: {  	v23 =	vld.idx.msk [tilespmem:v51+s4+$0x0], $0xffff;
	v12 =	vshrl.u32 v12, $0x10;
	v18 =	vand.u32 $0xFFFF0000, v62;
	[tilespmem:s28+$0x8960] =	vst v14  }
0x21c: {  	v48 =	vadd.s32 $0x3000, v4;
	v16 =	vadd.s32 $0x8000, v26;
	v12 =	vor.u32 v12, v18;
	v61 =	vld.idx.msk [tilespmem:v54+s4+$0x0], $0xffff  }
0x21d: {  	v30 =	vadd.s32 $0x1000, v9;
	v16 =	vshrl.u32 v16, $0x10;
	v35 =	vadd.s32 $0x1000, v11;
	v19 =	vld.idx.msk [tilespmem:v58+s4+$0x0], $0xffff;
	[tilespmem:s28+$0x8970] =	vst v12  }
0x21e: {  	v38 =	vadd.s32 $0x1000, v7;
	v28 =	vadd.s32 $0x4C00, v2;
	v15 =	vadd.s32 $0x8000, v42;
	v14 =	vld.idx.msk [tilespmem:v60+s4+$0x0], $0xffff  }
0x21f: {  	v32 =	vadd.s32 $0x1000, v10;
	v15 =	vand.u32 $0xFFFF0000, v15;
	v44 =	vadd.s32 $0x1000, v6;
	v20 =	vld.idx.msk [tilespmem:v63+s4+$0x0], $0xffff  }
0x220: {  	v15 =	vor.u32 v16, v15;
	v17 =	vadd.s32 $0x8000, v17;
	v23 =	vadd.s32 $0x8000, v23  }
0x221: {  	v33 =	vadd.s32 $0x8000, v13;
	v34 =	vand.u32 $0xFFFF0000, v23;
	v17 =	vshrl.u32 v17, $0x10  }
0x222: {  	v56 =	vld.idx.msk [tilespmem:v48+s4+$0x0], $0xffff;
	[tilespmem:s28+$0xA930] =	vst v15;
	v13 =	vor.u32 v17, v34;
	v36 =	vadd.s32 $0x8000, v61;
	v37 =	vadd.s32 $0x8000, v19  }
0x223: {  	v41 =	vadd.s32 $0x1000, v8;
	v21 =	vld.idx.msk [tilespmem:v28+s4+$0x0], $0xffff;
	[tilespmem:s28+$0x89D0] =	vst v13;
	v16 =	vand.u32 $0xFFFF0000, v37;
	v13 =	vshrl.u32 v36, $0x10  }
0x224: {  	v22 =	vld.idx.msk [tilespmem:v30+s4+$0x0], $0xffff;
	v14 =	vadd.s32 $0x8000, v14;
	v43 =	vadd.s32 $0x8000, v20;
	v13 =	vor.u32 v13, v16  }
0x225: {  	v59 =	vadd.s32 $0x4C00, v3;
	v24 =	vld.idx.msk [tilespmem:v32+s4+$0x0], $0xffff;
	v17 =	vand.u32 $0xFFFF0000, v43;
	v14 =	vshrl.u32 v14, $0x10;
	[tilespmem:s28+$0x89E0] =	vst v13  }
0x226: {  	v39 =	vadd.s32 $0x3400, v4;
	v25 =	vadd.s32 $0x3400, v5;
	v14 =	vor.u32 v14, v17;
	v42 =	vld.idx.msk [tilespmem:v35+s4+$0x0], $0xffff  }
0x227: {  	v29 =	vadd.s32 $0x8000, v56;
	v52 =	vadd.s32 $0x1400, v10;
	v56 =	vadd.s32 $0x1400, v7;
	v46 =	vld.idx.msk [tilespmem:v38+s4+$0x0], $0xffff;
	[tilespmem:s28+$0x89F0] =	vst v14  }
0x228: {  	v15 =	vshrl.u32 v29, $0x10;
	v29 =	vadd.s32 $0x1800, v9;
	v49 =	vadd.s32 $0x1400, v9;
	v13 =	vld.idx.msk [tilespmem:v41+s4+$0x0], $0xffff  }
0x229: {  	v55 =	vadd.s32 $0x1400, v11;
	v45 =	vadd.s32 $0x8000, v21;
	v12 =	vand.u32 $0xFFFF0000, v33;
	v18 =	vld.idx.msk [tilespmem:v44+s4+$0x0], $0xffff  }
0x22a: {  	v31 =	vld.idx.msk [tilespmem:v59+s4+$0x0], $0xffff;
	v12 =	vor.u32 v15, v12;
	v22 =	vadd.s32 $0x8000, v22;
	v51 =	vadd.s32 $0x8000, v24  }
0x22b: {  	v62 =	vadd.s32 $0x1400, v6;
	[tilespmem:s28+$0x9A40] =	vst v12;
	v54 =	vand.u32 $0xFFFF0000, v51;
	v22 =	vshrl.u32 v22, $0x10  }
0x22c: {  	v48 =	vld.idx.msk [tilespmem:v39+s4+$0x0], $0xffff;
	v16 =	vor.u32 v22, v54;
	v15 =	vadd.s32 $0x8000, v42;
	v12 =	vadd.s32 $0x8000, v46  }
0x22d: {  	v50 =	vld.idx.msk [tilespmem:v25+s4+$0x0], $0xffff;
	v61 =	vadd.s32 $0x1400, v8;
	[tilespmem:s28+$0x8A50] =	vst v16;
	v12 =	vand.u32 $0xFFFF0000, v12;
	v15 =	vshrl.u32 v15, $0x10  }
0x22e: {  	v21 =	vld.idx.msk [tilespmem:v49+s4+$0x0], $0xffff;
	v13 =	vadd.s32 $0x8000, v13;
	v18 =	vadd.s32 $0x8000, v18;
	v12 =	vor.u32 v15, v12  }
0x22f: {  	v40 =	vadd.s32 $0x8000, v31;
	v58 =	vld.idx.msk [tilespmem:v52+s4+$0x0], $0xffff;
	v18 =	vand.u32 $0xFFFF0000, v18;
	v13 =	vshrl.u32 v13, $0x10;
	[tilespmem:s28+$0x8A60] =	vst v12  }
0x230: {  	v47 =	vand.u32 $0xFFFF0000, v45;
	v53 =	vshrl.u32 v40, $0x10;
	v13 =	vor.u32 v13, v18;
	v19 =	vld.idx.msk [tilespmem:v55+s4+$0x0], $0xffff  }
0x231: {  	v33 =	vadd.s32 $0x1800, v10;
	v34 =	vadd.s32 $0x3800, v5;
	v39 =	vadd.s32 $0x1800, v7;
	v16 =	vld.idx.msk [tilespmem:v56+s4+$0x0], $0xffff;
	[tilespmem:s28+$0x8A70] =	vst v13  }
0x232: {  	v36 =	vadd.s32 $0x1800, v11;
	v20 =	vadd.s32 $0x8000, v48;
	v17 =	vadd.s32 $0x8000, v50;
	v12 =	vld.idx.msk [tilespmem:v61+s4+$0x0], $0xffff  }
0x233: {  	v14 =	vor.u32 v53, v47;
	v59 =	vand.u32 $0xFFFF0000, v17;
	v60 =	vshrl.u32 v20, $0x10;
	v20 =	vld.idx.msk [tilespmem:v62+s4+$0x0], $0xffff  }
0x234: {  	v28 =	vor.u32 v60, v59;
	v31 =	vadd.s32 $0x8000, v21;
	v32 =	vadd.s32 $0x8000, v58  }
0x235: {  	[tilespmem:s28+$0xA9B0] =	vst v14;
	v41 =	vadd.s32 $0x1800, v8;
	v21 =	vand.u32 $0xFFFF0000, v32;
	v18 =	vshrl.u32 v31, $0x10  }
0x236: {  	[tilespmem:s28+$0x9AC0] =	vst v28;
	v35 =	vor.u32 v18, v21;
	v38 =	vadd.s32 $0x8000, v19;
	v16 =	vadd.s32 $0x8000, v16  }
0x237: {  	v44 =	vadd.s32 $0x1800, v6;
	v13 =	vld.idx.msk [tilespmem:v34+s4+$0x0], $0xffff;
	[tilespmem:s28+$0x8AD0] =	vst v35;
	v16 =	vand.u32 $0xFFFF0000, v16;
	v14 =	vshrl.u32 v38, $0x10  }
0x238: {  	v15 =	vld.idx.msk [tilespmem:v29+s4+$0x0], $0xffff;
	v12 =	vadd.s32 $0x8000, v12;
	v43 =	vadd.s32 $0x8000, v20;
	v14 =	vor.u32 v14, v16  }
0x239: {  	v22 =	vld.idx.msk [tilespmem:v33+s4+$0x0], $0xffff;
	v18 =	vand.u32 $0xFFFF0000, v43;
	v12 =	vshrl.u32 v12, $0x10;
	[tilespmem:s28+$0x8AE0] =	vst v14  }
0x23a: {  	v57 =	vadd.s32 $0x5000, v3;
	v12 =	vor.u32 v12, v18;
	v42 =	vld.idx.msk [tilespmem:v36+s4+$0x0], $0xffff  }
0x23b: {  	v63 =	vadd.s32 $0x3800, v4;
	v19 =	vld.idx.msk [tilespmem:v39+s4+$0x0], $0xffff;
	[tilespmem:s28+$0x8AF0] =	vst v12  }
0x23c: {  	v40 =	vadd.s32 $0x5000, v2;
	v45 =	vadd.s32 $0x1C00, v9;
	v14 =	vld.idx.msk [tilespmem:v41+s4+$0x0], $0xffff  }
0x23d: {  	v50 =	vadd.s32 $0x1C00, v11;
	v47 =	vadd.s32 $0x1C00, v10;
	v53 =	vadd.s32 $0x1C00, v7;
	v20 =	vld.idx.msk [tilespmem:v44+s4+$0x0], $0xffff  }
0x23e: {  	v59 =	vadd.s32 $0x1C00, v6;
	v15 =	vadd.s32 $0x8000, v15;
	v22 =	vadd.s32 $0x8000, v22  }
0x23f: {  	v30 =	vld.idx.msk [tilespmem:v57+s4+$0x0], $0xffff;
	v48 =	vadd.s32 $0x8000, v13;
	v49 =	vand.u32 $0xFFFF0000, v22;
	v15 =	vshrl.u32 v15, $0x10  }
0x240: {  	v37 =	vld.idx.msk [tilespmem:v63+s4+$0x0], $0xffff;
	v13 =	vor.u32 v15, v49;
	v51 =	vadd.s32 $0x8000, v42;
	v52 =	vadd.s32 $0x8000, v19  }
0x241: {  	v57 =	vadd.s32 $0x1C00, v8;
	v46 =	vld.idx.msk [tilespmem:v40+s4+$0x0], $0xffff;
	[tilespmem:s28+$0x8B50] =	vst v13;
	v16 =	vand.u32 $0xFFFF0000, v52;
	v13 =	vshrl.u32 v51, $0x10  }
0x242: {  	v24 =	vld.idx.msk [tilespmem:v45+s4+$0x0], $0xffff;
	v14 =	vadd.s32 $0x8000, v14;
	v58 =	vadd.s32 $0x8000, v20;
	v13 =	vor.u32 v13, v16  }
0x243: {  	v54 =	vadd.s32 $0x3C00, v4;
	v23 =	vld.idx.msk [tilespmem:v47+s4+$0x0], $0xffff;
	v18 =	vand.u32 $0xFFFF0000, v58;
	v14 =	vshrl.u32 v14, $0x10;
	[tilespmem:s28+$0x8B60] =	vst v13  }
0x244: {  	v40 =	vadd.s32 $0x2000, v6;
	v17 =	vadd.s32 $0x8000, v30;
	v14 =	vor.u32 v14, v18;
	v15 =	vld.idx.msk [tilespmem:v50+s4+$0x0], $0xffff  }
0x245: {  	v30 =	vadd.s32 $0x5400, v3;
	v17 =	vshrl.u32 v17, $0x10;
	v21 =	vadd.s32 $0x8000, v37;
	v60 =	vld.idx.msk [tilespmem:v53+s4+$0x0], $0xffff;
	[tilespmem:s28+$0x8B70] =	vst v14  }
0x246: {  	v32 =	vadd.s32 $0x2000, v11;
	v55 =	vadd.s32 $0x3C00, v5;
	v21 =	vshrl.u32 v21, $0x10;
	v13 =	vld.idx.msk [tilespmem:v57+s4+$0x0], $0xffff  }
0x247: {  	v62 =	vadd.s32 $0x2000, v9;
	v29 =	vadd.s32 $0x2000, v10;
	v12 =	vand.u32 $0xFFFF0000, v48;
	v20 =	vld.idx.msk [tilespmem:v59+s4+$0x0], $0xffff  }
0x248: {  	v12 =	vor.u32 v21, v12;
	v28 =	vadd.s32 $0x8000, v24;
	v23 =	vadd.s32 $0x8000, v23  }
0x249: {  	v33 =	vadd.s32 $0x2000, v7;
	[tilespmem:s28+$0x9B40] =	vst v12;
	v23 =	vand.u32 $0xFFFF0000, v23;
	v22 =	vshrl.u32 v28, $0x10  }
0x24a: {  	v61 =	vld.idx.msk [tilespmem:v54+s4+$0x0], $0xffff;
	v31 =	vor.u32 v22, v23;
	v15 =	vadd.s32 $0x8000, v15;
	v12 =	vadd.s32 $0x8000, v60  }
0x24b: {  	v38 =	vadd.s32 $0x2000, v8;
	v63 =	vld.idx.msk [tilespmem:v55+s4+$0x0], $0xffff;
	[tilespmem:s28+$0x8BD0] =	vst v31;
	v12 =	vand.u32 $0xFFFF0000, v12;
	v15 =	vshrl.u32 v15, $0x10  }
0x24c: {  	v21 =	vld.idx.msk [tilespmem:v62+s4+$0x0], $0xffff;
	v13 =	vadd.s32 $0x8000, v13;
	v20 =	vadd.s32 $0x8000, v20;
	v12 =	vor.u32 v15, v12  }
0x24d: {  	v56 =	vadd.s32 $0x8000, v46;
	v36 =	vld.idx.msk [tilespmem:v29+s4+$0x0], $0xffff;
	v20 =	vand.u32 $0xFFFF0000, v20;
	v13 =	vshrl.u32 v13, $0x10;
	[tilespmem:s28+$0x8BE0] =	vst v12  }
0x24e: {  	v44 =	vadd.s32 $0x2400, v10;
	v16 =	vand.u32 $0xFFFF0000, v56;
	v13 =	vor.u32 v13, v20;
	v39 =	vld.idx.msk [tilespmem:v32+s4+$0x0], $0xffff  }
0x24f: {  	v45 =	vadd.s32 $0x4000, v5;
	v47 =	vadd.s32 $0x2400, v11;
	v16 =	vor.u32 v17, v16;
	v17 =	vld.idx.msk [tilespmem:v33+s4+$0x0], $0xffff;
	[tilespmem:s28+$0x8BF0] =	vst v13  }
0x250: {  	v55 =	vadd.s32 $0x2400, v6;
	v42 =	vadd.s32 $0x2400, v9;
	v18 =	vadd.s32 $0x8000, v63;
	v12 =	vld.idx.msk [tilespmem:v38+s4+$0x0], $0xffff  }
0x251: {  	v51 =	vadd.s32 $0x2400, v7;
	v35 =	vadd.s32 $0x8000, v61;
	v37 =	vand.u32 $0xFFFF0000, v18;
	v48 =	vld.idx.msk [tilespmem:v40+s4+$0x0], $0xffff  }
0x252: {  	[tilespmem:s28+$0xAA30] =	vst v16;
	v16 =	vshrl.u32 v35, $0x10;
	v43 =	vadd.s32 $0x8000, v21;
	v19 =	vadd.s32 $0x8000, v36  }
0x253: {  	v15 =	vor.u32 v16, v37;
	v19 =	vand.u32 $0xFFFF0000, v19;
	v20 =	vshrl.u32 v43, $0x10  }
0x254: {  	v14 =	vld.idx.msk [tilespmem:v30+s4+$0x0], $0xffff;
	[tilespmem:s28+$0x9BC0] =	vst v15;
	v46 =	vor.u32 v20, v19;
	v50 =	vadd.s32 $0x8000, v39;
	v17 =	vadd.s32 $0x8000, v17  }
0x255: {  	v52 =	vadd.s32 $0x2400, v8;
	v13 =	vld.idx.msk [tilespmem:v45+s4+$0x0], $0xffff;
	[tilespmem:s28+$0x9850] =	vst v46;
	v17 =	vand.u32 $0xFFFF0000, v17;
	v15 =	vshrl.u32 v50, $0x10  }
0x256: {  	v16 =	vld.idx.msk [tilespmem:v42+s4+$0x0], $0xffff;
	v12 =	vadd.s32 $0x8000, v12;
	v54 =	vadd.s32 $0x8000, v48;
	v15 =	vor.u32 v15, v17  }
0x257: {  	v34 =	vadd.s32 $0x5400, v2;
	v21 =	vld.idx.msk [tilespmem:v44+s4+$0x0], $0xffff;
	v19 =	vand.u32 $0xFFFF0000, v54;
	v12 =	vshrl.u32 v12, $0x10;
	[tilespmem:s28+$0x9860] =	vst v15  }
0x258: {  	v12 =	vor.u32 v12, v19;
	v53 =	vld.idx.msk [tilespmem:v47+s4+$0x0], $0xffff  }
0x259: {  	v41 =	vadd.s32 $0x4000, v4;
	v56 =	vadd.s32 $0x5800, v3;
	v18 =	vld.idx.msk [tilespmem:v51+s4+$0x0], $0xffff;
	[tilespmem:s28+$0x9870] =	vst v12  }
0x25a: {  	v35 =	vadd.s32 $0x2800, v8;
	v57 =	vadd.s32 $0x2800, v9;
	v59 =	vadd.s32 $0x2800, v10;
	v15 =	vld.idx.msk [tilespmem:v52+s4+$0x0], $0xffff  }
0x25b: {  	v30 =	vadd.s32 $0x2800, v7;
	v31 =	vadd.s32 $0x4400, v4;
	v62 =	vadd.s32 $0x2800, v11;
	v63 =	vld.idx.msk [tilespmem:v55+s4+$0x0], $0xffff  }
0x25c: {  	v23 =	vld.idx.msk [tilespmem:v34+s4+$0x0], $0xffff;
	v14 =	vadd.s32 $0x8000, v14;
	v16 =	vadd.s32 $0x8000, v16;
	v58 =	vadd.s32 $0x8000, v21  }
0x25d: {  	v60 =	vadd.s32 $0x8000, v13;
	v61 =	vand.u32 $0xFFFF0000, v58;
	v16 =	vshrl.u32 v16, $0x10  }
0x25e: {  	v13 =	vor.u32 v16, v61;
	v28 =	vadd.s32 $0x8000, v53;
	v29 =	vadd.s32 $0x8000, v18  }
0x25f: {  	v49 =	vld.idx.msk [tilespmem:v41+s4+$0x0], $0xffff;
	v38 =	vadd.s32 $0x2800, v6;
	[tilespmem:s28+$0x98D0] =	vst v13;
	v17 =	vand.u32 $0xFFFF0000, v29;
	v13 =	vshrl.u32 v28, $0x10  }
0x260: {  	v24 =	vld.idx.msk [tilespmem:v57+s4+$0x0], $0xffff;
	v15 =	vadd.s32 $0x8000, v15;
	v37 =	vadd.s32 $0x8000, v63;
	v13 =	vor.u32 v13, v17  }
0x261: {  	v23 =	vadd.s32 $0x8000, v23;
	v21 =	vld.idx.msk [tilespmem:v59+s4+$0x0], $0xffff;
	v16 =	vand.u32 $0xFFFF0000, v37;
	v15 =	vshrl.u32 v15, $0x10;
	[tilespmem:s28+$0x98E0] =	vst v13  }
0x262: {  	v23 =	vand.u32 $0xFFFF0000, v23;
	v14 =	vshrl.u32 v14, $0x10;
	v15 =	vor.u32 v15, v16;
	v36 =	vld.idx.msk [tilespmem:v62+s4+$0x0], $0xffff  }
0x263: {  	v14 =	vor.u32 v14, v23;
	v33 =	vadd.s32 $0x4400, v5;
	v41 =	vadd.s32 $0x2C00, v9;
	v39 =	vld.idx.msk [tilespmem:v30+s4+$0x0], $0xffff;
	[tilespmem:s28+$0x98F0] =	vst v15  }
0x264: {  	v46 =	vadd.s32 $0x2C00, v11;
	v44 =	vadd.s32 $0x2C00, v10;
	v22 =	vadd.s32 $0x8000, v49;
	v13 =	vld.idx.msk [tilespmem:v35+s4+$0x0], $0xffff  }
0x265: {  	v32 =	vshrl.u32 v22, $0x10;
	v12 =	vand.u32 $0xFFFF0000, v60;
	v47 =	vadd.s32 $0x2C00, v7;
	v19 =	vld.idx.msk [tilespmem:v38+s4+$0x0], $0xffff  }
0x266: {  	[tilespmem:s28+$0xAAB0] =	vst v14;
	v12 =	vor.u32 v32, v12;
	v43 =	vadd.s32 $0x8000, v24;
	v21 =	vadd.s32 $0x8000, v21  }
0x267: {  	v34 =	vld.idx.msk [tilespmem:v56+s4+$0x0], $0xffff;
	v51 =	vadd.s32 $0x2C00, v8;
	[tilespmem:s28+$0xA840] =	vst v12;
	v21 =	vand.u32 $0xFFFF0000, v21;
	v22 =	vshrl.u32 v43, $0x10  }
0x268: {  	v40 =	vld.idx.msk [tilespmem:v31+s4+$0x0], $0xffff;
	v21 =	vor.u32 v22, v21;
	v14 =	vadd.s32 $0x8000, v36;
	v12 =	vadd.s32 $0x8000, v39  }
0x269: {  	v42 =	vld.idx.msk [tilespmem:v33+s4+$0x0], $0xffff;
	v53 =	vadd.s32 $0x2C00, v6;
	[tilespmem:s28+$0x9950] =	vst v21;
	v12 =	vand.u32 $0xFFFF0000, v12;
	v14 =	vshrl.u32 v14, $0x10  }
0x26a: {  	v20 =	vld.idx.msk [tilespmem:v41+s4+$0x0], $0xffff;
	v13 =	vadd.s32 $0x8000, v13;
	v19 =	vadd.s32 $0x8000, v19;
	v12 =	vor.u32 v14, v12  }
0x26b: {  	v45 =	vadd.s32 $0x5800, v2;
	v23 =	vld.idx.msk [tilespmem:v44+s4+$0x0], $0xffff;
	v19 =	vand.u32 $0xFFFF0000, v19;
	v13 =	vshrl.u32 v13, $0x10;
	[tilespmem:s28+$0x9960] =	vst v12  }
0x26c: {  	v54 =	vadd.s32 $0x4800, v4;
	v58 =	vadd.s32 $0x3000, v10;
	v13 =	vor.u32 v13, v19;
	v52 =	vld.idx.msk [tilespmem:v46+s4+$0x0], $0xffff  }
0x26d: {  	v61 =	vadd.s32 $0x3000, v11;
	v55 =	vadd.s32 $0x3000, v9;
	v59 =	vadd.s32 $0x4800, v5;
	v21 =	vld.idx.msk [tilespmem:v47+s4+$0x0], $0xffff;
	[tilespmem:s28+$0x9970] =	vst v13  }
0x26e: {  	v31 =	vadd.s32 $0x3000, v8;
	v18 =	vadd.s32 $0x8000, v40;
	v16 =	vadd.s32 $0x8000, v42;
	v12 =	vld.idx.msk [tilespmem:v51+s4+$0x0], $0xffff  }
0x26f: {  	v29 =	vadd.s32 $0x3000, v7;
	v49 =	vand.u32 $0xFFFF0000, v16;
	v50 =	vshrl.u32 v18, $0x10;
	v62 =	vld.idx.msk [tilespmem:v53+s4+$0x0], $0xffff  }
0x270: {  	v15 =	vor.u32 v50, v49;
	v56 =	vadd.s32 $0x8000, v20;
	v57 =	vadd.s32 $0x8000, v23  }
0x271: {  	v48 =	vld.idx.msk [tilespmem:v45+s4+$0x0], $0xffff;
	v17 =	vadd.s32 $0x8000, v34;
	[tilespmem:s28+$0xA8C0] =	vst v15;
	v20 =	vand.u32 $0xFFFF0000, v57;
	v19 =	vshrl.u32 v56, $0x10  }
0x272: {  	v63 =	vld.idx.msk [tilespmem:v54+s4+$0x0], $0xffff;
	v60 =	vor.u32 v19, v20;
	v27 =	vadd.s32 $0x8000, v52;
	v28 =	vadd.s32 $0x8000, v21  }
0x273: {  	v34 =	vadd.s32 $0x3000, v6;
	v13 =	vld.idx.msk [tilespmem:v59+s4+$0x0], $0xffff;
	[tilespmem:s28+$0x99D0] =	vst v60;
	v18 =	vand.u32 $0xFFFF0000, v28;
	v15 =	vshrl.u32 v27, $0x10  }
0x274: {  	v16 =	vld.idx.msk [tilespmem:v55+s4+$0x0], $0xffff;
	v12 =	vadd.s32 $0x8000, v12;
	v33 =	vadd.s32 $0x8000, v62;
	v15 =	vor.u32 v15, v18  }
0x275: {  	v23 =	vld.idx.msk [tilespmem:v58+s4+$0x0], $0xffff;
	v18 =	vand.u32 $0xFFFF0000, v33;
	v12 =	vshrl.u32 v12, $0x10;
	[tilespmem:s28+$0x99E0] =	vst v15  }
0x276: {  	v45 =	vadd.s32 $0x3400, v7;
	v37 =	vadd.s32 $0x3400, v9;
	v12 =	vor.u32 v12, v18;
	v32 =	vld.idx.msk [tilespmem:v61+s4+$0x0], $0xffff  }
0x277: {  	v17 =	vshrl.u32 v17, $0x10;
	v42 =	vadd.s32 $0x3400, v11;
	v30 =	vadd.s32 $0x5C00, v3;
	v21 =	vld.idx.msk [tilespmem:v29+s4+$0x0], $0xffff;
	[tilespmem:s28+$0x99F0] =	vst v12  }
0x278: {  	v35 =	vadd.s32 $0x5C00, v2;
	v49 =	vadd.s32 $0x3400, v8;
	v14 =	vadd.s32 $0x8000, v48;
	v15 =	vld.idx.msk [tilespmem:v31+s4+$0x0], $0xffff  }
0x279: {  	v39 =	vadd.s32 $0x3400, v10;
	v14 =	vand.u32 $0xFFFF0000, v14;
	v36 =	vadd.s32 $0x8000, v63;
	v19 =	vld.idx.msk [tilespmem:v34+s4+$0x0], $0xffff  }
0x27a: {  	v14 =	vor.u32 v17, v14;
	v16 =	vadd.s32 $0x8000, v16;
	v23 =	vadd.s32 $0x8000, v23  }
0x27b: {  	[tilespmem:s28+$0xAB30] =	vst v14;
	v40 =	vadd.s32 $0x8000, v13;
	v41 =	vand.u32 $0xFFFF0000, v23;
	v16 =	vshrl.u32 v16, $0x10  }
0x27c: {  	v38 =	vld.idx.msk [tilespmem:v30+s4+$0x0], $0xffff;
	v13 =	vor.u32 v16, v41;
	v43 =	vadd.s32 $0x8000, v32;
	v44 =	vadd.s32 $0x8000, v21  }
0x27d: {  	v20 =	vld.idx.msk [tilespmem:v35+s4+$0x0], $0xffff;
	v52 =	vadd.s32 $0x3400, v6;
	[tilespmem:s28+$0x9A50] =	vst v13;
	v17 =	vand.u32 $0xFFFF0000, v44;
	v13 =	vshrl.u32 v43, $0x10  }
0x27e: {  	v22 =	vld.idx.msk [tilespmem:v37+s4+$0x0], $0xffff;
	v15 =	vadd.s32 $0x8000, v15;
	v51 =	vadd.s32 $0x8000, v19;
	v13 =	vor.u32 v13, v17  }
0x27f: {  	v56 =	vadd.s32 $0x3800, v9;
	v24 =	vld.idx.msk [tilespmem:v39+s4+$0x0], $0xffff;
	v16 =	vand.u32 $0xFFFF0000, v51;
	v15 =	vshrl.u32 v15, $0x10;
	[tilespmem:s28+$0x9A60] =	vst v13  }
0x280: {  	v63 =	vadd.s32 $0x3800, v7;
	v46 =	vadd.s32 $0x4C00, v4;
	v15 =	vor.u32 v15, v16;
	v50 =	vld.idx.msk [tilespmem:v42+s4+$0x0], $0xffff  }
0x281: {  	v47 =	vadd.s32 $0x4C00, v5;
	v59 =	vadd.s32 $0x3800, v10;
	v14 =	vshrl.u32 v36, $0x10;
	v54 =	vld.idx.msk [tilespmem:v45+s4+$0x0], $0xffff;
	[tilespmem:s28+$0x9A70] =	vst v15  }
0x282: {  	v35 =	vadd.s32 $0x3C00, v9;
	v62 =	vadd.s32 $0x3800, v11;
	v48 =	vadd.s32 $0x8000, v38;
	v13 =	vld.idx.msk [tilespmem:v49+s4+$0x0], $0xffff  }
0x283: {  	v53 =	vadd.s32 $0x8000, v20;
	v33 =	vadd.s32 $0x3800, v6;
	v12 =	vand.u32 $0xFFFF0000, v40;
	v18 =	vld.idx.msk [tilespmem:v52+s4+$0x0], $0xffff  }
0x284: {  	v12 =	vor.u32 v14, v12;
	v22 =	vadd.s32 $0x8000, v22;
	v58 =	vadd.s32 $0x8000, v24  }
0x285: {  	v60 =	vshrl.u32 v48, $0x10;
	[tilespmem:s28+$0xA940] =	vst v12;
	v61 =	vand.u32 $0xFFFF0000, v58;
	v22 =	vshrl.u32 v22, $0x10  }
0x286: {  	v55 =	vld.idx.msk [tilespmem:v46+s4+$0x0], $0xffff;
	v17 =	vor.u32 v22, v61;
	v14 =	vadd.s32 $0x8000, v50;
	v12 =	vadd.s32 $0x8000, v54  }
0x287: {  	v57 =	vld.idx.msk [tilespmem:v47+s4+$0x0], $0xffff;
	v32 =	vadd.s32 $0x3800, v8;
	[tilespmem:s28+$0x9AD0] =	vst v17;
	v12 =	vand.u32 $0xFFFF0000, v12;
	v14 =	vshrl.u32 v14, $0x10  }
0x288: {  	v21 =	vld.idx.msk [tilespmem:v56+s4+$0x0], $0xffff;
	v13 =	vadd.s32 $0x8000, v13;
	v18 =	vadd.s32 $0x8000, v18;
	v12 =	vor.u32 v14, v12  }
0x289: {  	v19 =	vand.u32 $0xFFFF0000, v53;
	v29 =	vld.idx.msk [tilespmem:v59+s4+$0x0], $0xffff;
	v18 =	vand.u32 $0xFFFF0000, v18;
	v13 =	vshrl.u32 v13, $0x10;
	[tilespmem:s28+$0x9AE0] =	vst v12  }
0x28a: {  	v28 =	vadd.s32 $0x6000, v3;
	v15 =	vor.u32 v60, v19;
	v13 =	vor.u32 v13, v18;
	v19 =	vld.idx.msk [tilespmem:v62+s4+$0x0], $0xffff  }
0x28b: {  	v40 =	vadd.s32 $0x5000, v5;
	v39 =	vadd.s32 $0x3C00, v10;
	v46 =	vadd.s32 $0x6000, v2;
	v17 =	vld.idx.msk [tilespmem:v63+s4+$0x0], $0xffff;
	[tilespmem:s28+$0x9AF0] =	vst v13  }
0x28c: {  	v47 =	vadd.s32 $0x3C00, v8;
	v20 =	vadd.s32 $0x8000, v55;
	v16 =	vadd.s32 $0x8000, v57;
	v12 =	vld.idx.msk [tilespmem:v32+s4+$0x0], $0xffff  }
0x28d: {  	v30 =	vand.u32 $0xFFFF0000, v16;
	v31 =	vshrl.u32 v20, $0x10;
	v42 =	vadd.s32 $0x3C00, v11;
	v20 =	vld.idx.msk [tilespmem:v33+s4+$0x0], $0xffff  }
0x28e: {  	v45 =	vadd.s32 $0x3C00, v7;
	[tilespmem:s28+$0xABB0] =	vst v15;
	v37 =	vadd.s32 $0x8000, v21;
	v38 =	vadd.s32 $0x8000, v29  }
0x28f: {  	v36 =	vld.idx.msk [tilespmem:v28+s4+$0x0], $0xffff;
	v14 =	vor.u32 v31, v30;
	v21 =	vand.u32 $0xFFFF0000, v38;
	v18 =	vshrl.u32 v37, $0x10  }
0x290: {  	v52 =	vld.idx.msk [tilespmem:v46+s4+$0x0], $0xffff;
	[tilespmem:s28+$0xA9C0] =	vst v14;
	v41 =	vor.u32 v18, v21;
	v44 =	vadd.s32 $0x8000, v19;
	v17 =	vadd.s32 $0x8000, v17  }
0x291: {  	v50 =	vadd.s32 $0x3C00, v6;
	v13 =	vld.idx.msk [tilespmem:v40+s4+$0x0], $0xffff;
	[tilespmem:s28+$0x9B50] =	vst v41;
	v17 =	vand.u32 $0xFFFF0000, v17;
	v14 =	vshrl.u32 v44, $0x10  }
0x292: {  	v15 =	vld.idx.msk [tilespmem:v35+s4+$0x0], $0xffff;
	v12 =	vadd.s32 $0x8000, v12;
	v49 =	vadd.s32 $0x8000, v20;
	v14 =	vor.u32 v14, v17  }
0x293: {  	v22 =	vld.idx.msk [tilespmem:v39+s4+$0x0], $0xffff;
	v18 =	vand.u32 $0xFFFF0000, v49;
	v12 =	vshrl.u32 v12, $0x10;
	[tilespmem:s28+$0x9B60] =	vst v14  }
0x294: {  	v34 =	vadd.s32 $0x5000, v4;
	v53 =	vadd.s32 $0x4000, v10;
	v12 =	vor.u32 v12, v18;
	v48 =	vld.idx.msk [tilespmem:v42+s4+$0x0], $0xffff  }
0x295: {  	v51 =	vadd.s32 $0x4000, v9;
	v60 =	vadd.s32 $0x5400, v4;
	v61 =	vadd.s32 $0x5400, v5;
	v19 =	vld.idx.msk [tilespmem:v45+s4+$0x0], $0xffff;
	[tilespmem:s28+$0x9B70] =	vst v12  }
0x296: {  	v56 =	vadd.s32 $0x4000, v11;
	v59 =	vadd.s32 $0x4000, v7;
	v28 =	vadd.s32 $0x4000, v6;
	v14 =	vld.idx.msk [tilespmem:v47+s4+$0x0], $0xffff  }
0x297: {  	v46 =	vadd.s32 $0x5800, v4;
	v16 =	vadd.s32 $0x8000, v36;
	v31 =	vadd.s32 $0x4400, v9;
	v20 =	vld.idx.msk [tilespmem:v50+s4+$0x0], $0xffff  }
0x298: {  	v16 =	vshrl.u32 v16, $0x10;
	v15 =	vadd.s32 $0x8000, v15;
	v22 =	vadd.s32 $0x8000, v22  }
0x299: {  	v54 =	vadd.s32 $0x8000, v13;
	v55 =	vand.u32 $0xFFFF0000, v22;
	v15 =	vshrl.u32 v15, $0x10  }
0x29a: {  	v13 =	vor.u32 v15, v55;
	v57 =	vadd.s32 $0x8000, v48;
	v58 =	vadd.s32 $0x8000, v19  }
0x29b: {  	v43 =	vld.idx.msk [tilespmem:v34+s4+$0x0], $0xffff;
	v63 =	vadd.s32 $0x4000, v8;
	[tilespmem:s28+$0x9BD0] =	vst v13;
	v17 =	vand.u32 $0xFFFF0000, v58;
	v13 =	vshrl.u32 v57, $0x10  }
0x29c: {  	v24 =	vld.idx.msk [tilespmem:v51+s4+$0x0], $0xffff;
	v14 =	vadd.s32 $0x8000, v14;
	v27 =	vadd.s32 $0x8000, v20;
	v13 =	vor.u32 v13, v17  }
0x29d: {  	v37 =	vadd.s32 $0x4400, v11;
	v23 =	vld.idx.msk [tilespmem:v53+s4+$0x0], $0xffff;
	v18 =	vand.u32 $0xFFFF0000, v27;
	v14 =	vshrl.u32 v14, $0x10;
	[tilespmem:s28+$0x9BE0] =	vst v13  }
0x29e: {  	v38 =	vadd.s32 $0x4400, v7;
	v62 =	vadd.s32 $0x8000, v52;
	v14 =	vor.u32 v14, v18;
	v15 =	vld.idx.msk [tilespmem:v56+s4+$0x0], $0xffff  }
0x29f: {  	v34 =	vadd.s32 $0x4400, v10;
	v52 =	vadd.s32 $0x4800, v11;
	v35 =	vadd.s32 $0x6400, v3;
	v29 =	vld.idx.msk [tilespmem:v59+s4+$0x0], $0xffff;
	[tilespmem:s28+$0x9BF0] =	vst v14  }
0x2a0: {  	v39 =	vadd.s32 $0x6400, v2;
	v21 =	vadd.s32 $0x8000, v43;
	v43 =	vadd.s32 $0x4400, v8;
	v13 =	vld.idx.msk [tilespmem:v63+s4+$0x0], $0xffff  }
0x2a1: {  	v21 =	vshrl.u32 v21, $0x10;
	v49 =	vadd.s32 $0x4800, v10;
	v12 =	vand.u32 $0xFFFF0000, v54;
	v20 =	vld.idx.msk [tilespmem:v28+s4+$0x0], $0xffff  }
0x2a2: {  	v12 =	vor.u32 v21, v12;
	v33 =	vadd.s32 $0x8000, v24;
	v23 =	vadd.s32 $0x8000, v23  }
0x2a3: {  	v45 =	vadd.s32 $0x4400, v6;
	[tilespmem:s28+$0xAA40] =	vst v12;
	v23 =	vand.u32 $0xFFFF0000, v23;
	v22 =	vshrl.u32 v33, $0x10  }
0x2a4: {  	v30 =	vld.idx.msk [tilespmem:v60+s4+$0x0], $0xffff;
	v36 =	vor.u32 v22, v23;
	v15 =	vadd.s32 $0x8000, v15;
	v12 =	vadd.s32 $0x8000, v29  }
0x2a5: {  	v47 =	vadd.s32 $0x4800, v9;
	v32 =	vld.idx.msk [tilespmem:v61+s4+$0x0], $0xffff;
	[tilespmem:s28+$0xA850] =	vst v36;
	v12 =	vand.u32 $0xFFFF0000, v12;
	v15 =	vshrl.u32 v15, $0x10  }
0x2a6: {  	v21 =	vld.idx.msk [tilespmem:v31+s4+$0x0], $0xffff;
	v13 =	vadd.s32 $0x8000, v13;
	v20 =	vadd.s32 $0x8000, v20;
	v12 =	vor.u32 v15, v12  }
0x2a7: {  	v50 =	vadd.s32 $0x5800, v5;
	v41 =	vld.idx.msk [tilespmem:v34+s4+$0x0], $0xffff;
	v20 =	vand.u32 $0xFFFF0000, v20;
	v13 =	vshrl.u32 v13, $0x10;
	[tilespmem:s28+$0xA860] =	vst v12  }
0x2a8: {  	v60 =	vadd.s32 $0x6800, v3;
	v17 =	vand.u32 $0xFFFF0000, v62;
	v13 =	vor.u32 v13, v20;
	v44 =	vld.idx.msk [tilespmem:v37+s4+$0x0], $0xffff  }
0x2a9: {  	v61 =	vadd.s32 $0x4C00, v9;
	v57 =	vadd.s32 $0x7400, v1;
	v16 =	vor.u32 v16, v17;
	v17 =	vld.idx.msk [tilespmem:v38+s4+$0x0], $0xffff;
	[tilespmem:s28+$0xA870] =	vst v13  }
0x2aa: {  	v58 =	vadd.s32 $0x4800, v8;
	v40 =	vadd.s32 $0x8000, v30;
	v18 =	vadd.s32 $0x8000, v32;
	v12 =	vld.idx.msk [tilespmem:v43+s4+$0x0], $0xffff  }
0x2ab: {  	v32 =	vadd.s32 $0x5C00, v4;
	[tilespmem:s28+$0xB830] =	vst v16;
	v42 =	vand.u32 $0xFFFF0000, v18;
	v16 =	vshrl.u32 v40, $0x10;
	v53 =	vld.idx.msk [tilespmem:v45+s4+$0x0], $0xffff  }
0x2ac: {  	v14 =	vld.idx.msk [tilespmem:v35+s4+$0x0], $0xffff;
	v15 =	vor.u32 v16, v42;
	v48 =	vadd.s32 $0x8000, v21;
	v19 =	vadd.s32 $0x8000, v41  }
0x2ad: {  	v56 =	vadd.s32 $0x4800, v7;
	v23 =	vld.idx.msk [tilespmem:v39+s4+$0x0], $0xffff;
	v19 =	vand.u32 $0xFFFF0000, v19;
	v20 =	vshrl.u32 v48, $0x10;
	[tilespmem:s28+$0xAAC0] =	vst v15  }
0x2ae: {  	v51 =	vor.u32 v20, v19;
	v54 =	vld.idx.msk [tilespmem:v46+s4+$0x0], $0xffff;
	v55 =	vadd.s32 $0x8000, v44;
	v17 =	vadd.s32 $0x8000, v17  }
0x2af: {  	v59 =	vadd.s32 $0x4800, v6;
	v13 =	vld.idx.msk [tilespmem:v50+s4+$0x0], $0xffff;
	[tilespmem:s28+$0xA8D0] =	vst v51;
	v17 =	vand.u32 $0xFFFF0000, v17;
	v15 =	vshrl.u32 v55, $0x10  }
0x2b0: {  	v16 =	vld.idx.msk [tilespmem:v47+s4+$0x0], $0xffff;
	v12 =	vadd.s32 $0x8000, v12;
	v20 =	vadd.s32 $0x8000, v53;
	v15 =	vor.u32 v15, v17  }
0x2b1: {  	v63 =	vadd.s32 $0x4C00, v10;
	v21 =	vld.idx.msk [tilespmem:v49+s4+$0x0], $0xffff;
	v20 =	vand.u32 $0xFFFF0000, v20;
	v12 =	vshrl.u32 v12, $0x10;
	[tilespmem:s28+$0xA8E0] =	vst v15  }
0x2b2: {  	v28 =	vadd.s32 $0x4C00, v11;
	v36 =	vadd.s32 $0x4C00, v8;
	v12 =	vor.u32 v12, v20;
	v19 =	vld.idx.msk [tilespmem:v52+s4+$0x0], $0xffff  }
0x2b3: {  	v39 =	vadd.s32 $0x4C00, v6;
	v14 =	vadd.s32 $0x8000, v14;
	v23 =	vadd.s32 $0x8000, v23;
	v18 =	vld.idx.msk [tilespmem:v56+s4+$0x0], $0xffff;
	[tilespmem:s28+$0xA8F0] =	vst v12  }
0x2b4: {  	v31 =	vadd.s32 $0x4C00, v7;
	v23 =	vand.u32 $0xFFFF0000, v23;
	v14 =	vshrl.u32 v14, $0x10;
	v15 =	vld.idx.msk [tilespmem:v58+s4+$0x0], $0xffff  }
0x2b5: {  	v34 =	vadd.s32 $0x5C00, v5;
	v14 =	vor.u32 v14, v23;
	v22 =	vadd.s32 $0x8000, v54;
	v29 =	vld.idx.msk [tilespmem:v59+s4+$0x0], $0xffff  }
0x2b6: {  	v26 =	vadd.s32 $0x8000, v13;
	v16 =	vadd.s32 $0x8000, v16;
	v62 =	vadd.s32 $0x8000, v21  }
0x2b7: {  	[tilespmem:s28+$0xB8B0] =	vst v14;
	v33 =	vshrl.u32 v22, $0x10;
	v27 =	vand.u32 $0xFFFF0000, v62;
	v16 =	vshrl.u32 v16, $0x10  }
0x2b8: {  	v35 =	vld.idx.msk [tilespmem:v60+s4+$0x0], $0xffff;
	v13 =	vor.u32 v16, v27;
	v30 =	vadd.s32 $0x8000, v19;
	v18 =	vadd.s32 $0x8000, v18  }
0x2b9: {  	v17 =	vld.idx.msk [tilespmem:v57+s4+$0x0], $0xffff;
	v12 =	vand.u32 $0xFFFF0000, v26;
	[tilespmem:s28+$0xA950] =	vst v13;
	v18 =	vand.u32 $0xFFFF0000, v18;
	v13 =	vshrl.u32 v30, $0x10  }
0x2ba: {  	v25 =	vld.idx.msk [tilespmem:v61+s4+$0x0], $0xffff;
	v15 =	vadd.s32 $0x8000, v15;
	v38 =	vadd.s32 $0x8000, v29;
	v13 =	vor.u32 v13, v18  }
0x2bb: {  	v12 =	vor.u32 v33, v12;
	v21 =	vld.idx.msk [tilespmem:v63+s4+$0x0], $0xffff;
	v40 =	vand.u32 $0xFFFF0000, v38;
	v15 =	vshrl.u32 v15, $0x10;
	[tilespmem:s28+$0xA960] =	vst v13  }
0x2bc: {  	v41 =	vadd.s32 $0x7400, v0;
	v42 =	vadd.s32 $0x5000, v9;
	[tilespmem:s28+$0xAB40] =	vst v12;
	v12 =	vor.u32 v15, v40;
	v37 =	vld.idx.msk [tilespmem:v28+s4+$0x0], $0xffff  }
0x2bd: {  	v45 =	vadd.s32 $0x5000, v10;
	v60 =	vadd.s32 $0x6000, v5;
	v47 =	vadd.s32 $0x5000, v11;
	v19 =	vld.idx.msk [tilespmem:v31+s4+$0x0], $0xffff;
	[tilespmem:s28+$0xA970] =	vst v12  }
0x2be: {  	v49 =	vadd.s32 $0x5000, v7;
	v54 =	vadd.s32 $0x5000, v6;
	v53 =	vadd.s32 $0x5000, v8;
	v13 =	vld.idx.msk [tilespmem:v36+s4+$0x0], $0xffff  }
0x2bf: {  	v55 =	vadd.s32 $0x6000, v4;
	v62 =	vadd.s32 $0x5400, v11;
	v26 =	vadd.s32 $0x6800, v2;
	v20 =	vld.idx.msk [tilespmem:v39+s4+$0x0], $0xffff  }
0x2c0: {  	v56 =	vadd.s32 $0x5400, v9;
	v44 =	vadd.s32 $0x8000, v25;
	v21 =	vadd.s32 $0x8000, v21  }
0x2c1: {  	v16 =	vld.idx.msk [tilespmem:v41+s4+$0x0], $0xffff;
	v27 =	vadd.s32 $0x6400, v5;
	v21 =	vand.u32 $0xFFFF0000, v21;
	v22 =	vshrl.u32 v44, $0x10  }
0x2c2: {  	v23 =	vld.idx.msk [tilespmem:v32+s4+$0x0], $0xffff;
	v46 =	vor.u32 v22, v21;
	v14 =	vadd.s32 $0x8000, v37;
	v48 =	vadd.s32 $0x8000, v19  }
0x2c3: {  	v43 =	vld.idx.msk [tilespmem:v34+s4+$0x0], $0xffff;
	v12 =	vadd.s32 $0x8000, v17;
	[tilespmem:s28+$0xA9D0] =	vst v46;
	v17 =	vand.u32 $0xFFFF0000, v48;
	v14 =	vshrl.u32 v14, $0x10  }
0x2c4: {  	v50 =	vld.idx.msk [tilespmem:v42+s4+$0x0], $0xffff;
	v13 =	vadd.s32 $0x8000, v13;
	v20 =	vadd.s32 $0x8000, v20;
	v14 =	vor.u32 v14, v17  }
0x2c5: {  	v59 =	vadd.s32 $0x5400, v10;
	v51 =	vld.idx.msk [tilespmem:v45+s4+$0x0], $0xffff;
	v20 =	vand.u32 $0xFFFF0000, v20;
	v13 =	vshrl.u32 v13, $0x10;
	[tilespmem:s28+$0xA9E0] =	vst v14  }
0x2c6: {  	v32 =	vadd.s32 $0x5400, v8;
	v16 =	vadd.s32 $0x8000, v16;
	v13 =	vor.u32 v13, v20;
	v21 =	vld.idx.msk [tilespmem:v47+s4+$0x0], $0xffff  }
0x2c7: {  	v30 =	vadd.s32 $0x5400, v7;
	v16 =	vand.u32 $0xFFFF0000, v16;
	v18 =	vadd.s32 $0x8000, v35;
	v19 =	vld.idx.msk [tilespmem:v49+s4+$0x0], $0xffff;
	[tilespmem:s28+$0xA9F0] =	vst v13  }
0x2c8: {  	v35 =	vadd.s32 $0x5400, v6;
	v38 =	vadd.s32 $0x5800, v9;
	v15 =	vadd.s32 $0x8000, v43;
	v14 =	vld.idx.msk [tilespmem:v53+s4+$0x0], $0xffff  }
0x2c9: {  	v23 =	vadd.s32 $0x8000, v23;
	v18 =	vshrl.u32 v18, $0x10;
	v15 =	vand.u32 $0xFFFF0000, v15;
	v63 =	vld.idx.msk [tilespmem:v54+s4+$0x0], $0xffff  }
0x2ca: {  	v23 =	vshrl.u32 v23, $0x10;
	v57 =	vadd.s32 $0x8000, v50;
	v58 =	vadd.s32 $0x8000, v51  }
0x2cb: {  	v15 =	vor.u32 v23, v15;
	v22 =	vand.u32 $0xFFFF0000, v58;
	v20 =	vshrl.u32 v57, $0x10  }
0x2cc: {  	v52 =	vld.idx.msk [tilespmem:v26+s4+$0x0], $0xffff;
	[tilespmem:s28+$0xABC0] =	vst v15;
	v61 =	vor.u32 v20, v22;
	v29 =	vadd.s32 $0x8000, v21;
	v19 =	vadd.s32 $0x8000, v19  }
0x2cd: {  	v40 =	vadd.s32 $0x5800, v10;
	v28 =	vld.idx.msk [tilespmem:v55+s4+$0x0], $0xffff;
	[tilespmem:s28+$0xAA50] =	vst v61;
	v19 =	vand.u32 $0xFFFF0000, v19;
	v15 =	vshrl.u32 v29, $0x10  }
0x2ce: {  	v23 =	vld.idx.msk [tilespmem:v56+s4+$0x0], $0xffff;
	v14 =	vadd.s32 $0x8000, v14;
	v34 =	vadd.s32 $0x8000, v63;
	v15 =	vor.u32 v15, v19  }
0x2cf: {  	v31 =	vadd.s32 $0x6C00, v3;
	v24 =	vld.idx.msk [tilespmem:v59+s4+$0x0], $0xffff;
	v19 =	vand.u32 $0xFFFF0000, v34;
	v14 =	vshrl.u32 v14, $0x10;
	[tilespmem:s28+$0xAA60] =	vst v15  }
0x2d0: {  	v36 =	vadd.s32 $0x6C00, v2;
	v46 =	vadd.s32 $0x6400, v4;
	v14 =	vor.u32 v14, v19;
	v33 =	vld.idx.msk [tilespmem:v62+s4+$0x0], $0xffff  }
0x2d1: {  	v12 =	vshrl.u32 v12, $0x10;
	v42 =	vadd.s32 $0x5800, v11;
	v45 =	vadd.s32 $0x5800, v7;
	v21 =	vld.idx.msk [tilespmem:v30+s4+$0x0], $0xffff;
	[tilespmem:s28+$0xAA70] =	vst v14  }
0x2d2: {  	v12 =	vor.u32 v12, v16;
	v55 =	vadd.s32 $0x5C00, v9;
	v17 =	vadd.s32 $0x8000, v52;
	v15 =	vld.idx.msk [tilespmem:v32+s4+$0x0], $0xffff  }
0x2d3: {  	v48 =	vadd.s32 $0x5800, v8;
	v51 =	vadd.s32 $0x5800, v6;
	v17 =	vand.u32 $0xFFFF0000, v17;
	v20 =	vld.idx.msk [tilespmem:v35+s4+$0x0], $0xffff  }
0x2d4: {  	v17 =	vor.u32 v18, v17;
	v23 =	vadd.s32 $0x8000, v23;
	v24 =	vadd.s32 $0x8000, v24  }
0x2d5: {  	v37 =	vadd.s32 $0x8000, v28;
	v13 =	vld.idx.msk [tilespmem:v60+s4+$0x0], $0xffff;
	[tilespmem:s28+$0xB930] =	vst v17;
	v41 =	vand.u32 $0xFFFF0000, v24;
	v23 =	vshrl.u32 v23, $0x10  }
0x2d6: {  	v39 =	vld.idx.msk [tilespmem:v31+s4+$0x0], $0xffff;
	v14 =	vor.u32 v23, v41;
	v43 =	vadd.s32 $0x8000, v33;
	v44 =	vadd.s32 $0x8000, v21  }
0x2d7: {  	v28 =	vadd.s32 $0x7000, v3;
	v22 =	vld.idx.msk [tilespmem:v36+s4+$0x0], $0xffff;
	[tilespmem:s28+$0xAAD0] =	vst v14;
	v18 =	vand.u32 $0xFFFF0000, v44;
	v14 =	vshrl.u32 v43, $0x10  }
0x2d8: {  	v25 =	vld.idx.msk [tilespmem:v38+s4+$0x0], $0xffff;
	v15 =	vadd.s32 $0x8000, v15;
	v50 =	vadd.s32 $0x8000, v20;
	v14 =	vor.u32 v14, v18  }
0x2d9: {  	v17 =	vshrl.u32 v37, $0x10;
	v26 =	vld.idx.msk [tilespmem:v40+s4+$0x0], $0xffff;
	v19 =	vand.u32 $0xFFFF0000, v50;
	v15 =	vshrl.u32 v15, $0x10;
	[tilespmem:s28+$0xAAE0] =	vst v14  }
0x2da: {  	v59 =	vadd.s32 $0x5C00, v10;
	v13 =	vadd.s32 $0x8000, v13;
	v15 =	vor.u32 v15, v19;
	v49 =	vld.idx.msk [tilespmem:v42+s4+$0x0], $0xffff  }
0x2db: {  	v36 =	vadd.s32 $0x6000, v9;
	v13 =	vand.u32 $0xFFFF0000, v13;
	v63 =	vadd.s32 $0x5C00, v7;
	v52 =	vld.idx.msk [tilespmem:v45+s4+$0x0], $0xffff;
	[tilespmem:s28+$0xAAF0] =	vst v15  }
0x2dc: {  	v47 =	vadd.s32 $0x8000, v39;
	v13 =	vor.u32 v17, v13;
	v22 =	vadd.s32 $0x8000, v22;
	v14 =	vld.idx.msk [tilespmem:v48+s4+$0x0], $0xffff  }
0x2dd: {  	v34 =	vadd.s32 $0x6800, v4;
	v53 =	vand.u32 $0xFFFF0000, v22;
	v60 =	vshrl.u32 v47, $0x10;
	v20 =	vld.idx.msk [tilespmem:v51+s4+$0x0], $0xffff  }
0x2de: {  	v62 =	vadd.s32 $0x5C00, v11;
	v57 =	vadd.s32 $0x8000, v25;
	v58 =	vadd.s32 $0x8000, v26  }
0x2df: {  	[tilespmem:s28+$0xB840] =	vst v13;
	v32 =	vadd.s32 $0x5C00, v8;
	v61 =	vand.u32 $0xFFFF0000, v58;
	v24 =	vshrl.u32 v57, $0x10  }
0x2e0: {  	v54 =	vld.idx.msk [tilespmem:v46+s4+$0x0], $0xffff;
	v18 =	vor.u32 v24, v61;
	v17 =	vadd.s32 $0x8000, v49;
	v13 =	vadd.s32 $0x8000, v52  }
0x2e1: {  	v56 =	vld.idx.msk [tilespmem:v27+s4+$0x0], $0xffff;
	v33 =	vadd.s32 $0x5C00, v6;
	[tilespmem:s28+$0xAB50] =	vst v18;
	v13 =	vand.u32 $0xFFFF0000, v13;
	v17 =	vshrl.u32 v17, $0x10  }
0x2e2: {  	v23 =	vld.idx.msk [tilespmem:v55+s4+$0x0], $0xffff;
	v14 =	vadd.s32 $0x8000, v14;
	v20 =	vadd.s32 $0x8000, v20;
	v13 =	vor.u32 v17, v13  }
0x2e3: {  	v47 =	vadd.s32 $0x7000, v2;
	v29 =	vld.idx.msk [tilespmem:v59+s4+$0x0], $0xffff;
	v20 =	vand.u32 $0xFFFF0000, v20;
	v14 =	vshrl.u32 v14, $0x10;
	[tilespmem:s28+$0xAB60] =	vst v13  }
0x2e4: {  	v41 =	vadd.s32 $0x6800, v5;
	v46 =	vadd.s32 $0x6000, v7;
	v14 =	vor.u32 v14, v20;
	v21 =	vld.idx.msk [tilespmem:v62+s4+$0x0], $0xffff  }
0x2e5: {  	v40 =	vadd.s32 $0x6000, v10;
	v22 =	vadd.s32 $0x8000, v54;
	v54 =	vadd.s32 $0x6400, v10;
	v18 =	vld.idx.msk [tilespmem:v63+s4+$0x0], $0xffff;
	[tilespmem:s28+$0xAB70] =	vst v14  }
0x2e6: {  	v31 =	vshrl.u32 v22, $0x10;
	v19 =	vadd.s32 $0x8000, v56;
	v15 =	vor.u32 v60, v53;
	v13 =	vld.idx.msk [tilespmem:v32+s4+$0x0], $0xffff  }
0x2e7: {  	v43 =	vadd.s32 $0x6000, v11;
	v50 =	vadd.s32 $0x6000, v8;
	v30 =	vand.u32 $0xFFFF0000, v19;
	[tilespmem:s28+$0xB9B0] =	vst v15;
	v22 =	vld.idx.msk [tilespmem:v33+s4+$0x0], $0xffff  }
0x2e8: {  	v35 =	vor.u32 v31, v30;
	v37 =	vld.idx.msk [tilespmem:v28+s4+$0x0], $0xffff;
	v38 =	vadd.s32 $0x8000, v23;
	v39 =	vadd.s32 $0x8000, v29  }
0x2e9: {  	v57 =	vadd.s32 $0x6400, v11;
	[tilespmem:s28+$0xB8C0] =	vst v35;
	v16 =	vld.idx.msk [tilespmem:v47+s4+$0x0], $0xffff;
	v23 =	vand.u32 $0xFFFF0000, v39;
	v20 =	vshrl.u32 v38, $0x10  }
0x2ea: {  	v44 =	vld.idx.msk [tilespmem:v34+s4+$0x0], $0xffff;
	v42 =	vor.u32 v20, v23;
	v45 =	vadd.s32 $0x8000, v21;
	v18 =	vadd.s32 $0x8000, v18  }
0x2eb: {  	v51 =	vadd.s32 $0x6000, v6;
	v14 =	vld.idx.msk [tilespmem:v41+s4+$0x0], $0xffff;
	[tilespmem:s28+$0xABD0] =	vst v42;
	v18 =	vand.u32 $0xFFFF0000, v18;
	v15 =	vshrl.u32 v45, $0x10  }
0x2ec: {  	v17 =	vld.idx.msk [tilespmem:v36+s4+$0x0], $0xffff;
	v13 =	vadd.s32 $0x8000, v13;
	v22 =	vadd.s32 $0x8000, v22;
	v15 =	vor.u32 v15, v18  }
0x2ed: {  	v61 =	vadd.s32 $0x6400, v7;
	v24 =	vld.idx.msk [tilespmem:v40+s4+$0x0], $0xffff;
	v22 =	vand.u32 $0xFFFF0000, v22;
	v13 =	vshrl.u32 v13, $0x10;
	[tilespmem:s28+$0xABE0] =	vst v15  }
0x2ee: {  	v48 =	vadd.s32 $0x7800, v1;
	v1 =	vadd.s32 $0x7C00, v1;
	v13 =	vor.u32 v13, v22;
	v20 =	vld.idx.msk [tilespmem:v43+s4+$0x0], $0xffff  }
0x2ef: {  	v28 =	vadd.s32 $0x6400, v8;
	v47 =	vadd.s32 $0x6C00, v9;
	v34 =	vadd.s32 $0x6800, v9;
	v21 =	vld.idx.msk [tilespmem:v46+s4+$0x0], $0xffff;
	[tilespmem:s28+$0xABF0] =	vst v13  }
0x2f0: {  	v49 =	vadd.s32 $0x7800, v0;
	v52 =	vadd.s32 $0x6400, v9;
	v0 =	vadd.s32 $0x7C00, v0;
	v15 =	vld.idx.msk [tilespmem:v50+s4+$0x0], $0xffff  }
0x2f1: {  	v19 =	vadd.s32 $0x8000, v37;
	v16 =	vadd.s32 $0x8000, v16;
	v29 =	vadd.s32 $0x6400, v6;
	v58 =	vld.idx.msk [tilespmem:v51+s4+$0x0], $0xffff  }
0x2f2: {  	v30 =	vand.u32 $0xFFFF0000, v16;
	v17 =	vadd.s32 $0x8000, v17;
	v53 =	vadd.s32 $0x8000, v24  }
0x2f3: {  	v55 =	vadd.s32 $0x8000, v14;
	v56 =	vand.u32 $0xFFFF0000, v53;
	v17 =	vshrl.u32 v17, $0x10  }
0x2f4: {  	[tilespmem:s28+$0xBAA0] =	vst v12;
	v14 =	vor.u32 v17, v56;
	v59 =	vadd.s32 $0x8000, v20;
	v60 =	vadd.s32 $0x8000, v21  }
0x2f5: {  	v19 =	vshrl.u32 v19, $0x10;
	v18 =	vld.idx.msk [tilespmem:v48+s4+$0x0], $0xffff;
	[tilespmem:s28+$0xB850] =	vst v14;
	v20 =	vand.u32 $0xFFFF0000, v60;
	v14 =	vshrl.u32 v59, $0x10  }
0x2f6: {  	v27 =	vld.idx.msk [tilespmem:v52+s4+$0x0], $0xffff;
	v15 =	vadd.s32 $0x8000, v15;
	v22 =	vadd.s32 $0x8000, v58;
	v14 =	vor.u32 v14, v20  }
0x2f7: {  	v39 =	vadd.s32 $0x7400, v3;
	v24 =	vld.idx.msk [tilespmem:v54+s4+$0x0], $0xffff;
	v32 =	vand.u32 $0xFFFF0000, v22;
	v15 =	vshrl.u32 v15, $0x10;
	[tilespmem:s28+$0xB860] =	vst v14  }
0x2f8: {  	v23 =	vadd.s32 $0x8000, v44;
	v62 =	vadd.s32 $0x6C00, v4;
	v15 =	vor.u32 v15, v32;
	v17 =	vld.idx.msk [tilespmem:v57+s4+$0x0], $0xffff  }
0x2f9: {  	v63 =	vadd.s32 $0x6C00, v5;
	v41 =	vadd.s32 $0x6800, v7;
	v44 =	vadd.s32 $0x6800, v8;
	v31 =	vld.idx.msk [tilespmem:v61+s4+$0x0], $0xffff;
	[tilespmem:s28+$0xB870] =	vst v15  }
0x2fa: {  	v23 =	vshrl.u32 v23, $0x10;
	v42 =	vadd.s32 $0x7400, v2;
	v13 =	vand.u32 $0xFFFF0000, v55;
	v14 =	vld.idx.msk [tilespmem:v28+s4+$0x0], $0xffff  }
0x2fb: {  	v36 =	vadd.s32 $0x6800, v10;
	v40 =	vadd.s32 $0x6800, v11;
	v13 =	vor.u32 v23, v13;
	v23 =	vld.idx.msk [tilespmem:v29+s4+$0x0], $0xffff  }
0x2fc: {  	v43 =	vld.idx.msk [tilespmem:v49+s4+$0x0], $0xffff;
	[tilespmem:s28+$0xB940] =	vst v13;
	v13 =	vor.u32 v19, v30;
	v35 =	vadd.s32 $0x8000, v27;
	v24 =	vadd.s32 $0x8000, v24  }
0x2fd: {  	v45 =	vadd.s32 $0x6800, v6;
	v33 =	vld.idx.msk [tilespmem:v62+s4+$0x0], $0xffff;
	[tilespmem:s28+$0xBA30] =	vst v13;
	v37 =	vand.u32 $0xFFFF0000, v24;
	v38 =	vshrl.u32 v35, $0x10  }
0x2fe: {  	v12 =	vld.idx.msk [tilespmem:v39+s4+$0x0], $0xffff;
	v19 =	vor.u32 v38, v37;
	v17 =	vadd.s32 $0x8000, v17;
	v16 =	vadd.s32 $0x8000, v31  }
0x2ff: {  	v46 =	vadd.s32 $0x7000, v4;
	v20 =	vld.idx.msk [tilespmem:v63+s4+$0x0], $0xffff;
	[tilespmem:s28+$0xB8D0] =	vst v19;
	v16 =	vand.u32 $0xFFFF0000, v16;
	v17 =	vshrl.u32 v17, $0x10  }
0x300: {  	v21 =	vld.idx.msk [tilespmem:v34+s4+$0x0], $0xffff;
	v14 =	vadd.s32 $0x8000, v14;
	v23 =	vadd.s32 $0x8000, v23;
	v16 =	vor.u32 v17, v16  }
0x301: {  	v49 =	vadd.s32 $0x6C00, v10;
	v15 =	vld.idx.msk [tilespmem:v36+s4+$0x0], $0xffff;
	v23 =	vand.u32 $0xFFFF0000, v23;
	v14 =	vshrl.u32 v14, $0x10;
	[tilespmem:s28+$0xB8E0] =	vst v16  }
0x302: {  	v56 =	vadd.s32 $0x6C00, v8;
	v50 =	vadd.s32 $0x7000, v5;
	v14 =	vor.u32 v14, v23;
	v24 =	vld.idx.msk [tilespmem:v40+s4+$0x0], $0xffff  }
0x303: {  	v51 =	vadd.s32 $0x6C00, v11;
	v54 =	vadd.s32 $0x6C00, v7;
	v18 =	vadd.s32 $0x8000, v18;
	v19 =	vld.idx.msk [tilespmem:v41+s4+$0x0], $0xffff;
	[tilespmem:s28+$0xB8F0] =	vst v14  }
0x304: {  	v39 =	vadd.s32 $0x7800, v3;
	v18 =	vshrl.u32 v18, $0x10;
	v22 =	vadd.s32 $0x8000, v33;
	v16 =	vld.idx.msk [tilespmem:v44+s4+$0x0], $0xffff  }
0x305: {  	v3 =	vadd.s32 $0x7C00, v3;
	v59 =	vadd.s32 $0x6C00, v6;
	v22 =	vshrl.u32 v22, $0x10;
	v52 =	vld.idx.msk [tilespmem:v45+s4+$0x0], $0xffff  }
0x306: {  	v20 =	vadd.s32 $0x8000, v20;
	v21 =	vadd.s32 $0x8000, v21;
	v15 =	vadd.s32 $0x8000, v15  }
0x307: {  	v20 =	vand.u32 $0xFFFF0000, v20;
	v15 =	vand.u32 $0xFFFF0000, v15;
	v21 =	vshrl.u32 v21, $0x10  }
0x308: {  	v15 =	vor.u32 v21, v15;
	v53 =	vadd.s32 $0x8000, v24;
	v19 =	vadd.s32 $0x8000, v19  }
0x309: {  	v48 =	vld.idx.msk [tilespmem:v42+s4+$0x0], $0xffff;
	v20 =	vor.u32 v22, v20;
	[tilespmem:s28+$0xB950] =	vst v15;
	v19 =	vand.u32 $0xFFFF0000, v19;
	v15 =	vshrl.u32 v53, $0x10  }
0x30a: {  	[tilespmem:s28+$0xB9C0] =	vst v20;
	v22 =	vld.idx.msk [tilespmem:v47+s4+$0x0], $0xffff;
	v16 =	vadd.s32 $0x8000, v16;
	v58 =	vadd.s32 $0x8000, v52;
	v15 =	vor.u32 v15, v19  }
0x30b: {  	v60 =	vadd.s32 $0x7000, v9;
	v55 =	vld.idx.msk [tilespmem:v49+s4+$0x0], $0xffff;
	v20 =	vand.u32 $0xFFFF0000, v58;
	v16 =	vshrl.u32 v16, $0x10;
	[tilespmem:s28+$0xB960] =	vst v15  }
0x30c: {  	v63 =	vadd.s32 $0x7000, v10;
	v32 =	vadd.s32 $0x7000, v7;
	v16 =	vor.u32 v16, v20;
	v57 =	vld.idx.msk [tilespmem:v51+s4+$0x0], $0xffff  }
0x30d: {  	v33 =	vadd.s32 $0x7400, v4;
	v35 =	vadd.s32 $0x7000, v8;
	v12 =	vadd.s32 $0x8000, v12;
	v24 =	vld.idx.msk [tilespmem:v54+s4+$0x0], $0xffff;
	[tilespmem:s28+$0xB970] =	vst v16  }
0x30e: {  	v37 =	vadd.s32 $0x7000, v6;
	v29 =	vadd.s32 $0x7000, v11;
	v12 =	vshrl.u32 v12, $0x10;
	v15 =	vld.idx.msk [tilespmem:v56+s4+$0x0], $0xffff  }
0x30f: {  	v34 =	vadd.s32 $0x7400, v5;
	v17 =	vadd.s32 $0x8000, v43;
	v23 =	vadd.s32 $0x8000, v48;
	v21 =	vld.idx.msk [tilespmem:v59+s4+$0x0], $0xffff  }
0x310: {  	v13 =	vld.idx.msk [tilespmem:v46+s4+$0x0], $0xffff;
	v23 =	vand.u32 $0xFFFF0000, v23;
	v61 =	vadd.s32 $0x8000, v22;
	v62 =	vadd.s32 $0x8000, v55  }
0x311: {  	v14 =	vld.idx.msk [tilespmem:v50+s4+$0x0], $0xffff;
	v12 =	vor.u32 v12, v23;
	v28 =	vand.u32 $0xFFFF0000, v62;
	v20 =	vshrl.u32 v61, $0x10  }
0x312: {  	[tilespmem:s28+$0xBAB0] =	vst v12;
	v16 =	vor.u32 v20, v28;
	v30 =	vadd.s32 $0x8000, v57;
	v31 =	vadd.s32 $0x8000, v24  }
0x313: {  	v43 =	vadd.s32 $0x7400, v9;
	v49 =	vld.idx.msk [tilespmem:v39+s4+$0x0], $0xffff;
	[tilespmem:s28+$0xB9D0] =	vst v16;
	v19 =	vand.u32 $0xFFFF0000, v31;
	v16 =	vshrl.u32 v30, $0x10  }
0x314: {  	v26 =	vld.idx.msk [tilespmem:v60+s4+$0x0], $0xffff;
	v15 =	vadd.s32 $0x8000, v15;
	v36 =	vadd.s32 $0x8000, v21;
	v16 =	vor.u32 v16, v19  }
0x315: {  	v46 =	vadd.s32 $0x7400, v11;
	v25 =	vld.idx.msk [tilespmem:v63+s4+$0x0], $0xffff;
	v20 =	vand.u32 $0xFFFF0000, v36;
	v15 =	vshrl.u32 v15, $0x10;
	[tilespmem:s28+$0xB9E0] =	vst v16  }
0x316: {  	v13 =	vadd.s32 $0x8000, v13;
	v14 =	vadd.s32 $0x8000, v14;
	v15 =	vor.u32 v15, v20;
	v16 =	vld.idx.msk [tilespmem:v29+s4+$0x0], $0xffff  }
0x317: {  	v17 =	vand.u32 $0xFFFF0000, v17;
	v13 =	vshrl.u32 v13, $0x10;
	v14 =	vand.u32 $0xFFFF0000, v14;
	v38 =	vld.idx.msk [tilespmem:v32+s4+$0x0], $0xffff;
	[tilespmem:s28+$0xB9F0] =	vst v15  }
0x318: {  	v48 =	vadd.s32 $0x7400, v7;
	v17 =	vor.u32 v18, v17;
	v13 =	vor.u32 v13, v14;
	v14 =	vld.idx.msk [tilespmem:v35+s4+$0x0], $0xffff  }
0x319: {  	v50 =	vadd.s32 $0x7800, v2;
	v2 =	vadd.s32 $0x7C00, v2;
	v45 =	vadd.s32 $0x7400, v10;
	v21 =	vld.idx.msk [tilespmem:v37+s4+$0x0], $0xffff  }
0x31a: {  	[tilespmem:s28+$0xBB20] =	vst v17;
	v55 =	vadd.s32 $0x7400, v6;
	v41 =	vadd.s32 $0x8000, v26;
	v42 =	vadd.s32 $0x8000, v25  }
0x31b: {  	v1 =	vld.idx.msk [tilespmem:v1+s4+$0x0], $0xffff;
	[tilespmem:s28+$0xBA40] =	vst v13;
	v18 =	vadd.s32 $0x8000, v49;
	v44 =	vand.u32 $0xFFFF0000, v42;
	v20 =	vshrl.u32 v41, $0x10  }
0x31c: {  	v40 =	vld.idx.msk [tilespmem:v33+s4+$0x0], $0xffff;
	v15 =	vor.u32 v20, v44;
	v47 =	vadd.s32 $0x8000, v16;
	v13 =	vadd.s32 $0x8000, v38  }
0x31d: {  	v54 =	vadd.s32 $0x7400, v8;
	v19 =	vld.idx.msk [tilespmem:v34+s4+$0x0], $0xffff;
	[tilespmem:s28+$0xBA50] =	vst v15;
	v13 =	vand.u32 $0xFFFF0000, v13;
	v12 =	vshrl.u32 v47, $0x10  }
0x31e: {  	v51 =	vld.idx.msk [tilespmem:v43+s4+$0x0], $0xffff;
	v14 =	vadd.s32 $0x8000, v14;
	v21 =	vadd.s32 $0x8000, v21;
	v12 =	vor.u32 v12, v13  }
0x31f: {  	v61 =	vadd.s32 $0x7800, v10;
	v53 =	vld.idx.msk [tilespmem:v45+s4+$0x0], $0xffff;
	v21 =	vand.u32 $0xFFFF0000, v21;
	v14 =	vshrl.u32 v14, $0x10;
	[tilespmem:s28+$0xBA60] =	vst v12  }
0x320: {  	v10 =	vadd.s32 $0x7C00, v10;
	v18 =	vshrl.u32 v18, $0x10;
	v14 =	vor.u32 v14, v21;
	v20 =	vld.idx.msk [tilespmem:v46+s4+$0x0], $0xffff  }
0x321: {  	v33 =	vadd.s32 $0x7800, v8;
	v56 =	vadd.s32 $0x7800, v4;
	v60 =	vadd.s32 $0x7800, v9;
	v16 =	vld.idx.msk [tilespmem:v48+s4+$0x0], $0xffff;
	[tilespmem:s28+$0xBA70] =	vst v14  }
0x322: {  	v52 =	vadd.s32 $0x8000, v40;
	v57 =	vadd.s32 $0x7800, v5;
	v19 =	vadd.s32 $0x8000, v19;
	v12 =	vld.idx.msk [tilespmem:v54+s4+$0x0], $0xffff  }
0x323: {  	v26 =	vadd.s32 $0x7800, v11;
	v19 =	vand.u32 $0xFFFF0000, v19;
	v13 =	vshrl.u32 v52, $0x10;
	v24 =	vld.idx.msk [tilespmem:v55+s4+$0x0], $0xffff  }
0x324: {  	v0 =	vld.idx.msk [tilespmem:v0+s4+$0x0], $0xffff;
	v58 =	vadd.s32 $0x8000, v51;
	v59 =	vadd.s32 $0x8000, v53;
	v13 =	vor.u32 v13, v19  }
0x325: {  	v29 =	vadd.s32 $0x7800, v7;
	v15 =	vld.idx.msk [tilespmem:v50+s4+$0x0], $0xffff;
	v21 =	vand.u32 $0xFFFF0000, v59;
	v14 =	vshrl.u32 v58, $0x10;
	[tilespmem:s28+$0xBAC0] =	vst v13  }
0x326: {  	v62 =	vor.u32 v14, v21;
	v25 =	vld.idx.msk [tilespmem:v56+s4+$0x0], $0xffff;
	v63 =	vadd.s32 $0x8000, v20;
	v16 =	vadd.s32 $0x8000, v16  }
0x327: {  	v35 =	vadd.s32 $0x7800, v6;
	v28 =	vld.idx.msk [tilespmem:v57+s4+$0x0], $0xffff;
	[tilespmem:s28+$0xBAD0] =	vst v62;
	v16 =	vand.u32 $0xFFFF0000, v16;
	v14 =	vshrl.u32 v63, $0x10  }
0x328: {  	v30 =	vld.idx.msk [tilespmem:v60+s4+$0x0], $0xffff;
	v12 =	vadd.s32 $0x8000, v12;
	v32 =	vadd.s32 $0x8000, v24;
	v14 =	vor.u32 v14, v16  }
0x329: {  	v8 =	vadd.s32 $0x7C00, v8;
	v31 =	vld.idx.msk [tilespmem:v61+s4+$0x0], $0xffff;
	v34 =	vand.u32 $0xFFFF0000, v32;
	v12 =	vshrl.u32 v12, $0x10;
	[tilespmem:s28+$0xBAE0] =	vst v14  }
0x32a: {  	v4 =	vadd.s32 $0x7C00, v4;
	v27 =	vadd.s32 $0x8000, v15;
	v12 =	vor.u32 v12, v34;
	v36 =	vld.idx.msk [tilespmem:v26+s4+$0x0], $0xffff  }
0x32b: {  	v9 =	vadd.s32 $0x7C00, v9;
	v5 =	vadd.s32 $0x7C00, v5;
	v13 =	vand.u32 $0xFFFF0000, v27;
	v16 =	vld.idx.msk [tilespmem:v29+s4+$0x0], $0xffff;
	[tilespmem:s28+$0xBAF0] =	vst v12  }
0x32c: {  	v13 =	vor.u32 v18, v13;
	v37 =	vadd.s32 $0x8000, v25;
	v15 =	vadd.s32 $0x8000, v28;
	v41 =	vld.idx.msk [tilespmem:v33+s4+$0x0], $0xffff  }
0x32d: {  	v11 =	vadd.s32 $0x7C00, v11;
	[tilespmem:s28+$0xBB30] =	vst v13;
	v38 =	vand.u32 $0xFFFF0000, v15;
	v39 =	vshrl.u32 v37, $0x10;
	v44 =	vld.idx.msk [tilespmem:v35+s4+$0x0], $0xffff  }
0x32e: {  	v3 =	vld.idx.msk [tilespmem:v3+s4+$0x0], $0xffff;
	v40 =	vadd.s32 $0x8000, v30;
	v17 =	vadd.s32 $0x8000, v31;
	v12 =	vor.u32 v39, v38  }
0x32f: {  	v7 =	vadd.s32 $0x7C00, v7;
	v2 =	vld.idx.msk [tilespmem:v2+s4+$0x0], $0xffff;
	v42 =	vand.u32 $0xFFFF0000, v17;
	v43 =	vshrl.u32 v40, $0x10;
	[tilespmem:s28+$0xBB40] =	vst v12  }
0x330: {  	v13 =	vor.u32 v43, v42;
	v4 =	vld.idx.msk [tilespmem:v4+s4+$0x0], $0xffff;
	v45 =	vadd.s32 $0x8000, v36;
	v46 =	vadd.s32 $0x8000, v16  }
0x331: {  	v6 =	vadd.s32 $0x7C00, v6;
	[tilespmem:s28+$0xBB50] =	vst v13;
	v5 =	vld.idx.msk [tilespmem:v5+s4+$0x0], $0xffff;
	v14 =	vand.u32 $0xFFFF0000, v46;
	v12 =	vshrl.u32 v45, $0x10  }
0x332: {  	v9 =	vld.idx.msk [tilespmem:v9+s4+$0x0], $0xffff;
	v47 =	vadd.s32 $0x8000, v41;
	v48 =	vadd.s32 $0x8000, v44;
	v12 =	vor.u32 v12, v14  }
0x333: {  	v10 =	vld.idx.msk [tilespmem:v10+s4+$0x0], $0xffff;
	v49 =	vand.u32 $0xFFFF0000, v48;
	v13 =	vshrl.u32 v47, $0x10;
	[tilespmem:s28+$0xBB60] =	vst v12  }
0x334: {  	v1 =	vadd.s32 $0x8000, v1;
	v0 =	vadd.s32 $0x8000, v0;
	v12 =	vor.u32 v13, v49;
	v11 =	vld.idx.msk [tilespmem:v11+s4+$0x0], $0xffff  }
0x335: {  	v0 =	vand.u32 $0xFFFF0000, v0;
	v1 =	vshrl.u32 v1, $0x10;
	v2 =	vadd.s32 $0x8000, v2;
	[tilespmem:s28+$0xBB70] =	vst v12;
	v7 =	vld.idx.msk [tilespmem:v7+s4+$0x0], $0xffff  }
0x336: {  	v0 =	vor.u32 v1, v0;
	v50 =	vadd.s32 $0x8000, v3;
	v2 =	vand.u32 $0xFFFF0000, v2;
	v51 =	vld.idx.msk [tilespmem:v8+s4+$0x0], $0xffff  }
0x337: {  	v1 =	vshrl.u32 v50, $0x10;
	v4 =	vadd.s32 $0x8000, v4;
	v5 =	vadd.s32 $0x8000, v5;
	v6 =	vld.idx.msk [tilespmem:v6+s4+$0x0], $0xffff  }
0x338: {  	v1 =	vor.u32 v1, v2;
	v52 =	vand.u32 $0xFFFF0000, v5;
	v4 =	vshrl.u32 v4, $0x10  }
0x339: {  	v53 =	vadd.s32 $0x8000, v9;
	v54 =	vadd.s32 $0x8000, v10;
	v2 =	vor.u32 v4, v52  }
0x33a: {  	p1 =	slt.u32 s26, $0x18;
	[tilespmem:s28+$0xBBA0] =	vst v0;
	v55 =	vand.u32 $0xFFFF0000, v54;
	v4 =	vshrl.u32 v53, $0x10;
	v56 =	vadd.s32 $0x8000, v7  }
.Ltmp0:
0x33b: {  	[tilespmem:s28+$0xBBB0] =	vst v1;
	v0 =	vor.u32 v4, v55;
	v57 =	vadd.s32 $0x8000, v11;
	v58 =	vand.u32 $0xFFFF0000, v56;
	(pc) =	sbr.rel @p1 .LBB2_3-.Ltmp0, $4  }
0x33c: {  	[tilespmem:s28+$0xBBC0] =	vst v2;
	v1 =	vshrl.u32 v57, $0x10;
	v59 =	vadd.s32 $0x8000, v51;
	v60 =	vadd.s32 $0x8000, v6  }
0x33d: {  	[tilespmem:s28+$0xBBD0] =	vst v0;
	v61 =	vor.u32 v1, v58;
	v62 =	vand.u32 $0xFFFF0000, v60;
	v2 =	vshrl.u32 v59, $0x10  }
0x33e: {  	s31 =	sadd.s32 $0x8, s26;
	[tilespmem:s28+$0xBBE0] =	vst v61;
	v63 =	vor.u32 v2, v62  }
0x33f: {  	s26 =	smov.u32 s31;
	[tilespmem:s28+$0xBBF0] =	vst v63  }
0x340: {  	p1 =	sne.s32 s23, $0x31  }
.Ltmp1:
0x341: {  	s26 =	sshll.u32 s23, $0x14;
	(pc) =	sbr.rel @p1 .LBB2_6-.Ltmp1, $4  }
0x342: {  	s26 =	sor.u32 s5, s26  }
0x343: {  	s26 =	sshrl.u32 s26, $0x3  }
0x344: {  	s26 =	sadd.s32 s6, s26  }
0x345: {  	[hbm4b:s26+s15] =	stream.strided.scatter [tilespmem:s17], [sflag:$0x3], $0x4000, s16, s15, $0x38;
	[tilespmem:$0x10800] =	vst v63  }
.Ltmp2:
0x346: {  	(pc) =	sbr.rel .LBB2_7-.Ltmp2, $4  }
0x347: {  	_ = 	snop  }
0x348: {  	_ =	swait.ge [sflag:s18], $0x400  }
0x349: {  	[sflag:s18] =	ssyncset.done $0x0  }
0x34a: {  	[sflag:s18] =	ssyncadd.s32 $0xFFFFFC00  }
.LBB2_6:
0x34b: {  	s25 =	sadd.s32 $0x2, s25  }
0x34c: {  	s26 =	sshll.u32 s25, $0x8;
	s25 =	sshll.u32 s25, $0xF  }
0x34d: {  	s26 =	sand.u32 $0x200, s26;
	s25 =	sand.u32 $0x7E0000, s25  }
0x34e: {  	s25 =	sor.u32 s25, s26  }
0x34f: {  	s25 =	sor.u32 s5, s25  }
0x350: {  	s25 =	sshrl.u32 s25, $0x3  }
.Ltmp3:
0x351: {  	s25 =	sadd.s32 s1, s25;
	(pc) =	sbr.rel @p0 .LBB2_8-.Ltmp3, $4  }
0x352: {  	[tilespmem:s12], [sflag:$0x1] =	stream.strided.gather [hbm4b:s25+s10], $0x400, s11, s10, $0x38;
	[tilespmem:$0x10800] =	vst v63  }
0x353: {  	_ =	swait.ge [sflag:s18], $0x400  }
0x354: {  	[sflag:s18] =	ssyncset.done $0x0  }
0x355: {  	[sflag:s18] =	ssyncadd.s32 $0xFFFFFC00  }
.LBB2_7:
0x356: {  	_ =	swait.ge [sflag:s19], $0x4000  }
0x357: {  	[sflag:s19] =	ssyncset.done $0x0  }
0x358: {  	[sflag:s19] =	ssyncadd.s32 $0xFFFFC000  }
.LBB2_8:
0x359: {  	s25 =	simm.s32 $0x0  }
.LBB2_9:
0x35a: {  	s26 =	sshll.u32 s25, $0x7  }
0x35b: {  	s28 =	sshra.s32 s26, $0x2  }
0x35c: {  	v5 =	vld [tilespmem:s28+$0x8400]  }
0x35d: {  	v4 =	vld [tilespmem:s28+$0x8480];
	_ =	sdelay $0x2  }
0x35e: {  	v3 =	vld [tilespmem:s28+$0x8410]  }
0x35f: {  	v2 =	vld [tilespmem:s28+$0x8490];
	_ =	sdelay $0x2  }
0x360: {  	v0 =	vld.idx.msk [tilespmem:v5+s4+$0x0], $0xffff  }
0x361: {  	v1 =	vld.idx.msk [tilespmem:v4+s4+$0x0], $0xffff;
	_ =	sdelay $0x2  }
0x362: {  	v6 =	vld.idx.msk [tilespmem:v3+s4+$0x0], $0xffff  }
0x363: {  	v8 =	vadd.s32 $0x400, v5;
	v7 =	vld.idx.msk [tilespmem:v2+s4+$0x0], $0xffff  }
0x364: {  	v9 =	vadd.s32 $0x400, v4;
	v0 =	vadd.s32 $0x8000, v0;
	v1 =	vadd.s32 $0x8000, v1  }
0x365: {  	v1 =	vand.u32 $0xFFFF0000, v1;
	v0 =	vshrl.u32 v0, $0x10  }
0x366: {  	s26 =	sand.u32 $0x3FFFFF80, s26;
	v0 =	vor.u32 v0, v1  }
0x367: {  	v16 =	vadd.s32 $0x400, v3;
	[tilespmem:s26+$0xC800] =	vst v0  }
0x368: {  	v19 =	vadd.s32 $0x400, v2;
	v17 =	vadd.s32 $0x8000, v6;
	v18 =	vadd.s32 $0x8000, v7;
	v8 =	vld.idx.msk [tilespmem:v8+s4+$0x0], $0xffff  }
0x369: {  	v6 =	vand.u32 $0xFFFF0000, v18;
	v0 =	vshrl.u32 v17, $0x10;
	v9 =	vld.idx.msk [tilespmem:v9+s4+$0x0], $0xffff  }
0x36a: {  	v0 =	vor.u32 v0, v6  }
0x36b: {  	[tilespmem:s26+$0xC810] =	vst v0  }
0x36c: {  	v0 =	vld.idx.msk [tilespmem:v16+s4+$0x0], $0xffff  }
0x36d: {  	v21 =	vadd.s32 $0x800, v5;
	v20 =	vld.idx.msk [tilespmem:v19+s4+$0x0], $0xffff  }
0x36e: {  	v24 =	vadd.s32 $0x800, v4;
	v22 =	vadd.s32 $0x8000, v8;
	v23 =	vadd.s32 $0x8000, v9  }
0x36f: {  	v8 =	vand.u32 $0xFFFF0000, v23;
	v7 =	vshrl.u32 v22, $0x10  }
0x370: {  	v7 =	vor.u32 v7, v8  }
0x371: {  	v25 =	vadd.s32 $0x800, v3;
	[tilespmem:s26+$0xC880] =	vst v7  }
0x372: {  	v26 =	vadd.s32 $0x800, v2;
	v0 =	vadd.s32 $0x8000, v0;
	v1 =	vadd.s32 $0x8000, v20;
	v6 =	vld.idx.msk [tilespmem:v21+s4+$0x0], $0xffff  }
0x373: {  	v1 =	vand.u32 $0xFFFF0000, v1;
	v0 =	vshrl.u32 v0, $0x10;
	v9 =	vld.idx.msk [tilespmem:v24+s4+$0x0], $0xffff  }
0x374: {  	v0 =	vor.u32 v0, v1  }
0x375: {  	[tilespmem:s26+$0xC890] =	vst v0  }
0x376: {  	v0 =	vld.idx.msk [tilespmem:v25+s4+$0x0], $0xffff  }
0x377: {  	v7 =	vld.idx.msk [tilespmem:v26+s4+$0x0], $0xffff  }
0x378: {  	v28 =	vadd.s32 $0x8000, v6;
	v29 =	vadd.s32 $0x8000, v9  }
0x379: {  	v27 =	vadd.s32 $0xC00, v5;
	v6 =	vand.u32 $0xFFFF0000, v29;
	v1 =	vshrl.u32 v28, $0x10  }
0x37a: {  	v30 =	vadd.s32 $0xC00, v4;
	v6 =	vor.u32 v1, v6;
	v1 =	vld [tilespmem:s28+$0x8420]  }
0x37b: {  	v10 =	vadd.s32 $0xC00, v3;
	v31 =	vadd.s32 $0x8000, v0;
	v0 =	vld [tilespmem:s28+$0x84A0]  }
0x37c: {  	v11 =	vadd.s32 $0xC00, v2;
	v7 =	vadd.s32 $0x8000, v7  }
0x37d: {  	[tilespmem:s26+$0xC900] =	vst v6;
	v7 =	vand.u32 $0xFFFF0000, v7;
	v6 =	vshrl.u32 v31, $0x10  }
0x37e: {  	v8 =	vld.idx.msk [tilespmem:v27+s4+$0x0], $0xffff;
	v6 =	vor.u32 v6, v7  }
0x37f: {  	v9 =	vld.idx.msk [tilespmem:v30+s4+$0x0], $0xffff;
	[tilespmem:s26+$0xC910] =	vst v6  }
0x380: {  	v6 =	vld.idx.msk [tilespmem:v10+s4+$0x0], $0xffff  }
0x381: {  	v32 =	vld.idx.msk [tilespmem:v11+s4+$0x0], $0xffff  }
0x382: {  	v12 =	vld.idx.msk [tilespmem:v1+s4+$0x0], $0xffff  }
0x383: {  	v33 =	vadd.s32 $0x1000, v5;
	v34 =	vadd.s32 $0x1000, v4;
	v35 =	vadd.s32 $0x1000, v3;
	v13 =	vld.idx.msk [tilespmem:v0+s4+$0x0], $0xffff  }
0x384: {  	v36 =	vadd.s32 $0x1000, v2;
	v8 =	vadd.s32 $0x8000, v8;
	v9 =	vadd.s32 $0x8000, v9  }
0x385: {  	v37 =	vadd.s32 $0x400, v1;
	v9 =	vand.u32 $0xFFFF0000, v9;
	v8 =	vshrl.u32 v8, $0x10  }
0x386: {  	v8 =	vor.u32 v8, v9;
	v6 =	vadd.s32 $0x8000, v6;
	v7 =	vadd.s32 $0x8000, v32  }
0x387: {  	v40 =	vadd.s32 $0x400, v0;
	[tilespmem:s26+$0xC980] =	vst v8;
	v7 =	vand.u32 $0xFFFF0000, v7;
	v6 =	vshrl.u32 v6, $0x10  }
0x388: {  	v10 =	vld.idx.msk [tilespmem:v33+s4+$0x0], $0xffff;
	v6 =	vor.u32 v6, v7;
	v38 =	vadd.s32 $0x8000, v12;
	v39 =	vadd.s32 $0x8000, v13  }
0x389: {  	v11 =	vld.idx.msk [tilespmem:v34+s4+$0x0], $0xffff;
	[tilespmem:s26+$0xC990] =	vst v6;
	v12 =	vand.u32 $0xFFFF0000, v39;
	v6 =	vshrl.u32 v38, $0x10  }
0x38a: {  	v9 =	vld.idx.msk [tilespmem:v35+s4+$0x0], $0xffff;
	v6 =	vor.u32 v6, v12  }
0x38b: {  	v8 =	vld.idx.msk [tilespmem:v36+s4+$0x0], $0xffff;
	[tilespmem:s26+$0xC820] =	vst v6  }
0x38c: {  	v7 =	vld.idx.msk [tilespmem:v37+s4+$0x0], $0xffff  }
0x38d: {  	v41 =	vadd.s32 $0x1400, v5;
	v44 =	vadd.s32 $0x1400, v4;
	v45 =	vadd.s32 $0x1400, v3;
	v13 =	vld.idx.msk [tilespmem:v40+s4+$0x0], $0xffff  }
0x38e: {  	v47 =	vadd.s32 $0x1400, v2;
	v42 =	vadd.s32 $0x8000, v10;
	v43 =	vadd.s32 $0x8000, v11  }
0x38f: {  	v48 =	vadd.s32 $0x800, v1;
	v10 =	vand.u32 $0xFFFF0000, v43;
	v6 =	vshrl.u32 v42, $0x10  }
0x390: {  	v6 =	vor.u32 v6, v10;
	v46 =	vadd.s32 $0x8000, v9;
	v8 =	vadd.s32 $0x8000, v8  }
0x391: {  	v51 =	vadd.s32 $0x800, v0;
	[tilespmem:s26+$0xCA00] =	vst v6;
	v8 =	vand.u32 $0xFFFF0000, v8;
	v6 =	vshrl.u32 v46, $0x10  }
0x392: {  	v12 =	vld.idx.msk [tilespmem:v41+s4+$0x0], $0xffff;
	v6 =	vor.u32 v6, v8;
	v49 =	vadd.s32 $0x8000, v7;
	v50 =	vadd.s32 $0x8000, v13  }
0x393: {  	v11 =	vld.idx.msk [tilespmem:v44+s4+$0x0], $0xffff;
	[tilespmem:s26+$0xCA10] =	vst v6;
	v7 =	vand.u32 $0xFFFF0000, v50;
	v6 =	vshrl.u32 v49, $0x10  }
0x394: {  	v10 =	vld.idx.msk [tilespmem:v45+s4+$0x0], $0xffff;
	v6 =	vor.u32 v6, v7  }
0x395: {  	v9 =	vld.idx.msk [tilespmem:v47+s4+$0x0], $0xffff;
	[tilespmem:s26+$0xC8A0] =	vst v6  }
0x396: {  	v8 =	vld.idx.msk [tilespmem:v48+s4+$0x0], $0xffff  }
0x397: {  	v52 =	vadd.s32 $0x1800, v5;
	v54 =	vadd.s32 $0x1800, v4;
	v55 =	vadd.s32 $0x1800, v3;
	v13 =	vld.idx.msk [tilespmem:v51+s4+$0x0], $0xffff  }
0x398: {  	v57 =	vadd.s32 $0x1800, v2;
	v53 =	vadd.s32 $0x8000, v12;
	v11 =	vadd.s32 $0x8000, v11  }
0x399: {  	v58 =	vadd.s32 $0xC00, v1;
	v11 =	vand.u32 $0xFFFF0000, v11;
	v6 =	vshrl.u32 v53, $0x10  }
0x39a: {  	v6 =	vor.u32 v6, v11;
	v56 =	vadd.s32 $0x8000, v10;
	v9 =	vadd.s32 $0x8000, v9  }
0x39b: {  	v61 =	vadd.s32 $0xC00, v0;
	[tilespmem:s26+$0xCA80] =	vst v6;
	v9 =	vand.u32 $0xFFFF0000, v9;
	v6 =	vshrl.u32 v56, $0x10  }
0x39c: {  	v7 =	vld.idx.msk [tilespmem:v52+s4+$0x0], $0xffff;
	v6 =	vor.u32 v6, v9;
	v59 =	vadd.s32 $0x8000, v8;
	v60 =	vadd.s32 $0x8000, v13  }
0x39d: {  	v12 =	vld.idx.msk [tilespmem:v54+s4+$0x0], $0xffff;
	[tilespmem:s26+$0xCA90] =	vst v6;
	v8 =	vand.u32 $0xFFFF0000, v60;
	v6 =	vshrl.u32 v59, $0x10  }
0x39e: {  	v11 =	vld.idx.msk [tilespmem:v55+s4+$0x0], $0xffff;
	v6 =	vor.u32 v6, v8  }
0x39f: {  	v10 =	vld.idx.msk [tilespmem:v57+s4+$0x0], $0xffff;
	[tilespmem:s26+$0xC920] =	vst v6  }
0x3a0: {  	v9 =	vld.idx.msk [tilespmem:v58+s4+$0x0], $0xffff  }
0x3a1: {  	v62 =	vadd.s32 $0x1C00, v5;
	v18 =	vadd.s32 $0x1C00, v3;
	v17 =	vadd.s32 $0x1C00, v4;
	v13 =	vld.idx.msk [tilespmem:v61+s4+$0x0], $0xffff  }
0x3a2: {  	v20 =	vadd.s32 $0x1C00, v2;
	v63 =	vadd.s32 $0x8000, v7;
	v16 =	vadd.s32 $0x8000, v12  }
0x3a3: {  	v21 =	vadd.s32 $0x1000, v1;
	v7 =	vand.u32 $0xFFFF0000, v16;
	v6 =	vshrl.u32 v63, $0x10  }
0x3a4: {  	v6 =	vor.u32 v6, v7;
	v19 =	vadd.s32 $0x8000, v11;
	v10 =	vadd.s32 $0x8000, v10  }
0x3a5: {  	v24 =	vadd.s32 $0x1000, v0;
	[tilespmem:s26+$0xCB00] =	vst v6;
	v10 =	vand.u32 $0xFFFF0000, v10;
	v6 =	vshrl.u32 v19, $0x10  }
0x3a6: {  	v8 =	vld.idx.msk [tilespmem:v62+s4+$0x0], $0xffff;
	v6 =	vor.u32 v6, v10;
	v22 =	vadd.s32 $0x8000, v9;
	v23 =	vadd.s32 $0x8000, v13  }
0x3a7: {  	v12 =	vld.idx.msk [tilespmem:v17+s4+$0x0], $0xffff;
	[tilespmem:s26+$0xCB10] =	vst v6;
	v9 =	vand.u32 $0xFFFF0000, v23;
	v6 =	vshrl.u32 v22, $0x10  }
0x3a8: {  	v7 =	vld.idx.msk [tilespmem:v18+s4+$0x0], $0xffff;
	v6 =	vor.u32 v6, v9  }
0x3a9: {  	v11 =	vld.idx.msk [tilespmem:v20+s4+$0x0], $0xffff;
	[tilespmem:s26+$0xC9A0] =	vst v6  }
0x3aa: {  	v10 =	vld.idx.msk [tilespmem:v21+s4+$0x0], $0xffff  }
0x3ab: {  	v25 =	vadd.s32 $0x2000, v5;
	v28 =	vadd.s32 $0x2000, v4;
	v29 =	vadd.s32 $0x2000, v3;
	v13 =	vld.idx.msk [tilespmem:v24+s4+$0x0], $0xffff  }
0x3ac: {  	v32 =	vadd.s32 $0x2000, v2;
	v26 =	vadd.s32 $0x8000, v8;
	v27 =	vadd.s32 $0x8000, v12  }
0x3ad: {  	v33 =	vadd.s32 $0x1400, v1;
	v8 =	vand.u32 $0xFFFF0000, v27;
	v6 =	vshrl.u32 v26, $0x10  }
0x3ae: {  	v6 =	vor.u32 v6, v8;
	v30 =	vadd.s32 $0x8000, v7;
	v31 =	vadd.s32 $0x8000, v11  }
0x3af: {  	v36 =	vadd.s32 $0x1400, v0;
	[tilespmem:s26+$0xCB80] =	vst v6;
	v7 =	vand.u32 $0xFFFF0000, v31;
	v6 =	vshrl.u32 v30, $0x10  }
0x3b0: {  	v9 =	vld.idx.msk [tilespmem:v25+s4+$0x0], $0xffff;
	v6 =	vor.u32 v6, v7;
	v34 =	vadd.s32 $0x8000, v10;
	v35 =	vadd.s32 $0x8000, v13  }
0x3b1: {  	v12 =	vld.idx.msk [tilespmem:v28+s4+$0x0], $0xffff;
	[tilespmem:s26+$0xCB90] =	vst v6;
	v10 =	vand.u32 $0xFFFF0000, v35;
	v6 =	vshrl.u32 v34, $0x10  }
0x3b2: {  	v8 =	vld.idx.msk [tilespmem:v29+s4+$0x0], $0xffff;
	v6 =	vor.u32 v6, v10  }
0x3b3: {  	v11 =	vld.idx.msk [tilespmem:v32+s4+$0x0], $0xffff;
	[tilespmem:s26+$0xCA20] =	vst v6  }
0x3b4: {  	v7 =	vld.idx.msk [tilespmem:v33+s4+$0x0], $0xffff  }
0x3b5: {  	v37 =	vadd.s32 $0x2400, v5;
	v40 =	vadd.s32 $0x2400, v4;
	v41 =	vadd.s32 $0x2400, v3;
	v13 =	vld.idx.msk [tilespmem:v36+s4+$0x0], $0xffff  }
0x3b6: {  	v44 =	vadd.s32 $0x2400, v2;
	v38 =	vadd.s32 $0x8000, v9;
	v39 =	vadd.s32 $0x8000, v12  }
0x3b7: {  	v45 =	vadd.s32 $0x1800, v1;
	v9 =	vand.u32 $0xFFFF0000, v39;
	v6 =	vshrl.u32 v38, $0x10  }
0x3b8: {  	v6 =	vor.u32 v6, v9;
	v42 =	vadd.s32 $0x8000, v8;
	v43 =	vadd.s32 $0x8000, v11  }
0x3b9: {  	v48 =	vadd.s32 $0x1800, v0;
	[tilespmem:s26+$0xD800] =	vst v6;
	v8 =	vand.u32 $0xFFFF0000, v43;
	v6 =	vshrl.u32 v42, $0x10  }
0x3ba: {  	v10 =	vld.idx.msk [tilespmem:v37+s4+$0x0], $0xffff;
	v6 =	vor.u32 v6, v8;
	v46 =	vadd.s32 $0x8000, v7;
	v47 =	vadd.s32 $0x8000, v13  }
0x3bb: {  	v12 =	vld.idx.msk [tilespmem:v40+s4+$0x0], $0xffff;
	[tilespmem:s26+$0xD810] =	vst v6;
	v7 =	vand.u32 $0xFFFF0000, v47;
	v6 =	vshrl.u32 v46, $0x10  }
0x3bc: {  	v9 =	vld.idx.msk [tilespmem:v41+s4+$0x0], $0xffff;
	v6 =	vor.u32 v6, v7  }
0x3bd: {  	v11 =	vld.idx.msk [tilespmem:v44+s4+$0x0], $0xffff;
	[tilespmem:s26+$0xCAA0] =	vst v6  }
0x3be: {  	v8 =	vld.idx.msk [tilespmem:v45+s4+$0x0], $0xffff  }
0x3bf: {  	v49 =	vadd.s32 $0x2800, v5;
	v53 =	vadd.s32 $0x2800, v3;
	v56 =	vadd.s32 $0x2800, v2;
	v13 =	vld.idx.msk [tilespmem:v48+s4+$0x0], $0xffff  }
0x3c0: {  	v52 =	vadd.s32 $0x2800, v4;
	v50 =	vadd.s32 $0x8000, v10;
	v51 =	vadd.s32 $0x8000, v12  }
0x3c1: {  	v57 =	vadd.s32 $0x1C00, v1;
	v10 =	vand.u32 $0xFFFF0000, v51;
	v6 =	vshrl.u32 v50, $0x10  }
0x3c2: {  	v6 =	vor.u32 v6, v10;
	v54 =	vadd.s32 $0x8000, v9;
	v55 =	vadd.s32 $0x8000, v11  }
0x3c3: {  	v60 =	vadd.s32 $0x1C00, v0;
	[tilespmem:s26+$0xD880] =	vst v6;
	v9 =	vand.u32 $0xFFFF0000, v55;
	v6 =	vshrl.u32 v54, $0x10  }
0x3c4: {  	v7 =	vld.idx.msk [tilespmem:v49+s4+$0x0], $0xffff;
	v6 =	vor.u32 v6, v9;
	v58 =	vadd.s32 $0x8000, v8;
	v59 =	vadd.s32 $0x8000, v13  }
0x3c5: {  	v12 =	vld.idx.msk [tilespmem:v52+s4+$0x0], $0xffff;
	[tilespmem:s26+$0xD890] =	vst v6;
	v8 =	vand.u32 $0xFFFF0000, v59;
	v6 =	vshrl.u32 v58, $0x10  }
0x3c6: {  	v10 =	vld.idx.msk [tilespmem:v53+s4+$0x0], $0xffff;
	v6 =	vor.u32 v6, v8  }
0x3c7: {  	v11 =	vld.idx.msk [tilespmem:v56+s4+$0x0], $0xffff;
	[tilespmem:s26+$0xCB20] =	vst v6  }
0x3c8: {  	v9 =	vld.idx.msk [tilespmem:v57+s4+$0x0], $0xffff  }
0x3c9: {  	v61 =	vadd.s32 $0x2C00, v5;
	v16 =	vadd.s32 $0x2C00, v4;
	v17 =	vadd.s32 $0x2C00, v3;
	v13 =	vld.idx.msk [tilespmem:v60+s4+$0x0], $0xffff  }
0x3ca: {  	v20 =	vadd.s32 $0x2C00, v2;
	v62 =	vadd.s32 $0x8000, v7;
	v63 =	vadd.s32 $0x8000, v12  }
0x3cb: {  	v21 =	vadd.s32 $0x2000, v1;
	v7 =	vand.u32 $0xFFFF0000, v63;
	v6 =	vshrl.u32 v62, $0x10  }
0x3cc: {  	v6 =	vor.u32 v6, v7;
	v18 =	vadd.s32 $0x8000, v10;
	v19 =	vadd.s32 $0x8000, v11  }
0x3cd: {  	v24 =	vadd.s32 $0x2000, v0;
	[tilespmem:s26+$0xD900] =	vst v6;
	v10 =	vand.u32 $0xFFFF0000, v19;
	v6 =	vshrl.u32 v18, $0x10  }
0x3ce: {  	v8 =	vld.idx.msk [tilespmem:v61+s4+$0x0], $0xffff;
	v6 =	vor.u32 v6, v10;
	v22 =	vadd.s32 $0x8000, v9;
	v23 =	vadd.s32 $0x8000, v13  }
0x3cf: {  	v12 =	vld.idx.msk [tilespmem:v16+s4+$0x0], $0xffff;
	[tilespmem:s26+$0xD910] =	vst v6;
	v9 =	vand.u32 $0xFFFF0000, v23;
	v6 =	vshrl.u32 v22, $0x10  }
0x3d0: {  	v7 =	vld.idx.msk [tilespmem:v17+s4+$0x0], $0xffff;
	v6 =	vor.u32 v6, v9  }
0x3d1: {  	v11 =	vld.idx.msk [tilespmem:v20+s4+$0x0], $0xffff;
	[tilespmem:s26+$0xCBA0] =	vst v6  }
0x3d2: {  	v10 =	vld.idx.msk [tilespmem:v21+s4+$0x0], $0xffff  }
0x3d3: {  	v25 =	vadd.s32 $0x3000, v5;
	v28 =	vadd.s32 $0x3000, v4;
	v29 =	vadd.s32 $0x3000, v3;
	v13 =	vld.idx.msk [tilespmem:v24+s4+$0x0], $0xffff  }
0x3d4: {  	v32 =	vadd.s32 $0x3000, v2;
	v26 =	vadd.s32 $0x8000, v8;
	v27 =	vadd.s32 $0x8000, v12  }
0x3d5: {  	v33 =	vadd.s32 $0x2400, v1;
	v8 =	vand.u32 $0xFFFF0000, v27;
	v6 =	vshrl.u32 v26, $0x10  }
0x3d6: {  	v6 =	vor.u32 v6, v8;
	v30 =	vadd.s32 $0x8000, v7;
	v31 =	vadd.s32 $0x8000, v11  }
0x3d7: {  	v36 =	vadd.s32 $0x2400, v0;
	[tilespmem:s26+$0xD980] =	vst v6;
	v7 =	vand.u32 $0xFFFF0000, v31;
	v6 =	vshrl.u32 v30, $0x10  }
0x3d8: {  	v9 =	vld.idx.msk [tilespmem:v25+s4+$0x0], $0xffff;
	v6 =	vor.u32 v6, v7;
	v34 =	vadd.s32 $0x8000, v10;
	v35 =	vadd.s32 $0x8000, v13  }
0x3d9: {  	v12 =	vld.idx.msk [tilespmem:v28+s4+$0x0], $0xffff;
	[tilespmem:s26+$0xD990] =	vst v6;
	v10 =	vand.u32 $0xFFFF0000, v35;
	v6 =	vshrl.u32 v34, $0x10  }
0x3da: {  	v8 =	vld.idx.msk [tilespmem:v29+s4+$0x0], $0xffff;
	v6 =	vor.u32 v6, v10  }
0x3db: {  	v11 =	vld.idx.msk [tilespmem:v32+s4+$0x0], $0xffff;
	[tilespmem:s26+$0xD820] =	vst v6  }
0x3dc: {  	v7 =	vld.idx.msk [tilespmem:v33+s4+$0x0], $0xffff  }
0x3dd: {  	v37 =	vadd.s32 $0x3400, v5;
	v40 =	vadd.s32 $0x3400, v4;
	v41 =	vadd.s32 $0x3400, v3;
	v13 =	vld.idx.msk [tilespmem:v36+s4+$0x0], $0xffff  }
0x3de: {  	v44 =	vadd.s32 $0x3400, v2;
	v38 =	vadd.s32 $0x8000, v9;
	v39 =	vadd.s32 $0x8000, v12  }
0x3df: {  	v45 =	vadd.s32 $0x2800, v1;
	v9 =	vand.u32 $0xFFFF0000, v39;
	v6 =	vshrl.u32 v38, $0x10  }
0x3e0: {  	v6 =	vor.u32 v6, v9;
	v42 =	vadd.s32 $0x8000, v8;
	v43 =	vadd.s32 $0x8000, v11  }
0x3e1: {  	v48 =	vadd.s32 $0x2800, v0;
	[tilespmem:s26+$0xDA00] =	vst v6;
	v8 =	vand.u32 $0xFFFF0000, v43;
	v6 =	vshrl.u32 v42, $0x10  }
0x3e2: {  	v10 =	vld.idx.msk [tilespmem:v37+s4+$0x0], $0xffff;
	v6 =	vor.u32 v6, v8;
	v46 =	vadd.s32 $0x8000, v7;
	v47 =	vadd.s32 $0x8000, v13  }
0x3e3: {  	v12 =	vld.idx.msk [tilespmem:v40+s4+$0x0], $0xffff;
	[tilespmem:s26+$0xDA10] =	vst v6;
	v7 =	vand.u32 $0xFFFF0000, v47;
	v6 =	vshrl.u32 v46, $0x10  }
0x3e4: {  	v9 =	vld.idx.msk [tilespmem:v41+s4+$0x0], $0xffff;
	v6 =	vor.u32 v6, v7  }
0x3e5: {  	v11 =	vld.idx.msk [tilespmem:v44+s4+$0x0], $0xffff;
	[tilespmem:s26+$0xD8A0] =	vst v6  }
0x3e6: {  	v8 =	vld.idx.msk [tilespmem:v45+s4+$0x0], $0xffff  }
0x3e7: {  	v49 =	vadd.s32 $0x3800, v5;
	v52 =	vadd.s32 $0x3800, v4;
	v53 =	vadd.s32 $0x3800, v3;
	v13 =	vld.idx.msk [tilespmem:v48+s4+$0x0], $0xffff  }
0x3e8: {  	v56 =	vadd.s32 $0x3800, v2;
	v50 =	vadd.s32 $0x8000, v10;
	v51 =	vadd.s32 $0x8000, v12  }
0x3e9: {  	v57 =	vadd.s32 $0x2C00, v1;
	v10 =	vand.u32 $0xFFFF0000, v51;
	v6 =	vshrl.u32 v50, $0x10  }
0x3ea: {  	v6 =	vor.u32 v6, v10;
	v54 =	vadd.s32 $0x8000, v9;
	v55 =	vadd.s32 $0x8000, v11  }
0x3eb: {  	v60 =	vadd.s32 $0x2C00, v0;
	[tilespmem:s26+$0xDA80] =	vst v6;
	v9 =	vand.u32 $0xFFFF0000, v55;
	v6 =	vshrl.u32 v54, $0x10  }
0x3ec: {  	v7 =	vld.idx.msk [tilespmem:v49+s4+$0x0], $0xffff;
	v6 =	vor.u32 v6, v9;
	v58 =	vadd.s32 $0x8000, v8;
	v59 =	vadd.s32 $0x8000, v13  }
0x3ed: {  	v12 =	vld.idx.msk [tilespmem:v52+s4+$0x0], $0xffff;
	[tilespmem:s26+$0xDA90] =	vst v6;
	v8 =	vand.u32 $0xFFFF0000, v59;
	v6 =	vshrl.u32 v58, $0x10  }
0x3ee: {  	v10 =	vld.idx.msk [tilespmem:v53+s4+$0x0], $0xffff;
	v6 =	vor.u32 v6, v8  }
0x3ef: {  	v11 =	vld.idx.msk [tilespmem:v56+s4+$0x0], $0xffff;
	[tilespmem:s26+$0xD920] =	vst v6  }
0x3f0: {  	v9 =	vld.idx.msk [tilespmem:v57+s4+$0x0], $0xffff  }
0x3f1: {  	v61 =	vadd.s32 $0x3C00, v5;
	v16 =	vadd.s32 $0x3C00, v4;
	v17 =	vadd.s32 $0x3C00, v3;
	v13 =	vld.idx.msk [tilespmem:v60+s4+$0x0], $0xffff  }
0x3f2: {  	v20 =	vadd.s32 $0x3C00, v2;
	v62 =	vadd.s32 $0x8000, v7;
	v63 =	vadd.s32 $0x8000, v12  }
0x3f3: {  	v21 =	vadd.s32 $0x3000, v1;
	v7 =	vand.u32 $0xFFFF0000, v63;
	v6 =	vshrl.u32 v62, $0x10  }
0x3f4: {  	v6 =	vor.u32 v6, v7;
	v18 =	vadd.s32 $0x8000, v10;
	v19 =	vadd.s32 $0x8000, v11  }
0x3f5: {  	v24 =	vadd.s32 $0x3000, v0;
	[tilespmem:s26+$0xDB00] =	vst v6;
	v10 =	vand.u32 $0xFFFF0000, v19;
	v6 =	vshrl.u32 v18, $0x10  }
0x3f6: {  	v8 =	vld.idx.msk [tilespmem:v61+s4+$0x0], $0xffff;
	v6 =	vor.u32 v6, v10;
	v22 =	vadd.s32 $0x8000, v9;
	v23 =	vadd.s32 $0x8000, v13  }
0x3f7: {  	v12 =	vld.idx.msk [tilespmem:v16+s4+$0x0], $0xffff;
	[tilespmem:s26+$0xDB10] =	vst v6;
	v9 =	vand.u32 $0xFFFF0000, v23;
	v6 =	vshrl.u32 v22, $0x10  }
0x3f8: {  	v7 =	vld.idx.msk [tilespmem:v17+s4+$0x0], $0xffff;
	v6 =	vor.u32 v6, v9  }
0x3f9: {  	v11 =	vld.idx.msk [tilespmem:v20+s4+$0x0], $0xffff;
	[tilespmem:s26+$0xD9A0] =	vst v6  }
0x3fa: {  	v10 =	vld.idx.msk [tilespmem:v21+s4+$0x0], $0xffff  }
0x3fb: {  	v25 =	vadd.s32 $0x4000, v5;
	v28 =	vadd.s32 $0x4000, v4;
	v29 =	vadd.s32 $0x4000, v3;
	v13 =	vld.idx.msk [tilespmem:v24+s4+$0x0], $0xffff  }
0x3fc: {  	v32 =	vadd.s32 $0x4000, v2;
	v26 =	vadd.s32 $0x8000, v8;
	v27 =	vadd.s32 $0x8000, v12  }
0x3fd: {  	v33 =	vadd.s32 $0x3400, v1;
	v8 =	vand.u32 $0xFFFF0000, v27;
	v6 =	vshrl.u32 v26, $0x10  }
0x3fe: {  	v6 =	vor.u32 v6, v8;
	v30 =	vadd.s32 $0x8000, v7;
	v31 =	vadd.s32 $0x8000, v11  }
0x3ff: {  	v36 =	vadd.s32 $0x3400, v0;
	[tilespmem:s26+$0xDB80] =	vst v6;
	v7 =	vand.u32 $0xFFFF0000, v31;
	v6 =	vshrl.u32 v30, $0x10  }
0x400: {  	v9 =	vld.idx.msk [tilespmem:v25+s4+$0x0], $0xffff;
	v6 =	vor.u32 v6, v7;
	v34 =	vadd.s32 $0x8000, v10;
	v35 =	vadd.s32 $0x8000, v13  }
0x401: {  	v12 =	vld.idx.msk [tilespmem:v28+s4+$0x0], $0xffff;
	[tilespmem:s26+$0xDB90] =	vst v6;
	v10 =	vand.u32 $0xFFFF0000, v35;
	v6 =	vshrl.u32 v34, $0x10  }
0x402: {  	v8 =	vld.idx.msk [tilespmem:v29+s4+$0x0], $0xffff;
	v6 =	vor.u32 v6, v10  }
0x403: {  	v11 =	vld.idx.msk [tilespmem:v32+s4+$0x0], $0xffff;
	[tilespmem:s26+$0xDA20] =	vst v6  }
0x404: {  	v7 =	vld.idx.msk [tilespmem:v33+s4+$0x0], $0xffff  }
0x405: {  	v37 =	vadd.s32 $0x4400, v5;
	v40 =	vadd.s32 $0x4400, v4;
	v41 =	vadd.s32 $0x4400, v3;
	v13 =	vld.idx.msk [tilespmem:v36+s4+$0x0], $0xffff  }
0x406: {  	v44 =	vadd.s32 $0x4400, v2;
	v38 =	vadd.s32 $0x8000, v9;
	v39 =	vadd.s32 $0x8000, v12  }
0x407: {  	v45 =	vadd.s32 $0x3800, v1;
	v9 =	vand.u32 $0xFFFF0000, v39;
	v6 =	vshrl.u32 v38, $0x10  }
0x408: {  	v6 =	vor.u32 v6, v9;
	v42 =	vadd.s32 $0x8000, v8;
	v43 =	vadd.s32 $0x8000, v11  }
0x409: {  	v48 =	vadd.s32 $0x3800, v0;
	[tilespmem:s26+$0xE800] =	vst v6;
	v8 =	vand.u32 $0xFFFF0000, v43;
	v6 =	vshrl.u32 v42, $0x10  }
0x40a: {  	v10 =	vld.idx.msk [tilespmem:v37+s4+$0x0], $0xffff;
	v6 =	vor.u32 v6, v8;
	v46 =	vadd.s32 $0x8000, v7;
	v47 =	vadd.s32 $0x8000, v13  }
0x40b: {  	v12 =	vld.idx.msk [tilespmem:v40+s4+$0x0], $0xffff;
	[tilespmem:s26+$0xE810] =	vst v6;
	v7 =	vand.u32 $0xFFFF0000, v47;
	v6 =	vshrl.u32 v46, $0x10  }
0x40c: {  	v9 =	vld.idx.msk [tilespmem:v41+s4+$0x0], $0xffff;
	v6 =	vor.u32 v6, v7  }
0x40d: {  	v11 =	vld.idx.msk [tilespmem:v44+s4+$0x0], $0xffff;
	[tilespmem:s26+$0xDAA0] =	vst v6  }
0x40e: {  	v8 =	vld.idx.msk [tilespmem:v45+s4+$0x0], $0xffff  }
0x40f: {  	v49 =	vadd.s32 $0x4800, v5;
	v52 =	vadd.s32 $0x4800, v4;
	v53 =	vadd.s32 $0x4800, v3;
	v13 =	vld.idx.msk [tilespmem:v48+s4+$0x0], $0xffff  }
0x410: {  	v56 =	vadd.s32 $0x4800, v2;
	v50 =	vadd.s32 $0x8000, v10;
	v51 =	vadd.s32 $0x8000, v12  }
0x411: {  	v57 =	vadd.s32 $0x3C00, v1;
	v10 =	vand.u32 $0xFFFF0000, v51;
	v6 =	vshrl.u32 v50, $0x10  }
0x412: {  	v6 =	vor.u32 v6, v10;
	v54 =	vadd.s32 $0x8000, v9;
	v55 =	vadd.s32 $0x8000, v11  }
0x413: {  	v60 =	vadd.s32 $0x3C00, v0;
	[tilespmem:s26+$0xE880] =	vst v6;
	v9 =	vand.u32 $0xFFFF0000, v55;
	v6 =	vshrl.u32 v54, $0x10  }
0x414: {  	v7 =	vld.idx.msk [tilespmem:v49+s4+$0x0], $0xffff;
	v6 =	vor.u32 v6, v9;
	v58 =	vadd.s32 $0x8000, v8;
	v59 =	vadd.s32 $0x8000, v13  }
0x415: {  	v12 =	vld.idx.msk [tilespmem:v52+s4+$0x0], $0xffff;
	[tilespmem:s26+$0xE890] =	vst v6;
	v8 =	vand.u32 $0xFFFF0000, v59;
	v6 =	vshrl.u32 v58, $0x10  }
0x416: {  	v10 =	vld.idx.msk [tilespmem:v53+s4+$0x0], $0xffff;
	v6 =	vor.u32 v6, v8  }
0x417: {  	v11 =	vld.idx.msk [tilespmem:v56+s4+$0x0], $0xffff;
	[tilespmem:s26+$0xDB20] =	vst v6  }
0x418: {  	v9 =	vld.idx.msk [tilespmem:v57+s4+$0x0], $0xffff  }
0x419: {  	v61 =	vadd.s32 $0x4C00, v5;
	v16 =	vadd.s32 $0x4C00, v4;
	v17 =	vadd.s32 $0x4C00, v3;
	v13 =	vld.idx.msk [tilespmem:v60+s4+$0x0], $0xffff  }
0x41a: {  	v20 =	vadd.s32 $0x4C00, v2;
	v62 =	vadd.s32 $0x8000, v7;
	v63 =	vadd.s32 $0x8000, v12  }
0x41b: {  	v21 =	vadd.s32 $0x4000, v1;
	v7 =	vand.u32 $0xFFFF0000, v63;
	v6 =	vshrl.u32 v62, $0x10  }
0x41c: {  	v6 =	vor.u32 v6, v7;
	v18 =	vadd.s32 $0x8000, v10;
	v19 =	vadd.s32 $0x8000, v11  }
0x41d: {  	v24 =	vadd.s32 $0x4000, v0;
	[tilespmem:s26+$0xE900] =	vst v6;
	v10 =	vand.u32 $0xFFFF0000, v19;
	v6 =	vshrl.u32 v18, $0x10  }
0x41e: {  	v8 =	vld.idx.msk [tilespmem:v61+s4+$0x0], $0xffff;
	v6 =	vor.u32 v6, v10;
	v22 =	vadd.s32 $0x8000, v9;
	v23 =	vadd.s32 $0x8000, v13  }
0x41f: {  	v12 =	vld.idx.msk [tilespmem:v16+s4+$0x0], $0xffff;
	[tilespmem:s26+$0xE910] =	vst v6;
	v9 =	vand.u32 $0xFFFF0000, v23;
	v6 =	vshrl.u32 v22, $0x10  }
0x420: {  	v7 =	vld.idx.msk [tilespmem:v17+s4+$0x0], $0xffff;
	v6 =	vor.u32 v6, v9  }
0x421: {  	v11 =	vld.idx.msk [tilespmem:v20+s4+$0x0], $0xffff;
	[tilespmem:s26+$0xDBA0] =	vst v6  }
0x422: {  	v10 =	vld.idx.msk [tilespmem:v21+s4+$0x0], $0xffff  }
0x423: {  	v25 =	vadd.s32 $0x5000, v5;
	v28 =	vadd.s32 $0x5000, v4;
	v29 =	vadd.s32 $0x5000, v3;
	v13 =	vld.idx.msk [tilespmem:v24+s4+$0x0], $0xffff  }
0x424: {  	v32 =	vadd.s32 $0x5000, v2;
	v26 =	vadd.s32 $0x8000, v8;
	v27 =	vadd.s32 $0x8000, v12  }
0x425: {  	v33 =	vadd.s32 $0x4400, v1;
	v8 =	vand.u32 $0xFFFF0000, v27;
	v6 =	vshrl.u32 v26, $0x10  }
0x426: {  	v6 =	vor.u32 v6, v8;
	v30 =	vadd.s32 $0x8000, v7;
	v31 =	vadd.s32 $0x8000, v11  }
0x427: {  	v36 =	vadd.s32 $0x4400, v0;
	[tilespmem:s26+$0xE980] =	vst v6;
	v7 =	vand.u32 $0xFFFF0000, v31;
	v6 =	vshrl.u32 v30, $0x10  }
0x428: {  	v9 =	vld.idx.msk [tilespmem:v25+s4+$0x0], $0xffff;
	v6 =	vor.u32 v6, v7;
	v34 =	vadd.s32 $0x8000, v10;
	v35 =	vadd.s32 $0x8000, v13  }
0x429: {  	v12 =	vld.idx.msk [tilespmem:v28+s4+$0x0], $0xffff;
	[tilespmem:s26+$0xE990] =	vst v6;
	v10 =	vand.u32 $0xFFFF0000, v35;
	v6 =	vshrl.u32 v34, $0x10  }
0x42a: {  	v8 =	vld.idx.msk [tilespmem:v29+s4+$0x0], $0xffff;
	v6 =	vor.u32 v6, v10  }
0x42b: {  	v11 =	vld.idx.msk [tilespmem:v32+s4+$0x0], $0xffff;
	[tilespmem:s26+$0xE820] =	vst v6  }
0x42c: {  	v7 =	vld.idx.msk [tilespmem:v33+s4+$0x0], $0xffff  }
0x42d: {  	v37 =	vadd.s32 $0x5400, v5;
	v40 =	vadd.s32 $0x5400, v4;
	v41 =	vadd.s32 $0x5400, v3;
	v13 =	vld.idx.msk [tilespmem:v36+s4+$0x0], $0xffff  }
0x42e: {  	v44 =	vadd.s32 $0x5400, v2;
	v38 =	vadd.s32 $0x8000, v9;
	v39 =	vadd.s32 $0x8000, v12  }
0x42f: {  	v45 =	vadd.s32 $0x4800, v1;
	v9 =	vand.u32 $0xFFFF0000, v39;
	v6 =	vshrl.u32 v38, $0x10  }
0x430: {  	v6 =	vor.u32 v6, v9;
	v42 =	vadd.s32 $0x8000, v8;
	v43 =	vadd.s32 $0x8000, v11  }
0x431: {  	v48 =	vadd.s32 $0x4800, v0;
	[tilespmem:s26+$0xEA00] =	vst v6;
	v8 =	vand.u32 $0xFFFF0000, v43;
	v6 =	vshrl.u32 v42, $0x10  }
0x432: {  	v10 =	vld.idx.msk [tilespmem:v37+s4+$0x0], $0xffff;
	v6 =	vor.u32 v6, v8;
	v46 =	vadd.s32 $0x8000, v7;
	v47 =	vadd.s32 $0x8000, v13  }
0x433: {  	v12 =	vld.idx.msk [tilespmem:v40+s4+$0x0], $0xffff;
	[tilespmem:s26+$0xEA10] =	vst v6;
	v7 =	vand.u32 $0xFFFF0000, v47;
	v6 =	vshrl.u32 v46, $0x10  }
0x434: {  	v9 =	vld.idx.msk [tilespmem:v41+s4+$0x0], $0xffff;
	v6 =	vor.u32 v6, v7  }
0x435: {  	v11 =	vld.idx.msk [tilespmem:v44+s4+$0x0], $0xffff;
	[tilespmem:s26+$0xE8A0] =	vst v6  }
0x436: {  	v8 =	vld.idx.msk [tilespmem:v45+s4+$0x0], $0xffff  }
0x437: {  	v49 =	vadd.s32 $0x5800, v5;
	v52 =	vadd.s32 $0x5800, v4;
	v53 =	vadd.s32 $0x5800, v3;
	v13 =	vld.idx.msk [tilespmem:v48+s4+$0x0], $0xffff  }
0x438: {  	v56 =	vadd.s32 $0x5800, v2;
	v50 =	vadd.s32 $0x8000, v10;
	v51 =	vadd.s32 $0x8000, v12  }
0x439: {  	v57 =	vadd.s32 $0x4C00, v1;
	v10 =	vand.u32 $0xFFFF0000, v51;
	v6 =	vshrl.u32 v50, $0x10  }
0x43a: {  	v6 =	vor.u32 v6, v10;
	v54 =	vadd.s32 $0x8000, v9;
	v55 =	vadd.s32 $0x8000, v11  }
0x43b: {  	v60 =	vadd.s32 $0x4C00, v0;
	[tilespmem:s26+$0xEA80] =	vst v6;
	v9 =	vand.u32 $0xFFFF0000, v55;
	v6 =	vshrl.u32 v54, $0x10  }
0x43c: {  	v7 =	vld.idx.msk [tilespmem:v49+s4+$0x0], $0xffff;
	v6 =	vor.u32 v6, v9;
	v58 =	vadd.s32 $0x8000, v8;
	v59 =	vadd.s32 $0x8000, v13  }
0x43d: {  	v12 =	vld.idx.msk [tilespmem:v52+s4+$0x0], $0xffff;
	[tilespmem:s26+$0xEA90] =	vst v6;
	v8 =	vand.u32 $0xFFFF0000, v59;
	v6 =	vshrl.u32 v58, $0x10  }
0x43e: {  	v10 =	vld.idx.msk [tilespmem:v53+s4+$0x0], $0xffff;
	v6 =	vor.u32 v6, v8  }
0x43f: {  	v11 =	vld.idx.msk [tilespmem:v56+s4+$0x0], $0xffff;
	[tilespmem:s26+$0xE920] =	vst v6  }
0x440: {  	v9 =	vld.idx.msk [tilespmem:v57+s4+$0x0], $0xffff  }
0x441: {  	v61 =	vadd.s32 $0x5C00, v5;
	v16 =	vadd.s32 $0x5C00, v4;
	v17 =	vadd.s32 $0x5C00, v3;
	v13 =	vld.idx.msk [tilespmem:v60+s4+$0x0], $0xffff  }
0x442: {  	v20 =	vadd.s32 $0x5C00, v2;
	v62 =	vadd.s32 $0x8000, v7;
	v63 =	vadd.s32 $0x8000, v12  }
0x443: {  	v21 =	vadd.s32 $0x5000, v1;
	v7 =	vand.u32 $0xFFFF0000, v63;
	v6 =	vshrl.u32 v62, $0x10  }
0x444: {  	v6 =	vor.u32 v6, v7;
	v18 =	vadd.s32 $0x8000, v10;
	v19 =	vadd.s32 $0x8000, v11  }
0x445: {  	v24 =	vadd.s32 $0x5000, v0;
	[tilespmem:s26+$0xEB00] =	vst v6;
	v10 =	vand.u32 $0xFFFF0000, v19;
	v6 =	vshrl.u32 v18, $0x10  }
0x446: {  	v8 =	vld.idx.msk [tilespmem:v61+s4+$0x0], $0xffff;
	v6 =	vor.u32 v6, v10;
	v22 =	vadd.s32 $0x8000, v9;
	v23 =	vadd.s32 $0x8000, v13  }
0x447: {  	v12 =	vld.idx.msk [tilespmem:v16+s4+$0x0], $0xffff;
	[tilespmem:s26+$0xEB10] =	vst v6;
	v9 =	vand.u32 $0xFFFF0000, v23;
	v6 =	vshrl.u32 v22, $0x10  }
0x448: {  	v7 =	vld.idx.msk [tilespmem:v17+s4+$0x0], $0xffff;
	v6 =	vor.u32 v6, v9  }
0x449: {  	v11 =	vld.idx.msk [tilespmem:v20+s4+$0x0], $0xffff;
	[tilespmem:s26+$0xE9A0] =	vst v6  }
0x44a: {  	v10 =	vld.idx.msk [tilespmem:v21+s4+$0x0], $0xffff  }
0x44b: {  	v25 =	vadd.s32 $0x6000, v5;
	v28 =	vadd.s32 $0x6000, v4;
	v29 =	vadd.s32 $0x6000, v3;
	v13 =	vld.idx.msk [tilespmem:v24+s4+$0x0], $0xffff  }
0x44c: {  	v32 =	vadd.s32 $0x6000, v2;
	v26 =	vadd.s32 $0x8000, v8;
	v27 =	vadd.s32 $0x8000, v12  }
0x44d: {  	v33 =	vadd.s32 $0x5400, v1;
	v8 =	vand.u32 $0xFFFF0000, v27;
	v6 =	vshrl.u32 v26, $0x10  }
0x44e: {  	v6 =	vor.u32 v6, v8;
	v30 =	vadd.s32 $0x8000, v7;
	v31 =	vadd.s32 $0x8000, v11  }
0x44f: {  	v36 =	vadd.s32 $0x5400, v0;
	[tilespmem:s26+$0xEB80] =	vst v6;
	v7 =	vand.u32 $0xFFFF0000, v31;
	v6 =	vshrl.u32 v30, $0x10  }
0x450: {  	v9 =	vld.idx.msk [tilespmem:v25+s4+$0x0], $0xffff;
	v6 =	vor.u32 v6, v7;
	v34 =	vadd.s32 $0x8000, v10;
	v35 =	vadd.s32 $0x8000, v13  }
0x451: {  	v12 =	vld.idx.msk [tilespmem:v28+s4+$0x0], $0xffff;
	[tilespmem:s26+$0xEB90] =	vst v6;
	v10 =	vand.u32 $0xFFFF0000, v35;
	v6 =	vshrl.u32 v34, $0x10  }
0x452: {  	v8 =	vld.idx.msk [tilespmem:v29+s4+$0x0], $0xffff;
	v6 =	vor.u32 v6, v10  }
0x453: {  	v11 =	vld.idx.msk [tilespmem:v32+s4+$0x0], $0xffff;
	[tilespmem:s26+$0xEA20] =	vst v6  }
0x454: {  	v7 =	vld.idx.msk [tilespmem:v33+s4+$0x0], $0xffff  }
0x455: {  	v37 =	vadd.s32 $0x6400, v5;
	v40 =	vadd.s32 $0x6400, v4;
	v41 =	vadd.s32 $0x6400, v3;
	v13 =	vld.idx.msk [tilespmem:v36+s4+$0x0], $0xffff  }
0x456: {  	v44 =	vadd.s32 $0x6400, v2;
	v38 =	vadd.s32 $0x8000, v9;
	v39 =	vadd.s32 $0x8000, v12  }
0x457: {  	v45 =	vadd.s32 $0x5800, v1;
	v9 =	vand.u32 $0xFFFF0000, v39;
	v6 =	vshrl.u32 v38, $0x10  }
0x458: {  	v6 =	vor.u32 v6, v9;
	v42 =	vadd.s32 $0x8000, v8;
	v43 =	vadd.s32 $0x8000, v11  }
0x459: {  	v48 =	vadd.s32 $0x5800, v0;
	[tilespmem:s26+$0xF800] =	vst v6;
	v8 =	vand.u32 $0xFFFF0000, v43;
	v6 =	vshrl.u32 v42, $0x10  }
0x45a: {  	v10 =	vld.idx.msk [tilespmem:v37+s4+$0x0], $0xffff;
	v6 =	vor.u32 v6, v8;
	v46 =	vadd.s32 $0x8000, v7;
	v47 =	vadd.s32 $0x8000, v13  }
0x45b: {  	v12 =	vld.idx.msk [tilespmem:v40+s4+$0x0], $0xffff;
	[tilespmem:s26+$0xF810] =	vst v6;
	v7 =	vand.u32 $0xFFFF0000, v47;
	v6 =	vshrl.u32 v46, $0x10  }
0x45c: {  	v9 =	vld.idx.msk [tilespmem:v41+s4+$0x0], $0xffff;
	v6 =	vor.u32 v6, v7  }
0x45d: {  	v11 =	vld.idx.msk [tilespmem:v44+s4+$0x0], $0xffff;
	[tilespmem:s26+$0xEAA0] =	vst v6  }
0x45e: {  	v8 =	vld.idx.msk [tilespmem:v45+s4+$0x0], $0xffff  }
0x45f: {  	v49 =	vadd.s32 $0x6800, v5;
	v52 =	vadd.s32 $0x6800, v4;
	v53 =	vadd.s32 $0x6800, v3;
	v13 =	vld.idx.msk [tilespmem:v48+s4+$0x0], $0xffff  }
0x460: {  	v56 =	vadd.s32 $0x6800, v2;
	v50 =	vadd.s32 $0x8000, v10;
	v51 =	vadd.s32 $0x8000, v12  }
0x461: {  	v57 =	vadd.s32 $0x5C00, v1;
	v10 =	vand.u32 $0xFFFF0000, v51;
	v6 =	vshrl.u32 v50, $0x10  }
0x462: {  	v6 =	vor.u32 v6, v10;
	v54 =	vadd.s32 $0x8000, v9;
	v55 =	vadd.s32 $0x8000, v11  }
0x463: {  	v60 =	vadd.s32 $0x5C00, v0;
	[tilespmem:s26+$0xF880] =	vst v6;
	v9 =	vand.u32 $0xFFFF0000, v55;
	v6 =	vshrl.u32 v54, $0x10  }
0x464: {  	v7 =	vld.idx.msk [tilespmem:v49+s4+$0x0], $0xffff;
	v6 =	vor.u32 v6, v9;
	v58 =	vadd.s32 $0x8000, v8;
	v59 =	vadd.s32 $0x8000, v13  }
0x465: {  	v12 =	vld.idx.msk [tilespmem:v52+s4+$0x0], $0xffff;
	[tilespmem:s26+$0xF890] =	vst v6;
	v8 =	vand.u32 $0xFFFF0000, v59;
	v6 =	vshrl.u32 v58, $0x10  }
0x466: {  	v10 =	vld.idx.msk [tilespmem:v53+s4+$0x0], $0xffff;
	v6 =	vor.u32 v6, v8  }
0x467: {  	v11 =	vld.idx.msk [tilespmem:v56+s4+$0x0], $0xffff;
	[tilespmem:s26+$0xEB20] =	vst v6  }
0x468: {  	v9 =	vld.idx.msk [tilespmem:v57+s4+$0x0], $0xffff  }
0x469: {  	v61 =	vadd.s32 $0x6C00, v5;
	v16 =	vadd.s32 $0x6C00, v4;
	v17 =	vadd.s32 $0x6C00, v3;
	v13 =	vld.idx.msk [tilespmem:v60+s4+$0x0], $0xffff  }
0x46a: {  	v20 =	vadd.s32 $0x6C00, v2;
	v62 =	vadd.s32 $0x8000, v7;
	v63 =	vadd.s32 $0x8000, v12  }
0x46b: {  	v21 =	vadd.s32 $0x6000, v1;
	v7 =	vand.u32 $0xFFFF0000, v63;
	v6 =	vshrl.u32 v62, $0x10  }
0x46c: {  	v6 =	vor.u32 v6, v7;
	v18 =	vadd.s32 $0x8000, v10;
	v19 =	vadd.s32 $0x8000, v11  }
0x46d: {  	v24 =	vadd.s32 $0x6000, v0;
	[tilespmem:s26+$0xF900] =	vst v6;
	v10 =	vand.u32 $0xFFFF0000, v19;
	v6 =	vshrl.u32 v18, $0x10  }
0x46e: {  	v8 =	vld.idx.msk [tilespmem:v61+s4+$0x0], $0xffff;
	v6 =	vor.u32 v6, v10;
	v22 =	vadd.s32 $0x8000, v9;
	v23 =	vadd.s32 $0x8000, v13  }
0x46f: {  	v12 =	vld.idx.msk [tilespmem:v16+s4+$0x0], $0xffff;
	[tilespmem:s26+$0xF910] =	vst v6;
	v9 =	vand.u32 $0xFFFF0000, v23;
	v6 =	vshrl.u32 v22, $0x10  }
0x470: {  	v7 =	vld.idx.msk [tilespmem:v17+s4+$0x0], $0xffff;
	v6 =	vor.u32 v6, v9  }
0x471: {  	v11 =	vld.idx.msk [tilespmem:v20+s4+$0x0], $0xffff;
	[tilespmem:s26+$0xEBA0] =	vst v6  }
0x472: {  	v10 =	vld.idx.msk [tilespmem:v21+s4+$0x0], $0xffff  }
0x473: {  	v25 =	vadd.s32 $0x7000, v5;
	v28 =	vadd.s32 $0x7000, v4;
	v29 =	vadd.s32 $0x7000, v3;
	v13 =	vld.idx.msk [tilespmem:v24+s4+$0x0], $0xffff  }
0x474: {  	v32 =	vadd.s32 $0x7000, v2;
	v26 =	vadd.s32 $0x8000, v8;
	v27 =	vadd.s32 $0x8000, v12  }
0x475: {  	v33 =	vadd.s32 $0x6400, v1;
	v8 =	vand.u32 $0xFFFF0000, v27;
	v6 =	vshrl.u32 v26, $0x10  }
0x476: {  	v6 =	vor.u32 v6, v8;
	v30 =	vadd.s32 $0x8000, v7;
	v31 =	vadd.s32 $0x8000, v11  }
0x477: {  	v36 =	vadd.s32 $0x6400, v0;
	[tilespmem:s26+$0xF980] =	vst v6;
	v7 =	vand.u32 $0xFFFF0000, v31;
	v6 =	vshrl.u32 v30, $0x10  }
0x478: {  	v9 =	vld.idx.msk [tilespmem:v25+s4+$0x0], $0xffff;
	v6 =	vor.u32 v6, v7;
	v34 =	vadd.s32 $0x8000, v10;
	v35 =	vadd.s32 $0x8000, v13  }
0x479: {  	v12 =	vld.idx.msk [tilespmem:v28+s4+$0x0], $0xffff;
	[tilespmem:s26+$0xF990] =	vst v6;
	v10 =	vand.u32 $0xFFFF0000, v35;
	v6 =	vshrl.u32 v34, $0x10  }
0x47a: {  	v8 =	vld.idx.msk [tilespmem:v29+s4+$0x0], $0xffff;
	v6 =	vor.u32 v6, v10  }
0x47b: {  	v11 =	vld.idx.msk [tilespmem:v32+s4+$0x0], $0xffff;
	[tilespmem:s26+$0xF820] =	vst v6  }
0x47c: {  	v7 =	vld.idx.msk [tilespmem:v33+s4+$0x0], $0xffff  }
0x47d: {  	v37 =	vadd.s32 $0x7400, v5;
	v40 =	vadd.s32 $0x7400, v4;
	v41 =	vadd.s32 $0x7400, v3;
	v13 =	vld.idx.msk [tilespmem:v36+s4+$0x0], $0xffff  }
0x47e: {  	v44 =	vadd.s32 $0x7400, v2;
	v38 =	vadd.s32 $0x8000, v9;
	v39 =	vadd.s32 $0x8000, v12  }
0x47f: {  	v45 =	vadd.s32 $0x6800, v1;
	v9 =	vand.u32 $0xFFFF0000, v39;
	v6 =	vshrl.u32 v38, $0x10  }
0x480: {  	v6 =	vor.u32 v6, v9;
	v42 =	vadd.s32 $0x8000, v8;
	v43 =	vadd.s32 $0x8000, v11  }
0x481: {  	v48 =	vadd.s32 $0x6800, v0;
	[tilespmem:s26+$0xFA00] =	vst v6;
	v8 =	vand.u32 $0xFFFF0000, v43;
	v6 =	vshrl.u32 v42, $0x10  }
0x482: {  	v10 =	vld.idx.msk [tilespmem:v37+s4+$0x0], $0xffff;
	v6 =	vor.u32 v6, v8;
	v46 =	vadd.s32 $0x8000, v7;
	v47 =	vadd.s32 $0x8000, v13  }
0x483: {  	v12 =	vld.idx.msk [tilespmem:v40+s4+$0x0], $0xffff;
	[tilespmem:s26+$0xFA10] =	vst v6;
	v7 =	vand.u32 $0xFFFF0000, v47;
	v6 =	vshrl.u32 v46, $0x10  }
0x484: {  	v9 =	vld.idx.msk [tilespmem:v41+s4+$0x0], $0xffff;
	v6 =	vor.u32 v6, v7  }
0x485: {  	v11 =	vld.idx.msk [tilespmem:v44+s4+$0x0], $0xffff;
	[tilespmem:s26+$0xF8A0] =	vst v6  }
0x486: {  	v8 =	vld.idx.msk [tilespmem:v45+s4+$0x0], $0xffff  }
0x487: {  	v49 =	vadd.s32 $0x7800, v5;
	v52 =	vadd.s32 $0x7800, v4;
	v53 =	vadd.s32 $0x7800, v3;
	v13 =	vld.idx.msk [tilespmem:v48+s4+$0x0], $0xffff  }
0x488: {  	v56 =	vadd.s32 $0x7800, v2;
	v50 =	vadd.s32 $0x8000, v10;
	v51 =	vadd.s32 $0x8000, v12  }
0x489: {  	v57 =	vadd.s32 $0x6C00, v1;
	v10 =	vand.u32 $0xFFFF0000, v51;
	v6 =	vshrl.u32 v50, $0x10  }
0x48a: {  	v6 =	vor.u32 v6, v10;
	v54 =	vadd.s32 $0x8000, v9;
	v55 =	vadd.s32 $0x8000, v11  }
0x48b: {  	v60 =	vadd.s32 $0x6C00, v0;
	[tilespmem:s26+$0xFA80] =	vst v6;
	v9 =	vand.u32 $0xFFFF0000, v55;
	v6 =	vshrl.u32 v54, $0x10  }
0x48c: {  	v12 =	vld.idx.msk [tilespmem:v52+s4+$0x0], $0xffff;
	v6 =	vor.u32 v6, v9;
	v58 =	vadd.s32 $0x8000, v8;
	v59 =	vadd.s32 $0x8000, v13  }
0x48d: {  	v7 =	vld.idx.msk [tilespmem:v49+s4+$0x0], $0xffff;
	[tilespmem:s26+$0xFA90] =	vst v6;
	v8 =	vand.u32 $0xFFFF0000, v59;
	v6 =	vshrl.u32 v58, $0x10  }
0x48e: {  	v10 =	vld.idx.msk [tilespmem:v53+s4+$0x0], $0xffff;
	v6 =	vor.u32 v6, v8  }
0x48f: {  	v11 =	vld.idx.msk [tilespmem:v56+s4+$0x0], $0xffff;
	[tilespmem:s26+$0xF920] =	vst v6  }
0x490: {  	v63 =	vld.idx.msk [tilespmem:v57+s4+$0x0], $0xffff  }
0x491: {  	v5 =	vadd.s32 $0x7C00, v5;
	v4 =	vadd.s32 $0x7C00, v4;
	v62 =	vadd.s32 $0x8000, v12;
	v12 =	vld.idx.msk [tilespmem:v60+s4+$0x0], $0xffff  }
0x492: {  	v3 =	vadd.s32 $0x7C00, v3;
	v2 =	vadd.s32 $0x7C00, v2;
	v61 =	vadd.s32 $0x8000, v7  }
0x493: {  	v16 =	vadd.s32 $0x7000, v1;
	v7 =	vand.u32 $0xFFFF0000, v62;
	v6 =	vshrl.u32 v61, $0x10  }
0x494: {  	v6 =	vor.u32 v6, v7;
	v13 =	vadd.s32 $0x8000, v10;
	v14 =	vadd.s32 $0x8000, v11  }
0x495: {  	v17 =	vadd.s32 $0x7000, v0;
	v10 =	vand.u32 $0xFFFF0000, v14;
	v7 =	vshrl.u32 v13, $0x10;
	[tilespmem:s26+$0xFB00] =	vst v6  }
0x496: {  	v15 =	vor.u32 v7, v10;
	v5 =	vld.idx.msk [tilespmem:v5+s4+$0x0], $0xffff;
	v8 =	vadd.s32 $0x8000, v63;
	v9 =	vadd.s32 $0x8000, v12  }
0x497: {  	v4 =	vld.idx.msk [tilespmem:v4+s4+$0x0], $0xffff;
	[tilespmem:s26+$0xFB10] =	vst v15;
	v18 =	vand.u32 $0xFFFF0000, v9;
	v8 =	vshrl.u32 v8, $0x10  }
0x498: {  	v3 =	vld.idx.msk [tilespmem:v3+s4+$0x0], $0xffff;
	v6 =	vor.u32 v8, v18  }
0x499: {  	v2 =	vld.idx.msk [tilespmem:v2+s4+$0x0], $0xffff;
	[tilespmem:s26+$0xF9A0] =	vst v6  }
0x49a: {  	v6 =	vld.idx.msk [tilespmem:v16+s4+$0x0], $0xffff  }
0x49b: {  	v19 =	vld.idx.msk [tilespmem:v17+s4+$0x0], $0xffff;
	_ =	sdelay $0x1  }
0x49c: {  	v5 =	vadd.s32 $0x8000, v5;
	v4 =	vadd.s32 $0x8000, v4  }
0x49d: {  	v4 =	vand.u32 $0xFFFF0000, v4;
	v5 =	vshrl.u32 v5, $0x10;
	v2 =	vadd.s32 $0x8000, v2  }
0x49e: {  	v4 =	vor.u32 v5, v4;
	v3 =	vadd.s32 $0x8000, v3;
	v2 =	vand.u32 $0xFFFF0000, v2  }
0x49f: {  	v3 =	vshrl.u32 v3, $0x10;
	v20 =	vadd.s32 $0x8000, v6;
	v21 =	vadd.s32 $0x8000, v19  }
0x4a0: {  	[tilespmem:s26+$0xFB80] =	vst v4;
	v2 =	vor.u32 v3, v2;
	v22 =	vand.u32 $0xFFFF0000, v21;
	v23 =	vshrl.u32 v20, $0x10  }
0x4a1: {  	[tilespmem:s26+$0xFB90] =	vst v2;
	v24 =	vor.u32 v23, v22  }
0x4a2: {  	[tilespmem:s26+$0xFA20] =	vst v24  }
0x4a3: {  	v3 =	vld [tilespmem:s28+$0x8430]  }
0x4a4: {  	v2 =	vld [tilespmem:s28+$0x84B0];
	_ =	sdelay $0x6  }
0x4a5: {  	v25 =	vld.idx.msk [tilespmem:v3+s4+$0x0], $0xffff  }
0x4a6: {  	v26 =	vld.idx.msk [tilespmem:v2+s4+$0x0], $0xffff;
	_ =	sdelay $0x3  }
0x4a7: {  	v27 =	vadd.s32 $0x400, v3  }
0x4a8: {  	v28 =	vadd.s32 $0x400, v2;
	v4 =	vadd.s32 $0x8000, v25;
	v5 =	vadd.s32 $0x8000, v26  }
0x4a9: {  	v5 =	vand.u32 $0xFFFF0000, v5;
	v4 =	vshrl.u32 v4, $0x10  }
0x4aa: {  	v4 =	vor.u32 v4, v5  }
0x4ab: {  	[tilespmem:s26+$0xC830] =	vst v4  }
0x4ac: {  	v4 =	vld.idx.msk [tilespmem:v27+s4+$0x0], $0xffff  }
0x4ad: {  	v29 =	vld.idx.msk [tilespmem:v28+s4+$0x0], $0xffff;
	_ =	sdelay $0x3  }
0x4ae: {  	v30 =	vadd.s32 $0x800, v3  }
0x4af: {  	v31 =	vadd.s32 $0x800, v2;
	v4 =	vadd.s32 $0x8000, v4;
	v5 =	vadd.s32 $0x8000, v29  }
0x4b0: {  	v5 =	vand.u32 $0xFFFF0000, v5;
	v4 =	vshrl.u32 v4, $0x10  }
0x4b1: {  	v4 =	vor.u32 v4, v5  }
0x4b2: {  	[tilespmem:s26+$0xC8B0] =	vst v4  }
0x4b3: {  	v4 =	vld.idx.msk [tilespmem:v30+s4+$0x0], $0xffff  }
0x4b4: {  	v32 =	vld.idx.msk [tilespmem:v31+s4+$0x0], $0xffff;
	_ =	sdelay $0x3  }
0x4b5: {  	v33 =	vadd.s32 $0xC00, v3  }
0x4b6: {  	v34 =	vadd.s32 $0xC00, v2;
	v4 =	vadd.s32 $0x8000, v4;
	v5 =	vadd.s32 $0x8000, v32  }
0x4b7: {  	v5 =	vand.u32 $0xFFFF0000, v5;
	v4 =	vshrl.u32 v4, $0x10  }
0x4b8: {  	v4 =	vor.u32 v4, v5  }
0x4b9: {  	[tilespmem:s26+$0xC930] =	vst v4  }
0x4ba: {  	v4 =	vld.idx.msk [tilespmem:v33+s4+$0x0], $0xffff  }
0x4bb: {  	v35 =	vld.idx.msk [tilespmem:v34+s4+$0x0], $0xffff;
	_ =	sdelay $0x3  }
0x4bc: {  	v36 =	vadd.s32 $0x1000, v3  }
0x4bd: {  	v37 =	vadd.s32 $0x1000, v2;
	v4 =	vadd.s32 $0x8000, v4;
	v5 =	vadd.s32 $0x8000, v35  }
0x4be: {  	v5 =	vand.u32 $0xFFFF0000, v5;
	v4 =	vshrl.u32 v4, $0x10  }
0x4bf: {  	v4 =	vor.u32 v4, v5  }
0x4c0: {  	[tilespmem:s26+$0xC9B0] =	vst v4  }
0x4c1: {  	v4 =	vld.idx.msk [tilespmem:v36+s4+$0x0], $0xffff  }
0x4c2: {  	v38 =	vld.idx.msk [tilespmem:v37+s4+$0x0], $0xffff;
	_ =	sdelay $0x3  }
0x4c3: {  	v39 =	vadd.s32 $0x1400, v3  }
0x4c4: {  	v40 =	vadd.s32 $0x1400, v2;
	v4 =	vadd.s32 $0x8000, v4;
	v5 =	vadd.s32 $0x8000, v38  }
0x4c5: {  	v5 =	vand.u32 $0xFFFF0000, v5;
	v4 =	vshrl.u32 v4, $0x10  }
0x4c6: {  	v4 =	vor.u32 v4, v5  }
0x4c7: {  	[tilespmem:s26+$0xCA30] =	vst v4  }
0x4c8: {  	v4 =	vld.idx.msk [tilespmem:v39+s4+$0x0], $0xffff  }
0x4c9: {  	v41 =	vld.idx.msk [tilespmem:v40+s4+$0x0], $0xffff;
	_ =	sdelay $0x3  }
0x4ca: {  	v42 =	vadd.s32 $0x1800, v3  }
0x4cb: {  	v43 =	vadd.s32 $0x1800, v2;
	v4 =	vadd.s32 $0x8000, v4;
	v5 =	vadd.s32 $0x8000, v41  }
0x4cc: {  	v5 =	vand.u32 $0xFFFF0000, v5;
	v4 =	vshrl.u32 v4, $0x10  }
0x4cd: {  	v4 =	vor.u32 v4, v5  }
0x4ce: {  	[tilespmem:s26+$0xCAB0] =	vst v4  }
0x4cf: {  	v4 =	vld.idx.msk [tilespmem:v42+s4+$0x0], $0xffff  }
0x4d0: {  	v44 =	vld.idx.msk [tilespmem:v43+s4+$0x0], $0xffff;
	_ =	sdelay $0x4  }
0x4d1: {  	v4 =	vadd.s32 $0x8000, v4;
	v5 =	vadd.s32 $0x8000, v44  }
0x4d2: {  	v5 =	vand.u32 $0xFFFF0000, v5;
	v47 =	vshrl.u32 v4, $0x10;
	v4 =	vld [tilespmem:s28+$0x8440]  }
0x4d3: {  	v45 =	vadd.s32 $0x1C00, v3;
	v8 =	vor.u32 v47, v5;
	v5 =	vld [tilespmem:s28+$0x84C0]  }
0x4d4: {  	v46 =	vadd.s32 $0x1C00, v2;
	_ =	sdelay $0x2  }
0x4d5: {  	[tilespmem:s26+$0xCB30] =	vst v8  }
0x4d6: {  	v6 =	vld.idx.msk [tilespmem:v45+s4+$0x0], $0xffff  }
0x4d7: {  	v7 =	vld.idx.msk [tilespmem:v46+s4+$0x0], $0xffff  }
0x4d8: {  	v49 =	vld.idx.msk [tilespmem:v4+s4+$0x0], $0xffff  }
0x4d9: {  	v51 =	vld.idx.msk [tilespmem:v5+s4+$0x0], $0xffff;
	_ =	sdelay $0x1  }
0x4da: {  	v48 =	vadd.s32 $0x2000, v3;
	v50 =	vadd.s32 $0x2000, v2  }
0x4db: {  	v52 =	vadd.s32 $0x400, v4;
	v6 =	vadd.s32 $0x8000, v6;
	v7 =	vadd.s32 $0x8000, v7  }
0x4dc: {  	v55 =	vadd.s32 $0x400, v5;
	v7 =	vand.u32 $0xFFFF0000, v7;
	v6 =	vshrl.u32 v6, $0x10  }
0x4dd: {  	v6 =	vor.u32 v6, v7;
	v9 =	vadd.s32 $0x8000, v49;
	v54 =	vadd.s32 $0x8000, v51  }
0x4de: {  	[tilespmem:s26+$0xCBB0] =	vst v6;
	v9 =	vshrl.u32 v9, $0x10;
	v10 =	vand.u32 $0xFFFF0000, v54  }
0x4df: {  	v6 =	vld.idx.msk [tilespmem:v48+s4+$0x0], $0xffff;
	v9 =	vor.u32 v9, v10  }
0x4e0: {  	v53 =	vld.idx.msk [tilespmem:v50+s4+$0x0], $0xffff;
	[tilespmem:s26+$0xC840] =	vst v9  }
0x4e1: {  	v7 =	vld.idx.msk [tilespmem:v52+s4+$0x0], $0xffff  }
0x4e2: {  	v11 =	vld.idx.msk [tilespmem:v55+s4+$0x0], $0xffff;
	_ =	sdelay $0x1  }
0x4e3: {  	v56 =	vadd.s32 $0x2400, v3;
	v57 =	vadd.s32 $0x2400, v2  }
0x4e4: {  	v58 =	vadd.s32 $0x800, v4;
	v6 =	vadd.s32 $0x8000, v6;
	v8 =	vadd.s32 $0x8000, v53  }
0x4e5: {  	v61 =	vadd.s32 $0x800, v5;
	v8 =	vand.u32 $0xFFFF0000, v8;
	v6 =	vshrl.u32 v6, $0x10  }
0x4e6: {  	v6 =	vor.u32 v6, v8;
	v7 =	vadd.s32 $0x8000, v7;
	v60 =	vadd.s32 $0x8000, v11  }
0x4e7: {  	[tilespmem:s26+$0xD830] =	vst v6;
	v10 =	vand.u32 $0xFFFF0000, v60;
	v7 =	vshrl.u32 v7, $0x10  }
0x4e8: {  	v6 =	vld.idx.msk [tilespmem:v56+s4+$0x0], $0xffff;
	v7 =	vor.u32 v7, v10  }
0x4e9: {  	v59 =	vld.idx.msk [tilespmem:v57+s4+$0x0], $0xffff;
	[tilespmem:s26+$0xC8C0] =	vst v7  }
0x4ea: {  	v8 =	vld.idx.msk [tilespmem:v58+s4+$0x0], $0xffff  }
0x4eb: {  	v11 =	vld.idx.msk [tilespmem:v61+s4+$0x0], $0xffff;
	_ =	sdelay $0x1  }
0x4ec: {  	v62 =	vadd.s32 $0x2800, v3;
	v63 =	vadd.s32 $0x2800, v2  }
0x4ed: {  	v12 =	vadd.s32 $0xC00, v4;
	v6 =	vadd.s32 $0x8000, v6;
	v9 =	vadd.s32 $0x8000, v59  }
0x4ee: {  	v15 =	vadd.s32 $0xC00, v5;
	v9 =	vand.u32 $0xFFFF0000, v9;
	v6 =	vshrl.u32 v6, $0x10  }
0x4ef: {  	v6 =	vor.u32 v6, v9;
	v8 =	vadd.s32 $0x8000, v8;
	v14 =	vadd.s32 $0x8000, v11  }
0x4f0: {  	[tilespmem:s26+$0xD8B0] =	vst v6;
	v10 =	vand.u32 $0xFFFF0000, v14;
	v8 =	vshrl.u32 v8, $0x10  }
0x4f1: {  	v6 =	vld.idx.msk [tilespmem:v62+s4+$0x0], $0xffff;
	v8 =	vor.u32 v8, v10  }
0x4f2: {  	v13 =	vld.idx.msk [tilespmem:v63+s4+$0x0], $0xffff;
	[tilespmem:s26+$0xC940] =	vst v8  }
0x4f3: {  	v7 =	vld.idx.msk [tilespmem:v12+s4+$0x0], $0xffff  }
0x4f4: {  	v11 =	vld.idx.msk [tilespmem:v15+s4+$0x0], $0xffff;
	_ =	sdelay $0x1  }
0x4f5: {  	v16 =	vadd.s32 $0x2C00, v3;
	v17 =	vadd.s32 $0x2C00, v2  }
0x4f6: {  	v18 =	vadd.s32 $0x1000, v4;
	v6 =	vadd.s32 $0x8000, v6;
	v9 =	vadd.s32 $0x8000, v13  }
0x4f7: {  	v21 =	vadd.s32 $0x1000, v5;
	v9 =	vand.u32 $0xFFFF0000, v9;
	v6 =	vshrl.u32 v6, $0x10  }
0x4f8: {  	v6 =	vor.u32 v6, v9;
	v7 =	vadd.s32 $0x8000, v7;
	v20 =	vadd.s32 $0x8000, v11  }
0x4f9: {  	[tilespmem:s26+$0xD930] =	vst v6;
	v10 =	vand.u32 $0xFFFF0000, v20;
	v7 =	vshrl.u32 v7, $0x10  }
0x4fa: {  	v6 =	vld.idx.msk [tilespmem:v16+s4+$0x0], $0xffff;
	v7 =	vor.u32 v7, v10  }
0x4fb: {  	v19 =	vld.idx.msk [tilespmem:v17+s4+$0x0], $0xffff;
	[tilespmem:s26+$0xC9C0] =	vst v7  }
0x4fc: {  	v8 =	vld.idx.msk [tilespmem:v18+s4+$0x0], $0xffff  }
0x4fd: {  	v11 =	vld.idx.msk [tilespmem:v21+s4+$0x0], $0xffff;
	_ =	sdelay $0x1  }
0x4fe: {  	v22 =	vadd.s32 $0x3000, v3;
	v23 =	vadd.s32 $0x3000, v2  }
0x4ff: {  	v24 =	vadd.s32 $0x1400, v4;
	v6 =	vadd.s32 $0x8000, v6;
	v9 =	vadd.s32 $0x8000, v19  }
0x500: {  	v27 =	vadd.s32 $0x1400, v5;
	v9 =	vand.u32 $0xFFFF0000, v9;
	v6 =	vshrl.u32 v6, $0x10  }
0x501: {  	v6 =	vor.u32 v6, v9;
	v8 =	vadd.s32 $0x8000, v8;
	v26 =	vadd.s32 $0x8000, v11  }
0x502: {  	[tilespmem:s26+$0xD9B0] =	vst v6;
	v10 =	vand.u32 $0xFFFF0000, v26;
	v8 =	vshrl.u32 v8, $0x10  }
0x503: {  	v6 =	vld.idx.msk [tilespmem:v22+s4+$0x0], $0xffff;
	v8 =	vor.u32 v8, v10  }
0x504: {  	v25 =	vld.idx.msk [tilespmem:v23+s4+$0x0], $0xffff;
	[tilespmem:s26+$0xCA40] =	vst v8  }
0x505: {  	v7 =	vld.idx.msk [tilespmem:v24+s4+$0x0], $0xffff  }
0x506: {  	v11 =	vld.idx.msk [tilespmem:v27+s4+$0x0], $0xffff;
	_ =	sdelay $0x1  }
0x507: {  	v28 =	vadd.s32 $0x3400, v3;
	v29 =	vadd.s32 $0x3400, v2  }
0x508: {  	v30 =	vadd.s32 $0x1800, v4;
	v6 =	vadd.s32 $0x8000, v6;
	v9 =	vadd.s32 $0x8000, v25  }
0x509: {  	v33 =	vadd.s32 $0x1800, v5;
	v9 =	vand.u32 $0xFFFF0000, v9;
	v6 =	vshrl.u32 v6, $0x10  }
0x50a: {  	v6 =	vor.u32 v6, v9;
	v7 =	vadd.s32 $0x8000, v7;
	v32 =	vadd.s32 $0x8000, v11  }
0x50b: {  	[tilespmem:s26+$0xDA30] =	vst v6;
	v10 =	vand.u32 $0xFFFF0000, v32;
	v7 =	vshrl.u32 v7, $0x10  }
0x50c: {  	v6 =	vld.idx.msk [tilespmem:v28+s4+$0x0], $0xffff;
	v7 =	vor.u32 v7, v10  }
0x50d: {  	v31 =	vld.idx.msk [tilespmem:v29+s4+$0x0], $0xffff;
	[tilespmem:s26+$0xCAC0] =	vst v7  }
0x50e: {  	v8 =	vld.idx.msk [tilespmem:v30+s4+$0x0], $0xffff  }
0x50f: {  	v11 =	vld.idx.msk [tilespmem:v33+s4+$0x0], $0xffff;
	_ =	sdelay $0x1  }
0x510: {  	v34 =	vadd.s32 $0x3800, v3;
	v35 =	vadd.s32 $0x3800, v2  }
0x511: {  	v36 =	vadd.s32 $0x1C00, v4;
	v6 =	vadd.s32 $0x8000, v6;
	v9 =	vadd.s32 $0x8000, v31  }
0x512: {  	v39 =	vadd.s32 $0x1C00, v5;
	v9 =	vand.u32 $0xFFFF0000, v9;
	v6 =	vshrl.u32 v6, $0x10  }
0x513: {  	v6 =	vor.u32 v6, v9;
	v8 =	vadd.s32 $0x8000, v8;
	v38 =	vadd.s32 $0x8000, v11  }
0x514: {  	[tilespmem:s26+$0xDAB0] =	vst v6;
	v10 =	vand.u32 $0xFFFF0000, v38;
	v8 =	vshrl.u32 v8, $0x10  }
0x515: {  	v6 =	vld.idx.msk [tilespmem:v34+s4+$0x0], $0xffff;
	v8 =	vor.u32 v8, v10  }
0x516: {  	v37 =	vld.idx.msk [tilespmem:v35+s4+$0x0], $0xffff;
	[tilespmem:s26+$0xCB40] =	vst v8  }
0x517: {  	v7 =	vld.idx.msk [tilespmem:v36+s4+$0x0], $0xffff  }
0x518: {  	v11 =	vld.idx.msk [tilespmem:v39+s4+$0x0], $0xffff;
	_ =	sdelay $0x1  }
0x519: {  	v40 =	vadd.s32 $0x3C00, v3;
	v41 =	vadd.s32 $0x3C00, v2  }
0x51a: {  	v42 =	vadd.s32 $0x2000, v4;
	v6 =	vadd.s32 $0x8000, v6;
	v9 =	vadd.s32 $0x8000, v37  }
0x51b: {  	v45 =	vadd.s32 $0x2000, v5;
	v9 =	vand.u32 $0xFFFF0000, v9;
	v6 =	vshrl.u32 v6, $0x10  }
0x51c: {  	v6 =	vor.u32 v6, v9;
	v7 =	vadd.s32 $0x8000, v7;
	v44 =	vadd.s32 $0x8000, v11  }
0x51d: {  	[tilespmem:s26+$0xDB30] =	vst v6;
	v10 =	vand.u32 $0xFFFF0000, v44;
	v7 =	vshrl.u32 v7, $0x10  }
0x51e: {  	v6 =	vld.idx.msk [tilespmem:v40+s4+$0x0], $0xffff;
	v7 =	vor.u32 v7, v10  }
0x51f: {  	v43 =	vld.idx.msk [tilespmem:v41+s4+$0x0], $0xffff;
	[tilespmem:s26+$0xCBC0] =	vst v7  }
0x520: {  	v8 =	vld.idx.msk [tilespmem:v42+s4+$0x0], $0xffff  }
0x521: {  	v11 =	vld.idx.msk [tilespmem:v45+s4+$0x0], $0xffff;
	_ =	sdelay $0x1  }
0x522: {  	v47 =	vadd.s32 $0x4000, v2;
	v46 =	vadd.s32 $0x4000, v3  }
0x523: {  	v48 =	vadd.s32 $0x2400, v4;
	v6 =	vadd.s32 $0x8000, v6;
	v9 =	vadd.s32 $0x8000, v43  }
0x524: {  	v51 =	vadd.s32 $0x2400, v5;
	v9 =	vand.u32 $0xFFFF0000, v9;
	v6 =	vshrl.u32 v6, $0x10  }
0x525: {  	v6 =	vor.u32 v6, v9;
	v8 =	vadd.s32 $0x8000, v8;
	v50 =	vadd.s32 $0x8000, v11  }
0x526: {  	[tilespmem:s26+$0xDBB0] =	vst v6;
	v10 =	vand.u32 $0xFFFF0000, v50;
	v8 =	vshrl.u32 v8, $0x10  }
0x527: {  	v6 =	vld.idx.msk [tilespmem:v46+s4+$0x0], $0xffff;
	v8 =	vor.u32 v8, v10  }
0x528: {  	v49 =	vld.idx.msk [tilespmem:v47+s4+$0x0], $0xffff;
	[tilespmem:s26+$0xD840] =	vst v8  }
0x529: {  	v7 =	vld.idx.msk [tilespmem:v48+s4+$0x0], $0xffff  }
0x52a: {  	v53 =	vld.idx.msk [tilespmem:v51+s4+$0x0], $0xffff;
	_ =	sdelay $0x2  }
0x52b: {  	v54 =	vadd.s32 $0x4400, v2;
	v9 =	vadd.s32 $0x8000, v49  }
0x52c: {  	v52 =	vadd.s32 $0x4400, v3;
	v11 =	vld [tilespmem:s28+$0x8460];
	v6 =	vadd.s32 $0x8000, v6;
	v9 =	vand.u32 $0xFFFF0000, v9  }
0x52d: {  	v10 =	vld [tilespmem:s28+$0x84D0];
	v6 =	vshrl.u32 v6, $0x10;
	v7 =	vadd.s32 $0x8000, v7;
	v57 =	vadd.s32 $0x8000, v53  }
0x52e: {  	v6 =	vor.u32 v6, v9;
	v9 =	vld [tilespmem:s28+$0x8450];
	v8 =	vand.u32 $0xFFFF0000, v57;
	v7 =	vshrl.u32 v7, $0x10  }
0x52f: {  	[tilespmem:s26+$0xE830] =	vst v6;
	v6 =	vld [tilespmem:s28+$0x84F0];
	v7 =	vor.u32 v7, v8  }
0x530: {  	[tilespmem:s26+$0xD8C0] =	vst v7;
	v7 =	vld [tilespmem:s28+$0x84E0]  }
0x531: {  	v55 =	vld.idx.msk [tilespmem:v52+s4+$0x0], $0xffff  }
0x532: {  	v8 =	vld [tilespmem:s28+$0x8470]  }
0x533: {  	v58 =	vld.idx.msk [tilespmem:v54+s4+$0x0], $0xffff  }
0x534: {  	v18 =	vld.idx.msk [tilespmem:v11+s4+$0x0], $0xffff  }
0x535: {  	v17 =	vld.idx.msk [tilespmem:v10+s4+$0x0], $0xffff  }
0x536: {  	v16 =	vld.idx.msk [tilespmem:v9+s4+$0x0], $0xffff  }
0x537: {  	v56 =	vadd.s32 $0x2800, v4  }
0x538: {  	v15 =	vadd.s32 $0x2800, v5;
	v60 =	vadd.s32 $0x400, v11;
	v21 =	vadd.s32 $0x400, v10;
	v59 =	vld.idx.msk [tilespmem:v7+s4+$0x0], $0xffff  }
0x539: {  	v20 =	vadd.s32 $0x400, v9;
	v12 =	vadd.s32 $0x8000, v55;
	v13 =	vadd.s32 $0x8000, v58;
	v23 =	vld.idx.msk [tilespmem:v6+s4+$0x0], $0xffff  }
0x53a: {  	v31 =	vadd.s32 $0x400, v6;
	v13 =	vand.u32 $0xFFFF0000, v13;
	v12 =	vshrl.u32 v12, $0x10;
	v22 =	vld.idx.msk [tilespmem:v8+s4+$0x0], $0xffff  }
0x53b: {  	v61 =	vadd.s32 $0x8000, v18;
	v17 =	vadd.s32 $0x8000, v17;
	v16 =	vadd.s32 $0x8000, v16  }
0x53c: {  	v12 =	vor.u32 v12, v13;
	v17 =	vand.u32 $0xFFFF0000, v17;
	v16 =	vshrl.u32 v16, $0x10  }
0x53d: {  	v14 =	vld.idx.msk [tilespmem:v56+s4+$0x0], $0xffff;
	v62 =	vadd.s32 $0x400, v7;
	v16 =	vor.u32 v16, v17;
	v13 =	vadd.s32 $0x8000, v59  }
0x53e: {  	v15 =	vld.idx.msk [tilespmem:v15+s4+$0x0], $0xffff;
	v27 =	vadd.s32 $0x400, v8;
	[tilespmem:s26+$0xC850] =	vst v16;
	v16 =	vshrl.u32 v61, $0x10;
	v13 =	vand.u32 $0xFFFF0000, v13  }
0x53f: {  	v30 =	vadd.s32 $0x8000, v23;
	v20 =	vld.idx.msk [tilespmem:v20+s4+$0x0], $0xffff;
	v29 =	vadd.s32 $0x8000, v22;
	v13 =	vor.u32 v16, v13  }
0x540: {  	v33 =	vand.u32 $0xFFFF0000, v30;
	v21 =	vld.idx.msk [tilespmem:v21+s4+$0x0], $0xffff;
	v17 =	vshrl.u32 v29, $0x10;
	[tilespmem:s26+$0xC860] =	vst v13  }
0x541: {  	v19 =	vadd.s32 $0x4800, v3;
	v25 =	vadd.s32 $0x2C00, v5;
	v17 =	vor.u32 v17, v33;
	v28 =	vld.idx.msk [tilespmem:v60+s4+$0x0], $0xffff  }
0x542: {  	v24 =	vadd.s32 $0x2C00, v4;
	v40 =	vadd.s32 $0x800, v11;
	v38 =	vadd.s32 $0x800, v10;
	[tilespmem:s26+$0xC870] =	vst v17;
	v32 =	vld.idx.msk [tilespmem:v62+s4+$0x0], $0xffff  }
0x543: {  	v35 =	vadd.s32 $0x800, v9;
	v14 =	vadd.s32 $0x8000, v14;
	v15 =	vadd.s32 $0x8000, v15;
	v13 =	vld.idx.msk [tilespmem:v27+s4+$0x0], $0xffff  }
0x544: {  	v47 =	vadd.s32 $0x800, v6;
	v15 =	vand.u32 $0xFFFF0000, v15;
	v63 =	vshrl.u32 v14, $0x10;
	v22 =	vld.idx.msk [tilespmem:v31+s4+$0x0], $0xffff  }
0x545: {  	[tilespmem:s26+$0xE8B0] =	vst v12;
	v12 =	vor.u32 v63, v15;
	v36 =	vadd.s32 $0x8000, v20;
	v37 =	vadd.s32 $0x8000, v21  }
0x546: {  	v26 =	vld.idx.msk [tilespmem:v19+s4+$0x0], $0xffff;
	v41 =	vadd.s32 $0x800, v7;
	[tilespmem:s26+$0xD940] =	vst v12;
	v20 =	vand.u32 $0xFFFF0000, v37;
	v18 =	vshrl.u32 v36, $0x10  }
0x547: {  	v34 =	vld.idx.msk [tilespmem:v24+s4+$0x0], $0xffff;
	v18 =	vor.u32 v18, v20;
	v15 =	vadd.s32 $0x8000, v28;
	v12 =	vadd.s32 $0x8000, v32  }
0x548: {  	v44 =	vadd.s32 $0x800, v8;
	v14 =	vld.idx.msk [tilespmem:v25+s4+$0x0], $0xffff;
	[tilespmem:s26+$0xC8D0] =	vst v18;
	v12 =	vand.u32 $0xFFFF0000, v12;
	v15 =	vshrl.u32 v15, $0x10  }
0x549: {  	v23 =	vld.idx.msk [tilespmem:v35+s4+$0x0], $0xffff;
	v13 =	vadd.s32 $0x8000, v13;
	v46 =	vadd.s32 $0x8000, v22;
	v12 =	vor.u32 v15, v12  }
0x54a: {  	v21 =	vld.idx.msk [tilespmem:v38+s4+$0x0], $0xffff;
	v20 =	vand.u32 $0xFFFF0000, v46;
	v13 =	vshrl.u32 v13, $0x10;
	[tilespmem:s26+$0xC8E0] =	vst v12  }
0x54b: {  	v39 =	vadd.s32 $0x4800, v2;
	v13 =	vor.u32 v13, v20;
	v45 =	vld.idx.msk [tilespmem:v40+s4+$0x0], $0xffff  }
0x54c: {  	v51 =	vadd.s32 $0xC00, v10;
	v52 =	vadd.s32 $0x3000, v5;
	v54 =	vadd.s32 $0xC00, v11;
	[tilespmem:s26+$0xC8F0] =	vst v13;
	v18 =	vld.idx.msk [tilespmem:v41+s4+$0x0], $0xffff  }
0x54d: {  	v49 =	vadd.s32 $0xC00, v9;
	v58 =	vadd.s32 $0xC00, v7;
	v14 =	vadd.s32 $0x8000, v14;
	v12 =	vld.idx.msk [tilespmem:v44+s4+$0x0], $0xffff  }
0x54e: {  	v63 =	vadd.s32 $0xC00, v6;
	v19 =	vadd.s32 $0x8000, v34;
	v14 =	vand.u32 $0xFFFF0000, v14;
	v55 =	vld.idx.msk [tilespmem:v47+s4+$0x0], $0xffff  }
0x54f: {  	v43 =	vshrl.u32 v19, $0x10;
	v50 =	vadd.s32 $0x8000, v23;
	v21 =	vadd.s32 $0x8000, v21  }
0x550: {  	v14 =	vor.u32 v43, v14;
	v21 =	vand.u32 $0xFFFF0000, v21;
	v20 =	vshrl.u32 v50, $0x10  }
0x551: {  	v42 =	vld.idx.msk [tilespmem:v39+s4+$0x0], $0xffff;
	[tilespmem:s26+$0xD9C0] =	vst v14;
	v53 =	vor.u32 v20, v21;
	v57 =	vadd.s32 $0x8000, v45;
	v18 =	vadd.s32 $0x8000, v18  }
0x552: {  	v60 =	vadd.s32 $0xC00, v8;
	v13 =	vld.idx.msk [tilespmem:v52+s4+$0x0], $0xffff;
	[tilespmem:s26+$0xC950] =	vst v53;
	v18 =	vand.u32 $0xFFFF0000, v18;
	v14 =	vshrl.u32 v57, $0x10  }
0x553: {  	v17 =	vld.idx.msk [tilespmem:v49+s4+$0x0], $0xffff;
	v12 =	vadd.s32 $0x8000, v12;
	v62 =	vadd.s32 $0x8000, v55;
	v14 =	vor.u32 v14, v18  }
0x554: {  	v23 =	vld.idx.msk [tilespmem:v51+s4+$0x0], $0xffff;
	v12 =	vshrl.u32 v12, $0x10;
	v18 =	vand.u32 $0xFFFF0000, v62;
	[tilespmem:s26+$0xC960] =	vst v14  }
0x555: {  	v48 =	vadd.s32 $0x3000, v4;
	v16 =	vadd.s32 $0x8000, v26;
	v12 =	vor.u32 v12, v18;
	v61 =	vld.idx.msk [tilespmem:v54+s4+$0x0], $0xffff  }
0x556: {  	v30 =	vadd.s32 $0x1000, v9;
	v16 =	vshrl.u32 v16, $0x10;
	v35 =	vadd.s32 $0x1000, v11;
	v19 =	vld.idx.msk [tilespmem:v58+s4+$0x0], $0xffff;
	[tilespmem:s26+$0xC970] =	vst v12  }
0x557: {  	v38 =	vadd.s32 $0x1000, v7;
	v28 =	vadd.s32 $0x4C00, v2;
	v15 =	vadd.s32 $0x8000, v42;
	v14 =	vld.idx.msk [tilespmem:v60+s4+$0x0], $0xffff  }
0x558: {  	v32 =	vadd.s32 $0x1000, v10;
	v15 =	vand.u32 $0xFFFF0000, v15;
	v44 =	vadd.s32 $0x1000, v6;
	v20 =	vld.idx.msk [tilespmem:v63+s4+$0x0], $0xffff  }
0x559: {  	v15 =	vor.u32 v16, v15;
	v17 =	vadd.s32 $0x8000, v17;
	v23 =	vadd.s32 $0x8000, v23  }
0x55a: {  	v33 =	vadd.s32 $0x8000, v13;
	v34 =	vand.u32 $0xFFFF0000, v23;
	v17 =	vshrl.u32 v17, $0x10  }
0x55b: {  	v56 =	vld.idx.msk [tilespmem:v48+s4+$0x0], $0xffff;
	[tilespmem:s26+$0xE930] =	vst v15;
	v13 =	vor.u32 v17, v34;
	v36 =	vadd.s32 $0x8000, v61;
	v37 =	vadd.s32 $0x8000, v19  }
0x55c: {  	v41 =	vadd.s32 $0x1000, v8;
	v21 =	vld.idx.msk [tilespmem:v28+s4+$0x0], $0xffff;
	[tilespmem:s26+$0xC9D0] =	vst v13;
	v16 =	vand.u32 $0xFFFF0000, v37;
	v13 =	vshrl.u32 v36, $0x10  }
0x55d: {  	v22 =	vld.idx.msk [tilespmem:v30+s4+$0x0], $0xffff;
	v14 =	vadd.s32 $0x8000, v14;
	v43 =	vadd.s32 $0x8000, v20;
	v13 =	vor.u32 v13, v16  }
0x55e: {  	v59 =	vadd.s32 $0x4C00, v3;
	v24 =	vld.idx.msk [tilespmem:v32+s4+$0x0], $0xffff;
	v17 =	vand.u32 $0xFFFF0000, v43;
	v14 =	vshrl.u32 v14, $0x10;
	[tilespmem:s26+$0xC9E0] =	vst v13  }
0x55f: {  	v39 =	vadd.s32 $0x3400, v4;
	v25 =	vadd.s32 $0x3400, v5;
	v14 =	vor.u32 v14, v17;
	v42 =	vld.idx.msk [tilespmem:v35+s4+$0x0], $0xffff  }
0x560: {  	v29 =	vadd.s32 $0x8000, v56;
	v52 =	vadd.s32 $0x1400, v10;
	v56 =	vadd.s32 $0x1400, v7;
	v46 =	vld.idx.msk [tilespmem:v38+s4+$0x0], $0xffff;
	[tilespmem:s26+$0xC9F0] =	vst v14  }
0x561: {  	v15 =	vshrl.u32 v29, $0x10;
	v29 =	vadd.s32 $0x1800, v9;
	v49 =	vadd.s32 $0x1400, v9;
	v13 =	vld.idx.msk [tilespmem:v41+s4+$0x0], $0xffff  }
0x562: {  	v55 =	vadd.s32 $0x1400, v11;
	v45 =	vadd.s32 $0x8000, v21;
	v12 =	vand.u32 $0xFFFF0000, v33;
	v18 =	vld.idx.msk [tilespmem:v44+s4+$0x0], $0xffff  }
0x563: {  	v31 =	vld.idx.msk [tilespmem:v59+s4+$0x0], $0xffff;
	v12 =	vor.u32 v15, v12;
	v22 =	vadd.s32 $0x8000, v22;
	v51 =	vadd.s32 $0x8000, v24  }
0x564: {  	v62 =	vadd.s32 $0x1400, v6;
	[tilespmem:s26+$0xDA40] =	vst v12;
	v54 =	vand.u32 $0xFFFF0000, v51;
	v22 =	vshrl.u32 v22, $0x10  }
0x565: {  	v48 =	vld.idx.msk [tilespmem:v39+s4+$0x0], $0xffff;
	v16 =	vor.u32 v22, v54;
	v15 =	vadd.s32 $0x8000, v42;
	v12 =	vadd.s32 $0x8000, v46  }
0x566: {  	v50 =	vld.idx.msk [tilespmem:v25+s4+$0x0], $0xffff;
	v61 =	vadd.s32 $0x1400, v8;
	[tilespmem:s26+$0xCA50] =	vst v16;
	v12 =	vand.u32 $0xFFFF0000, v12;
	v15 =	vshrl.u32 v15, $0x10  }
0x567: {  	v21 =	vld.idx.msk [tilespmem:v49+s4+$0x0], $0xffff;
	v13 =	vadd.s32 $0x8000, v13;
	v18 =	vadd.s32 $0x8000, v18;
	v12 =	vor.u32 v15, v12  }
0x568: {  	v40 =	vadd.s32 $0x8000, v31;
	v58 =	vld.idx.msk [tilespmem:v52+s4+$0x0], $0xffff;
	v18 =	vand.u32 $0xFFFF0000, v18;
	v13 =	vshrl.u32 v13, $0x10;
	[tilespmem:s26+$0xCA60] =	vst v12  }
0x569: {  	v47 =	vand.u32 $0xFFFF0000, v45;
	v53 =	vshrl.u32 v40, $0x10;
	v13 =	vor.u32 v13, v18;
	v19 =	vld.idx.msk [tilespmem:v55+s4+$0x0], $0xffff  }
0x56a: {  	v33 =	vadd.s32 $0x1800, v10;
	v34 =	vadd.s32 $0x3800, v5;
	v39 =	vadd.s32 $0x1800, v7;
	v16 =	vld.idx.msk [tilespmem:v56+s4+$0x0], $0xffff;
	[tilespmem:s26+$0xCA70] =	vst v13  }
0x56b: {  	v36 =	vadd.s32 $0x1800, v11;
	v20 =	vadd.s32 $0x8000, v48;
	v17 =	vadd.s32 $0x8000, v50;
	v12 =	vld.idx.msk [tilespmem:v61+s4+$0x0], $0xffff  }
0x56c: {  	v14 =	vor.u32 v53, v47;
	v59 =	vand.u32 $0xFFFF0000, v17;
	v60 =	vshrl.u32 v20, $0x10;
	v20 =	vld.idx.msk [tilespmem:v62+s4+$0x0], $0xffff  }
0x56d: {  	v28 =	vor.u32 v60, v59;
	v31 =	vadd.s32 $0x8000, v21;
	v32 =	vadd.s32 $0x8000, v58  }
0x56e: {  	[tilespmem:s26+$0xE9B0] =	vst v14;
	v41 =	vadd.s32 $0x1800, v8;
	v21 =	vand.u32 $0xFFFF0000, v32;
	v18 =	vshrl.u32 v31, $0x10  }
0x56f: {  	[tilespmem:s26+$0xDAC0] =	vst v28;
	v35 =	vor.u32 v18, v21;
	v38 =	vadd.s32 $0x8000, v19;
	v16 =	vadd.s32 $0x8000, v16  }
0x570: {  	v44 =	vadd.s32 $0x1800, v6;
	v13 =	vld.idx.msk [tilespmem:v34+s4+$0x0], $0xffff;
	[tilespmem:s26+$0xCAD0] =	vst v35;
	v16 =	vand.u32 $0xFFFF0000, v16;
	v14 =	vshrl.u32 v38, $0x10  }
0x571: {  	v15 =	vld.idx.msk [tilespmem:v29+s4+$0x0], $0xffff;
	v12 =	vadd.s32 $0x8000, v12;
	v43 =	vadd.s32 $0x8000, v20;
	v14 =	vor.u32 v14, v16  }
0x572: {  	v22 =	vld.idx.msk [tilespmem:v33+s4+$0x0], $0xffff;
	v18 =	vand.u32 $0xFFFF0000, v43;
	v12 =	vshrl.u32 v12, $0x10;
	[tilespmem:s26+$0xCAE0] =	vst v14  }
0x573: {  	v57 =	vadd.s32 $0x5000, v3;
	v12 =	vor.u32 v12, v18;
	v42 =	vld.idx.msk [tilespmem:v36+s4+$0x0], $0xffff  }
0x574: {  	v63 =	vadd.s32 $0x3800, v4;
	v19 =	vld.idx.msk [tilespmem:v39+s4+$0x0], $0xffff;
	[tilespmem:s26+$0xCAF0] =	vst v12  }
0x575: {  	v40 =	vadd.s32 $0x5000, v2;
	v45 =	vadd.s32 $0x1C00, v9;
	v14 =	vld.idx.msk [tilespmem:v41+s4+$0x0], $0xffff  }
0x576: {  	v50 =	vadd.s32 $0x1C00, v11;
	v47 =	vadd.s32 $0x1C00, v10;
	v53 =	vadd.s32 $0x1C00, v7;
	v20 =	vld.idx.msk [tilespmem:v44+s4+$0x0], $0xffff  }
0x577: {  	v59 =	vadd.s32 $0x1C00, v6;
	v15 =	vadd.s32 $0x8000, v15;
	v22 =	vadd.s32 $0x8000, v22  }
0x578: {  	v30 =	vld.idx.msk [tilespmem:v57+s4+$0x0], $0xffff;
	v48 =	vadd.s32 $0x8000, v13;
	v49 =	vand.u32 $0xFFFF0000, v22;
	v15 =	vshrl.u32 v15, $0x10  }
0x579: {  	v37 =	vld.idx.msk [tilespmem:v63+s4+$0x0], $0xffff;
	v13 =	vor.u32 v15, v49;
	v51 =	vadd.s32 $0x8000, v42;
	v52 =	vadd.s32 $0x8000, v19  }
0x57a: {  	v57 =	vadd.s32 $0x1C00, v8;
	v46 =	vld.idx.msk [tilespmem:v40+s4+$0x0], $0xffff;
	[tilespmem:s26+$0xCB50] =	vst v13;
	v16 =	vand.u32 $0xFFFF0000, v52;
	v13 =	vshrl.u32 v51, $0x10  }
0x57b: {  	v24 =	vld.idx.msk [tilespmem:v45+s4+$0x0], $0xffff;
	v14 =	vadd.s32 $0x8000, v14;
	v58 =	vadd.s32 $0x8000, v20;
	v13 =	vor.u32 v13, v16  }
0x57c: {  	v54 =	vadd.s32 $0x3C00, v4;
	v23 =	vld.idx.msk [tilespmem:v47+s4+$0x0], $0xffff;
	v18 =	vand.u32 $0xFFFF0000, v58;
	v14 =	vshrl.u32 v14, $0x10;
	[tilespmem:s26+$0xCB60] =	vst v13  }
0x57d: {  	v40 =	vadd.s32 $0x2000, v6;
	v17 =	vadd.s32 $0x8000, v30;
	v14 =	vor.u32 v14, v18;
	v15 =	vld.idx.msk [tilespmem:v50+s4+$0x0], $0xffff  }
0x57e: {  	v30 =	vadd.s32 $0x5400, v3;
	v17 =	vshrl.u32 v17, $0x10;
	v21 =	vadd.s32 $0x8000, v37;
	v60 =	vld.idx.msk [tilespmem:v53+s4+$0x0], $0xffff;
	[tilespmem:s26+$0xCB70] =	vst v14  }
0x57f: {  	v32 =	vadd.s32 $0x2000, v11;
	v55 =	vadd.s32 $0x3C00, v5;
	v21 =	vshrl.u32 v21, $0x10;
	v13 =	vld.idx.msk [tilespmem:v57+s4+$0x0], $0xffff  }
0x580: {  	v62 =	vadd.s32 $0x2000, v9;
	v29 =	vadd.s32 $0x2000, v10;
	v12 =	vand.u32 $0xFFFF0000, v48;
	v20 =	vld.idx.msk [tilespmem:v59+s4+$0x0], $0xffff  }
0x581: {  	v12 =	vor.u32 v21, v12;
	v28 =	vadd.s32 $0x8000, v24;
	v23 =	vadd.s32 $0x8000, v23  }
0x582: {  	v33 =	vadd.s32 $0x2000, v7;
	[tilespmem:s26+$0xDB40] =	vst v12;
	v23 =	vand.u32 $0xFFFF0000, v23;
	v22 =	vshrl.u32 v28, $0x10  }
0x583: {  	v61 =	vld.idx.msk [tilespmem:v54+s4+$0x0], $0xffff;
	v31 =	vor.u32 v22, v23;
	v15 =	vadd.s32 $0x8000, v15;
	v12 =	vadd.s32 $0x8000, v60  }
0x584: {  	v38 =	vadd.s32 $0x2000, v8;
	v63 =	vld.idx.msk [tilespmem:v55+s4+$0x0], $0xffff;
	[tilespmem:s26+$0xCBD0] =	vst v31;
	v12 =	vand.u32 $0xFFFF0000, v12;
	v15 =	vshrl.u32 v15, $0x10  }
0x585: {  	v21 =	vld.idx.msk [tilespmem:v62+s4+$0x0], $0xffff;
	v13 =	vadd.s32 $0x8000, v13;
	v20 =	vadd.s32 $0x8000, v20;
	v12 =	vor.u32 v15, v12  }
0x586: {  	v56 =	vadd.s32 $0x8000, v46;
	v36 =	vld.idx.msk [tilespmem:v29+s4+$0x0], $0xffff;
	v20 =	vand.u32 $0xFFFF0000, v20;
	v13 =	vshrl.u32 v13, $0x10;
	[tilespmem:s26+$0xCBE0] =	vst v12  }
0x587: {  	v44 =	vadd.s32 $0x2400, v10;
	v16 =	vand.u32 $0xFFFF0000, v56;
	v13 =	vor.u32 v13, v20;
	v39 =	vld.idx.msk [tilespmem:v32+s4+$0x0], $0xffff  }
0x588: {  	v45 =	vadd.s32 $0x4000, v5;
	v47 =	vadd.s32 $0x2400, v11;
	v16 =	vor.u32 v17, v16;
	v17 =	vld.idx.msk [tilespmem:v33+s4+$0x0], $0xffff;
	[tilespmem:s26+$0xCBF0] =	vst v13  }
0x589: {  	v55 =	vadd.s32 $0x2400, v6;
	v42 =	vadd.s32 $0x2400, v9;
	v18 =	vadd.s32 $0x8000, v63;
	v12 =	vld.idx.msk [tilespmem:v38+s4+$0x0], $0xffff  }
0x58a: {  	v51 =	vadd.s32 $0x2400, v7;
	v35 =	vadd.s32 $0x8000, v61;
	v37 =	vand.u32 $0xFFFF0000, v18;
	v48 =	vld.idx.msk [tilespmem:v40+s4+$0x0], $0xffff  }
0x58b: {  	[tilespmem:s26+$0xEA30] =	vst v16;
	v16 =	vshrl.u32 v35, $0x10;
	v43 =	vadd.s32 $0x8000, v21;
	v19 =	vadd.s32 $0x8000, v36  }
0x58c: {  	v15 =	vor.u32 v16, v37;
	v19 =	vand.u32 $0xFFFF0000, v19;
	v20 =	vshrl.u32 v43, $0x10  }
0x58d: {  	v14 =	vld.idx.msk [tilespmem:v30+s4+$0x0], $0xffff;
	[tilespmem:s26+$0xDBC0] =	vst v15;
	v46 =	vor.u32 v20, v19;
	v50 =	vadd.s32 $0x8000, v39;
	v17 =	vadd.s32 $0x8000, v17  }
0x58e: {  	v52 =	vadd.s32 $0x2400, v8;
	v13 =	vld.idx.msk [tilespmem:v45+s4+$0x0], $0xffff;
	[tilespmem:s26+$0xD850] =	vst v46;
	v17 =	vand.u32 $0xFFFF0000, v17;
	v15 =	vshrl.u32 v50, $0x10  }
0x58f: {  	v16 =	vld.idx.msk [tilespmem:v42+s4+$0x0], $0xffff;
	v12 =	vadd.s32 $0x8000, v12;
	v54 =	vadd.s32 $0x8000, v48;
	v15 =	vor.u32 v15, v17  }
0x590: {  	v34 =	vadd.s32 $0x5400, v2;
	v21 =	vld.idx.msk [tilespmem:v44+s4+$0x0], $0xffff;
	v19 =	vand.u32 $0xFFFF0000, v54;
	v12 =	vshrl.u32 v12, $0x10;
	[tilespmem:s26+$0xD860] =	vst v15  }
0x591: {  	v12 =	vor.u32 v12, v19;
	v53 =	vld.idx.msk [tilespmem:v47+s4+$0x0], $0xffff  }
0x592: {  	v41 =	vadd.s32 $0x4000, v4;
	v56 =	vadd.s32 $0x5800, v3;
	v18 =	vld.idx.msk [tilespmem:v51+s4+$0x0], $0xffff;
	[tilespmem:s26+$0xD870] =	vst v12  }
0x593: {  	v35 =	vadd.s32 $0x2800, v8;
	v57 =	vadd.s32 $0x2800, v9;
	v59 =	vadd.s32 $0x2800, v10;
	v15 =	vld.idx.msk [tilespmem:v52+s4+$0x0], $0xffff  }
0x594: {  	v30 =	vadd.s32 $0x2800, v7;
	v31 =	vadd.s32 $0x4400, v4;
	v62 =	vadd.s32 $0x2800, v11;
	v63 =	vld.idx.msk [tilespmem:v55+s4+$0x0], $0xffff  }
0x595: {  	v23 =	vld.idx.msk [tilespmem:v34+s4+$0x0], $0xffff;
	v14 =	vadd.s32 $0x8000, v14;
	v16 =	vadd.s32 $0x8000, v16;
	v58 =	vadd.s32 $0x8000, v21  }
0x596: {  	v60 =	vadd.s32 $0x8000, v13;
	v61 =	vand.u32 $0xFFFF0000, v58;
	v16 =	vshrl.u32 v16, $0x10  }
0x597: {  	v13 =	vor.u32 v16, v61;
	v28 =	vadd.s32 $0x8000, v53;
	v29 =	vadd.s32 $0x8000, v18  }
0x598: {  	v49 =	vld.idx.msk [tilespmem:v41+s4+$0x0], $0xffff;
	v38 =	vadd.s32 $0x2800, v6;
	[tilespmem:s26+$0xD8D0] =	vst v13;
	v17 =	vand.u32 $0xFFFF0000, v29;
	v13 =	vshrl.u32 v28, $0x10  }
0x599: {  	v24 =	vld.idx.msk [tilespmem:v57+s4+$0x0], $0xffff;
	v15 =	vadd.s32 $0x8000, v15;
	v37 =	vadd.s32 $0x8000, v63;
	v13 =	vor.u32 v13, v17  }
0x59a: {  	v23 =	vadd.s32 $0x8000, v23;
	v21 =	vld.idx.msk [tilespmem:v59+s4+$0x0], $0xffff;
	v16 =	vand.u32 $0xFFFF0000, v37;
	v15 =	vshrl.u32 v15, $0x10;
	[tilespmem:s26+$0xD8E0] =	vst v13  }
0x59b: {  	v23 =	vand.u32 $0xFFFF0000, v23;
	v14 =	vshrl.u32 v14, $0x10;
	v15 =	vor.u32 v15, v16;
	v36 =	vld.idx.msk [tilespmem:v62+s4+$0x0], $0xffff  }
0x59c: {  	v14 =	vor.u32 v14, v23;
	v33 =	vadd.s32 $0x4400, v5;
	v41 =	vadd.s32 $0x2C00, v9;
	v39 =	vld.idx.msk [tilespmem:v30+s4+$0x0], $0xffff;
	[tilespmem:s26+$0xD8F0] =	vst v15  }
0x59d: {  	v46 =	vadd.s32 $0x2C00, v11;
	v44 =	vadd.s32 $0x2C00, v10;
	v22 =	vadd.s32 $0x8000, v49;
	v13 =	vld.idx.msk [tilespmem:v35+s4+$0x0], $0xffff  }
0x59e: {  	v32 =	vshrl.u32 v22, $0x10;
	v12 =	vand.u32 $0xFFFF0000, v60;
	v47 =	vadd.s32 $0x2C00, v7;
	v19 =	vld.idx.msk [tilespmem:v38+s4+$0x0], $0xffff  }
0x59f: {  	[tilespmem:s26+$0xEAB0] =	vst v14;
	v12 =	vor.u32 v32, v12;
	v43 =	vadd.s32 $0x8000, v24;
	v21 =	vadd.s32 $0x8000, v21  }
0x5a0: {  	v34 =	vld.idx.msk [tilespmem:v56+s4+$0x0], $0xffff;
	v51 =	vadd.s32 $0x2C00, v8;
	[tilespmem:s26+$0xE840] =	vst v12;
	v21 =	vand.u32 $0xFFFF0000, v21;
	v22 =	vshrl.u32 v43, $0x10  }
0x5a1: {  	v40 =	vld.idx.msk [tilespmem:v31+s4+$0x0], $0xffff;
	v21 =	vor.u32 v22, v21;
	v14 =	vadd.s32 $0x8000, v36;
	v12 =	vadd.s32 $0x8000, v39  }
0x5a2: {  	v42 =	vld.idx.msk [tilespmem:v33+s4+$0x0], $0xffff;
	v53 =	vadd.s32 $0x2C00, v6;
	[tilespmem:s26+$0xD950] =	vst v21;
	v12 =	vand.u32 $0xFFFF0000, v12;
	v14 =	vshrl.u32 v14, $0x10  }
0x5a3: {  	v20 =	vld.idx.msk [tilespmem:v41+s4+$0x0], $0xffff;
	v13 =	vadd.s32 $0x8000, v13;
	v19 =	vadd.s32 $0x8000, v19;
	v12 =	vor.u32 v14, v12  }
0x5a4: {  	v45 =	vadd.s32 $0x5800, v2;
	v23 =	vld.idx.msk [tilespmem:v44+s4+$0x0], $0xffff;
	v19 =	vand.u32 $0xFFFF0000, v19;
	v13 =	vshrl.u32 v13, $0x10;
	[tilespmem:s26+$0xD960] =	vst v12  }
0x5a5: {  	v54 =	vadd.s32 $0x4800, v4;
	v58 =	vadd.s32 $0x3000, v10;
	v13 =	vor.u32 v13, v19;
	v52 =	vld.idx.msk [tilespmem:v46+s4+$0x0], $0xffff  }
0x5a6: {  	v61 =	vadd.s32 $0x3000, v11;
	v55 =	vadd.s32 $0x3000, v9;
	v59 =	vadd.s32 $0x4800, v5;
	v21 =	vld.idx.msk [tilespmem:v47+s4+$0x0], $0xffff;
	[tilespmem:s26+$0xD970] =	vst v13  }
0x5a7: {  	v31 =	vadd.s32 $0x3000, v8;
	v18 =	vadd.s32 $0x8000, v40;
	v16 =	vadd.s32 $0x8000, v42;
	v12 =	vld.idx.msk [tilespmem:v51+s4+$0x0], $0xffff  }
0x5a8: {  	v29 =	vadd.s32 $0x3000, v7;
	v49 =	vand.u32 $0xFFFF0000, v16;
	v50 =	vshrl.u32 v18, $0x10;
	v62 =	vld.idx.msk [tilespmem:v53+s4+$0x0], $0xffff  }
0x5a9: {  	v15 =	vor.u32 v50, v49;
	v56 =	vadd.s32 $0x8000, v20;
	v57 =	vadd.s32 $0x8000, v23  }
0x5aa: {  	v48 =	vld.idx.msk [tilespmem:v45+s4+$0x0], $0xffff;
	v17 =	vadd.s32 $0x8000, v34;
	[tilespmem:s26+$0xE8C0] =	vst v15;
	v20 =	vand.u32 $0xFFFF0000, v57;
	v19 =	vshrl.u32 v56, $0x10  }
0x5ab: {  	v63 =	vld.idx.msk [tilespmem:v54+s4+$0x0], $0xffff;
	v60 =	vor.u32 v19, v20;
	v27 =	vadd.s32 $0x8000, v52;
	v28 =	vadd.s32 $0x8000, v21  }
0x5ac: {  	v34 =	vadd.s32 $0x3000, v6;
	v13 =	vld.idx.msk [tilespmem:v59+s4+$0x0], $0xffff;
	[tilespmem:s26+$0xD9D0] =	vst v60;
	v18 =	vand.u32 $0xFFFF0000, v28;
	v15 =	vshrl.u32 v27, $0x10  }
0x5ad: {  	v16 =	vld.idx.msk [tilespmem:v55+s4+$0x0], $0xffff;
	v12 =	vadd.s32 $0x8000, v12;
	v33 =	vadd.s32 $0x8000, v62;
	v15 =	vor.u32 v15, v18  }
0x5ae: {  	v23 =	vld.idx.msk [tilespmem:v58+s4+$0x0], $0xffff;
	v18 =	vand.u32 $0xFFFF0000, v33;
	v12 =	vshrl.u32 v12, $0x10;
	[tilespmem:s26+$0xD9E0] =	vst v15  }
0x5af: {  	v45 =	vadd.s32 $0x3400, v7;
	v37 =	vadd.s32 $0x3400, v9;
	v12 =	vor.u32 v12, v18;
	v32 =	vld.idx.msk [tilespmem:v61+s4+$0x0], $0xffff  }
0x5b0: {  	v17 =	vshrl.u32 v17, $0x10;
	v42 =	vadd.s32 $0x3400, v11;
	v30 =	vadd.s32 $0x5C00, v3;
	v21 =	vld.idx.msk [tilespmem:v29+s4+$0x0], $0xffff;
	[tilespmem:s26+$0xD9F0] =	vst v12  }
0x5b1: {  	v35 =	vadd.s32 $0x5C00, v2;
	v49 =	vadd.s32 $0x3400, v8;
	v14 =	vadd.s32 $0x8000, v48;
	v15 =	vld.idx.msk [tilespmem:v31+s4+$0x0], $0xffff  }
0x5b2: {  	v39 =	vadd.s32 $0x3400, v10;
	v14 =	vand.u32 $0xFFFF0000, v14;
	v36 =	vadd.s32 $0x8000, v63;
	v19 =	vld.idx.msk [tilespmem:v34+s4+$0x0], $0xffff  }
0x5b3: {  	v14 =	vor.u32 v17, v14;
	v16 =	vadd.s32 $0x8000, v16;
	v23 =	vadd.s32 $0x8000, v23  }
0x5b4: {  	[tilespmem:s26+$0xEB30] =	vst v14;
	v40 =	vadd.s32 $0x8000, v13;
	v41 =	vand.u32 $0xFFFF0000, v23;
	v16 =	vshrl.u32 v16, $0x10  }
0x5b5: {  	v38 =	vld.idx.msk [tilespmem:v30+s4+$0x0], $0xffff;
	v13 =	vor.u32 v16, v41;
	v43 =	vadd.s32 $0x8000, v32;
	v44 =	vadd.s32 $0x8000, v21  }
0x5b6: {  	v20 =	vld.idx.msk [tilespmem:v35+s4+$0x0], $0xffff;
	v52 =	vadd.s32 $0x3400, v6;
	[tilespmem:s26+$0xDA50] =	vst v13;
	v17 =	vand.u32 $0xFFFF0000, v44;
	v13 =	vshrl.u32 v43, $0x10  }
0x5b7: {  	v22 =	vld.idx.msk [tilespmem:v37+s4+$0x0], $0xffff;
	v15 =	vadd.s32 $0x8000, v15;
	v51 =	vadd.s32 $0x8000, v19;
	v13 =	vor.u32 v13, v17  }
0x5b8: {  	v56 =	vadd.s32 $0x3800, v9;
	v24 =	vld.idx.msk [tilespmem:v39+s4+$0x0], $0xffff;
	v16 =	vand.u32 $0xFFFF0000, v51;
	v15 =	vshrl.u32 v15, $0x10;
	[tilespmem:s26+$0xDA60] =	vst v13  }
0x5b9: {  	v63 =	vadd.s32 $0x3800, v7;
	v46 =	vadd.s32 $0x4C00, v4;
	v15 =	vor.u32 v15, v16;
	v50 =	vld.idx.msk [tilespmem:v42+s4+$0x0], $0xffff  }
0x5ba: {  	v47 =	vadd.s32 $0x4C00, v5;
	v59 =	vadd.s32 $0x3800, v10;
	v14 =	vshrl.u32 v36, $0x10;
	v54 =	vld.idx.msk [tilespmem:v45+s4+$0x0], $0xffff;
	[tilespmem:s26+$0xDA70] =	vst v15  }
0x5bb: {  	v35 =	vadd.s32 $0x3C00, v9;
	v62 =	vadd.s32 $0x3800, v11;
	v48 =	vadd.s32 $0x8000, v38;
	v13 =	vld.idx.msk [tilespmem:v49+s4+$0x0], $0xffff  }
0x5bc: {  	v53 =	vadd.s32 $0x8000, v20;
	v33 =	vadd.s32 $0x3800, v6;
	v12 =	vand.u32 $0xFFFF0000, v40;
	v18 =	vld.idx.msk [tilespmem:v52+s4+$0x0], $0xffff  }
0x5bd: {  	v12 =	vor.u32 v14, v12;
	v22 =	vadd.s32 $0x8000, v22;
	v58 =	vadd.s32 $0x8000, v24  }
0x5be: {  	v60 =	vshrl.u32 v48, $0x10;
	[tilespmem:s26+$0xE940] =	vst v12;
	v61 =	vand.u32 $0xFFFF0000, v58;
	v22 =	vshrl.u32 v22, $0x10  }
0x5bf: {  	v55 =	vld.idx.msk [tilespmem:v46+s4+$0x0], $0xffff;
	v17 =	vor.u32 v22, v61;
	v14 =	vadd.s32 $0x8000, v50;
	v12 =	vadd.s32 $0x8000, v54  }
0x5c0: {  	v57 =	vld.idx.msk [tilespmem:v47+s4+$0x0], $0xffff;
	v32 =	vadd.s32 $0x3800, v8;
	[tilespmem:s26+$0xDAD0] =	vst v17;
	v12 =	vand.u32 $0xFFFF0000, v12;
	v14 =	vshrl.u32 v14, $0x10  }
0x5c1: {  	v21 =	vld.idx.msk [tilespmem:v56+s4+$0x0], $0xffff;
	v13 =	vadd.s32 $0x8000, v13;
	v18 =	vadd.s32 $0x8000, v18;
	v12 =	vor.u32 v14, v12  }
0x5c2: {  	v19 =	vand.u32 $0xFFFF0000, v53;
	v29 =	vld.idx.msk [tilespmem:v59+s4+$0x0], $0xffff;
	v18 =	vand.u32 $0xFFFF0000, v18;
	v13 =	vshrl.u32 v13, $0x10;
	[tilespmem:s26+$0xDAE0] =	vst v12  }
0x5c3: {  	v28 =	vadd.s32 $0x6000, v3;
	v15 =	vor.u32 v60, v19;
	v13 =	vor.u32 v13, v18;
	v19 =	vld.idx.msk [tilespmem:v62+s4+$0x0], $0xffff  }
0x5c4: {  	v40 =	vadd.s32 $0x5000, v5;
	v39 =	vadd.s32 $0x3C00, v10;
	v46 =	vadd.s32 $0x6000, v2;
	v17 =	vld.idx.msk [tilespmem:v63+s4+$0x0], $0xffff;
	[tilespmem:s26+$0xDAF0] =	vst v13  }
0x5c5: {  	v47 =	vadd.s32 $0x3C00, v8;
	v20 =	vadd.s32 $0x8000, v55;
	v16 =	vadd.s32 $0x8000, v57;
	v12 =	vld.idx.msk [tilespmem:v32+s4+$0x0], $0xffff  }
0x5c6: {  	v30 =	vand.u32 $0xFFFF0000, v16;
	v31 =	vshrl.u32 v20, $0x10;
	v42 =	vadd.s32 $0x3C00, v11;
	v20 =	vld.idx.msk [tilespmem:v33+s4+$0x0], $0xffff  }
0x5c7: {  	v45 =	vadd.s32 $0x3C00, v7;
	[tilespmem:s26+$0xEBB0] =	vst v15;
	v37 =	vadd.s32 $0x8000, v21;
	v38 =	vadd.s32 $0x8000, v29  }
0x5c8: {  	v36 =	vld.idx.msk [tilespmem:v28+s4+$0x0], $0xffff;
	v14 =	vor.u32 v31, v30;
	v21 =	vand.u32 $0xFFFF0000, v38;
	v18 =	vshrl.u32 v37, $0x10  }
0x5c9: {  	v52 =	vld.idx.msk [tilespmem:v46+s4+$0x0], $0xffff;
	[tilespmem:s26+$0xE9C0] =	vst v14;
	v41 =	vor.u32 v18, v21;
	v44 =	vadd.s32 $0x8000, v19;
	v17 =	vadd.s32 $0x8000, v17  }
0x5ca: {  	v50 =	vadd.s32 $0x3C00, v6;
	v13 =	vld.idx.msk [tilespmem:v40+s4+$0x0], $0xffff;
	[tilespmem:s26+$0xDB50] =	vst v41;
	v17 =	vand.u32 $0xFFFF0000, v17;
	v14 =	vshrl.u32 v44, $0x10  }
0x5cb: {  	v15 =	vld.idx.msk [tilespmem:v35+s4+$0x0], $0xffff;
	v12 =	vadd.s32 $0x8000, v12;
	v49 =	vadd.s32 $0x8000, v20;
	v14 =	vor.u32 v14, v17  }
0x5cc: {  	v22 =	vld.idx.msk [tilespmem:v39+s4+$0x0], $0xffff;
	v18 =	vand.u32 $0xFFFF0000, v49;
	v12 =	vshrl.u32 v12, $0x10;
	[tilespmem:s26+$0xDB60] =	vst v14  }
0x5cd: {  	v34 =	vadd.s32 $0x5000, v4;
	v53 =	vadd.s32 $0x4000, v10;
	v12 =	vor.u32 v12, v18;
	v48 =	vld.idx.msk [tilespmem:v42+s4+$0x0], $0xffff  }
0x5ce: {  	v51 =	vadd.s32 $0x4000, v9;
	v60 =	vadd.s32 $0x5400, v4;
	v61 =	vadd.s32 $0x5400, v5;
	v19 =	vld.idx.msk [tilespmem:v45+s4+$0x0], $0xffff;
	[tilespmem:s26+$0xDB70] =	vst v12  }
0x5cf: {  	v56 =	vadd.s32 $0x4000, v11;
	v59 =	vadd.s32 $0x4000, v7;
	v28 =	vadd.s32 $0x4000, v6;
	v14 =	vld.idx.msk [tilespmem:v47+s4+$0x0], $0xffff  }
0x5d0: {  	v46 =	vadd.s32 $0x5800, v4;
	v16 =	vadd.s32 $0x8000, v36;
	v31 =	vadd.s32 $0x4400, v9;
	v20 =	vld.idx.msk [tilespmem:v50+s4+$0x0], $0xffff  }
0x5d1: {  	v16 =	vshrl.u32 v16, $0x10;
	v15 =	vadd.s32 $0x8000, v15;
	v22 =	vadd.s32 $0x8000, v22  }
0x5d2: {  	v54 =	vadd.s32 $0x8000, v13;
	v55 =	vand.u32 $0xFFFF0000, v22;
	v15 =	vshrl.u32 v15, $0x10  }
0x5d3: {  	v13 =	vor.u32 v15, v55;
	v57 =	vadd.s32 $0x8000, v48;
	v58 =	vadd.s32 $0x8000, v19  }
0x5d4: {  	v43 =	vld.idx.msk [tilespmem:v34+s4+$0x0], $0xffff;
	v63 =	vadd.s32 $0x4000, v8;
	[tilespmem:s26+$0xDBD0] =	vst v13;
	v17 =	vand.u32 $0xFFFF0000, v58;
	v13 =	vshrl.u32 v57, $0x10  }
0x5d5: {  	v24 =	vld.idx.msk [tilespmem:v51+s4+$0x0], $0xffff;
	v14 =	vadd.s32 $0x8000, v14;
	v27 =	vadd.s32 $0x8000, v20;
	v13 =	vor.u32 v13, v17  }
0x5d6: {  	v37 =	vadd.s32 $0x4400, v11;
	v23 =	vld.idx.msk [tilespmem:v53+s4+$0x0], $0xffff;
	v18 =	vand.u32 $0xFFFF0000, v27;
	v14 =	vshrl.u32 v14, $0x10;
	[tilespmem:s26+$0xDBE0] =	vst v13  }
0x5d7: {  	v38 =	vadd.s32 $0x4400, v7;
	v62 =	vadd.s32 $0x8000, v52;
	v14 =	vor.u32 v14, v18;
	v15 =	vld.idx.msk [tilespmem:v56+s4+$0x0], $0xffff  }
0x5d8: {  	v34 =	vadd.s32 $0x4400, v10;
	v52 =	vadd.s32 $0x4800, v11;
	v35 =	vadd.s32 $0x6400, v3;
	v29 =	vld.idx.msk [tilespmem:v59+s4+$0x0], $0xffff;
	[tilespmem:s26+$0xDBF0] =	vst v14  }
0x5d9: {  	v39 =	vadd.s32 $0x6400, v2;
	v21 =	vadd.s32 $0x8000, v43;
	v43 =	vadd.s32 $0x4400, v8;
	v13 =	vld.idx.msk [tilespmem:v63+s4+$0x0], $0xffff  }
0x5da: {  	v21 =	vshrl.u32 v21, $0x10;
	v49 =	vadd.s32 $0x4800, v10;
	v12 =	vand.u32 $0xFFFF0000, v54;
	v20 =	vld.idx.msk [tilespmem:v28+s4+$0x0], $0xffff  }
0x5db: {  	v12 =	vor.u32 v21, v12;
	v33 =	vadd.s32 $0x8000, v24;
	v23 =	vadd.s32 $0x8000, v23  }
0x5dc: {  	v45 =	vadd.s32 $0x4400, v6;
	[tilespmem:s26+$0xEA40] =	vst v12;
	v23 =	vand.u32 $0xFFFF0000, v23;
	v22 =	vshrl.u32 v33, $0x10  }
0x5dd: {  	v30 =	vld.idx.msk [tilespmem:v60+s4+$0x0], $0xffff;
	v36 =	vor.u32 v22, v23;
	v15 =	vadd.s32 $0x8000, v15;
	v12 =	vadd.s32 $0x8000, v29  }
0x5de: {  	v47 =	vadd.s32 $0x4800, v9;
	v32 =	vld.idx.msk [tilespmem:v61+s4+$0x0], $0xffff;
	[tilespmem:s26+$0xE850] =	vst v36;
	v12 =	vand.u32 $0xFFFF0000, v12;
	v15 =	vshrl.u32 v15, $0x10  }
0x5df: {  	v21 =	vld.idx.msk [tilespmem:v31+s4+$0x0], $0xffff;
	v13 =	vadd.s32 $0x8000, v13;
	v20 =	vadd.s32 $0x8000, v20;
	v12 =	vor.u32 v15, v12  }
0x5e0: {  	v50 =	vadd.s32 $0x5800, v5;
	v41 =	vld.idx.msk [tilespmem:v34+s4+$0x0], $0xffff;
	v20 =	vand.u32 $0xFFFF0000, v20;
	v13 =	vshrl.u32 v13, $0x10;
	[tilespmem:s26+$0xE860] =	vst v12  }
0x5e1: {  	v60 =	vadd.s32 $0x6800, v3;
	v17 =	vand.u32 $0xFFFF0000, v62;
	v13 =	vor.u32 v13, v20;
	v44 =	vld.idx.msk [tilespmem:v37+s4+$0x0], $0xffff  }
0x5e2: {  	v61 =	vadd.s32 $0x4C00, v9;
	v57 =	vadd.s32 $0x7400, v1;
	v16 =	vor.u32 v16, v17;
	v17 =	vld.idx.msk [tilespmem:v38+s4+$0x0], $0xffff;
	[tilespmem:s26+$0xE870] =	vst v13  }
0x5e3: {  	v58 =	vadd.s32 $0x4800, v8;
	v40 =	vadd.s32 $0x8000, v30;
	v18 =	vadd.s32 $0x8000, v32;
	v12 =	vld.idx.msk [tilespmem:v43+s4+$0x0], $0xffff  }
0x5e4: {  	v32 =	vadd.s32 $0x5C00, v4;
	[tilespmem:s26+$0xF830] =	vst v16;
	v42 =	vand.u32 $0xFFFF0000, v18;
	v16 =	vshrl.u32 v40, $0x10;
	v53 =	vld.idx.msk [tilespmem:v45+s4+$0x0], $0xffff  }
0x5e5: {  	v14 =	vld.idx.msk [tilespmem:v35+s4+$0x0], $0xffff;
	v15 =	vor.u32 v16, v42;
	v48 =	vadd.s32 $0x8000, v21;
	v19 =	vadd.s32 $0x8000, v41  }
0x5e6: {  	v56 =	vadd.s32 $0x4800, v7;
	v23 =	vld.idx.msk [tilespmem:v39+s4+$0x0], $0xffff;
	v19 =	vand.u32 $0xFFFF0000, v19;
	v20 =	vshrl.u32 v48, $0x10;
	[tilespmem:s26+$0xEAC0] =	vst v15  }
0x5e7: {  	v51 =	vor.u32 v20, v19;
	v54 =	vld.idx.msk [tilespmem:v46+s4+$0x0], $0xffff;
	v55 =	vadd.s32 $0x8000, v44;
	v17 =	vadd.s32 $0x8000, v17  }
0x5e8: {  	v59 =	vadd.s32 $0x4800, v6;
	v13 =	vld.idx.msk [tilespmem:v50+s4+$0x0], $0xffff;
	[tilespmem:s26+$0xE8D0] =	vst v51;
	v17 =	vand.u32 $0xFFFF0000, v17;
	v15 =	vshrl.u32 v55, $0x10  }
0x5e9: {  	v16 =	vld.idx.msk [tilespmem:v47+s4+$0x0], $0xffff;
	v12 =	vadd.s32 $0x8000, v12;
	v20 =	vadd.s32 $0x8000, v53;
	v15 =	vor.u32 v15, v17  }
0x5ea: {  	v63 =	vadd.s32 $0x4C00, v10;
	v21 =	vld.idx.msk [tilespmem:v49+s4+$0x0], $0xffff;
	v20 =	vand.u32 $0xFFFF0000, v20;
	v12 =	vshrl.u32 v12, $0x10;
	[tilespmem:s26+$0xE8E0] =	vst v15  }
0x5eb: {  	v28 =	vadd.s32 $0x4C00, v11;
	v36 =	vadd.s32 $0x4C00, v8;
	v12 =	vor.u32 v12, v20;
	v19 =	vld.idx.msk [tilespmem:v52+s4+$0x0], $0xffff  }
0x5ec: {  	v39 =	vadd.s32 $0x4C00, v6;
	v14 =	vadd.s32 $0x8000, v14;
	v23 =	vadd.s32 $0x8000, v23;
	v18 =	vld.idx.msk [tilespmem:v56+s4+$0x0], $0xffff;
	[tilespmem:s26+$0xE8F0] =	vst v12  }
0x5ed: {  	v31 =	vadd.s32 $0x4C00, v7;
	v23 =	vand.u32 $0xFFFF0000, v23;
	v14 =	vshrl.u32 v14, $0x10;
	v15 =	vld.idx.msk [tilespmem:v58+s4+$0x0], $0xffff  }
0x5ee: {  	v34 =	vadd.s32 $0x5C00, v5;
	v14 =	vor.u32 v14, v23;
	v22 =	vadd.s32 $0x8000, v54;
	v29 =	vld.idx.msk [tilespmem:v59+s4+$0x0], $0xffff  }
0x5ef: {  	v26 =	vadd.s32 $0x8000, v13;
	v16 =	vadd.s32 $0x8000, v16;
	v62 =	vadd.s32 $0x8000, v21  }
0x5f0: {  	[tilespmem:s26+$0xF8B0] =	vst v14;
	v33 =	vshrl.u32 v22, $0x10;
	v27 =	vand.u32 $0xFFFF0000, v62;
	v16 =	vshrl.u32 v16, $0x10  }
0x5f1: {  	v35 =	vld.idx.msk [tilespmem:v60+s4+$0x0], $0xffff;
	v13 =	vor.u32 v16, v27;
	v30 =	vadd.s32 $0x8000, v19;
	v18 =	vadd.s32 $0x8000, v18  }
0x5f2: {  	v17 =	vld.idx.msk [tilespmem:v57+s4+$0x0], $0xffff;
	v12 =	vand.u32 $0xFFFF0000, v26;
	[tilespmem:s26+$0xE950] =	vst v13;
	v18 =	vand.u32 $0xFFFF0000, v18;
	v13 =	vshrl.u32 v30, $0x10  }
0x5f3: {  	v25 =	vld.idx.msk [tilespmem:v61+s4+$0x0], $0xffff;
	v15 =	vadd.s32 $0x8000, v15;
	v38 =	vadd.s32 $0x8000, v29;
	v13 =	vor.u32 v13, v18  }
0x5f4: {  	v12 =	vor.u32 v33, v12;
	v21 =	vld.idx.msk [tilespmem:v63+s4+$0x0], $0xffff;
	v40 =	vand.u32 $0xFFFF0000, v38;
	v15 =	vshrl.u32 v15, $0x10;
	[tilespmem:s26+$0xE960] =	vst v13  }
0x5f5: {  	v41 =	vadd.s32 $0x7400, v0;
	v42 =	vadd.s32 $0x5000, v9;
	[tilespmem:s26+$0xEB40] =	vst v12;
	v12 =	vor.u32 v15, v40;
	v37 =	vld.idx.msk [tilespmem:v28+s4+$0x0], $0xffff  }
0x5f6: {  	v45 =	vadd.s32 $0x5000, v10;
	v60 =	vadd.s32 $0x6000, v5;
	v47 =	vadd.s32 $0x5000, v11;
	v19 =	vld.idx.msk [tilespmem:v31+s4+$0x0], $0xffff;
	[tilespmem:s26+$0xE970] =	vst v12  }
0x5f7: {  	v49 =	vadd.s32 $0x5000, v7;
	v54 =	vadd.s32 $0x5000, v6;
	v53 =	vadd.s32 $0x5000, v8;
	v13 =	vld.idx.msk [tilespmem:v36+s4+$0x0], $0xffff  }
0x5f8: {  	v55 =	vadd.s32 $0x6000, v4;
	v62 =	vadd.s32 $0x5400, v11;
	v26 =	vadd.s32 $0x6800, v2;
	v20 =	vld.idx.msk [tilespmem:v39+s4+$0x0], $0xffff  }
0x5f9: {  	v56 =	vadd.s32 $0x5400, v9;
	v44 =	vadd.s32 $0x8000, v25;
	v21 =	vadd.s32 $0x8000, v21  }
0x5fa: {  	v16 =	vld.idx.msk [tilespmem:v41+s4+$0x0], $0xffff;
	v27 =	vadd.s32 $0x6400, v5;
	v21 =	vand.u32 $0xFFFF0000, v21;
	v22 =	vshrl.u32 v44, $0x10  }
0x5fb: {  	v23 =	vld.idx.msk [tilespmem:v32+s4+$0x0], $0xffff;
	v46 =	vor.u32 v22, v21;
	v14 =	vadd.s32 $0x8000, v37;
	v48 =	vadd.s32 $0x8000, v19  }
0x5fc: {  	v43 =	vld.idx.msk [tilespmem:v34+s4+$0x0], $0xffff;
	v12 =	vadd.s32 $0x8000, v17;
	[tilespmem:s26+$0xE9D0] =	vst v46;
	v17 =	vand.u32 $0xFFFF0000, v48;
	v14 =	vshrl.u32 v14, $0x10  }
0x5fd: {  	v50 =	vld.idx.msk [tilespmem:v42+s4+$0x0], $0xffff;
	v13 =	vadd.s32 $0x8000, v13;
	v20 =	vadd.s32 $0x8000, v20;
	v14 =	vor.u32 v14, v17  }
0x5fe: {  	v59 =	vadd.s32 $0x5400, v10;
	v51 =	vld.idx.msk [tilespmem:v45+s4+$0x0], $0xffff;
	v20 =	vand.u32 $0xFFFF0000, v20;
	v13 =	vshrl.u32 v13, $0x10;
	[tilespmem:s26+$0xE9E0] =	vst v14  }
0x5ff: {  	v32 =	vadd.s32 $0x5400, v8;
	v16 =	vadd.s32 $0x8000, v16;
	v13 =	vor.u32 v13, v20;
	v21 =	vld.idx.msk [tilespmem:v47+s4+$0x0], $0xffff  }
0x600: {  	v30 =	vadd.s32 $0x5400, v7;
	v16 =	vand.u32 $0xFFFF0000, v16;
	v18 =	vadd.s32 $0x8000, v35;
	v19 =	vld.idx.msk [tilespmem:v49+s4+$0x0], $0xffff;
	[tilespmem:s26+$0xE9F0] =	vst v13  }
0x601: {  	v35 =	vadd.s32 $0x5400, v6;
	v38 =	vadd.s32 $0x5800, v9;
	v15 =	vadd.s32 $0x8000, v43;
	v14 =	vld.idx.msk [tilespmem:v53+s4+$0x0], $0xffff  }
0x602: {  	v23 =	vadd.s32 $0x8000, v23;
	v18 =	vshrl.u32 v18, $0x10;
	v15 =	vand.u32 $0xFFFF0000, v15;
	v63 =	vld.idx.msk [tilespmem:v54+s4+$0x0], $0xffff  }
0x603: {  	v23 =	vshrl.u32 v23, $0x10;
	v57 =	vadd.s32 $0x8000, v50;
	v58 =	vadd.s32 $0x8000, v51  }
0x604: {  	v15 =	vor.u32 v23, v15;
	v22 =	vand.u32 $0xFFFF0000, v58;
	v20 =	vshrl.u32 v57, $0x10  }
0x605: {  	v52 =	vld.idx.msk [tilespmem:v26+s4+$0x0], $0xffff;
	[tilespmem:s26+$0xEBC0] =	vst v15;
	v61 =	vor.u32 v20, v22;
	v29 =	vadd.s32 $0x8000, v21;
	v19 =	vadd.s32 $0x8000, v19  }
0x606: {  	v40 =	vadd.s32 $0x5800, v10;
	v28 =	vld.idx.msk [tilespmem:v55+s4+$0x0], $0xffff;
	[tilespmem:s26+$0xEA50] =	vst v61;
	v19 =	vand.u32 $0xFFFF0000, v19;
	v15 =	vshrl.u32 v29, $0x10  }
0x607: {  	v23 =	vld.idx.msk [tilespmem:v56+s4+$0x0], $0xffff;
	v14 =	vadd.s32 $0x8000, v14;
	v34 =	vadd.s32 $0x8000, v63;
	v15 =	vor.u32 v15, v19  }
0x608: {  	v31 =	vadd.s32 $0x6C00, v3;
	v24 =	vld.idx.msk [tilespmem:v59+s4+$0x0], $0xffff;
	v19 =	vand.u32 $0xFFFF0000, v34;
	v14 =	vshrl.u32 v14, $0x10;
	[tilespmem:s26+$0xEA60] =	vst v15  }
0x609: {  	v36 =	vadd.s32 $0x6C00, v2;
	v46 =	vadd.s32 $0x6400, v4;
	v14 =	vor.u32 v14, v19;
	v33 =	vld.idx.msk [tilespmem:v62+s4+$0x0], $0xffff  }
0x60a: {  	v12 =	vshrl.u32 v12, $0x10;
	v42 =	vadd.s32 $0x5800, v11;
	v45 =	vadd.s32 $0x5800, v7;
	v21 =	vld.idx.msk [tilespmem:v30+s4+$0x0], $0xffff;
	[tilespmem:s26+$0xEA70] =	vst v14  }
0x60b: {  	v12 =	vor.u32 v12, v16;
	v55 =	vadd.s32 $0x5C00, v9;
	v17 =	vadd.s32 $0x8000, v52;
	v15 =	vld.idx.msk [tilespmem:v32+s4+$0x0], $0xffff  }
0x60c: {  	v48 =	vadd.s32 $0x5800, v8;
	v51 =	vadd.s32 $0x5800, v6;
	v17 =	vand.u32 $0xFFFF0000, v17;
	v20 =	vld.idx.msk [tilespmem:v35+s4+$0x0], $0xffff  }
0x60d: {  	v17 =	vor.u32 v18, v17;
	v23 =	vadd.s32 $0x8000, v23;
	v24 =	vadd.s32 $0x8000, v24  }
0x60e: {  	v37 =	vadd.s32 $0x8000, v28;
	v13 =	vld.idx.msk [tilespmem:v60+s4+$0x0], $0xffff;
	[tilespmem:s26+$0xF930] =	vst v17;
	v41 =	vand.u32 $0xFFFF0000, v24;
	v23 =	vshrl.u32 v23, $0x10  }
0x60f: {  	v39 =	vld.idx.msk [tilespmem:v31+s4+$0x0], $0xffff;
	v14 =	vor.u32 v23, v41;
	v43 =	vadd.s32 $0x8000, v33;
	v44 =	vadd.s32 $0x8000, v21  }
0x610: {  	v28 =	vadd.s32 $0x7000, v3;
	v22 =	vld.idx.msk [tilespmem:v36+s4+$0x0], $0xffff;
	[tilespmem:s26+$0xEAD0] =	vst v14;
	v18 =	vand.u32 $0xFFFF0000, v44;
	v14 =	vshrl.u32 v43, $0x10  }
0x611: {  	v25 =	vld.idx.msk [tilespmem:v38+s4+$0x0], $0xffff;
	v15 =	vadd.s32 $0x8000, v15;
	v50 =	vadd.s32 $0x8000, v20;
	v14 =	vor.u32 v14, v18  }
0x612: {  	v17 =	vshrl.u32 v37, $0x10;
	v26 =	vld.idx.msk [tilespmem:v40+s4+$0x0], $0xffff;
	v19 =	vand.u32 $0xFFFF0000, v50;
	v15 =	vshrl.u32 v15, $0x10;
	[tilespmem:s26+$0xEAE0] =	vst v14  }
0x613: {  	v59 =	vadd.s32 $0x5C00, v10;
	v13 =	vadd.s32 $0x8000, v13;
	v15 =	vor.u32 v15, v19;
	v49 =	vld.idx.msk [tilespmem:v42+s4+$0x0], $0xffff  }
0x614: {  	v36 =	vadd.s32 $0x6000, v9;
	v13 =	vand.u32 $0xFFFF0000, v13;
	v63 =	vadd.s32 $0x5C00, v7;
	v52 =	vld.idx.msk [tilespmem:v45+s4+$0x0], $0xffff;
	[tilespmem:s26+$0xEAF0] =	vst v15  }
0x615: {  	v47 =	vadd.s32 $0x8000, v39;
	v13 =	vor.u32 v17, v13;
	v22 =	vadd.s32 $0x8000, v22;
	v14 =	vld.idx.msk [tilespmem:v48+s4+$0x0], $0xffff  }
0x616: {  	v34 =	vadd.s32 $0x6800, v4;
	v53 =	vand.u32 $0xFFFF0000, v22;
	v60 =	vshrl.u32 v47, $0x10;
	v20 =	vld.idx.msk [tilespmem:v51+s4+$0x0], $0xffff  }
0x617: {  	v62 =	vadd.s32 $0x5C00, v11;
	v57 =	vadd.s32 $0x8000, v25;
	v58 =	vadd.s32 $0x8000, v26  }
0x618: {  	[tilespmem:s26+$0xF840] =	vst v13;
	v32 =	vadd.s32 $0x5C00, v8;
	v61 =	vand.u32 $0xFFFF0000, v58;
	v24 =	vshrl.u32 v57, $0x10  }
0x619: {  	v54 =	vld.idx.msk [tilespmem:v46+s4+$0x0], $0xffff;
	v18 =	vor.u32 v24, v61;
	v17 =	vadd.s32 $0x8000, v49;
	v13 =	vadd.s32 $0x8000, v52  }
0x61a: {  	v56 =	vld.idx.msk [tilespmem:v27+s4+$0x0], $0xffff;
	v33 =	vadd.s32 $0x5C00, v6;
	[tilespmem:s26+$0xEB50] =	vst v18;
	v13 =	vand.u32 $0xFFFF0000, v13;
	v17 =	vshrl.u32 v17, $0x10  }
0x61b: {  	v23 =	vld.idx.msk [tilespmem:v55+s4+$0x0], $0xffff;
	v14 =	vadd.s32 $0x8000, v14;
	v20 =	vadd.s32 $0x8000, v20;
	v13 =	vor.u32 v17, v13  }
0x61c: {  	v47 =	vadd.s32 $0x7000, v2;
	v29 =	vld.idx.msk [tilespmem:v59+s4+$0x0], $0xffff;
	v20 =	vand.u32 $0xFFFF0000, v20;
	v14 =	vshrl.u32 v14, $0x10;
	[tilespmem:s26+$0xEB60] =	vst v13  }
0x61d: {  	v41 =	vadd.s32 $0x6800, v5;
	v46 =	vadd.s32 $0x6000, v7;
	v14 =	vor.u32 v14, v20;
	v21 =	vld.idx.msk [tilespmem:v62+s4+$0x0], $0xffff  }
0x61e: {  	v40 =	vadd.s32 $0x6000, v10;
	v22 =	vadd.s32 $0x8000, v54;
	v54 =	vadd.s32 $0x6400, v10;
	v18 =	vld.idx.msk [tilespmem:v63+s4+$0x0], $0xffff;
	[tilespmem:s26+$0xEB70] =	vst v14  }
0x61f: {  	v31 =	vshrl.u32 v22, $0x10;
	v19 =	vadd.s32 $0x8000, v56;
	v15 =	vor.u32 v60, v53;
	v13 =	vld.idx.msk [tilespmem:v32+s4+$0x0], $0xffff  }
0x620: {  	v43 =	vadd.s32 $0x6000, v11;
	v50 =	vadd.s32 $0x6000, v8;
	v30 =	vand.u32 $0xFFFF0000, v19;
	[tilespmem:s26+$0xF9B0] =	vst v15;
	v22 =	vld.idx.msk [tilespmem:v33+s4+$0x0], $0xffff  }
0x621: {  	v35 =	vor.u32 v31, v30;
	v37 =	vld.idx.msk [tilespmem:v28+s4+$0x0], $0xffff;
	v38 =	vadd.s32 $0x8000, v23;
	v39 =	vadd.s32 $0x8000, v29  }
0x622: {  	v57 =	vadd.s32 $0x6400, v11;
	[tilespmem:s26+$0xF8C0] =	vst v35;
	v16 =	vld.idx.msk [tilespmem:v47+s4+$0x0], $0xffff;
	v23 =	vand.u32 $0xFFFF0000, v39;
	v20 =	vshrl.u32 v38, $0x10  }
0x623: {  	v44 =	vld.idx.msk [tilespmem:v34+s4+$0x0], $0xffff;
	v42 =	vor.u32 v20, v23;
	v45 =	vadd.s32 $0x8000, v21;
	v18 =	vadd.s32 $0x8000, v18  }
0x624: {  	v51 =	vadd.s32 $0x6000, v6;
	v14 =	vld.idx.msk [tilespmem:v41+s4+$0x0], $0xffff;
	[tilespmem:s26+$0xEBD0] =	vst v42;
	v18 =	vand.u32 $0xFFFF0000, v18;
	v15 =	vshrl.u32 v45, $0x10  }
0x625: {  	v17 =	vld.idx.msk [tilespmem:v36+s4+$0x0], $0xffff;
	v13 =	vadd.s32 $0x8000, v13;
	v22 =	vadd.s32 $0x8000, v22;
	v15 =	vor.u32 v15, v18  }
0x626: {  	v61 =	vadd.s32 $0x6400, v7;
	v24 =	vld.idx.msk [tilespmem:v40+s4+$0x0], $0xffff;
	v22 =	vand.u32 $0xFFFF0000, v22;
	v13 =	vshrl.u32 v13, $0x10;
	[tilespmem:s26+$0xEBE0] =	vst v15  }
0x627: {  	v48 =	vadd.s32 $0x7800, v1;
	v1 =	vadd.s32 $0x7C00, v1;
	v13 =	vor.u32 v13, v22;
	v20 =	vld.idx.msk [tilespmem:v43+s4+$0x0], $0xffff  }
0x628: {  	v28 =	vadd.s32 $0x6400, v8;
	v47 =	vadd.s32 $0x6C00, v9;
	v34 =	vadd.s32 $0x6800, v9;
	v21 =	vld.idx.msk [tilespmem:v46+s4+$0x0], $0xffff;
	[tilespmem:s26+$0xEBF0] =	vst v13  }
0x629: {  	v49 =	vadd.s32 $0x7800, v0;
	v52 =	vadd.s32 $0x6400, v9;
	v0 =	vadd.s32 $0x7C00, v0;
	v15 =	vld.idx.msk [tilespmem:v50+s4+$0x0], $0xffff  }
0x62a: {  	v19 =	vadd.s32 $0x8000, v37;
	v16 =	vadd.s32 $0x8000, v16;
	v29 =	vadd.s32 $0x6400, v6;
	v58 =	vld.idx.msk [tilespmem:v51+s4+$0x0], $0xffff  }
0x62b: {  	v30 =	vand.u32 $0xFFFF0000, v16;
	v17 =	vadd.s32 $0x8000, v17;
	v53 =	vadd.s32 $0x8000, v24  }
0x62c: {  	v55 =	vadd.s32 $0x8000, v14;
	v56 =	vand.u32 $0xFFFF0000, v53;
	v17 =	vshrl.u32 v17, $0x10  }
0x62d: {  	[tilespmem:s26+$0xFAA0] =	vst v12;
	v14 =	vor.u32 v17, v56;
	v59 =	vadd.s32 $0x8000, v20;
	v60 =	vadd.s32 $0x8000, v21  }
0x62e: {  	v19 =	vshrl.u32 v19, $0x10;
	v18 =	vld.idx.msk [tilespmem:v48+s4+$0x0], $0xffff;
	[tilespmem:s26+$0xF850] =	vst v14;
	v20 =	vand.u32 $0xFFFF0000, v60;
	v14 =	vshrl.u32 v59, $0x10  }
0x62f: {  	v27 =	vld.idx.msk [tilespmem:v52+s4+$0x0], $0xffff;
	v15 =	vadd.s32 $0x8000, v15;
	v22 =	vadd.s32 $0x8000, v58;
	v14 =	vor.u32 v14, v20  }
0x630: {  	v39 =	vadd.s32 $0x7400, v3;
	v24 =	vld.idx.msk [tilespmem:v54+s4+$0x0], $0xffff;
	v32 =	vand.u32 $0xFFFF0000, v22;
	v15 =	vshrl.u32 v15, $0x10;
	[tilespmem:s26+$0xF860] =	vst v14  }
0x631: {  	v23 =	vadd.s32 $0x8000, v44;
	v62 =	vadd.s32 $0x6C00, v4;
	v15 =	vor.u32 v15, v32;
	v17 =	vld.idx.msk [tilespmem:v57+s4+$0x0], $0xffff  }
0x632: {  	v63 =	vadd.s32 $0x6C00, v5;
	v41 =	vadd.s32 $0x6800, v7;
	v44 =	vadd.s32 $0x6800, v8;
	v31 =	vld.idx.msk [tilespmem:v61+s4+$0x0], $0xffff;
	[tilespmem:s26+$0xF870] =	vst v15  }
0x633: {  	v23 =	vshrl.u32 v23, $0x10;
	v42 =	vadd.s32 $0x7400, v2;
	v13 =	vand.u32 $0xFFFF0000, v55;
	v14 =	vld.idx.msk [tilespmem:v28+s4+$0x0], $0xffff  }
0x634: {  	v36 =	vadd.s32 $0x6800, v10;
	v40 =	vadd.s32 $0x6800, v11;
	v13 =	vor.u32 v23, v13;
	v23 =	vld.idx.msk [tilespmem:v29+s4+$0x0], $0xffff  }
0x635: {  	v43 =	vld.idx.msk [tilespmem:v49+s4+$0x0], $0xffff;
	[tilespmem:s26+$0xF940] =	vst v13;
	v13 =	vor.u32 v19, v30;
	v35 =	vadd.s32 $0x8000, v27;
	v24 =	vadd.s32 $0x8000, v24  }
0x636: {  	v45 =	vadd.s32 $0x6800, v6;
	v33 =	vld.idx.msk [tilespmem:v62+s4+$0x0], $0xffff;
	[tilespmem:s26+$0xFA30] =	vst v13;
	v37 =	vand.u32 $0xFFFF0000, v24;
	v38 =	vshrl.u32 v35, $0x10  }
0x637: {  	v12 =	vld.idx.msk [tilespmem:v39+s4+$0x0], $0xffff;
	v19 =	vor.u32 v38, v37;
	v17 =	vadd.s32 $0x8000, v17;
	v16 =	vadd.s32 $0x8000, v31  }
0x638: {  	v46 =	vadd.s32 $0x7000, v4;
	v20 =	vld.idx.msk [tilespmem:v63+s4+$0x0], $0xffff;
	[tilespmem:s26+$0xF8D0] =	vst v19;
	v16 =	vand.u32 $0xFFFF0000, v16;
	v17 =	vshrl.u32 v17, $0x10  }
0x639: {  	v21 =	vld.idx.msk [tilespmem:v34+s4+$0x0], $0xffff;
	v14 =	vadd.s32 $0x8000, v14;
	v23 =	vadd.s32 $0x8000, v23;
	v16 =	vor.u32 v17, v16  }
0x63a: {  	v49 =	vadd.s32 $0x6C00, v10;
	v15 =	vld.idx.msk [tilespmem:v36+s4+$0x0], $0xffff;
	v23 =	vand.u32 $0xFFFF0000, v23;
	v14 =	vshrl.u32 v14, $0x10;
	[tilespmem:s26+$0xF8E0] =	vst v16  }
0x63b: {  	v56 =	vadd.s32 $0x6C00, v8;
	v50 =	vadd.s32 $0x7000, v5;
	v14 =	vor.u32 v14, v23;
	v24 =	vld.idx.msk [tilespmem:v40+s4+$0x0], $0xffff  }
0x63c: {  	v51 =	vadd.s32 $0x6C00, v11;
	v54 =	vadd.s32 $0x6C00, v7;
	v18 =	vadd.s32 $0x8000, v18;
	v19 =	vld.idx.msk [tilespmem:v41+s4+$0x0], $0xffff;
	[tilespmem:s26+$0xF8F0] =	vst v14  }
0x63d: {  	v39 =	vadd.s32 $0x7800, v3;
	v18 =	vshrl.u32 v18, $0x10;
	v22 =	vadd.s32 $0x8000, v33;
	v16 =	vld.idx.msk [tilespmem:v44+s4+$0x0], $0xffff  }
0x63e: {  	v3 =	vadd.s32 $0x7C00, v3;
	v59 =	vadd.s32 $0x6C00, v6;
	v22 =	vshrl.u32 v22, $0x10;
	v52 =	vld.idx.msk [tilespmem:v45+s4+$0x0], $0xffff  }
0x63f: {  	v20 =	vadd.s32 $0x8000, v20;
	v21 =	vadd.s32 $0x8000, v21;
	v15 =	vadd.s32 $0x8000, v15  }
0x640: {  	v20 =	vand.u32 $0xFFFF0000, v20;
	v15 =	vand.u32 $0xFFFF0000, v15;
	v21 =	vshrl.u32 v21, $0x10  }
0x641: {  	v15 =	vor.u32 v21, v15;
	v53 =	vadd.s32 $0x8000, v24;
	v19 =	vadd.s32 $0x8000, v19  }
0x642: {  	v48 =	vld.idx.msk [tilespmem:v42+s4+$0x0], $0xffff;
	v20 =	vor.u32 v22, v20;
	[tilespmem:s26+$0xF950] =	vst v15;
	v19 =	vand.u32 $0xFFFF0000, v19;
	v15 =	vshrl.u32 v53, $0x10  }
0x643: {  	[tilespmem:s26+$0xF9C0] =	vst v20;
	v22 =	vld.idx.msk [tilespmem:v47+s4+$0x0], $0xffff;
	v16 =	vadd.s32 $0x8000, v16;
	v58 =	vadd.s32 $0x8000, v52;
	v15 =	vor.u32 v15, v19  }
0x644: {  	v60 =	vadd.s32 $0x7000, v9;
	v55 =	vld.idx.msk [tilespmem:v49+s4+$0x0], $0xffff;
	v20 =	vand.u32 $0xFFFF0000, v58;
	v16 =	vshrl.u32 v16, $0x10;
	[tilespmem:s26+$0xF960] =	vst v15  }
0x645: {  	v63 =	vadd.s32 $0x7000, v10;
	v32 =	vadd.s32 $0x7000, v7;
	v16 =	vor.u32 v16, v20;
	v57 =	vld.idx.msk [tilespmem:v51+s4+$0x0], $0xffff  }
0x646: {  	v33 =	vadd.s32 $0x7400, v4;
	v35 =	vadd.s32 $0x7000, v8;
	v12 =	vadd.s32 $0x8000, v12;
	v24 =	vld.idx.msk [tilespmem:v54+s4+$0x0], $0xffff;
	[tilespmem:s26+$0xF970] =	vst v16  }
0x647: {  	v37 =	vadd.s32 $0x7000, v6;
	v29 =	vadd.s32 $0x7000, v11;
	v12 =	vshrl.u32 v12, $0x10;
	v15 =	vld.idx.msk [tilespmem:v56+s4+$0x0], $0xffff  }
0x648: {  	v34 =	vadd.s32 $0x7400, v5;
	v17 =	vadd.s32 $0x8000, v43;
	v23 =	vadd.s32 $0x8000, v48;
	v21 =	vld.idx.msk [tilespmem:v59+s4+$0x0], $0xffff  }
0x649: {  	v13 =	vld.idx.msk [tilespmem:v46+s4+$0x0], $0xffff;
	v23 =	vand.u32 $0xFFFF0000, v23;
	v61 =	vadd.s32 $0x8000, v22;
	v62 =	vadd.s32 $0x8000, v55  }
0x64a: {  	v14 =	vld.idx.msk [tilespmem:v50+s4+$0x0], $0xffff;
	v12 =	vor.u32 v12, v23;
	v28 =	vand.u32 $0xFFFF0000, v62;
	v20 =	vshrl.u32 v61, $0x10  }
0x64b: {  	[tilespmem:s26+$0xFAB0] =	vst v12;
	v16 =	vor.u32 v20, v28;
	v30 =	vadd.s32 $0x8000, v57;
	v31 =	vadd.s32 $0x8000, v24  }
0x64c: {  	v43 =	vadd.s32 $0x7400, v9;
	v49 =	vld.idx.msk [tilespmem:v39+s4+$0x0], $0xffff;
	[tilespmem:s26+$0xF9D0] =	vst v16;
	v19 =	vand.u32 $0xFFFF0000, v31;
	v16 =	vshrl.u32 v30, $0x10  }
0x64d: {  	v26 =	vld.idx.msk [tilespmem:v60+s4+$0x0], $0xffff;
	v15 =	vadd.s32 $0x8000, v15;
	v36 =	vadd.s32 $0x8000, v21;
	v16 =	vor.u32 v16, v19  }
0x64e: {  	v46 =	vadd.s32 $0x7400, v11;
	v25 =	vld.idx.msk [tilespmem:v63+s4+$0x0], $0xffff;
	v20 =	vand.u32 $0xFFFF0000, v36;
	v15 =	vshrl.u32 v15, $0x10;
	[tilespmem:s26+$0xF9E0] =	vst v16  }
0x64f: {  	v13 =	vadd.s32 $0x8000, v13;
	v14 =	vadd.s32 $0x8000, v14;
	v15 =	vor.u32 v15, v20;
	v16 =	vld.idx.msk [tilespmem:v29+s4+$0x0], $0xffff  }
0x650: {  	v17 =	vand.u32 $0xFFFF0000, v17;
	v13 =	vshrl.u32 v13, $0x10;
	v14 =	vand.u32 $0xFFFF0000, v14;
	v38 =	vld.idx.msk [tilespmem:v32+s4+$0x0], $0xffff;
	[tilespmem:s26+$0xF9F0] =	vst v15  }
0x651: {  	v48 =	vadd.s32 $0x7400, v7;
	v17 =	vor.u32 v18, v17;
	v13 =	vor.u32 v13, v14;
	v14 =	vld.idx.msk [tilespmem:v35+s4+$0x0], $0xffff  }
0x652: {  	v50 =	vadd.s32 $0x7800, v2;
	v2 =	vadd.s32 $0x7C00, v2;
	v45 =	vadd.s32 $0x7400, v10;
	v21 =	vld.idx.msk [tilespmem:v37+s4+$0x0], $0xffff  }
0x653: {  	[tilespmem:s26+$0xFB20] =	vst v17;
	v55 =	vadd.s32 $0x7400, v6;
	v41 =	vadd.s32 $0x8000, v26;
	v42 =	vadd.s32 $0x8000, v25  }
0x654: {  	v1 =	vld.idx.msk [tilespmem:v1+s4+$0x0], $0xffff;
	[tilespmem:s26+$0xFA40] =	vst v13;
	v18 =	vadd.s32 $0x8000, v49;
	v44 =	vand.u32 $0xFFFF0000, v42;
	v20 =	vshrl.u32 v41, $0x10  }
0x655: {  	v40 =	vld.idx.msk [tilespmem:v33+s4+$0x0], $0xffff;
	v15 =	vor.u32 v20, v44;
	v47 =	vadd.s32 $0x8000, v16;
	v13 =	vadd.s32 $0x8000, v38  }
0x656: {  	v54 =	vadd.s32 $0x7400, v8;
	v19 =	vld.idx.msk [tilespmem:v34+s4+$0x0], $0xffff;
	[tilespmem:s26+$0xFA50] =	vst v15;
	v13 =	vand.u32 $0xFFFF0000, v13;
	v12 =	vshrl.u32 v47, $0x10  }
0x657: {  	v51 =	vld.idx.msk [tilespmem:v43+s4+$0x0], $0xffff;
	v14 =	vadd.s32 $0x8000, v14;
	v21 =	vadd.s32 $0x8000, v21;
	v12 =	vor.u32 v12, v13  }
0x658: {  	v61 =	vadd.s32 $0x7800, v10;
	v53 =	vld.idx.msk [tilespmem:v45+s4+$0x0], $0xffff;
	v21 =	vand.u32 $0xFFFF0000, v21;
	v14 =	vshrl.u32 v14, $0x10;
	[tilespmem:s26+$0xFA60] =	vst v12  }
0x659: {  	v10 =	vadd.s32 $0x7C00, v10;
	v18 =	vshrl.u32 v18, $0x10;
	v14 =	vor.u32 v14, v21;
	v20 =	vld.idx.msk [tilespmem:v46+s4+$0x0], $0xffff  }
0x65a: {  	v33 =	vadd.s32 $0x7800, v8;
	v56 =	vadd.s32 $0x7800, v4;
	v60 =	vadd.s32 $0x7800, v9;
	v16 =	vld.idx.msk [tilespmem:v48+s4+$0x0], $0xffff;
	[tilespmem:s26+$0xFA70] =	vst v14  }
0x65b: {  	v52 =	vadd.s32 $0x8000, v40;
	v57 =	vadd.s32 $0x7800, v5;
	v19 =	vadd.s32 $0x8000, v19;
	v12 =	vld.idx.msk [tilespmem:v54+s4+$0x0], $0xffff  }
0x65c: {  	v26 =	vadd.s32 $0x7800, v11;
	v19 =	vand.u32 $0xFFFF0000, v19;
	v13 =	vshrl.u32 v52, $0x10;
	v24 =	vld.idx.msk [tilespmem:v55+s4+$0x0], $0xffff  }
0x65d: {  	v0 =	vld.idx.msk [tilespmem:v0+s4+$0x0], $0xffff;
	v58 =	vadd.s32 $0x8000, v51;
	v59 =	vadd.s32 $0x8000, v53;
	v13 =	vor.u32 v13, v19  }
0x65e: {  	v29 =	vadd.s32 $0x7800, v7;
	v15 =	vld.idx.msk [tilespmem:v50+s4+$0x0], $0xffff;
	v21 =	vand.u32 $0xFFFF0000, v59;
	v14 =	vshrl.u32 v58, $0x10;
	[tilespmem:s26+$0xFAC0] =	vst v13  }
0x65f: {  	v62 =	vor.u32 v14, v21;
	v25 =	vld.idx.msk [tilespmem:v56+s4+$0x0], $0xffff;
	v63 =	vadd.s32 $0x8000, v20;
	v16 =	vadd.s32 $0x8000, v16  }
0x660: {  	v35 =	vadd.s32 $0x7800, v6;
	v28 =	vld.idx.msk [tilespmem:v57+s4+$0x0], $0xffff;
	[tilespmem:s26+$0xFAD0] =	vst v62;
	v16 =	vand.u32 $0xFFFF0000, v16;
	v14 =	vshrl.u32 v63, $0x10  }
0x661: {  	v30 =	vld.idx.msk [tilespmem:v60+s4+$0x0], $0xffff;
	v12 =	vadd.s32 $0x8000, v12;
	v32 =	vadd.s32 $0x8000, v24;
	v14 =	vor.u32 v14, v16  }
0x662: {  	v8 =	vadd.s32 $0x7C00, v8;
	v31 =	vld.idx.msk [tilespmem:v61+s4+$0x0], $0xffff;
	v34 =	vand.u32 $0xFFFF0000, v32;
	v12 =	vshrl.u32 v12, $0x10;
	[tilespmem:s26+$0xFAE0] =	vst v14  }
0x663: {  	v4 =	vadd.s32 $0x7C00, v4;
	v27 =	vadd.s32 $0x8000, v15;
	v12 =	vor.u32 v12, v34;
	v36 =	vld.idx.msk [tilespmem:v26+s4+$0x0], $0xffff  }
0x664: {  	v9 =	vadd.s32 $0x7C00, v9;
	v5 =	vadd.s32 $0x7C00, v5;
	v13 =	vand.u32 $0xFFFF0000, v27;
	v16 =	vld.idx.msk [tilespmem:v29+s4+$0x0], $0xffff;
	[tilespmem:s26+$0xFAF0] =	vst v12  }
0x665: {  	v13 =	vor.u32 v18, v13;
	v37 =	vadd.s32 $0x8000, v25;
	v15 =	vadd.s32 $0x8000, v28;
	v41 =	vld.idx.msk [tilespmem:v33+s4+$0x0], $0xffff  }
0x666: {  	v11 =	vadd.s32 $0x7C00, v11;
	[tilespmem:s26+$0xFB30] =	vst v13;
	v38 =	vand.u32 $0xFFFF0000, v15;
	v39 =	vshrl.u32 v37, $0x10;
	v44 =	vld.idx.msk [tilespmem:v35+s4+$0x0], $0xffff  }
0x667: {  	v3 =	vld.idx.msk [tilespmem:v3+s4+$0x0], $0xffff;
	v40 =	vadd.s32 $0x8000, v30;
	v17 =	vadd.s32 $0x8000, v31;
	v12 =	vor.u32 v39, v38  }
0x668: {  	v7 =	vadd.s32 $0x7C00, v7;
	v2 =	vld.idx.msk [tilespmem:v2+s4+$0x0], $0xffff;
	v42 =	vand.u32 $0xFFFF0000, v17;
	v43 =	vshrl.u32 v40, $0x10;
	[tilespmem:s26+$0xFB40] =	vst v12  }
0x669: {  	v13 =	vor.u32 v43, v42;
	v4 =	vld.idx.msk [tilespmem:v4+s4+$0x0], $0xffff;
	v45 =	vadd.s32 $0x8000, v36;
	v46 =	vadd.s32 $0x8000, v16  }
0x66a: {  	v6 =	vadd.s32 $0x7C00, v6;
	[tilespmem:s26+$0xFB50] =	vst v13;
	v5 =	vld.idx.msk [tilespmem:v5+s4+$0x0], $0xffff;
	v14 =	vand.u32 $0xFFFF0000, v46;
	v12 =	vshrl.u32 v45, $0x10  }
0x66b: {  	v9 =	vld.idx.msk [tilespmem:v9+s4+$0x0], $0xffff;
	v47 =	vadd.s32 $0x8000, v41;
	v48 =	vadd.s32 $0x8000, v44;
	v12 =	vor.u32 v12, v14  }
0x66c: {  	v10 =	vld.idx.msk [tilespmem:v10+s4+$0x0], $0xffff;
	v49 =	vand.u32 $0xFFFF0000, v48;
	v13 =	vshrl.u32 v47, $0x10;
	[tilespmem:s26+$0xFB60] =	vst v12  }
0x66d: {  	v1 =	vadd.s32 $0x8000, v1;
	v0 =	vadd.s32 $0x8000, v0;
	v12 =	vor.u32 v13, v49;
	v11 =	vld.idx.msk [tilespmem:v11+s4+$0x0], $0xffff  }
0x66e: {  	v0 =	vand.u32 $0xFFFF0000, v0;
	v1 =	vshrl.u32 v1, $0x10;
	v2 =	vadd.s32 $0x8000, v2;
	[tilespmem:s26+$0xFB70] =	vst v12;
	v7 =	vld.idx.msk [tilespmem:v7+s4+$0x0], $0xffff  }
0x66f: {  	v0 =	vor.u32 v1, v0;
	v50 =	vadd.s32 $0x8000, v3;
	v2 =	vand.u32 $0xFFFF0000, v2;
	v51 =	vld.idx.msk [tilespmem:v8+s4+$0x0], $0xffff  }
0x670: {  	v1 =	vshrl.u32 v50, $0x10;
	v4 =	vadd.s32 $0x8000, v4;
	v5 =	vadd.s32 $0x8000, v5;
	v6 =	vld.idx.msk [tilespmem:v6+s4+$0x0], $0xffff  }
0x671: {  	v1 =	vor.u32 v1, v2;
	v52 =	vand.u32 $0xFFFF0000, v5;
	v4 =	vshrl.u32 v4, $0x10  }
0x672: {  	v53 =	vadd.s32 $0x8000, v9;
	v54 =	vadd.s32 $0x8000, v10;
	v2 =	vor.u32 v4, v52  }
0x673: {  	p0 =	slt.u32 s25, $0x18;
	[tilespmem:s26+$0xFBA0] =	vst v0;
	v55 =	vand.u32 $0xFFFF0000, v54;
	v4 =	vshrl.u32 v53, $0x10;
	v56 =	vadd.s32 $0x8000, v7  }
.Ltmp4:
0x674: {  	[tilespmem:s26+$0xFBB0] =	vst v1;
	v0 =	vor.u32 v4, v55;
	v57 =	vadd.s32 $0x8000, v11;
	v58 =	vand.u32 $0xFFFF0000, v56;
	(pc) =	sbr.rel @p0 .LBB2_9-.Ltmp4, $4  }
0x675: {  	[tilespmem:s26+$0xFBC0] =	vst v2;
	v1 =	vshrl.u32 v57, $0x10;
	v59 =	vadd.s32 $0x8000, v51;
	v60 =	vadd.s32 $0x8000, v6  }
0x676: {  	[tilespmem:s26+$0xFBD0] =	vst v0;
	v61 =	vor.u32 v1, v58;
	v62 =	vand.u32 $0xFFFF0000, v60;
	v2 =	vshrl.u32 v59, $0x10  }
0x677: {  	s31 =	sadd.s32 $0x8, s25;
	[tilespmem:s26+$0xFBE0] =	vst v61;
	v63 =	vor.u32 v2, v62  }
0x678: {  	s25 =	smov.u32 s31;
	[tilespmem:s26+$0xFBF0] =	vst v63  }
0x679: {  	s23 =	sadd.s32 $0x1, s23  }
0x67a: {  	p0 =	sne.s32 s23, $0x32  }
.Ltmp5:
0x67b: {  	s24 =	sshll.u32 s24, $0x13;
	(pc) =	sbr.rel @p0 .LBB2_2-.Ltmp5, $4  }
0x67c: {  	s24 =	sor.u32 s5, s24  }
0x67d: {  	s24 =	sshrl.u32 s24, $0x3  }
0x67e: {  	s24 =	sadd.s32 s6, s24  }
0x67f: {  	[hbm4b:s24+s15] =	stream.strided.scatter [tilespmem:s20], [sflag:$0x4], $0x4000, s16, s15, $0x38;
	[tilespmem:$0x10800] =	vst v63  }
0x680: {  	s22 =	sadd.s32 $0x1, s22  }
0x681: {  	_ =	swait.ge [sflag:s21], $0x4000;
	p0 =	sne.s32 s22, s8  }
.Ltmp6:
0x682: {  	[sflag:s21] =	ssyncset.done $0x0;
	(pc) =	sbr.rel @p0 .LBB2_1-.Ltmp6, $4  }
0x683: {  	[sflag:s21] =	ssyncadd.s32 $0xFFFFC000  }
0x684: {  	_ =	swait.ge [sflag:s19], $0x4000  }
0x685: {  	[sflag:s19] =	ssyncset.done $0x0  }
0x686: {  	[sflag:s19] =	ssyncadd.s32 $0xFFFFC000  }
0x687: {  	_ =	sfence.sel $0x180000  }
0x688: {  	[bflag:$0x0] =	sbarrier.arrive $0xFFFF  }
0x689: {  	p0 =	sne.s32 s2, $0x0;
	_ =	strace $0x90000047  }
0x68a: {  	s0 =	sadd.s32 @!p0 $0x100000, s0;
	[bflag:$0x2] =	sbarrier.arrive $0xFFFF  }
0x68b: {  	[sflag:s0] =	ssyncadd.tile.s32 @!p0 $0x1;
	_ =	shalt  }
.Lfunc_end2:
_tile_overlayer_lowered:
.L_overlay_start_2:
0x68c: {  	(tag) =	ssettag $0x2  }
0x68d: {  	s0 =	rddreg [dreg:$0x0];
	s2 =	stileid.u32  }
0x68e: {  	s1 =	rddreg [dreg:$0x1];
	p0 =	sne.s32 s2, $0x0  }
0x68f: {  	s3 =	rddreg [dreg:$0x2];
	[bflag:$0x3] =	sbarrier.arrive $0xFFFF;
	s2 =	simm.s32 @!p0 $0x1C05  }
0x690: {  	[timem:s3], [sflag:s2] =	dma.local @!p0 [hbm:s0], s1  }
0x691: {  	s0 =	simm.s32 @!p0 $0x5  }
0x692: {  	_ =	swait.ge @!p0 [sflag:s0], s1  }
0x693: {  	s1 =	ssub.s32 @!p0 $0x0, s1;
	[sflag:s0] =	ssyncset.done @!p0 $0x0  }
0x694: {  	[sflag:s0] =	ssyncadd.s32 @!p0 s1  }
0x695: {  	[bflag:$0x3] =	sbarrier.arrive $0xFFFF  }
0x696: {  	_ =	shalt  }

</sc_bundles>
